<compile_context>
chip_gen: v7x
topology: tpu7x:2x2x1
jax: 0.10.2.dev20260603
libtpu: 0.0.44.dev20260713+nightly
codegen_flags: <defaults>
</compile_context>

<pallas_src>
import functools

import jax
import jax.numpy as jnp
from jax import lax
from jax.experimental import pallas as pl
from jax.experimental.pallas import tpu as pltpu
from jax.experimental.pallas import tpu_sc as plsc

NC, NS = 2, 16
NW = NC * NS
N_NODES = 10000
N_PAD = 10240
D_H = 64
DEG_W = 16
BLK = 80
BLK_A = 200


def _mesh():
    return plsc.VectorSubcoreMesh(
        core_axis_name="c", subcore_axis_name="s", num_cores=NC, num_subcores=NS
    )


def _sc_degree(dst3):
    nblk = dst3.shape[1]
    rows_per_tile = N_PAD // NS

    @functools.partial(
        pl.kernel,
        out_type=jax.ShapeDtypeStruct((NC, N_PAD, DEG_W), jnp.float32),
        mesh=_mesh(),
        compiler_params=pltpu.CompilerParams(use_tc_tiling_on_sc=False),
        scratch_types=[
            pltpu.VMEM((nblk, BLK), jnp.int32),
            pltpu.VMEM((BLK, DEG_W), jnp.float32),
            pltpu.VMEM((rows_per_tile, DEG_W), jnp.float32),
            pltpu.VMEM_SHARED((N_PAD, DEG_W), jnp.float32),
            pltpu.SemaphoreType.DMA,
        ],
    )
    def k(dst_hbm, out_hbm, didx, ones_v, zbuf, acc, sem):
        c = lax.axis_index("c")
        s = lax.axis_index("s")
        tid = c * NS + s

        def fill_ones(i, _):
            ones_v[i] = jnp.ones((DEG_W,), jnp.float32)
            return 0

        lax.fori_loop(0, BLK, fill_ones, 0)

        def fill_zeros(i, _):
            zbuf[i] = jnp.zeros((DEG_W,), jnp.float32)
            return 0

        lax.fori_loop(0, rows_per_tile, fill_zeros, 0)
        pltpu.sync_copy(dst_hbm.at[tid], didx)
        pltpu.sync_copy(zbuf, acc.at[pl.ds(s * rows_per_tile, rows_per_tile)])
        plsc.subcore_barrier()

        def body(i, _):
            pltpu.async_copy(ones_v, acc.at[didx.at[i]], sem, add=True)
            return 0

        lax.fori_loop(0, nblk, body, 0)

        def drain(i, _):
            pltpu.make_async_copy(ones_v, acc.at[didx.at[i]], sem).wait()
            return 0

        lax.fori_loop(0, nblk, drain, 0)
        plsc.subcore_barrier()
        pltpu.sync_copy(
            acc.at[pl.ds(s * rows_per_tile, rows_per_tile)],
            out_hbm.at[c, pl.ds(s * rows_per_tile, rows_per_tile)],
        )

    return k(dst3)


NBUF = 5


def _sc_edge_agg(m, src3, dst3):
    nblk = src3.shape[1]
    rows_per_tile = N_PAD // NS

    @functools.partial(
        pl.kernel,
        out_type=jax.ShapeDtypeStruct((NC, N_PAD, D_H), jnp.float32),
        mesh=_mesh(),
        compiler_params=pltpu.CompilerParams(use_tc_tiling_on_sc=False),
        scratch_types=[
            pltpu.VMEM((nblk, BLK_A), jnp.int32),
            pltpu.VMEM((nblk, BLK_A), jnp.int32),
            pltpu.VMEM((NBUF, BLK_A, D_H), jnp.float32),
            pltpu.VMEM_SHARED((N_PAD, D_H), jnp.float32),
            [pltpu.SemaphoreType.DMA] * NBUF,
            [pltpu.SemaphoreType.DMA] * NBUF,
        ],
    )
    def k(m_hbm, src_hbm, dst_hbm, out_hbm, sidx, didx, rows, acc,
          sem_g, sem_s):
        c = lax.axis_index("c")
        s = lax.axis_index("s")
        tid = c * NS + s

        def fill_zeros(i, _):
            rows[0, i] = jnp.zeros((D_H,), jnp.float32)
            return 0

        lax.fori_loop(0, BLK_A, fill_zeros, 0)
        pltpu.sync_copy(src_hbm.at[tid], sidx)
        pltpu.sync_copy(dst_hbm.at[tid], didx)
        base0 = s * rows_per_tile
        done = 0
        while done < rows_per_tile:
            n = min(BLK_A, rows_per_tile - done)
            pltpu.sync_copy(rows.at[0, pl.ds(0, n)],
                            acc.at[pl.ds(base0 + done, n)])
            done += n
        plsc.subcore_barrier()

        def gather(i, b):
            return pltpu.async_copy(m_hbm.at[sidx.at[i]], rows.at[b], sem_g[b])

        def scat(i, b):
            return pltpu.async_copy(rows.at[b], acc.at[didx.at[i]], sem_s[b],
                                    add=True)

        for b in range(3):
            gather(b, b)

        def outer(g, _):
            for b in range(NBUF):
                i = g * NBUF + b
                pltpu.make_async_copy(
                    m_hbm.at[sidx.at[i]], rows.at[b], sem_g[b]).wait()
                scat(i, b)
                bn = (b + 3) % NBUF

                @pl.when(i >= 2)
                def _():
                    pltpu.make_async_copy(
                        rows.at[bn], acc.at[didx.at[i - 2]], sem_s[bn]).wait()

                @pl.when(i + 3 < nblk)
                def _():
                    gather(i + 3, bn)
            return 0

        lax.fori_loop(0, nblk // NBUF, outer, 0)
        for i in (nblk - 2, nblk - 1):
            b = i % NBUF
            pltpu.make_async_copy(
                rows.at[b], acc.at[didx.at[i]], sem_s[b]).wait()
        plsc.subcore_barrier()
        pltpu.sync_copy(
            acc.at[pl.ds(s * rows_per_tile, rows_per_tile)],
            out_hbm.at[c, pl.ds(s * rows_per_tile, rows_per_tile)],
        )

    return k(m, src3, dst3)


def _sc_pair_gather(P, Q, src3, dst3):
    nblk = src3.shape[1]
    chunk = nblk * BLK
    E = NW * chunk

    @functools.partial(
        pl.kernel,
        out_type=jax.ShapeDtypeStruct((E, 2 * D_H), jnp.float32),
        mesh=_mesh(),
        compiler_params=pltpu.CompilerParams(use_tc_tiling_on_sc=False),
        scratch_types=[
            pltpu.VMEM((nblk, BLK), jnp.int32),
            pltpu.VMEM((nblk, BLK), jnp.int32),
            pltpu.VMEM((NBUF, BLK, D_H), jnp.float32),
            pltpu.VMEM((NBUF, BLK, D_H), jnp.float32),
            [pltpu.SemaphoreType.DMA] * NBUF,
            [pltpu.SemaphoreType.DMA] * NBUF,
        ],
    )
    def k(p_hbm, q_hbm, src_hbm, dst_hbm, rpq_hbm, sidx, didx,
          ra, rb, sem_g, sem_w):
        c = lax.axis_index("c")
        s = lax.axis_index("s")
        tid = c * NS + s

        pltpu.sync_copy(src_hbm.at[tid], sidx)
        pltpu.sync_copy(dst_hbm.at[tid], didx)

        def gather(i, b):
            pltpu.async_copy(p_hbm.at[sidx.at[i]], ra.at[b], sem_g[b])
            pltpu.async_copy(q_hbm.at[didx.at[i]], rb.at[b], sem_g[b])

        def wait_gather(i, b):
            pltpu.make_async_copy(p_hbm.at[sidx.at[i]], ra.at[b],
                                  sem_g[b]).wait()
            pltpu.make_async_copy(q_hbm.at[didx.at[i]], rb.at[b],
                                  sem_g[b]).wait()

        def write(i, b):
            base = tid * chunk + i * BLK
            pltpu.async_copy(
                ra.at[b], rpq_hbm.at[pl.ds(base, BLK), pl.ds(0, D_H)],
                sem_w[b])
            pltpu.async_copy(
                rb.at[b], rpq_hbm.at[pl.ds(base, BLK), pl.ds(D_H, D_H)],
                sem_w[b])

        def wait_write(i, b):
            base = tid * chunk + i * BLK
            pltpu.make_async_copy(
                ra.at[b], rpq_hbm.at[pl.ds(base, BLK), pl.ds(0, D_H)],
                sem_w[b]).wait()
            pltpu.make_async_copy(
                rb.at[b], rpq_hbm.at[pl.ds(base, BLK), pl.ds(D_H, D_H)],
                sem_w[b]).wait()

        for b in range(3):
            gather(b, b)

        def outer(g, _):
            for b in range(NBUF):
                i = g * NBUF + b
                wait_gather(i, b)
                write(i, b)
                bn = (b + 3) % NBUF

                @pl.when(i >= 2)
                def _():
                    wait_write(i - 2, bn)

                @pl.when(i + 3 < nblk)
                def _():
                    gather(i + 3, bn)
            return 0

        lax.fori_loop(0, nblk // NBUF, outer, 0)
        for i in (nblk - 2, nblk - 1):
            wait_write(i, i % NBUF)

    return k(P, Q, src3, dst3)


def _tc_dis_scale(parts, x, W1):

    def body(p_ref, x_ref, w_ref, dis_ref, m_ref):
        p = p_ref[...]
        deg = p[0, :N_NODES, 0:1] + p[1, :N_NODES, 0:1] + 1.0
        dis64 = jnp.broadcast_to(lax.rsqrt(deg), (N_NODES, D_H))
        dis_ref[...] = dis64
        m_ref[...] = jnp.dot(x_ref[...], w_ref[...],
                             preferred_element_type=jnp.float32) * dis64

    return pl.pallas_call(
        body,
        out_shape=(
            jax.ShapeDtypeStruct((N_NODES, D_H), jnp.float32),
            jax.ShapeDtypeStruct((N_NODES, D_H), jnp.float32),
        ),
    )(parts, x, W1)


def _tc_layer(parts, m_prev, dis64, b_row, W_next):

    def body(p_ref, m_ref, d_ref, b_ref, w_ref, o_ref):
        p = p_ref[...]
        d = d_ref[...]
        h = jnp.maximum(
            (p[0, :N_NODES] + p[1, :N_NODES] + m_ref[...]) * d + b_ref[...], 0.0)
        o_ref[...] = jnp.dot(h, w_ref[...],
                             preferred_element_type=jnp.float32) * d

    return pl.pallas_call(
        body,
        out_shape=jax.ShapeDtypeStruct((N_NODES, D_H), jnp.float32),
    )(parts, m_prev, dis64, b_row, W_next)


def _tc_final_nodes(parts, m_prev, dis64, b_row, lin1_W, lin1_b_row):

    def body(p_ref, m_ref, d_ref, b_ref, w_ref, lb_ref, P_ref, Q_ref):
        p = p_ref[...]
        w = w_ref[...]
        h4 = jnp.maximum(
            (p[0, :N_NODES] + p[1, :N_NODES] + m_ref[...]) * d_ref[...]
            + b_ref[...], 0.0)
        P_ref[...] = jnp.dot(h4, w[:D_H],
                             preferred_element_type=jnp.float32)
        Q_ref[...] = jnp.dot(h4, w[D_H:],
                             preferred_element_type=jnp.float32) + lb_ref[...]

    return pl.pallas_call(
        body,
        out_shape=(
            jax.ShapeDtypeStruct((N_NODES, D_H), jnp.float32),
            jax.ShapeDtypeStruct((N_NODES, D_H), jnp.float32),
        ),
    )(parts, m_prev, dis64, b_row, lin1_W, lin1_b_row)


def _tc_head(rpq, lin2_W, lin2_b_row):
    E = rpq.shape[0]
    BE = 8000
    n_cls = lin2_W.shape[1]

    def body(a_ref, w_ref, bias_ref, o_ref):
        a = a_ref[...]
        r = jnp.maximum(a[:, :D_H] + a[:, D_H:], 0.0)
        logits = jnp.dot(r, w_ref[...],
                         preferred_element_type=jnp.float32) + bias_ref[...]
        mx = jnp.max(logits, axis=1, keepdims=True)
        lse = jnp.log(jnp.sum(jnp.exp(logits - mx), axis=1, keepdims=True)) + mx
        o_ref[...] = logits - lse

    return pl.pallas_call(
        body,
        grid=(E // BE,),
        in_specs=[
            pl.BlockSpec((BE, 2 * D_H), lambda i: (i, 0)),
            pl.BlockSpec((D_H, n_cls), lambda i: (0, 0)),
            pl.BlockSpec((1, n_cls), lambda i: (0, 0)),
        ],
        out_specs=pl.BlockSpec((BE, n_cls), lambda i: (i, 0)),
        out_shape=jax.ShapeDtypeStruct((E, n_cls), jnp.float32),
    )(rpq, lin2_W, lin2_b_row)


def kernel(x, edge_index, W1, b1, W2, b2, W3, b3, lin1_W, lin1_b, lin2_W, lin2_b):
    ei = edge_index.astype(jnp.int32)
    E = ei.shape[1]
    nblk = E // (NW * BLK)
    nblk_a = E // (NW * BLK_A)
    src = ei[0].reshape(NW, nblk, BLK)
    dst = ei[1].reshape(NW, nblk, BLK)
    src_a = ei[0].reshape(NW, nblk_a, BLK_A)
    dst_a = ei[1].reshape(NW, nblk_a, BLK_A)

    parts_deg = _sc_degree(dst)
    dis64, m1 = _tc_dis_scale(parts_deg, x, W1)

    p = _sc_edge_agg(m1, src_a, dst_a)
    m2 = _tc_layer(p, m1, dis64, b1.reshape(1, -1), W2)
    p = _sc_edge_agg(m2, src_a, dst_a)
    m3 = _tc_layer(p, m2, dis64, b2.reshape(1, -1), W3)
    p = _sc_edge_agg(m3, src_a, dst_a)

    P, Q = _tc_final_nodes(
        p, m3, dis64, b3.reshape(1, -1), lin1_W, lin1_b.reshape(1, -1),
    )
    rpq = _sc_pair_gather(P, Q, src, dst)
    return _tc_head(rpq, lin2_W, lin2_b.reshape(1, -1))

# --- scband reference (transcript-rebuilt; emitter-appended) ---
"""Pipeline reference for scband-net-81758997447471 (READ-ONLY COPY).

The authoritative reference and input builder live on the scoring server;
editing this copy changes nothing except your own understanding.
"""

import jax, jax.numpy as jnp
import numpy as np

N_NODES = 10000


def gcn_conv(x, edge_index, W, b):
    # PyG GCNConv semantics: add self-loops, symmetric normalization, scatter-add to dst
    n = x.shape[0]
    loop = jnp.arange(n, dtype=edge_index.dtype)
    src = jnp.concatenate([edge_index[0], loop])
    dst = jnp.concatenate([edge_index[1], loop])
    ones = jnp.ones(src.shape[0], dtype=x.dtype)
    deg = jax.ops.segment_sum(ones, dst, num_segments=n)
    deg_inv_sqrt = jnp.where(deg > 0, jax.lax.rsqrt(jnp.maximum(deg, 1e-12)), 0.0)
    norm = deg_inv_sqrt[src] * deg_inv_sqrt[dst]
    h = x @ W
    msg = h[src] * norm[:, None]
    out = jax.ops.segment_sum(msg, dst, num_segments=n)
    return out + b


def setup_inputs(seed: int = 0) -> dict:
    key = jax.random.key(seed)
    ks = jax.random.split(key, 12)
    d_in, d_h, n_cls = 128, 64, 16
    E = 320000
    x = jax.random.normal(ks[0], (N_NODES, d_in), dtype=jnp.float32)
    edge_index = jax.random.randint(ks[1], (2, E), 0, N_NODES, dtype=jnp.int64)
    def lin(k, fan_in, fan_out):
        bound = 1.0 / np.sqrt(fan_in)
        return jax.random.uniform(k, (fan_in, fan_out), minval=-bound, maxval=bound, dtype=jnp.float32)
    W1 = lin(ks[2], d_in, d_h); b1 = jnp.zeros((d_h,), jnp.float32)
    W2 = lin(ks[3], d_h, d_h); b2 = jnp.zeros((d_h,), jnp.float32)
    W3 = lin(ks[4], d_h, d_h); b3 = jnp.zeros((d_h,), jnp.float32)
    lin1_W = lin(ks[5], 2 * d_h, d_h)
    lin1_b = jax.random.uniform(ks[6], (d_h,), minval=-1/np.sqrt(2*d_h), maxval=1/np.sqrt(2*d_h), dtype=jnp.float32)
    lin2_W = lin(ks[7], d_h, n_cls)
    lin2_b = jax.random.uniform(ks[8], (n_cls,), minval=-1/np.sqrt(d_h), maxval=1/np.sqrt(d_h), dtype=jnp.float32)
    return {"x": x, "edge_index": edge_index, "W1": W1, "b1": b1, "W2": W2, "b2": b2,
            "W3": W3, "b3": b3, "lin1_W": lin1_W, "lin1_b": lin1_b, "lin2_W": lin2_W, "lin2_b": lin2_b}


def reference(x, edge_index, W1, b1, W2, b2, W3, b3, lin1_W, lin1_b, lin2_W, lin2_b):
    h = jax.nn.relu(gcn_conv(x, edge_index, W1, b1))
    h1 = gcn_conv(h, edge_index, W2, b2)
    h2 = jax.nn.relu(h1)
    h3 = gcn_conv(h2, edge_index, W3, b3)
    h4 = jax.nn.relu(h3)
    x01 = h4[edge_index[0]]
    x02 = h4[edge_index[1]]
    xpair = jnp.concatenate([x01, x02], axis=1)
    xpair = jax.nn.relu(xpair @ lin1_W + lin1_b)
    xpair = xpair @ lin2_W + lin2_b
    return jax.nn.log_softmax(xpair, axis=1)

if __name__ == "__main__":
    import jax
    _d = setup_inputs()
    print(jax.jit(kernel)(*tuple(_d.values())))

</pallas_src>

<mosaic_0001>
#map = affine_map<(d0, d1) -> (0, 0)>
#map1 = affine_map<(d0, d1) -> (0, 0, 0)>
module attributes {stable_mosaic.version = 14 : i64} {
  func.func @k(%arg0: i32, %arg1: i32, %arg2: memref<10000x64xf32, #tpu.memory_space<hbm>>, %arg3: memref<32x50x200xi32, #tpu.memory_space<hbm>>, %arg4: memref<32x50x200xi32, #tpu.memory_space<hbm>>, %arg5: memref<2x10240x64xf32, #tpu.memory_space<hbm>>, %arg6: memref<50x200xi32, #tpu.memory_space<vmem>>, %arg7: memref<50x200xi32, #tpu.memory_space<vmem>>, %arg8: memref<5x200x64xf32, #tpu.memory_space<vmem>>, %arg9: memref<10240x64xf32, #tpu.memory_space<vmem_shared>>, %arg10: memref<!tpu.dma_semaphore, #tpu.memory_space<semaphore_mem>>, %arg11: memref<!tpu.dma_semaphore, #tpu.memory_space<semaphore_mem>>, %arg12: memref<!tpu.dma_semaphore, #tpu.memory_space<semaphore_mem>>, %arg13: memref<!tpu.dma_semaphore, #tpu.memory_space<semaphore_mem>>, %arg14: memref<!tpu.dma_semaphore, #tpu.memory_space<semaphore_mem>>, %arg15: memref<!tpu.dma_semaphore, #tpu.memory_space<semaphore_mem>>, %arg16: memref<!tpu.dma_semaphore, #tpu.memory_space<semaphore_mem>>, %arg17: memref<!tpu.dma_semaphore, #tpu.memory_space<semaphore_mem>>, %arg18: memref<!tpu.dma_semaphore, #tpu.memory_space<semaphore_mem>>, %arg19: memref<!tpu.dma_semaphore, #tpu.memory_space<semaphore_mem>>) attributes {dimension_semantics = [#tpu.dimension_semantics<core_parallel>, #tpu.dimension_semantics<subcore_parallel>], iteration_bounds = array<i64: 2, 16>, scalar_prefetch = 0 : i64, scratch_operands = 14 : i64, tpu.core_type = #tpu.core_type<sc_vector_subcore>, window_params = [{transform_indices = #map}, {transform_indices = #map1}, {transform_indices = #map1}, {transform_indices = #map1}]} {
    %mul3A = arith.constant 16 : i32
    %mul3A_0 = arith.muli %arg0, %mul3A : i32
    %add3A = arith.addi %mul3A_0, %arg1 : i32
    %scan3A = arith.constant 0 : i32
    %scan3A_1 = arith.constant 0 : i32
    %scan3A_2 = arith.constant 200 : i32
    %scan3A_3 = arith.addi %scan3A_1, %scan3A_2 : i32
    %scan3A_4 = arith.constant 1 : i32
    %scan3A_5 = scf.for %scan3A_90 = %scan3A_1 to %scan3A_3 step %scan3A_4 iter_args(%scan3A_91 = %scan3A) -> (i32)  : i32 {
      %broadcast_in_dim3A = arith.constant 0.000000e+00 : f32
      %broadcast_in_dim3A_92 = vector.broadcast %broadcast_in_dim3A : f32 to vector<64xf32>
      %swap3A = arith.constant 0 : i32
      %swap3A_93 = arith.index_cast %swap3A : i32 to index
      %swap3A_94 = arith.index_cast %scan3A_90 : i32 to index
      %swap3A_95 = arith.constant 0 : index
      %swap3A_96 = tpu.vector_load %arg8[%swap3A_93, %swap3A_94, %swap3A_95] {strides = array<i32>} : memref<5x200x64xf32, #tpu.memory_space<vmem>>, vector<1x1x64xf32>,
      %swap3A_97 = vector.shape_cast %swap3A_96 : vector<1x1x64xf32> to vector<64xf32>
      %swap3A_98 = vector.shape_cast %broadcast_in_dim3A_92 : vector<64xf32> to vector<1x1x64xf32>
      tpu.vector_store %arg8[%swap3A_93, %swap3A_94, %swap3A_95], %swap3A_98 {strides = array<i32>} : memref<5x200x64xf32, #tpu.memory_space<vmem>>, vector<1x1x64xf32>,
      %scan3A_99 = arith.constant 0 : i32
      scf.yield %scan3A_99 : i32
    }
    %scan3A_6 = arith.constant 200 : i32
    "tpu.region"() ({
      %run_scoped3A_90 = tpu.sem_alloc : memref<!tpu.dma_semaphore, #tpu.memory_space<semaphore_mem>>
      %dma_start3A_91 = arith.constant 0 : i32
      %dma_start3A_92 = arith.constant 0 : i32
      %dma_start3A_93 = tpu.memref_slice %arg3[%add3A, %dma_start3A_91, %dma_start3A_92] : memref<32x50x200xi32, #tpu.memory_space<hbm>> -> memref<1x50x200xi32, #tpu.memory_space<hbm>>
      %dma_start3A_94 = tpu.memref_squeeze %dma_start3A_93 : memref<1x50x200xi32, #tpu.memory_space<hbm>> -> memref<50x200xi32, #tpu.memory_space<hbm>>
      %dma_start3A_95 = arith.constant 0 : i32
      %dma_start3A_96 = arith.constant 0 : i32
      %dma_start3A_97 = tpu.memref_slice %arg3[%add3A, %dma_start3A_95, %dma_start3A_96] : memref<32x50x200xi32, #tpu.memory_space<hbm>> -> memref<1x50x200xi32, #tpu.memory_space<hbm>>
      %dma_start3A_98 = tpu.memref_squeeze %dma_start3A_97 : memref<1x50x200xi32, #tpu.memory_space<hbm>> -> memref<50x200xi32, #tpu.memory_space<hbm>>
      tpu.enqueue_dma source(%dma_start3A_98 : memref<50x200xi32, #tpu.memory_space<hbm>>) target(%arg6 : memref<50x200xi32, #tpu.memory_space<vmem>>) target_semaphore(%run_scoped3A_90 : memref<!tpu.dma_semaphore, #tpu.memory_space<semaphore_mem>>)
      %dma_wait3A_99 = arith.constant 0 : i32
      %dma_wait3A_100 = arith.constant 0 : i32
      %dma_wait3A_101 = tpu.memref_slice %arg3[%add3A, %dma_wait3A_99, %dma_wait3A_100] : memref<32x50x200xi32, #tpu.memory_space<hbm>> -> memref<1x50x200xi32, #tpu.memory_space<hbm>>
      %dma_wait3A_102 = tpu.memref_squeeze %dma_wait3A_101 : memref<1x50x200xi32, #tpu.memory_space<hbm>> -> memref<50x200xi32, #tpu.memory_space<hbm>>
      %dma_wait3A_103 = arith.constant 0 : i32
      %dma_wait3A_104 = arith.constant 0 : i32
      %dma_wait3A_105 = tpu.memref_slice %arg3[%add3A, %dma_wait3A_103, %dma_wait3A_104] : memref<32x50x200xi32, #tpu.memory_space<hbm>> -> memref<1x50x200xi32, #tpu.memory_space<hbm>>
      %dma_wait3A_106 = tpu.memref_squeeze %dma_wait3A_105 : memref<1x50x200xi32, #tpu.memory_space<hbm>> -> memref<50x200xi32, #tpu.memory_space<hbm>>
      tpu.wait_dma2 semaphore(%run_scoped3A_90 : memref<!tpu.dma_semaphore, #tpu.memory_space<semaphore_mem>>) src(%dma_wait3A_106 : memref<50x200xi32, #tpu.memory_space<hbm>>) dst(%arg6 : memref<50x200xi32, #tpu.memory_space<vmem>>)
      tpu.yield
    }) : () -> ()
    "tpu.region"() ({
      %run_scoped3A_90 = tpu.sem_alloc : memref<!tpu.dma_semaphore, #tpu.memory_space<semaphore_mem>>
      %dma_start3A_91 = arith.constant 0 : i32
      %dma_start3A_92 = arith.constant 0 : i32
      %dma_start3A_93 = tpu.memref_slice %arg4[%add3A, %dma_start3A_91, %dma_start3A_92] : memref<32x50x200xi32, #tpu.memory_space<hbm>> -> memref<1x50x200xi32, #tpu.memory_space<hbm>>
      %dma_start3A_94 = tpu.memref_squeeze %dma_start3A_93 : memref<1x50x200xi32, #tpu.memory_space<hbm>> -> memref<50x200xi32, #tpu.memory_space<hbm>>
      %dma_start3A_95 = arith.constant 0 : i32
      %dma_start3A_96 = arith.constant 0 : i32
      %dma_start3A_97 = tpu.memref_slice %arg4[%add3A, %dma_start3A_95, %dma_start3A_96] : memref<32x50x200xi32, #tpu.memory_space<hbm>> -> memref<1x50x200xi32, #tpu.memory_space<hbm>>
      %dma_start3A_98 = tpu.memref_squeeze %dma_start3A_97 : memref<1x50x200xi32, #tpu.memory_space<hbm>> -> memref<50x200xi32, #tpu.memory_space<hbm>>
      tpu.enqueue_dma source(%dma_start3A_98 : memref<50x200xi32, #tpu.memory_space<hbm>>) target(%arg7 : memref<50x200xi32, #tpu.memory_space<vmem>>) target_semaphore(%run_scoped3A_90 : memref<!tpu.dma_semaphore, #tpu.memory_space<semaphore_mem>>)
      %dma_wait3A_99 = arith.constant 0 : i32
      %dma_wait3A_100 = arith.constant 0 : i32
      %dma_wait3A_101 = tpu.memref_slice %arg4[%add3A, %dma_wait3A_99, %dma_wait3A_100] : memref<32x50x200xi32, #tpu.memory_space<hbm>> -> memref<1x50x200xi32, #tpu.memory_space<hbm>>
      %dma_wait3A_102 = tpu.memref_squeeze %dma_wait3A_101 : memref<1x50x200xi32, #tpu.memory_space<hbm>> -> memref<50x200xi32, #tpu.memory_space<hbm>>
      %dma_wait3A_103 = arith.constant 0 : i32
      %dma_wait3A_104 = arith.constant 0 : i32
      %dma_wait3A_105 = tpu.memref_slice %arg4[%add3A, %dma_wait3A_103, %dma_wait3A_104] : memref<32x50x200xi32, #tpu.memory_space<hbm>> -> memref<1x50x200xi32, #tpu.memory_space<hbm>>
      %dma_wait3A_106 = tpu.memref_squeeze %dma_wait3A_105 : memref<1x50x200xi32, #tpu.memory_space<hbm>> -> memref<50x200xi32, #tpu.memory_space<hbm>>
      tpu.wait_dma2 semaphore(%run_scoped3A_90 : memref<!tpu.dma_semaphore, #tpu.memory_space<semaphore_mem>>) src(%dma_wait3A_106 : memref<50x200xi32, #tpu.memory_space<hbm>>) dst(%arg7 : memref<50x200xi32, #tpu.memory_space<vmem>>)
      tpu.yield
    }) : () -> ()
    %mul3A_7 = arith.constant 640 : i32
    %mul3A_8 = arith.muli %arg1, %mul3A_7 : i32
    %add3A_9 = arith.constant 0 : i32
    %add3A_10 = arith.addi %mul3A_8, %add3A_9 : i32
    %run_scoped3A = arith.constant 0 : i32
    "tpu.region"() ({
      %run_scoped3A_90 = tpu.sem_alloc : memref<!tpu.dma_semaphore, #tpu.memory_space<semaphore_mem>>
      %dma_start3A_91 = arith.constant 0 : i32
      %dma_start3A_92 = arith.constant 0 : i32
      %dma_start3A_93 = tpu.memref_slice %arg8[%run_scoped3A, %dma_start3A_91, %dma_start3A_92] : memref<5x200x64xf32, #tpu.memory_space<vmem>> -> memref<1x200x64xf32, #tpu.memory_space<vmem>>
      %dma_start3A_94 = tpu.memref_squeeze %dma_start3A_93 : memref<1x200x64xf32, #tpu.memory_space<vmem>> -> memref<200x64xf32, #tpu.memory_space<vmem>>
      %dma_start3A_95 = arith.constant 0 : i32
      %dma_start3A_96 = tpu.memref_slice %arg9[%add3A_10, %dma_start3A_95] : memref<10240x64xf32, #tpu.memory_space<vmem_shared>> -> memref<200x64xf32, #tpu.memory_space<vmem_shared>>
      %dma_start3A_97 = arith.constant 0 : i32
      %dma_start3A_98 = tpu.memref_slice %arg9[%add3A_10, %dma_start3A_97] : memref<10240x64xf32, #tpu.memory_space<vmem_shared>> -> memref<200x64xf32, #tpu.memory_space<vmem_shared>>
      %dma_start3A_99 = arith.constant 0 : i32
      %dma_start3A_100 = arith.constant 0 : i32
      %dma_start3A_101 = tpu.memref_slice %arg8[%run_scoped3A, %dma_start3A_99, %dma_start3A_100] : memref<5x200x64xf32, #tpu.memory_space<vmem>> -> memref<1x200x64xf32, #tpu.memory_space<vmem>>
      %dma_start3A_102 = tpu.memref_squeeze %dma_start3A_101 : memref<1x200x64xf32, #tpu.memory_space<vmem>> -> memref<200x64xf32, #tpu.memory_space<vmem>>
      tpu.enqueue_dma source(%dma_start3A_102 : memref<200x64xf32, #tpu.memory_space<vmem>>) target(%dma_start3A_98 : memref<200x64xf32, #tpu.memory_space<vmem_shared>>) target_semaphore(%run_scoped3A_90 : memref<!tpu.dma_semaphore, #tpu.memory_space<semaphore_mem>>)
      %dma_wait3A_103 = arith.constant 0 : i32
      %dma_wait3A_104 = arith.constant 0 : i32
      %dma_wait3A_105 = tpu.memref_slice %arg8[%run_scoped3A, %dma_wait3A_103, %dma_wait3A_104] : memref<5x200x64xf32, #tpu.memory_space<vmem>> -> memref<1x200x64xf32, #tpu.memory_space<vmem>>
      %dma_wait3A_106 = tpu.memref_squeeze %dma_wait3A_105 : memref<1x200x64xf32, #tpu.memory_space<vmem>> -> memref<200x64xf32, #tpu.memory_space<vmem>>
      %dma_wait3A_107 = arith.constant 0 : i32
      %dma_wait3A_108 = tpu.memref_slice %arg9[%add3A_10, %dma_wait3A_107] : memref<10240x64xf32, #tpu.memory_space<vmem_shared>> -> memref<200x64xf32, #tpu.memory_space<vmem_shared>>
      %dma_wait3A_109 = arith.constant 0 : i32
      %dma_wait3A_110 = tpu.memref_slice %arg9[%add3A_10, %dma_wait3A_109] : memref<10240x64xf32, #tpu.memory_space<vmem_shared>> -> memref<200x64xf32, #tpu.memory_space<vmem_shared>>
      %dma_wait3A_111 = arith.constant 0 : i32
      %dma_wait3A_112 = arith.constant 0 : i32
      %dma_wait3A_113 = tpu.memref_slice %arg8[%run_scoped3A, %dma_wait3A_111, %dma_wait3A_112] : memref<5x200x64xf32, #tpu.memory_space<vmem>> -> memref<1x200x64xf32, #tpu.memory_space<vmem>>
      %dma_wait3A_114 = tpu.memref_squeeze %dma_wait3A_113 : memref<1x200x64xf32, #tpu.memory_space<vmem>> -> memref<200x64xf32, #tpu.memory_space<vmem>>
      tpu.wait_dma2 semaphore(%run_scoped3A_90 : memref<!tpu.dma_semaphore, #tpu.memory_space<semaphore_mem>>) src(%dma_wait3A_114 : memref<200x64xf32, #tpu.memory_space<vmem>>) dst(%dma_wait3A_110 : memref<200x64xf32, #tpu.memory_space<vmem_shared>>)
      tpu.yield
    }) : () -> ()
    %add3A_11 = arith.constant 200 : i32
    %add3A_12 = arith.addi %mul3A_8, %add3A_11 : i32
    %run_scoped3A_13 = arith.constant 0 : i32
    "tpu.region"() ({
      %run_scoped3A_90 = tpu.sem_alloc : memref<!tpu.dma_semaphore, #tpu.memory_space<semaphore_mem>>
      %dma_start3A_91 = arith.constant 0 : i32
      %dma_start3A_92 = arith.constant 0 : i32
      %dma_start3A_93 = tpu.memref_slice %arg8[%run_scoped3A_13, %dma_start3A_91, %dma_start3A_92] : memref<5x200x64xf32, #tpu.memory_space<vmem>> -> memref<1x200x64xf32, #tpu.memory_space<vmem>>
      %dma_start3A_94 = tpu.memref_squeeze %dma_start3A_93 : memref<1x200x64xf32, #tpu.memory_space<vmem>> -> memref<200x64xf32, #tpu.memory_space<vmem>>
      %dma_start3A_95 = arith.constant 0 : i32
      %dma_start3A_96 = tpu.memref_slice %arg9[%add3A_12, %dma_start3A_95] : memref<10240x64xf32, #tpu.memory_space<vmem_shared>> -> memref<200x64xf32, #tpu.memory_space<vmem_shared>>
      %dma_start3A_97 = arith.constant 0 : i32
      %dma_start3A_98 = tpu.memref_slice %arg9[%add3A_12, %dma_start3A_97] : memref<10240x64xf32, #tpu.memory_space<vmem_shared>> -> memref<200x64xf32, #tpu.memory_space<vmem_shared>>
      %dma_start3A_99 = arith.constant 0 : i32
      %dma_start3A_100 = arith.constant 0 : i32
      %dma_start3A_101 = tpu.memref_slice %arg8[%run_scoped3A_13, %dma_start3A_99, %dma_start3A_100] : memref<5x200x64xf32, #tpu.memory_space<vmem>> -> memref<1x200x64xf32, #tpu.memory_space<vmem>>
      %dma_start3A_102 = tpu.memref_squeeze %dma_start3A_101 : memref<1x200x64xf32, #tpu.memory_space<vmem>> -> memref<200x64xf32, #tpu.memory_space<vmem>>
      tpu.enqueue_dma source(%dma_start3A_102 : memref<200x64xf32, #tpu.memory_space<vmem>>) target(%dma_start3A_98 : memref<200x64xf32, #tpu.memory_space<vmem_shared>>) target_semaphore(%run_scoped3A_90 : memref<!tpu.dma_semaphore, #tpu.memory_space<semaphore_mem>>)
      %dma_wait3A_103 = arith.constant 0 : i32
      %dma_wait3A_104 = arith.constant 0 : i32
      %dma_wait3A_105 = tpu.memref_slice %arg8[%run_scoped3A_13, %dma_wait3A_103, %dma_wait3A_104] : memref<5x200x64xf32, #tpu.memory_space<vmem>> -> memref<1x200x64xf32, #tpu.memory_space<vmem>>
      %dma_wait3A_106 = tpu.memref_squeeze %dma_wait3A_105 : memref<1x200x64xf32, #tpu.memory_space<vmem>> -> memref<200x64xf32, #tpu.memory_space<vmem>>
      %dma_wait3A_107 = arith.constant 0 : i32
      %dma_wait3A_108 = tpu.memref_slice %arg9[%add3A_12, %dma_wait3A_107] : memref<10240x64xf32, #tpu.memory_space<vmem_shared>> -> memref<200x64xf32, #tpu.memory_space<vmem_shared>>
      %dma_wait3A_109 = arith.constant 0 : i32
      %dma_wait3A_110 = tpu.memref_slice %arg9[%add3A_12, %dma_wait3A_109] : memref<10240x64xf32, #tpu.memory_space<vmem_shared>> -> memref<200x64xf32, #tpu.memory_space<vmem_shared>>
      %dma_wait3A_111 = arith.constant 0 : i32
      %dma_wait3A_112 = arith.constant 0 : i32
      %dma_wait3A_113 = tpu.memref_slice %arg8[%run_scoped3A_13, %dma_wait3A_111, %dma_wait3A_112] : memref<5x200x64xf32, #tpu.memory_space<vmem>> -> memref<1x200x64xf32, #tpu.memory_space<vmem>>
      %dma_wait3A_114 = tpu.memref_squeeze %dma_wait3A_113 : memref<1x200x64xf32, #tpu.memory_space<vmem>> -> memref<200x64xf32, #tpu.memory_space<vmem>>
      tpu.wait_dma2 semaphore(%run_scoped3A_90 : memref<!tpu.dma_semaphore, #tpu.memory_space<semaphore_mem>>) src(%dma_wait3A_114 : memref<200x64xf32, #tpu.memory_space<vmem>>) dst(%dma_wait3A_110 : memref<200x64xf32, #tpu.memory_space<vmem_shared>>)
      tpu.yield
    }) : () -> ()
    %add3A_14 = arith.constant 400 : i32
    %add3A_15 = arith.addi %mul3A_8, %add3A_14 : i32
    %run_scoped3A_16 = arith.constant 0 : i32
    "tpu.region"() ({
      %run_scoped3A_90 = tpu.sem_alloc : memref<!tpu.dma_semaphore, #tpu.memory_space<semaphore_mem>>
      %dma_start3A_91 = arith.constant 0 : i32
      %dma_start3A_92 = arith.constant 0 : i32
      %dma_start3A_93 = tpu.memref_slice %arg8[%run_scoped3A_16, %dma_start3A_91, %dma_start3A_92] : memref<5x200x64xf32, #tpu.memory_space<vmem>> -> memref<1x200x64xf32, #tpu.memory_space<vmem>>
      %dma_start3A_94 = tpu.memref_squeeze %dma_start3A_93 : memref<1x200x64xf32, #tpu.memory_space<vmem>> -> memref<200x64xf32, #tpu.memory_space<vmem>>
      %dma_start3A_95 = arith.constant 0 : i32
      %dma_start3A_96 = tpu.memref_slice %arg9[%add3A_15, %dma_start3A_95] : memref<10240x64xf32, #tpu.memory_space<vmem_shared>> -> memref<200x64xf32, #tpu.memory_space<vmem_shared>>
      %dma_start3A_97 = arith.constant 0 : i32
      %dma_start3A_98 = tpu.memref_slice %arg9[%add3A_15, %dma_start3A_97] : memref<10240x64xf32, #tpu.memory_space<vmem_shared>> -> memref<200x64xf32, #tpu.memory_space<vmem_shared>>
      %dma_start3A_99 = arith.constant 0 : i32
      %dma_start3A_100 = arith.constant 0 : i32
      %dma_start3A_101 = tpu.memref_slice %arg8[%run_scoped3A_16, %dma_start3A_99, %dma_start3A_100] : memref<5x200x64xf32, #tpu.memory_space<vmem>> -> memref<1x200x64xf32, #tpu.memory_space<vmem>>
      %dma_start3A_102 = tpu.memref_squeeze %dma_start3A_101 : memref<1x200x64xf32, #tpu.memory_space<vmem>> -> memref<200x64xf32, #tpu.memory_space<vmem>>
      tpu.enqueue_dma source(%dma_start3A_102 : memref<200x64xf32, #tpu.memory_space<vmem>>) target(%dma_start3A_98 : memref<200x64xf32, #tpu.memory_space<vmem_shared>>) target_semaphore(%run_scoped3A_90 : memref<!tpu.dma_semaphore, #tpu.memory_space<semaphore_mem>>)
      %dma_wait3A_103 = arith.constant 0 : i32
      %dma_wait3A_104 = arith.constant 0 : i32
      %dma_wait3A_105 = tpu.memref_slice %arg8[%run_scoped3A_16, %dma_wait3A_103, %dma_wait3A_104] : memref<5x200x64xf32, #tpu.memory_space<vmem>> -> memref<1x200x64xf32, #tpu.memory_space<vmem>>
      %dma_wait3A_106 = tpu.memref_squeeze %dma_wait3A_105 : memref<1x200x64xf32, #tpu.memory_space<vmem>> -> memref<200x64xf32, #tpu.memory_space<vmem>>
      %dma_wait3A_107 = arith.constant 0 : i32
      %dma_wait3A_108 = tpu.memref_slice %arg9[%add3A_15, %dma_wait3A_107] : memref<10240x64xf32, #tpu.memory_space<vmem_shared>> -> memref<200x64xf32, #tpu.memory_space<vmem_shared>>
      %dma_wait3A_109 = arith.constant 0 : i32
      %dma_wait3A_110 = tpu.memref_slice %arg9[%add3A_15, %dma_wait3A_109] : memref<10240x64xf32, #tpu.memory_space<vmem_shared>> -> memref<200x64xf32, #tpu.memory_space<vmem_shared>>
      %dma_wait3A_111 = arith.constant 0 : i32
      %dma_wait3A_112 = arith.constant 0 : i32
      %dma_wait3A_113 = tpu.memref_slice %arg8[%run_scoped3A_16, %dma_wait3A_111, %dma_wait3A_112] : memref<5x200x64xf32, #tpu.memory_space<vmem>> -> memref<1x200x64xf32, #tpu.memory_space<vmem>>
      %dma_wait3A_114 = tpu.memref_squeeze %dma_wait3A_113 : memref<1x200x64xf32, #tpu.memory_space<vmem>> -> memref<200x64xf32, #tpu.memory_space<vmem>>
      tpu.wait_dma2 semaphore(%run_scoped3A_90 : memref<!tpu.dma_semaphore, #tpu.memory_space<semaphore_mem>>) src(%dma_wait3A_114 : memref<200x64xf32, #tpu.memory_space<vmem>>) dst(%dma_wait3A_110 : memref<200x64xf32, #tpu.memory_space<vmem_shared>>)
      tpu.yield
    }) : () -> ()
    %add3A_17 = arith.constant 600 : i32
    %add3A_18 = arith.addi %mul3A_8, %add3A_17 : i32
    %run_scoped3A_19 = arith.constant 0 : i32
    "tpu.region"() ({
      %run_scoped3A_90 = tpu.sem_alloc : memref<!tpu.dma_semaphore, #tpu.memory_space<semaphore_mem>>
      %dma_start3A_91 = arith.constant 0 : i32
      %dma_start3A_92 = arith.constant 0 : i32
      %dma_start3A_93 = tpu.memref_slice %arg8[%run_scoped3A_19, %dma_start3A_91, %dma_start3A_92] : memref<5x200x64xf32, #tpu.memory_space<vmem>> -> memref<1x40x64xf32, #tpu.memory_space<vmem>>
      %dma_start3A_94 = tpu.memref_squeeze %dma_start3A_93 : memref<1x40x64xf32, #tpu.memory_space<vmem>> -> memref<40x64xf32, #tpu.memory_space<vmem>>
      %dma_start3A_95 = arith.constant 0 : i32
      %dma_start3A_96 = tpu.memref_slice %arg9[%add3A_18, %dma_start3A_95] : memref<10240x64xf32, #tpu.memory_space<vmem_shared>> -> memref<40x64xf32, #tpu.memory_space<vmem_shared>>
      %dma_start3A_97 = arith.constant 0 : i32
      %dma_start3A_98 = tpu.memref_slice %arg9[%add3A_18, %dma_start3A_97] : memref<10240x64xf32, #tpu.memory_space<vmem_shared>> -> memref<40x64xf32, #tpu.memory_space<vmem_shared>>
      %dma_start3A_99 = arith.constant 0 : i32
      %dma_start3A_100 = arith.constant 0 : i32
      %dma_start3A_101 = tpu.memref_slice %arg8[%run_scoped3A_19, %dma_start3A_99, %dma_start3A_100] : memref<5x200x64xf32, #tpu.memory_space<vmem>> -> memref<1x40x64xf32, #tpu.memory_space<vmem>>
      %dma_start3A_102 = tpu.memref_squeeze %dma_start3A_101 : memref<1x40x64xf32, #tpu.memory_space<vmem>> -> memref<40x64xf32, #tpu.memory_space<vmem>>
      tpu.enqueue_dma source(%dma_start3A_102 : memref<40x64xf32, #tpu.memory_space<vmem>>) target(%dma_start3A_98 : memref<40x64xf32, #tpu.memory_space<vmem_shared>>) target_semaphore(%run_scoped3A_90 : memref<!tpu.dma_semaphore, #tpu.memory_space<semaphore_mem>>)
      %dma_wait3A_103 = arith.constant 0 : i32
      %dma_wait3A_104 = arith.constant 0 : i32
      %dma_wait3A_105 = tpu.memref_slice %arg8[%run_scoped3A_19, %dma_wait3A_103, %dma_wait3A_104] : memref<5x200x64xf32, #tpu.memory_space<vmem>> -> memref<1x40x64xf32, #tpu.memory_space<vmem>>
      %dma_wait3A_106 = tpu.memref_squeeze %dma_wait3A_105 : memref<1x40x64xf32, #tpu.memory_space<vmem>> -> memref<40x64xf32, #tpu.memory_space<vmem>>
      %dma_wait3A_107 = arith.constant 0 : i32
      %dma_wait3A_108 = tpu.memref_slice %arg9[%add3A_18, %dma_wait3A_107] : memref<10240x64xf32, #tpu.memory_space<vmem_shared>> -> memref<40x64xf32, #tpu.memory_space<vmem_shared>>
      %dma_wait3A_109 = arith.constant 0 : i32
      %dma_wait3A_110 = tpu.memref_slice %arg9[%add3A_18, %dma_wait3A_109] : memref<10240x64xf32, #tpu.memory_space<vmem_shared>> -> memref<40x64xf32, #tpu.memory_space<vmem_shared>>
      %dma_wait3A_111 = arith.constant 0 : i32
      %dma_wait3A_112 = arith.constant 0 : i32
      %dma_wait3A_113 = tpu.memref_slice %arg8[%run_scoped3A_19, %dma_wait3A_111, %dma_wait3A_112] : memref<5x200x64xf32, #tpu.memory_space<vmem>> -> memref<1x40x64xf32, #tpu.memory_space<vmem>>
      %dma_wait3A_114 = tpu.memref_squeeze %dma_wait3A_113 : memref<1x40x64xf32, #tpu.memory_space<vmem>> -> memref<40x64xf32, #tpu.memory_space<vmem>>
      tpu.wait_dma2 semaphore(%run_scoped3A_90 : memref<!tpu.dma_semaphore, #tpu.memory_space<semaphore_mem>>) src(%dma_wait3A_114 : memref<40x64xf32, #tpu.memory_space<vmem>>) dst(%dma_wait3A_110 : memref<40x64xf32, #tpu.memory_space<vmem_shared>>)
      tpu.yield
    }) : () -> ()
    %barrier3A = arith.constant 0 : index
    tpu.barrier barrier_id(%barrier3A)
    %dma_start3A = arith.constant 0 : i32
    %dma_start3A_20 = arith.constant 0 : i32
    %dma_start3A_21 = arith.constant 0 : i32
    %dma_start3A_22 = arith.constant 0 : i32
    %dma_start3A_23 = tpu.memref_slice %arg8[%dma_start3A_20, %dma_start3A_21, %dma_start3A_22] : memref<5x200x64xf32, #tpu.memory_space<vmem>> -> memref<1x200x64xf32, #tpu.memory_space<vmem>>
    %dma_start3A_24 = tpu.memref_squeeze %dma_start3A_23 : memref<1x200x64xf32, #tpu.memory_space<vmem>> -> memref<200x64xf32, #tpu.memory_space<vmem>>
    %dma_start3A_25 = arith.constant 0 : i32
    %dma_start3A_26 = tpu.memref_slice %arg6[%dma_start3A, %dma_start3A_25] : memref<50x200xi32, #tpu.memory_space<vmem>> -> memref<1x200xi32, #tpu.memory_space<vmem>>
    %dma_start3A_27 = tpu.memref_squeeze %dma_start3A_26 : memref<1x200xi32, #tpu.memory_space<vmem>> -> memref<200xi32, #tpu.memory_space<vmem>>
    %dma_start3A_28 = arith.constant 0 : i32
    %dma_start3A_29 = arith.constant 0 : i32
    %dma_start3A_30 = tpu.memref_slice %arg2[%dma_start3A_28, %dma_start3A_29] : memref<10000x64xf32, #tpu.memory_space<hbm>> -> memref<10000x64xf32, #tpu.memory_space<hbm>>
    tpu.enqueue_indirect_dma source(%dma_start3A_30 : memref<10000x64xf32, #tpu.memory_space<hbm>>) target(%dma_start3A_24 : memref<200x64xf32, #tpu.memory_space<vmem>>) offsets(%dma_start3A_27 : memref<200xi32, #tpu.memory_space<vmem>>) semaphore(%arg10 : memref<!tpu.dma_semaphore, #tpu.memory_space<semaphore_mem>>)
    %dma_start3A_31 = arith.constant 1 : i32
    %dma_start3A_32 = arith.constant 1 : i32
    %dma_start3A_33 = arith.constant 0 : i32
    %dma_start3A_34 = arith.constant 0 : i32
    %dma_start3A_35 = tpu.memref_slice %arg8[%dma_start3A_32, %dma_start3A_33, %dma_start3A_34] : memref<5x200x64xf32, #tpu.memory_space<vmem>> -> memref<1x200x64xf32, #tpu.memory_space<vmem>>
    %dma_start3A_36 = tpu.memref_squeeze %dma_start3A_35 : memref<1x200x64xf32, #tpu.memory_space<vmem>> -> memref<200x64xf32, #tpu.memory_space<vmem>>
    %dma_start3A_37 = arith.constant 0 : i32
    %dma_start3A_38 = tpu.memref_slice %arg6[%dma_start3A_31, %dma_start3A_37] : memref<50x200xi32, #tpu.memory_space<vmem>> -> memref<1x200xi32, #tpu.memory_space<vmem>>
    %dma_start3A_39 = tpu.memref_squeeze %dma_start3A_38 : memref<1x200xi32, #tpu.memory_space<vmem>> -> memref<200xi32, #tpu.memory_space<vmem>>
    %dma_start3A_40 = arith.constant 0 : i32
    %dma_start3A_41 = arith.constant 0 : i32
    %dma_start3A_42 = tpu.memref_slice %arg2[%dma_start3A_40, %dma_start3A_41] : memref<10000x64xf32, #tpu.memory_space<hbm>> -> memref<10000x64xf32, #tpu.memory_space<hbm>>
    tpu.enqueue_indirect_dma source(%dma_start3A_42 : memref<10000x64xf32, #tpu.memory_space<hbm>>) target(%dma_start3A_36 : memref<200x64xf32, #tpu.memory_space<vmem>>) offsets(%dma_start3A_39 : memref<200xi32, #tpu.memory_space<vmem>>) semaphore(%arg11 : memref<!tpu.dma_semaphore, #tpu.memory_space<semaphore_mem>>)
    %dma_start3A_43 = arith.constant 2 : i32
    %dma_start3A_44 = arith.constant 2 : i32
    %dma_start3A_45 = arith.constant 0 : i32
    %dma_start3A_46 = arith.constant 0 : i32
    %dma_start3A_47 = tpu.memref_slice %arg8[%dma_start3A_44, %dma_start3A_45, %dma_start3A_46] : memref<5x200x64xf32, #tpu.memory_space<vmem>> -> memref<1x200x64xf32, #tpu.memory_space<vmem>>
    %dma_start3A_48 = tpu.memref_squeeze %dma_start3A_47 : memref<1x200x64xf32, #tpu.memory_space<vmem>> -> memref<200x64xf32, #tpu.memory_space<vmem>>
    %dma_start3A_49 = arith.constant 0 : i32
    %dma_start3A_50 = tpu.memref_slice %arg6[%dma_start3A_43, %dma_start3A_49] : memref<50x200xi32, #tpu.memory_space<vmem>> -> memref<1x200xi32, #tpu.memory_space<vmem>>
    %dma_start3A_51 = tpu.memref_squeeze %dma_start3A_50 : memref<1x200xi32, #tpu.memory_space<vmem>> -> memref<200xi32, #tpu.memory_space<vmem>>
    %dma_start3A_52 = arith.constant 0 : i32
    %dma_start3A_53 = arith.constant 0 : i32
    %dma_start3A_54 = tpu.memref_slice %arg2[%dma_start3A_52, %dma_start3A_53] : memref<10000x64xf32, #tpu.memory_space<hbm>> -> memref<10000x64xf32, #tpu.memory_space<hbm>>
    tpu.enqueue_indirect_dma source(%dma_start3A_54 : memref<10000x64xf32, #tpu.memory_space<hbm>>) target(%dma_start3A_48 : memref<200x64xf32, #tpu.memory_space<vmem>>) offsets(%dma_start3A_51 : memref<200xi32, #tpu.memory_space<vmem>>) semaphore(%arg12 : memref<!tpu.dma_semaphore, #tpu.memory_space<semaphore_mem>>)
    %scan3A_55 = arith.constant 0 : i32
    %scan3A_56 = arith.constant 0 : i32
    %scan3A_57 = arith.constant 10 : i32
    %scan3A_58 = arith.addi %scan3A_56, %scan3A_57 : i32
    %scan3A_59 = arith.constant 1 : i32
    %scan3A_60 = scf.for %scan3A_90 = %scan3A_56 to %scan3A_58 step %scan3A_59 iter_args(%scan3A_91 = %scan3A_55) -> (i32)  : i32 {
      %mul3A_92 = arith.constant 5 : i32
      %mul3A_93 = arith.muli %scan3A_90, %mul3A_92 : i32
      %add3A_94 = arith.constant 0 : i32
      %add3A_95 = arith.addi %mul3A_93, %add3A_94 : i32
      %dma_wait3A_96 = arith.constant 0 : i32
      %dma_wait3A_97 = arith.constant 0 : i32
      %dma_wait3A_98 = arith.constant 0 : i32
      %dma_wait3A_99 = tpu.memref_slice %arg8[%dma_wait3A_96, %dma_wait3A_97, %dma_wait3A_98] : memref<5x200x64xf32, #tpu.memory_space<vmem>> -> memref<1x200x64xf32, #tpu.memory_space<vmem>>
      %dma_wait3A_100 = tpu.memref_squeeze %dma_wait3A_99 : memref<1x200x64xf32, #tpu.memory_space<vmem>> -> memref<200x64xf32, #tpu.memory_space<vmem>>
      %dma_wait3A_101 = arith.constant 0 : i32
      %dma_wait3A_102 = tpu.memref_slice %arg6[%add3A_95, %dma_wait3A_101] : memref<50x200xi32, #tpu.memory_space<vmem>> -> memref<1x200xi32, #tpu.memory_space<vmem>>
      %dma_wait3A_103 = tpu.memref_squeeze %dma_wait3A_102 : memref<1x200xi32, #tpu.memory_space<vmem>> -> memref<200xi32, #tpu.memory_space<vmem>>
      %dma_wait3A_104 = arith.constant 0 : i32
      %dma_wait3A_105 = arith.constant 0 : i32
      %dma_wait3A_106 = tpu.memref_slice %arg2[%dma_wait3A_104, %dma_wait3A_105] : memref<10000x64xf32, #tpu.memory_space<hbm>> -> memref<10000x64xf32, #tpu.memory_space<hbm>>
      tpu.wait_indirect_dma semaphore(%arg10 : memref<!tpu.dma_semaphore, #tpu.memory_space<semaphore_mem>>) src(%dma_wait3A_106 : memref<10000x64xf32, #tpu.memory_space<hbm>>) dst(%dma_wait3A_100 : memref<200x64xf32, #tpu.memory_space<vmem>>)
      %dma_start3A_107 = arith.constant 0 : i32
      %dma_start3A_108 = arith.constant 0 : i32
      %dma_start3A_109 = arith.constant 0 : i32
      %dma_start3A_110 = tpu.memref_slice %arg8[%dma_start3A_107, %dma_start3A_108, %dma_start3A_109] : memref<5x200x64xf32, #tpu.memory_space<vmem>> -> memref<1x200x64xf32, #tpu.memory_space<vmem>>
      %dma_start3A_111 = tpu.memref_squeeze %dma_start3A_110 : memref<1x200x64xf32, #tpu.memory_space<vmem>> -> memref<200x64xf32, #tpu.memory_space<vmem>>
      %dma_start3A_112 = arith.constant 0 : i32
      %dma_start3A_113 = tpu.memref_slice %arg7[%add3A_95, %dma_start3A_112] : memref<50x200xi32, #tpu.memory_space<vmem>> -> memref<1x200xi32, #tpu.memory_space<vmem>>
      %dma_start3A_114 = tpu.memref_squeeze %dma_start3A_113 : memref<1x200xi32, #tpu.memory_space<vmem>> -> memref<200xi32, #tpu.memory_space<vmem>>
      %dma_start3A_115 = arith.constant 0 : i32
      %dma_start3A_116 = arith.constant 0 : i32
      %dma_start3A_117 = tpu.memref_slice %arg9[%dma_start3A_115, %dma_start3A_116] : memref<10240x64xf32, #tpu.memory_space<vmem_shared>> -> memref<10240x64xf32, #tpu.memory_space<vmem_shared>>
      tpu.enqueue_indirect_dma source(%dma_start3A_111 : memref<200x64xf32, #tpu.memory_space<vmem>>) target(%dma_start3A_117 : memref<10240x64xf32, #tpu.memory_space<vmem_shared>>) offsets(%dma_start3A_114 : memref<200xi32, #tpu.memory_space<vmem>>) semaphore(%arg15 : memref<!tpu.dma_semaphore, #tpu.memory_space<semaphore_mem>>) {add = true}
      %ge3A = arith.constant 2 : i32
      %ge3A_118 = arith.cmpi sge, %add3A_95, %ge3A : i32
      %convert_element_type3A = arith.extui %ge3A_118 : i1 to i32
      %cond3A = arith.constant 0 : i32
      %cond3A_119 = arith.cmpi ne, %convert_element_type3A, %cond3A : i32
      scf.if %cond3A_119 {
        %sub3A = arith.constant 2 : i32
        %sub3A_279 = arith.subi %add3A_95, %sub3A : i32
        %dma_wait3A_280 = arith.constant 3 : i32
        %dma_wait3A_281 = arith.constant 0 : i32
        %dma_wait3A_282 = arith.constant 0 : i32
        %dma_wait3A_283 = tpu.memref_slice %arg8[%dma_wait3A_280, %dma_wait3A_281, %dma_wait3A_282] : memref<5x200x64xf32, #tpu.memory_space<vmem>> -> memref<1x200x64xf32, #tpu.memory_space<vmem>>
        %dma_wait3A_284 = tpu.memref_squeeze %dma_wait3A_283 : memref<1x200x64xf32, #tpu.memory_space<vmem>> -> memref<200x64xf32, #tpu.memory_space<vmem>>
        %dma_wait3A_285 = arith.constant 0 : i32
        %dma_wait3A_286 = tpu.memref_slice %arg7[%sub3A_279, %dma_wait3A_285] : memref<50x200xi32, #tpu.memory_space<vmem>> -> memref<1x200xi32, #tpu.memory_space<vmem>>
        %dma_wait3A_287 = tpu.memref_squeeze %dma_wait3A_286 : memref<1x200xi32, #tpu.memory_space<vmem>> -> memref<200xi32, #tpu.memory_space<vmem>>
        %dma_wait3A_288 = arith.constant 0 : i32
        %dma_wait3A_289 = arith.constant 0 : i32
        %dma_wait3A_290 = tpu.memref_slice %arg9[%dma_wait3A_288, %dma_wait3A_289] : memref<10240x64xf32, #tpu.memory_space<vmem_shared>> -> memref<10240x64xf32, #tpu.memory_space<vmem_shared>>
        tpu.wait_indirect_dma semaphore(%arg18 : memref<!tpu.dma_semaphore, #tpu.memory_space<semaphore_mem>>) src(%dma_wait3A_284 : memref<200x64xf32, #tpu.memory_space<vmem>>) dst(%dma_wait3A_290 : memref<10240x64xf32, #tpu.memory_space<vmem_shared>>)
      } else {
      }
      %add3A_120 = arith.constant 3 : i32
      %add3A_121 = arith.addi %add3A_95, %add3A_120 : i32
      %lt3A = arith.constant 50 : i32
      %lt3A_122 = arith.cmpi slt, %add3A_121, %lt3A : i32
      %convert_element_type3A_123 = arith.extui %lt3A_122 : i1 to i32
      %cond3A_124 = arith.constant 0 : i32
      %cond3A_125 = arith.cmpi ne, %convert_element_type3A_123, %cond3A_124 : i32
      scf.if %cond3A_125 {
        %add3A_279 = arith.constant 3 : i32
        %add3A_280 = arith.addi %add3A_95, %add3A_279 : i32
        %dma_start3A_281 = arith.constant 3 : i32
        %dma_start3A_282 = arith.constant 0 : i32
        %dma_start3A_283 = arith.constant 0 : i32
        %dma_start3A_284 = tpu.memref_slice %arg8[%dma_start3A_281, %dma_start3A_282, %dma_start3A_283] : memref<5x200x64xf32, #tpu.memory_space<vmem>> -> memref<1x200x64xf32, #tpu.memory_space<vmem>>
        %dma_start3A_285 = tpu.memref_squeeze %dma_start3A_284 : memref<1x200x64xf32, #tpu.memory_space<vmem>> -> memref<200x64xf32, #tpu.memory_space<vmem>>
        %dma_start3A_286 = arith.constant 0 : i32
        %dma_start3A_287 = tpu.memref_slice %arg6[%add3A_280, %dma_start3A_286] : memref<50x200xi32, #tpu.memory_space<vmem>> -> memref<1x200xi32, #tpu.memory_space<vmem>>
        %dma_start3A_288 = tpu.memref_squeeze %dma_start3A_287 : memref<1x200xi32, #tpu.memory_space<vmem>> -> memref<200xi32, #tpu.memory_space<vmem>>
        %dma_start3A_289 = arith.constant 0 : i32
        %dma_start3A_290 = arith.constant 0 : i32
        %dma_start3A_291 = tpu.memref_slice %arg2[%dma_start3A_289, %dma_start3A_290] : memref<10000x64xf32, #tpu.memory_space<hbm>> -> memref<10000x64xf32, #tpu.memory_space<hbm>>
        tpu.enqueue_indirect_dma source(%dma_start3A_291 : memref<10000x64xf32, #tpu.memory_space<hbm>>) target(%dma_start3A_285 : memref<200x64xf32, #tpu.memory_space<vmem>>) offsets(%dma_start3A_288 : memref<200xi32, #tpu.memory_space<vmem>>) semaphore(%arg13 : memref<!tpu.dma_semaphore, #tpu.memory_space<semaphore_mem>>)
      } else {
      }
      %mul3A_126 = arith.constant 5 : i32
      %mul3A_127 = arith.muli %scan3A_90, %mul3A_126 : i32
      %add3A_128 = arith.constant 1 : i32
      %add3A_129 = arith.addi %mul3A_127, %add3A_128 : i32
      %dma_wait3A_130 = arith.constant 1 : i32
      %dma_wait3A_131 = arith.constant 0 : i32
      %dma_wait3A_132 = arith.constant 0 : i32
      %dma_wait3A_133 = tpu.memref_slice %arg8[%dma_wait3A_130, %dma_wait3A_131, %dma_wait3A_132] : memref<5x200x64xf32, #tpu.memory_space<vmem>> -> memref<1x200x64xf32, #tpu.memory_space<vmem>>
      %dma_wait3A_134 = tpu.memref_squeeze %dma_wait3A_133 : memref<1x200x64xf32, #tpu.memory_space<vmem>> -> memref<200x64xf32, #tpu.memory_space<vmem>>
      %dma_wait3A_135 = arith.constant 0 : i32
      %dma_wait3A_136 = tpu.memref_slice %arg6[%add3A_129, %dma_wait3A_135] : memref<50x200xi32, #tpu.memory_space<vmem>> -> memref<1x200xi32, #tpu.memory_space<vmem>>
      %dma_wait3A_137 = tpu.memref_squeeze %dma_wait3A_136 : memref<1x200xi32, #tpu.memory_space<vmem>> -> memref<200xi32, #tpu.memory_space<vmem>>
      %dma_wait3A_138 = arith.constant 0 : i32
      %dma_wait3A_139 = arith.constant 0 : i32
      %dma_wait3A_140 = tpu.memref_slice %arg2[%dma_wait3A_138, %dma_wait3A_139] : memref<10000x64xf32, #tpu.memory_space<hbm>> -> memref<10000x64xf32, #tpu.memory_space<hbm>>
      tpu.wait_indirect_dma semaphore(%arg11 : memref<!tpu.dma_semaphore, #tpu.memory_space<semaphore_mem>>) src(%dma_wait3A_140 : memref<10000x64xf32, #tpu.memory_space<hbm>>) dst(%dma_wait3A_134 : memref<200x64xf32, #tpu.memory_space<vmem>>)
      %dma_start3A_141 = arith.constant 1 : i32
      %dma_start3A_142 = arith.constant 0 : i32
      %dma_start3A_143 = arith.constant 0 : i32
      %dma_start3A_144 = tpu.memref_slice %arg8[%dma_start3A_141, %dma_start3A_142, %dma_start3A_143] : memref<5x200x64xf32, #tpu.memory_space<vmem>> -> memref<1x200x64xf32, #tpu.memory_space<vmem>>
      %dma_start3A_145 = tpu.memref_squeeze %dma_start3A_144 : memref<1x200x64xf32, #tpu.memory_space<vmem>> -> memref<200x64xf32, #tpu.memory_space<vmem>>
      %dma_start3A_146 = arith.constant 0 : i32
      %dma_start3A_147 = tpu.memref_slice %arg7[%add3A_129, %dma_start3A_146] : memref<50x200xi32, #tpu.memory_space<vmem>> -> memref<1x200xi32, #tpu.memory_space<vmem>>
      %dma_start3A_148 = tpu.memref_squeeze %dma_start3A_147 : memref<1x200xi32, #tpu.memory_space<vmem>> -> memref<200xi32, #tpu.memory_space<vmem>>
      %dma_start3A_149 = arith.constant 0 : i32
      %dma_start3A_150 = arith.constant 0 : i32
      %dma_start3A_151 = tpu.memref_slice %arg9[%dma_start3A_149, %dma_start3A_150] : memref<10240x64xf32, #tpu.memory_space<vmem_shared>> -> memref<10240x64xf32, #tpu.memory_space<vmem_shared>>
      tpu.enqueue_indirect_dma source(%dma_start3A_145 : memref<200x64xf32, #tpu.memory_space<vmem>>) target(%dma_start3A_151 : memref<10240x64xf32, #tpu.memory_space<vmem_shared>>) offsets(%dma_start3A_148 : memref<200xi32, #tpu.memory_space<vmem>>) semaphore(%arg16 : memref<!tpu.dma_semaphore, #tpu.memory_space<semaphore_mem>>) {add = true}
      %ge3A_152 = arith.constant 2 : i32
      %ge3A_153 = arith.cmpi sge, %add3A_129, %ge3A_152 : i32
      %convert_element_type3A_154 = arith.extui %ge3A_153 : i1 to i32
      %cond3A_155 = arith.constant 0 : i32
      %cond3A_156 = arith.cmpi ne, %convert_element_type3A_154, %cond3A_155 : i32
      scf.if %cond3A_156 {
        %sub3A = arith.constant 2 : i32
        %sub3A_279 = arith.subi %add3A_129, %sub3A : i32
        %dma_wait3A_280 = arith.constant 4 : i32
        %dma_wait3A_281 = arith.constant 0 : i32
        %dma_wait3A_282 = arith.constant 0 : i32
        %dma_wait3A_283 = tpu.memref_slice %arg8[%dma_wait3A_280, %dma_wait3A_281, %dma_wait3A_282] : memref<5x200x64xf32, #tpu.memory_space<vmem>> -> memref<1x200x64xf32, #tpu.memory_space<vmem>>
        %dma_wait3A_284 = tpu.memref_squeeze %dma_wait3A_283 : memref<1x200x64xf32, #tpu.memory_space<vmem>> -> memref<200x64xf32, #tpu.memory_space<vmem>>
        %dma_wait3A_285 = arith.constant 0 : i32
        %dma_wait3A_286 = tpu.memref_slice %arg7[%sub3A_279, %dma_wait3A_285] : memref<50x200xi32, #tpu.memory_space<vmem>> -> memref<1x200xi32, #tpu.memory_space<vmem>>
        %dma_wait3A_287 = tpu.memref_squeeze %dma_wait3A_286 : memref<1x200xi32, #tpu.memory_space<vmem>> -> memref<200xi32, #tpu.memory_space<vmem>>
        %dma_wait3A_288 = arith.constant 0 : i32
        %dma_wait3A_289 = arith.constant 0 : i32
        %dma_wait3A_290 = tpu.memref_slice %arg9[%dma_wait3A_288, %dma_wait3A_289] : memref<10240x64xf32, #tpu.memory_space<vmem_shared>> -> memref<10240x64xf32, #tpu.memory_space<vmem_shared>>
        tpu.wait_indirect_dma semaphore(%arg19 : memref<!tpu.dma_semaphore, #tpu.memory_space<semaphore_mem>>) src(%dma_wait3A_284 : memref<200x64xf32, #tpu.memory_space<vmem>>) dst(%dma_wait3A_290 : memref<10240x64xf32, #tpu.memory_space<vmem_shared>>)
      } else {
      }
      %add3A_157 = arith.constant 3 : i32
      %add3A_158 = arith.addi %add3A_129, %add3A_157 : i32
      %lt3A_159 = arith.constant 50 : i32
      %lt3A_160 = arith.cmpi slt, %add3A_158, %lt3A_159 : i32
      %convert_element_type3A_161 = arith.extui %lt3A_160 : i1 to i32
      %cond3A_162 = arith.constant 0 : i32
      %cond3A_163 = arith.cmpi ne, %convert_element_type3A_161, %cond3A_162 : i32
      scf.if %cond3A_163 {
        %add3A_279 = arith.constant 3 : i32
        %add3A_280 = arith.addi %add3A_129, %add3A_279 : i32
        %dma_start3A_281 = arith.constant 4 : i32
        %dma_start3A_282 = arith.constant 0 : i32
        %dma_start3A_283 = arith.constant 0 : i32
        %dma_start3A_284 = tpu.memref_slice %arg8[%dma_start3A_281, %dma_start3A_282, %dma_start3A_283] : memref<5x200x64xf32, #tpu.memory_space<vmem>> -> memref<1x200x64xf32, #tpu.memory_space<vmem>>
        %dma_start3A_285 = tpu.memref_squeeze %dma_start3A_284 : memref<1x200x64xf32, #tpu.memory_space<vmem>> -> memref<200x64xf32, #tpu.memory_space<vmem>>
        %dma_start3A_286 = arith.constant 0 : i32
        %dma_start3A_287 = tpu.memref_slice %arg6[%add3A_280, %dma_start3A_286] : memref<50x200xi32, #tpu.memory_space<vmem>> -> memref<1x200xi32, #tpu.memory_space<vmem>>
        %dma_start3A_288 = tpu.memref_squeeze %dma_start3A_287 : memref<1x200xi32, #tpu.memory_space<vmem>> -> memref<200xi32, #tpu.memory_space<vmem>>
        %dma_start3A_289 = arith.constant 0 : i32
        %dma_start3A_290 = arith.constant 0 : i32
        %dma_start3A_291 = tpu.memref_slice %arg2[%dma_start3A_289, %dma_start3A_290] : memref<10000x64xf32, #tpu.memory_space<hbm>> -> memref<10000x64xf32, #tpu.memory_space<hbm>>
        tpu.enqueue_indirect_dma source(%dma_start3A_291 : memref<10000x64xf32, #tpu.memory_space<hbm>>) target(%dma_start3A_285 : memref<200x64xf32, #tpu.memory_space<vmem>>) offsets(%dma_start3A_288 : memref<200xi32, #tpu.memory_space<vmem>>) semaphore(%arg14 : memref<!tpu.dma_semaphore, #tpu.memory_space<semaphore_mem>>)
      } else {
      }
      %mul3A_164 = arith.constant 5 : i32
      %mul3A_165 = arith.muli %scan3A_90, %mul3A_164 : i32
      %add3A_166 = arith.constant 2 : i32
      %add3A_167 = arith.addi %mul3A_165, %add3A_166 : i32
      %dma_wait3A_168 = arith.constant 2 : i32
      %dma_wait3A_169 = arith.constant 0 : i32
      %dma_wait3A_170 = arith.constant 0 : i32
      %dma_wait3A_171 = tpu.memref_slice %arg8[%dma_wait3A_168, %dma_wait3A_169, %dma_wait3A_170] : memref<5x200x64xf32, #tpu.memory_space<vmem>> -> memref<1x200x64xf32, #tpu.memory_space<vmem>>
      %dma_wait3A_172 = tpu.memref_squeeze %dma_wait3A_171 : memref<1x200x64xf32, #tpu.memory_space<vmem>> -> memref<200x64xf32, #tpu.memory_space<vmem>>
      %dma_wait3A_173 = arith.constant 0 : i32
      %dma_wait3A_174 = tpu.memref_slice %arg6[%add3A_167, %dma_wait3A_173] : memref<50x200xi32, #tpu.memory_space<vmem>> -> memref<1x200xi32, #tpu.memory_space<vmem>>
      %dma_wait3A_175 = tpu.memref_squeeze %dma_wait3A_174 : memref<1x200xi32, #tpu.memory_space<vmem>> -> memref<200xi32, #tpu.memory_space<vmem>>
      %dma_wait3A_176 = arith.constant 0 : i32
      %dma_wait3A_177 = arith.constant 0 : i32
      %dma_wait3A_178 = tpu.memref_slice %arg2[%dma_wait3A_176, %dma_wait3A_177] : memref<10000x64xf32, #tpu.memory_space<hbm>> -> memref<10000x64xf32, #tpu.memory_space<hbm>>
      tpu.wait_indirect_dma semaphore(%arg12 : memref<!tpu.dma_semaphore, #tpu.memory_space<semaphore_mem>>) src(%dma_wait3A_178 : memref<10000x64xf32, #tpu.memory_space<hbm>>) dst(%dma_wait3A_172 : memref<200x64xf32, #tpu.memory_space<vmem>>)
      %dma_start3A_179 = arith.constant 2 : i32
      %dma_start3A_180 = arith.constant 0 : i32
      %dma_start3A_181 = arith.constant 0 : i32
      %dma_start3A_182 = tpu.memref_slice %arg8[%dma_start3A_179, %dma_start3A_180, %dma_start3A_181] : memref<5x200x64xf32, #tpu.memory_space<vmem>> -> memref<1x200x64xf32, #tpu.memory_space<vmem>>
      %dma_start3A_183 = tpu.memref_squeeze %dma_start3A_182 : memref<1x200x64xf32, #tpu.memory_space<vmem>> -> memref<200x64xf32, #tpu.memory_space<vmem>>
      %dma_start3A_184 = arith.constant 0 : i32
      %dma_start3A_185 = tpu.memref_slice %arg7[%add3A_167, %dma_start3A_184] : memref<50x200xi32, #tpu.memory_space<vmem>> -> memref<1x200xi32, #tpu.memory_space<vmem>>
      %dma_start3A_186 = tpu.memref_squeeze %dma_start3A_185 : memref<1x200xi32, #tpu.memory_space<vmem>> -> memref<200xi32, #tpu.memory_space<vmem>>
      %dma_start3A_187 = arith.constant 0 : i32
      %dma_start3A_188 = arith.constant 0 : i32
      %dma_start3A_189 = tpu.memref_slice %arg9[%dma_start3A_187, %dma_start3A_188] : memref<10240x64xf32, #tpu.memory_space<vmem_shared>> -> memref<10240x64xf32, #tpu.memory_space<vmem_shared>>
      tpu.enqueue_indirect_dma source(%dma_start3A_183 : memref<200x64xf32, #tpu.memory_space<vmem>>) target(%dma_start3A_189 : memref<10240x64xf32, #tpu.memory_space<vmem_shared>>) offsets(%dma_start3A_186 : memref<200xi32, #tpu.memory_space<vmem>>) semaphore(%arg17 : memref<!tpu.dma_semaphore, #tpu.memory_space<semaphore_mem>>) {add = true}
      %ge3A_190 = arith.constant 2 : i32
      %ge3A_191 = arith.cmpi sge, %add3A_167, %ge3A_190 : i32
      %convert_element_type3A_192 = arith.extui %ge3A_191 : i1 to i32
      %cond3A_193 = arith.constant 0 : i32
      %cond3A_194 = arith.cmpi ne, %convert_element_type3A_192, %cond3A_193 : i32
      scf.if %cond3A_194 {
        %sub3A = arith.constant 2 : i32
        %sub3A_279 = arith.subi %add3A_167, %sub3A : i32
        %dma_wait3A_280 = arith.constant 0 : i32
        %dma_wait3A_281 = arith.constant 0 : i32
        %dma_wait3A_282 = arith.constant 0 : i32
        %dma_wait3A_283 = tpu.memref_slice %arg8[%dma_wait3A_280, %dma_wait3A_281, %dma_wait3A_282] : memref<5x200x64xf32, #tpu.memory_space<vmem>> -> memref<1x200x64xf32, #tpu.memory_space<vmem>>
        %dma_wait3A_284 = tpu.memref_squeeze %dma_wait3A_283 : memref<1x200x64xf32, #tpu.memory_space<vmem>> -> memref<200x64xf32, #tpu.memory_space<vmem>>
        %dma_wait3A_285 = arith.constant 0 : i32
        %dma_wait3A_286 = tpu.memref_slice %arg7[%sub3A_279, %dma_wait3A_285] : memref<50x200xi32, #tpu.memory_space<vmem>> -> memref<1x200xi32, #tpu.memory_space<vmem>>
        %dma_wait3A_287 = tpu.memref_squeeze %dma_wait3A_286 : memref<1x200xi32, #tpu.memory_space<vmem>> -> memref<200xi32, #tpu.memory_space<vmem>>
        %dma_wait3A_288 = arith.constant 0 : i32
        %dma_wait3A_289 = arith.constant 0 : i32
        %dma_wait3A_290 = tpu.memref_slice %arg9[%dma_wait3A_288, %dma_wait3A_289] : memref<10240x64xf32, #tpu.memory_space<vmem_shared>> -> memref<10240x64xf32, #tpu.memory_space<vmem_shared>>
        tpu.wait_indirect_dma semaphore(%arg15 : memref<!tpu.dma_semaphore, #tpu.memory_space<semaphore_mem>>) src(%dma_wait3A_284 : memref<200x64xf32, #tpu.memory_space<vmem>>) dst(%dma_wait3A_290 : memref<10240x64xf32, #tpu.memory_space<vmem_shared>>)
      } else {
      }
      %add3A_195 = arith.constant 3 : i32
      %add3A_196 = arith.addi %add3A_167, %add3A_195 : i32
      %lt3A_197 = arith.constant 50 : i32
      %lt3A_198 = arith.cmpi slt, %add3A_196, %lt3A_197 : i32
      %convert_element_type3A_199 = arith.extui %lt3A_198 : i1 to i32
      %cond3A_200 = arith.constant 0 : i32
      %cond3A_201 = arith.cmpi ne, %convert_element_type3A_199, %cond3A_200 : i32
      scf.if %cond3A_201 {
        %add3A_279 = arith.constant 3 : i32
        %add3A_280 = arith.addi %add3A_167, %add3A_279 : i32
        %dma_start3A_281 = arith.constant 0 : i32
        %dma_start3A_282 = arith.constant 0 : i32
        %dma_start3A_283 = arith.constant 0 : i32
        %dma_start3A_284 = tpu.memref_slice %arg8[%dma_start3A_281, %dma_start3A_282, %dma_start3A_283] : memref<5x200x64xf32, #tpu.memory_space<vmem>> -> memref<1x200x64xf32, #tpu.memory_space<vmem>>
        %dma_start3A_285 = tpu.memref_squeeze %dma_start3A_284 : memref<1x200x64xf32, #tpu.memory_space<vmem>> -> memref<200x64xf32, #tpu.memory_space<vmem>>
        %dma_start3A_286 = arith.constant 0 : i32
        %dma_start3A_287 = tpu.memref_slice %arg6[%add3A_280, %dma_start3A_286] : memref<50x200xi32, #tpu.memory_space<vmem>> -> memref<1x200xi32, #tpu.memory_space<vmem>>
        %dma_start3A_288 = tpu.memref_squeeze %dma_start3A_287 : memref<1x200xi32, #tpu.memory_space<vmem>> -> memref<200xi32, #tpu.memory_space<vmem>>
        %dma_start3A_289 = arith.constant 0 : i32
        %dma_start3A_290 = arith.constant 0 : i32
        %dma_start3A_291 = tpu.memref_slice %arg2[%dma_start3A_289, %dma_start3A_290] : memref<10000x64xf32, #tpu.memory_space<hbm>> -> memref<10000x64xf32, #tpu.memory_space<hbm>>
        tpu.enqueue_indirect_dma source(%dma_start3A_291 : memref<10000x64xf32, #tpu.memory_space<hbm>>) target(%dma_start3A_285 : memref<200x64xf32, #tpu.memory_space<vmem>>) offsets(%dma_start3A_288 : memref<200xi32, #tpu.memory_space<vmem>>) semaphore(%arg10 : memref<!tpu.dma_semaphore, #tpu.memory_space<semaphore_mem>>)
      } else {
      }
      %mul3A_202 = arith.constant 5 : i32
      %mul3A_203 = arith.muli %scan3A_90, %mul3A_202 : i32
      %add3A_204 = arith.constant 3 : i32
      %add3A_205 = arith.addi %mul3A_203, %add3A_204 : i32
      %dma_wait3A_206 = arith.constant 3 : i32
      %dma_wait3A_207 = arith.constant 0 : i32
      %dma_wait3A_208 = arith.constant 0 : i32
      %dma_wait3A_209 = tpu.memref_slice %arg8[%dma_wait3A_206, %dma_wait3A_207, %dma_wait3A_208] : memref<5x200x64xf32, #tpu.memory_space<vmem>> -> memref<1x200x64xf32, #tpu.memory_space<vmem>>
      %dma_wait3A_210 = tpu.memref_squeeze %dma_wait3A_209 : memref<1x200x64xf32, #tpu.memory_space<vmem>> -> memref<200x64xf32, #tpu.memory_space<vmem>>
      %dma_wait3A_211 = arith.constant 0 : i32
      %dma_wait3A_212 = tpu.memref_slice %arg6[%add3A_205, %dma_wait3A_211] : memref<50x200xi32, #tpu.memory_space<vmem>> -> memref<1x200xi32, #tpu.memory_space<vmem>>
      %dma_wait3A_213 = tpu.memref_squeeze %dma_wait3A_212 : memref<1x200xi32, #tpu.memory_space<vmem>> -> memref<200xi32, #tpu.memory_space<vmem>>
      %dma_wait3A_214 = arith.constant 0 : i32
      %dma_wait3A_215 = arith.constant 0 : i32
      %dma_wait3A_216 = tpu.memref_slice %arg2[%dma_wait3A_214, %dma_wait3A_215] : memref<10000x64xf32, #tpu.memory_space<hbm>> -> memref<10000x64xf32, #tpu.memory_space<hbm>>
      tpu.wait_indirect_dma semaphore(%arg13 : memref<!tpu.dma_semaphore, #tpu.memory_space<semaphore_mem>>) src(%dma_wait3A_216 : memref<10000x64xf32, #tpu.memory_space<hbm>>) dst(%dma_wait3A_210 : memref<200x64xf32, #tpu.memory_space<vmem>>)
      %dma_start3A_217 = arith.constant 3 : i32
      %dma_start3A_218 = arith.constant 0 : i32
      %dma_start3A_219 = arith.constant 0 : i32
      %dma_start3A_220 = tpu.memref_slice %arg8[%dma_start3A_217, %dma_start3A_218, %dma_start3A_219] : memref<5x200x64xf32, #tpu.memory_space<vmem>> -> memref<1x200x64xf32, #tpu.memory_space<vmem>>
      %dma_start3A_221 = tpu.memref_squeeze %dma_start3A_220 : memref<1x200x64xf32, #tpu.memory_space<vmem>> -> memref<200x64xf32, #tpu.memory_space<vmem>>
      %dma_start3A_222 = arith.constant 0 : i32
      %dma_start3A_223 = tpu.memref_slice %arg7[%add3A_205, %dma_start3A_222] : memref<50x200xi32, #tpu.memory_space<vmem>> -> memref<1x200xi32, #tpu.memory_space<vmem>>
      %dma_start3A_224 = tpu.memref_squeeze %dma_start3A_223 : memref<1x200xi32, #tpu.memory_space<vmem>> -> memref<200xi32, #tpu.memory_space<vmem>>
      %dma_start3A_225 = arith.constant 0 : i32
      %dma_start3A_226 = arith.constant 0 : i32
      %dma_start3A_227 = tpu.memref_slice %arg9[%dma_start3A_225, %dma_start3A_226] : memref<10240x64xf32, #tpu.memory_space<vmem_shared>> -> memref<10240x64xf32, #tpu.memory_space<vmem_shared>>
      tpu.enqueue_indirect_dma source(%dma_start3A_221 : memref<200x64xf32, #tpu.memory_space<vmem>>) target(%dma_start3A_227 : memref<10240x64xf32, #tpu.memory_space<vmem_shared>>) offsets(%dma_start3A_224 : memref<200xi32, #tpu.memory_space<vmem>>) semaphore(%arg18 : memref<!tpu.dma_semaphore, #tpu.memory_space<semaphore_mem>>) {add = true}
      %ge3A_228 = arith.constant 2 : i32
      %ge3A_229 = arith.cmpi sge, %add3A_205, %ge3A_228 : i32
      %convert_element_type3A_230 = arith.extui %ge3A_229 : i1 to i32
      %cond3A_231 = arith.constant 0 : i32
      %cond3A_232 = arith.cmpi ne, %convert_element_type3A_230, %cond3A_231 : i32
      scf.if %cond3A_232 {
        %sub3A = arith.constant 2 : i32
        %sub3A_279 = arith.subi %add3A_205, %sub3A : i32
        %dma_wait3A_280 = arith.constant 1 : i32
        %dma_wait3A_281 = arith.constant 0 : i32
        %dma_wait3A_282 = arith.constant 0 : i32
        %dma_wait3A_283 = tpu.memref_slice %arg8[%dma_wait3A_280, %dma_wait3A_281, %dma_wait3A_282] : memref<5x200x64xf32, #tpu.memory_space<vmem>> -> memref<1x200x64xf32, #tpu.memory_space<vmem>>
        %dma_wait3A_284 = tpu.memref_squeeze %dma_wait3A_283 : memref<1x200x64xf32, #tpu.memory_space<vmem>> -> memref<200x64xf32, #tpu.memory_space<vmem>>
        %dma_wait3A_285 = arith.constant 0 : i32
        %dma_wait3A_286 = tpu.memref_slice %arg7[%sub3A_279, %dma_wait3A_285] : memref<50x200xi32, #tpu.memory_space<vmem>> -> memref<1x200xi32, #tpu.memory_space<vmem>>
        %dma_wait3A_287 = tpu.memref_squeeze %dma_wait3A_286 : memref<1x200xi32, #tpu.memory_space<vmem>> -> memref<200xi32, #tpu.memory_space<vmem>>
        %dma_wait3A_288 = arith.constant 0 : i32
        %dma_wait3A_289 = arith.constant 0 : i32
        %dma_wait3A_290 = tpu.memref_slice %arg9[%dma_wait3A_288, %dma_wait3A_289] : memref<10240x64xf32, #tpu.memory_space<vmem_shared>> -> memref<10240x64xf32, #tpu.memory_space<vmem_shared>>
        tpu.wait_indirect_dma semaphore(%arg16 : memref<!tpu.dma_semaphore, #tpu.memory_space<semaphore_mem>>) src(%dma_wait3A_284 : memref<200x64xf32, #tpu.memory_space<vmem>>) dst(%dma_wait3A_290 : memref<10240x64xf32, #tpu.memory_space<vmem_shared>>)
      } else {
      }
      %add3A_233 = arith.constant 3 : i32
      %add3A_234 = arith.addi %add3A_205, %add3A_233 : i32
      %lt3A_235 = arith.constant 50 : i32
      %lt3A_236 = arith.cmpi slt, %add3A_234, %lt3A_235 : i32
      %convert_element_type3A_237 = arith.extui %lt3A_236 : i1 to i32
      %cond3A_238 = arith.constant 0 : i32
      %cond3A_239 = arith.cmpi ne, %convert_element_type3A_237, %cond3A_238 : i32
      scf.if %cond3A_239 {
        %add3A_279 = arith.constant 3 : i32
        %add3A_280 = arith.addi %add3A_205, %add3A_279 : i32
        %dma_start3A_281 = arith.constant 1 : i32
        %dma_start3A_282 = arith.constant 0 : i32
        %dma_start3A_283 = arith.constant 0 : i32
        %dma_start3A_284 = tpu.memref_slice %arg8[%dma_start3A_281, %dma_start3A_282, %dma_start3A_283] : memref<5x200x64xf32, #tpu.memory_space<vmem>> -> memref<1x200x64xf32, #tpu.memory_space<vmem>>
        %dma_start3A_285 = tpu.memref_squeeze %dma_start3A_284 : memref<1x200x64xf32, #tpu.memory_space<vmem>> -> memref<200x64xf32, #tpu.memory_space<vmem>>
        %dma_start3A_286 = arith.constant 0 : i32
        %dma_start3A_287 = tpu.memref_slice %arg6[%add3A_280, %dma_start3A_286] : memref<50x200xi32, #tpu.memory_space<vmem>> -> memref<1x200xi32, #tpu.memory_space<vmem>>
        %dma_start3A_288 = tpu.memref_squeeze %dma_start3A_287 : memref<1x200xi32, #tpu.memory_space<vmem>> -> memref<200xi32, #tpu.memory_space<vmem>>
        %dma_start3A_289 = arith.constant 0 : i32
        %dma_start3A_290 = arith.constant 0 : i32
        %dma_start3A_291 = tpu.memref_slice %arg2[%dma_start3A_289, %dma_start3A_290] : memref<10000x64xf32, #tpu.memory_space<hbm>> -> memref<10000x64xf32, #tpu.memory_space<hbm>>
        tpu.enqueue_indirect_dma source(%dma_start3A_291 : memref<10000x64xf32, #tpu.memory_space<hbm>>) target(%dma_start3A_285 : memref<200x64xf32, #tpu.memory_space<vmem>>) offsets(%dma_start3A_288 : memref<200xi32, #tpu.memory_space<vmem>>) semaphore(%arg11 : memref<!tpu.dma_semaphore, #tpu.memory_space<semaphore_mem>>)
      } else {
      }
      %mul3A_240 = arith.constant 5 : i32
      %mul3A_241 = arith.muli %scan3A_90, %mul3A_240 : i32
      %add3A_242 = arith.constant 4 : i32
      %add3A_243 = arith.addi %mul3A_241, %add3A_242 : i32
      %dma_wait3A_244 = arith.constant 4 : i32
      %dma_wait3A_245 = arith.constant 0 : i32
      %dma_wait3A_246 = arith.constant 0 : i32
      %dma_wait3A_247 = tpu.memref_slice %arg8[%dma_wait3A_244, %dma_wait3A_245, %dma_wait3A_246] : memref<5x200x64xf32, #tpu.memory_space<vmem>> -> memref<1x200x64xf32, #tpu.memory_space<vmem>>
      %dma_wait3A_248 = tpu.memref_squeeze %dma_wait3A_247 : memref<1x200x64xf32, #tpu.memory_space<vmem>> -> memref<200x64xf32, #tpu.memory_space<vmem>>
      %dma_wait3A_249 = arith.constant 0 : i32
      %dma_wait3A_250 = tpu.memref_slice %arg6[%add3A_243, %dma_wait3A_249] : memref<50x200xi32, #tpu.memory_space<vmem>> -> memref<1x200xi32, #tpu.memory_space<vmem>>
      %dma_wait3A_251 = tpu.memref_squeeze %dma_wait3A_250 : memref<1x200xi32, #tpu.memory_space<vmem>> -> memref<200xi32, #tpu.memory_space<vmem>>
      %dma_wait3A_252 = arith.constant 0 : i32
      %dma_wait3A_253 = arith.constant 0 : i32
      %dma_wait3A_254 = tpu.memref_slice %arg2[%dma_wait3A_252, %dma_wait3A_253] : memref<10000x64xf32, #tpu.memory_space<hbm>> -> memref<10000x64xf32, #tpu.memory_space<hbm>>
      tpu.wait_indirect_dma semaphore(%arg14 : memref<!tpu.dma_semaphore, #tpu.memory_space<semaphore_mem>>) src(%dma_wait3A_254 : memref<10000x64xf32, #tpu.memory_space<hbm>>) dst(%dma_wait3A_248 : memref<200x64xf32, #tpu.memory_space<vmem>>)
      %dma_start3A_255 = arith.constant 4 : i32
      %dma_start3A_256 = arith.constant 0 : i32
      %dma_start3A_257 = arith.constant 0 : i32
      %dma_start3A_258 = tpu.memref_slice %arg8[%dma_start3A_255, %dma_start3A_256, %dma_start3A_257] : memref<5x200x64xf32, #tpu.memory_space<vmem>> -> memref<1x200x64xf32, #tpu.memory_space<vmem>>
      %dma_start3A_259 = tpu.memref_squeeze %dma_start3A_258 : memref<1x200x64xf32, #tpu.memory_space<vmem>> -> memref<200x64xf32, #tpu.memory_space<vmem>>
      %dma_start3A_260 = arith.constant 0 : i32
      %dma_start3A_261 = tpu.memref_slice %arg7[%add3A_243, %dma_start3A_260] : memref<50x200xi32, #tpu.memory_space<vmem>> -> memref<1x200xi32, #tpu.memory_space<vmem>>
      %dma_start3A_262 = tpu.memref_squeeze %dma_start3A_261 : memref<1x200xi32, #tpu.memory_space<vmem>> -> memref<200xi32, #tpu.memory_space<vmem>>
      %dma_start3A_263 = arith.constant 0 : i32
      %dma_start3A_264 = arith.constant 0 : i32
      %dma_start3A_265 = tpu.memref_slice %arg9[%dma_start3A_263, %dma_start3A_264] : memref<10240x64xf32, #tpu.memory_space<vmem_shared>> -> memref<10240x64xf32, #tpu.memory_space<vmem_shared>>
      tpu.enqueue_indirect_dma source(%dma_start3A_259 : memref<200x64xf32, #tpu.memory_space<vmem>>) target(%dma_start3A_265 : memref<10240x64xf32, #tpu.memory_space<vmem_shared>>) offsets(%dma_start3A_262 : memref<200xi32, #tpu.memory_space<vmem>>) semaphore(%arg19 : memref<!tpu.dma_semaphore, #tpu.memory_space<semaphore_mem>>) {add = true}
      %ge3A_266 = arith.constant 2 : i32
      %ge3A_267 = arith.cmpi sge, %add3A_243, %ge3A_266 : i32
      %convert_element_type3A_268 = arith.extui %ge3A_267 : i1 to i32
      %cond3A_269 = arith.constant 0 : i32
      %cond3A_270 = arith.cmpi ne, %convert_element_type3A_268, %cond3A_269 : i32
      scf.if %cond3A_270 {
        %sub3A = arith.constant 2 : i32
        %sub3A_279 = arith.subi %add3A_243, %sub3A : i32
        %dma_wait3A_280 = arith.constant 2 : i32
        %dma_wait3A_281 = arith.constant 0 : i32
        %dma_wait3A_282 = arith.constant 0 : i32
        %dma_wait3A_283 = tpu.memref_slice %arg8[%dma_wait3A_280, %dma_wait3A_281, %dma_wait3A_282] : memref<5x200x64xf32, #tpu.memory_space<vmem>> -> memref<1x200x64xf32, #tpu.memory_space<vmem>>
        %dma_wait3A_284 = tpu.memref_squeeze %dma_wait3A_283 : memref<1x200x64xf32, #tpu.memory_space<vmem>> -> memref<200x64xf32, #tpu.memory_space<vmem>>
        %dma_wait3A_285 = arith.constant 0 : i32
        %dma_wait3A_286 = tpu.memref_slice %arg7[%sub3A_279, %dma_wait3A_285] : memref<50x200xi32, #tpu.memory_space<vmem>> -> memref<1x200xi32, #tpu.memory_space<vmem>>
        %dma_wait3A_287 = tpu.memref_squeeze %dma_wait3A_286 : memref<1x200xi32, #tpu.memory_space<vmem>> -> memref<200xi32, #tpu.memory_space<vmem>>
        %dma_wait3A_288 = arith.constant 0 : i32
        %dma_wait3A_289 = arith.constant 0 : i32
        %dma_wait3A_290 = tpu.memref_slice %arg9[%dma_wait3A_288, %dma_wait3A_289] : memref<10240x64xf32, #tpu.memory_space<vmem_shared>> -> memref<10240x64xf32, #tpu.memory_space<vmem_shared>>
        tpu.wait_indirect_dma semaphore(%arg17 : memref<!tpu.dma_semaphore, #tpu.memory_space<semaphore_mem>>) src(%dma_wait3A_284 : memref<200x64xf32, #tpu.memory_space<vmem>>) dst(%dma_wait3A_290 : memref<10240x64xf32, #tpu.memory_space<vmem_shared>>)
      } else {
      }
      %add3A_271 = arith.constant 3 : i32
      %add3A_272 = arith.addi %add3A_243, %add3A_271 : i32
      %lt3A_273 = arith.constant 50 : i32
      %lt3A_274 = arith.cmpi slt, %add3A_272, %lt3A_273 : i32
      %convert_element_type3A_275 = arith.extui %lt3A_274 : i1 to i32
      %cond3A_276 = arith.constant 0 : i32
      %cond3A_277 = arith.cmpi ne, %convert_element_type3A_275, %cond3A_276 : i32
      scf.if %cond3A_277 {
        %add3A_279 = arith.constant 3 : i32
        %add3A_280 = arith.addi %add3A_243, %add3A_279 : i32
        %dma_start3A_281 = arith.constant 2 : i32
        %dma_start3A_282 = arith.constant 0 : i32
        %dma_start3A_283 = arith.constant 0 : i32
        %dma_start3A_284 = tpu.memref_slice %arg8[%dma_start3A_281, %dma_start3A_282, %dma_start3A_283] : memref<5x200x64xf32, #tpu.memory_space<vmem>> -> memref<1x200x64xf32, #tpu.memory_space<vmem>>
        %dma_start3A_285 = tpu.memref_squeeze %dma_start3A_284 : memref<1x200x64xf32, #tpu.memory_space<vmem>> -> memref<200x64xf32, #tpu.memory_space<vmem>>
        %dma_start3A_286 = arith.constant 0 : i32
        %dma_start3A_287 = tpu.memref_slice %arg6[%add3A_280, %dma_start3A_286] : memref<50x200xi32, #tpu.memory_space<vmem>> -> memref<1x200xi32, #tpu.memory_space<vmem>>
        %dma_start3A_288 = tpu.memref_squeeze %dma_start3A_287 : memref<1x200xi32, #tpu.memory_space<vmem>> -> memref<200xi32, #tpu.memory_space<vmem>>
        %dma_start3A_289 = arith.constant 0 : i32
        %dma_start3A_290 = arith.constant 0 : i32
        %dma_start3A_291 = tpu.memref_slice %arg2[%dma_start3A_289, %dma_start3A_290] : memref<10000x64xf32, #tpu.memory_space<hbm>> -> memref<10000x64xf32, #tpu.memory_space<hbm>>
        tpu.enqueue_indirect_dma source(%dma_start3A_291 : memref<10000x64xf32, #tpu.memory_space<hbm>>) target(%dma_start3A_285 : memref<200x64xf32, #tpu.memory_space<vmem>>) offsets(%dma_start3A_288 : memref<200xi32, #tpu.memory_space<vmem>>) semaphore(%arg12 : memref<!tpu.dma_semaphore, #tpu.memory_space<semaphore_mem>>)
      } else {
      }
      %scan3A_278 = arith.constant 0 : i32
      scf.yield %scan3A_278 : i32
    }
    %scan3A_61 = arith.constant 10 : i32
    %dma_wait3A = arith.constant 3 : i32
    %dma_wait3A_62 = arith.constant 48 : i32
    %dma_wait3A_63 = arith.constant 0 : i32
    %dma_wait3A_64 = arith.constant 0 : i32
    %dma_wait3A_65 = tpu.memref_slice %arg8[%dma_wait3A, %dma_wait3A_63, %dma_wait3A_64] : memref<5x200x64xf32, #tpu.memory_space<vmem>> -> memref<1x200x64xf32, #tpu.memory_space<vmem>>
    %dma_wait3A_66 = tpu.memref_squeeze %dma_wait3A_65 : memref<1x200x64xf32, #tpu.memory_space<vmem>> -> memref<200x64xf32, #tpu.memory_space<vmem>>
    %dma_wait3A_67 = arith.constant 0 : i32
    %dma_wait3A_68 = tpu.memref_slice %arg7[%dma_wait3A_62, %dma_wait3A_67] : memref<50x200xi32, #tpu.memory_space<vmem>> -> memref<1x200xi32, #tpu.memory_space<vmem>>
    %dma_wait3A_69 = tpu.memref_squeeze %dma_wait3A_68 : memref<1x200xi32, #tpu.memory_space<vmem>> -> memref<200xi32, #tpu.memory_space<vmem>>
    %dma_wait3A_70 = arith.constant 0 : i32
    %dma_wait3A_71 = arith.constant 0 : i32
    %dma_wait3A_72 = tpu.memref_slice %arg9[%dma_wait3A_70, %dma_wait3A_71] : memref<10240x64xf32, #tpu.memory_space<vmem_shared>> -> memref<10240x64xf32, #tpu.memory_space<vmem_shared>>
    tpu.wait_indirect_dma semaphore(%arg18 : memref<!tpu.dma_semaphore, #tpu.memory_space<semaphore_mem>>) src(%dma_wait3A_66 : memref<200x64xf32, #tpu.memory_space<vmem>>) dst(%dma_wait3A_72 : memref<10240x64xf32, #tpu.memory_space<vmem_shared>>)
    %dma_wait3A_73 = arith.constant 4 : i32
    %dma_wait3A_74 = arith.constant 49 : i32
    %dma_wait3A_75 = arith.constant 0 : i32
    %dma_wait3A_76 = arith.constant 0 : i32
    %dma_wait3A_77 = tpu.memref_slice %arg8[%dma_wait3A_73, %dma_wait3A_75, %dma_wait3A_76] : memref<5x200x64xf32, #tpu.memory_space<vmem>> -> memref<1x200x64xf32, #tpu.memory_space<vmem>>
    %dma_wait3A_78 = tpu.memref_squeeze %dma_wait3A_77 : memref<1x200x64xf32, #tpu.memory_space<vmem>> -> memref<200x64xf32, #tpu.memory_space<vmem>>
    %dma_wait3A_79 = arith.constant 0 : i32
    %dma_wait3A_80 = tpu.memref_slice %arg7[%dma_wait3A_74, %dma_wait3A_79] : memref<50x200xi32, #tpu.memory_space<vmem>> -> memref<1x200xi32, #tpu.memory_space<vmem>>
    %dma_wait3A_81 = tpu.memref_squeeze %dma_wait3A_80 : memref<1x200xi32, #tpu.memory_space<vmem>> -> memref<200xi32, #tpu.memory_space<vmem>>
    %dma_wait3A_82 = arith.constant 0 : i32
    %dma_wait3A_83 = arith.constant 0 : i32
    %dma_wait3A_84 = tpu.memref_slice %arg9[%dma_wait3A_82, %dma_wait3A_83] : memref<10240x64xf32, #tpu.memory_space<vmem_shared>> -> memref<10240x64xf32, #tpu.memory_space<vmem_shared>>
    tpu.wait_indirect_dma semaphore(%arg19 : memref<!tpu.dma_semaphore, #tpu.memory_space<semaphore_mem>>) src(%dma_wait3A_78 : memref<200x64xf32, #tpu.memory_space<vmem>>) dst(%dma_wait3A_84 : memref<10240x64xf32, #tpu.memory_space<vmem_shared>>)
    %barrier3A_85 = arith.constant 0 : index
    tpu.barrier barrier_id(%barrier3A_85)
    %mul3A_86 = arith.constant 640 : i32
    %mul3A_87 = arith.muli %arg1, %mul3A_86 : i32
    %mul3A_88 = arith.constant 640 : i32
    %mul3A_89 = arith.muli %arg1, %mul3A_88 : i32
    "tpu.region"() ({
      %run_scoped3A_90 = tpu.sem_alloc : memref<!tpu.dma_semaphore, #tpu.memory_space<semaphore_mem>>
      %dma_start3A_91 = arith.constant 0 : i32
      %dma_start3A_92 = tpu.memref_slice %arg5[%arg0, %mul3A_89, %dma_start3A_91] : memref<2x10240x64xf32, #tpu.memory_space<hbm>> -> memref<1x640x64xf32, #tpu.memory_space<hbm>>
      %dma_start3A_93 = tpu.memref_squeeze %dma_start3A_92 : memref<1x640x64xf32, #tpu.memory_space<hbm>> -> memref<640x64xf32, #tpu.memory_space<hbm>>
      %dma_start3A_94 = arith.constant 0 : i32
      %dma_start3A_95 = tpu.memref_slice %arg9[%mul3A_87, %dma_start3A_94] : memref<10240x64xf32, #tpu.memory_space<vmem_shared>> -> memref<640x64xf32, #tpu.memory_space<vmem_shared>>
      tpu.enqueue_dma source(%dma_start3A_95 : memref<640x64xf32, #tpu.memory_space<vmem_shared>>) target(%dma_start3A_93 : memref<640x64xf32, #tpu.memory_space<hbm>>) target_semaphore(%run_scoped3A_90 : memref<!tpu.dma_semaphore, #tpu.memory_space<semaphore_mem>>)
      %dma_wait3A_96 = arith.constant 0 : i32
      %dma_wait3A_97 = tpu.memref_slice %arg5[%arg0, %mul3A_89, %dma_wait3A_96] : memref<2x10240x64xf32, #tpu.memory_space<hbm>> -> memref<1x640x64xf32, #tpu.memory_space<hbm>>
      %dma_wait3A_98 = tpu.memref_squeeze %dma_wait3A_97 : memref<1x640x64xf32, #tpu.memory_space<hbm>> -> memref<640x64xf32, #tpu.memory_space<hbm>>
      %dma_wait3A_99 = arith.constant 0 : i32
      %dma_wait3A_100 = tpu.memref_slice %arg9[%mul3A_87, %dma_wait3A_99] : memref<10240x64xf32, #tpu.memory_space<vmem_shared>> -> memref<640x64xf32, #tpu.memory_space<vmem_shared>>
      tpu.wait_dma2 semaphore(%run_scoped3A_90 : memref<!tpu.dma_semaphore, #tpu.memory_space<semaphore_mem>>) src(%dma_wait3A_100 : memref<640x64xf32, #tpu.memory_space<vmem_shared>>) dst(%dma_wait3A_98 : memref<640x64xf32, #tpu.memory_space<hbm>>)
      tpu.yield
    }) : () -> ()
    return
  }
}

#map = affine_map<(d0, d1) -> (0, 0)>
#map1 = affine_map<(d0, d1) -> (0, 0, 0)>
module attributes {stable_mosaic.version = 14 : i64} {
  func.func @k(%arg0: i32, %arg1: i32, %arg2: memref<10000x64xf32, #tpu.memory_space<hbm>>, %arg3: memref<32x50x200xi32, #tpu.memory_space<hbm>>, %arg4: memref<32x50x200xi32, #tpu.memory_space<hbm>>, %arg5: memref<2x10240x64xf32, #tpu.memory_space<hbm>>, %arg6: memref<50x200xi32, #tpu.memory_space<vmem>>, %arg7: memref<50x200xi32, #tpu.memory_space<vmem>>, %arg8: memref<5x200x64xf32, #tpu.memory_space<vmem>>, %arg9: memref<10240x64xf32, #tpu.memory_space<vmem_shared>>, %arg10: memref<!tpu.dma_semaphore, #tpu.memory_space<semaphore_mem>>, %arg11: memref<!tpu.dma_semaphore, #tpu.memory_space<semaphore_mem>>, %arg12: memref<!tpu.dma_semaphore, #tpu.memory_space<semaphore_mem>>, %arg13: memref<!tpu.dma_semaphore, #tpu.memory_space<semaphore_mem>>, %arg14: memref<!tpu.dma_semaphore, #tpu.memory_space<semaphore_mem>>, %arg15: memref<!tpu.dma_semaphore, #tpu.memory_space<semaphore_mem>>, %arg16: memref<!tpu.dma_semaphore, #tpu.memory_space<semaphore_mem>>, %arg17: memref<!tpu.dma_semaphore, #tpu.memory_space<semaphore_mem>>, %arg18: memref<!tpu.dma_semaphore, #tpu.memory_space<semaphore_mem>>, %arg19: memref<!tpu.dma_semaphore, #tpu.memory_space<semaphore_mem>>) attributes {dimension_semantics = [#tpu.dimension_semantics<core_parallel>, #tpu.dimension_semantics<subcore_parallel>], iteration_bounds = array<i64: 2, 16>, scalar_prefetch = 0 : i64, scratch_operands = 14 : i64, tpu.core_type = #tpu.core_type<sc_vector_subcore>, window_params = [{transform_indices = #map}, {transform_indices = #map1}, {transform_indices = #map1}, {transform_indices = #map1}]} {
    %mul3A = arith.constant 16 : i32
    %mul3A_0 = arith.muli %arg0, %mul3A : i32
    %add3A = arith.addi %mul3A_0, %arg1 : i32
    %scan3A = arith.constant 0 : i32
    %scan3A_1 = arith.constant 0 : i32
    %scan3A_2 = arith.constant 200 : i32
    %scan3A_3 = arith.addi %scan3A_1, %scan3A_2 : i32
    %scan3A_4 = arith.constant 1 : i32
    %scan3A_5 = scf.for %scan3A_90 = %scan3A_1 to %scan3A_3 step %scan3A_4 iter_args(%scan3A_91 = %scan3A) -> (i32)  : i32 {
      %broadcast_in_dim3A = arith.constant 0.000000e+00 : f32
      %broadcast_in_dim3A_92 = vector.broadcast %broadcast_in_dim3A : f32 to vector<64xf32>
      %swap3A = arith.constant 0 : i32
      %swap3A_93 = arith.index_cast %swap3A : i32 to index
      %swap3A_94 = arith.index_cast %scan3A_90 : i32 to index
      %swap3A_95 = arith.constant 0 : index
      %swap3A_96 = tpu.vector_load %arg8[%swap3A_93, %swap3A_94, %swap3A_95] {strides = array<i32>} : memref<5x200x64xf32, #tpu.memory_space<vmem>>, vector<1x1x64xf32>,
      %swap3A_97 = vector.shape_cast %swap3A_96 : vector<1x1x64xf32> to vector<64xf32>
      %swap3A_98 = vector.shape_cast %broadcast_in_dim3A_92 : vector<64xf32> to vector<1x1x64xf32>
      tpu.vector_store %arg8[%swap3A_93, %swap3A_94, %swap3A_95], %swap3A_98 {strides = array<i32>} : memref<5x200x64xf32, #tpu.memory_space<vmem>>, vector<1x1x64xf32>,
      %scan3A_99 = arith.constant 0 : i32
      scf.yield %scan3A_99 : i32
    }
    %scan3A_6 = arith.constant 200 : i32
    "tpu.region"() ({
      %run_scoped3A_90 = tpu.sem_alloc : memref<!tpu.dma_semaphore, #tpu.memory_space<semaphore_mem>>
      %dma_start3A_91 = arith.constant 0 : i32
      %dma_start3A_92 = arith.constant 0 : i32
      %dma_start3A_93 = tpu.memref_slice %arg3[%add3A, %dma_start3A_91, %dma_start3A_92] : memref<32x50x200xi32, #tpu.memory_space<hbm>> -> memref<1x50x200xi32, #tpu.memory_space<hbm>>
      %dma_start3A_94 = tpu.memref_squeeze %dma_start3A_93 : memref<1x50x200xi32, #tpu.memory_space<hbm>> -> memref<50x200xi32, #tpu.memory_space<hbm>>
      %dma_start3A_95 = arith.constant 0 : i32
      %dma_start3A_96 = arith.constant 0 : i32
      %dma_start3A_97 = tpu.memref_slice %arg3[%add3A, %dma_start3A_95, %dma_start3A_96] : memref<32x50x200xi32, #tpu.memory_space<hbm>> -> memref<1x50x200xi32, #tpu.memory_space<hbm>>
      %dma_start3A_98 = tpu.memref_squeeze %dma_start3A_97 : memref<1x50x200xi32, #tpu.memory_space<hbm>> -> memref<50x200xi32, #tpu.memory_space<hbm>>
      tpu.enqueue_dma source(%dma_start3A_98 : memref<50x200xi32, #tpu.memory_space<hbm>>) target(%arg6 : memref<50x200xi32, #tpu.memory_space<vmem>>) target_semaphore(%run_scoped3A_90 : memref<!tpu.dma_semaphore, #tpu.memory_space<semaphore_mem>>)
      %dma_wait3A_99 = arith.constant 0 : i32
      %dma_wait3A_100 = arith.constant 0 : i32
      %dma_wait3A_101 = tpu.memref_slice %arg3[%add3A, %dma_wait3A_99, %dma_wait3A_100] : memref<32x50x200xi32, #tpu.memory_space<hbm>> -> memref<1x50x200xi32, #tpu.memory_space<hbm>>
      %dma_wait3A_102 = tpu.memref_squeeze %dma_wait3A_101 : memref<1x50x200xi32, #tpu.memory_space<hbm>> -> memref<50x200xi32, #tpu.memory_space<hbm>>
      %dma_wait3A_103 = arith.constant 0 : i32
      %dma_wait3A_104 = arith.constant 0 : i32
      %dma_wait3A_105 = tpu.memref_slice %arg3[%add3A, %dma_wait3A_103, %dma_wait3A_104] : memref<32x50x200xi32, #tpu.memory_space<hbm>> -> memref<1x50x200xi32, #tpu.memory_space<hbm>>
      %dma_wait3A_106 = tpu.memref_squeeze %dma_wait3A_105 : memref<1x50x200xi32, #tpu.memory_space<hbm>> -> memref<50x200xi32, #tpu.memory_space<hbm>>
      tpu.wait_dma2 semaphore(%run_scoped3A_90 : memref<!tpu.dma_semaphore, #tpu.memory_space<semaphore_mem>>) src(%dma_wait3A_106 : memref<50x200xi32, #tpu.memory_space<hbm>>) dst(%arg6 : memref<50x200xi32, #tpu.memory_space<vmem>>)
      tpu.yield
    }) : () -> ()
    "tpu.region"() ({
      %run_scoped3A_90 = tpu.sem_alloc : memref<!tpu.dma_semaphore, #tpu.memory_space<semaphore_mem>>
      %dma_start3A_91 = arith.constant 0 : i32
      %dma_start3A_92 = arith.constant 0 : i32
      %dma_start3A_93 = tpu.memref_slice %arg4[%add3A, %dma_start3A_91, %dma_start3A_92] : memref<32x50x200xi32, #tpu.memory_space<hbm>> -> memref<1x50x200xi32, #tpu.memory_space<hbm>>
      %dma_start3A_94 = tpu.memref_squeeze %dma_start3A_93 : memref<1x50x200xi32, #tpu.memory_space<hbm>> -> memref<50x200xi32, #tpu.memory_space<hbm>>
      %dma_start3A_95 = arith.constant 0 : i32
      %dma_start3A_96 = arith.constant 0 : i32
      %dma_start3A_97 = tpu.memref_slice %arg4[%add3A, %dma_start3A_95, %dma_start3A_96] : memref<32x50x200xi32, #tpu.memory_space<hbm>> -> memref<1x50x200xi32, #tpu.memory_space<hbm>>
      %dma_start3A_98 = tpu.memref_squeeze %dma_start3A_97 : memref<1x50x200xi32, #tpu.memory_space<hbm>> -> memref<50x200xi32, #tpu.memory_space<hbm>>
      tpu.enqueue_dma source(%dma_start3A_98 : memref<50x200xi32, #tpu.memory_space<hbm>>) target(%arg7 : memref<50x200xi32, #tpu.memory_space<vmem>>) target_semaphore(%run_scoped3A_90 : memref<!tpu.dma_semaphore, #tpu.memory_space<semaphore_mem>>)
      %dma_wait3A_99 = arith.constant 0 : i32
      %dma_wait3A_100 = arith.constant 0 : i32
      %dma_wait3A_101 = tpu.memref_slice %arg4[%add3A, %dma_wait3A_99, %dma_wait3A_100] : memref<32x50x200xi32, #tpu.memory_space<hbm>> -> memref<1x50x200xi32, #tpu.memory_space<hbm>>
      %dma_wait3A_102 = tpu.memref_squeeze %dma_wait3A_101 : memref<1x50x200xi32, #tpu.memory_space<hbm>> -> memref<50x200xi32, #tpu.memory_space<hbm>>
      %dma_wait3A_103 = arith.constant 0 : i32
      %dma_wait3A_104 = arith.constant 0 : i32
      %dma_wait3A_105 = tpu.memref_slice %arg4[%add3A, %dma_wait3A_103, %dma_wait3A_104] : memref<32x50x200xi32, #tpu.memory_space<hbm>> -> memref<1x50x200xi32, #tpu.memory_space<hbm>>
      %dma_wait3A_106 = tpu.memref_squeeze %dma_wait3A_105 : memref<1x50x200xi32, #tpu.memory_space<hbm>> -> memref<50x200xi32, #tpu.memory_space<hbm>>
      tpu.wait_dma2 semaphore(%run_scoped3A_90 : memref<!tpu.dma_semaphore, #tpu.memory_space<semaphore_mem>>) src(%dma_wait3A_106 : memref<50x200xi32, #tpu.memory_space<hbm>>) dst(%arg7 : memref<50x200xi32, #tpu.memory_space<vmem>>)
      tpu.yield
    }) : () -> ()
    %mul3A_7 = arith.constant 640 : i32
    %mul3A_8 = arith.muli %arg1, %mul3A_7 : i32
    %add3A_9 = arith.constant 0 : i32
    %add3A_10 = arith.addi %mul3A_8, %add3A_9 : i32
    %run_scoped3A = arith.constant 0 : i32
    "tpu.region"() ({
      %run_scoped3A_90 = tpu.sem_alloc : memref<!tpu.dma_semaphore, #tpu.memory_space<semaphore_mem>>
      %dma_start3A_91 = arith.constant 0 : i32
      %dma_start3A_92 = arith.constant 0 : i32
      %dma_start3A_93 = tpu.memref_slice %arg8[%run_scoped3A, %dma_start3A_91, %dma_start3A_92] : memref<5x200x64xf32, #tpu.memory_space<vmem>> -> memref<1x200x64xf32, #tpu.memory_space<vmem>>
      %dma_start3A_94 = tpu.memref_squeeze %dma_start3A_93 : memref<1x200x64xf32, #tpu.memory_space<vmem>> -> memref<200x64xf32, #tpu.memory_space<vmem>>
      %dma_start3A_95 = arith.constant 0 : i32
      %dma_start3A_96 = tpu.memref_slice %arg9[%add3A_10, %dma_start3A_95] : memref<10240x64xf32, #tpu.memory_space<vmem_shared>> -> memref<200x64xf32, #tpu.memory_space<vmem_shared>>
      %dma_start3A_97 = arith.constant 0 : i32
      %dma_start3A_98 = tpu.memref_slice %arg9[%add3A_10, %dma_start3A_97] : memref<10240x64xf32, #tpu.memory_space<vmem_shared>> -> memref<200x64xf32, #tpu.memory_space<vmem_shared>>
      %dma_start3A_99 = arith.constant 0 : i32
      %dma_start3A_100 = arith.constant 0 : i32
      %dma_start3A_101 = tpu.memref_slice %arg8[%run_scoped3A, %dma_start3A_99, %dma_start3A_100] : memref<5x200x64xf32, #tpu.memory_space<vmem>> -> memref<1x200x64xf32, #tpu.memory_space<vmem>>
      %dma_start3A_102 = tpu.memref_squeeze %dma_start3A_101 : memref<1x200x64xf32, #tpu.memory_space<vmem>> -> memref<200x64xf32, #tpu.memory_space<vmem>>
      tpu.enqueue_dma source(%dma_start3A_102 : memref<200x64xf32, #tpu.memory_space<vmem>>) target(%dma_start3A_98 : memref<200x64xf32, #tpu.memory_space<vmem_shared>>) target_semaphore(%run_scoped3A_90 : memref<!tpu.dma_semaphore, #tpu.memory_space<semaphore_mem>>)
      %dma_wait3A_103 = arith.constant 0 : i32
      %dma_wait3A_104 = arith.constant 0 : i32
      %dma_wait3A_105 = tpu.memref_slice %arg8[%run_scoped3A, %dma_wait3A_103, %dma_wait3A_104] : memref<5x200x64xf32, #tpu.memory_space<vmem>> -> memref<1x200x64xf32, #tpu.memory_space<vmem>>
      %dma_wait3A_106 = tpu.memref_squeeze %dma_wait3A_105 : memref<1x200x64xf32, #tpu.memory_space<vmem>> -> memref<200x64xf32, #tpu.memory_space<vmem>>
      %dma_wait3A_107 = arith.constant 0 : i32
      %dma_wait3A_108 = tpu.memref_slice %arg9[%add3A_10, %dma_wait3A_107] : memref<10240x64xf32, #tpu.memory_space<vmem_shared>> -> memref<200x64xf32, #tpu.memory_space<vmem_shared>>
      %dma_wait3A_109 = arith.constant 0 : i32
      %dma_wait3A_110 = tpu.memref_slice %arg9[%add3A_10, %dma_wait3A_109] : memref<10240x64xf32, #tpu.memory_space<vmem_shared>> -> memref<200x64xf32, #tpu.memory_space<vmem_shared>>
      %dma_wait3A_111 = arith.constant 0 : i32
      %dma_wait3A_112 = arith.constant 0 : i32
      %dma_wait3A_113 = tpu.memref_slice %arg8[%run_scoped3A, %dma_wait3A_111, %dma_wait3A_112] : memref<5x200x64xf32, #tpu.memory_space<vmem>> -> memref<1x200x64xf32, #tpu.memory_space<vmem>>
      %dma_wait3A_114 = tpu.memref_squeeze %dma_wait3A_113 : memref<1x200x64xf32, #tpu.memory_space<vmem>> -> memref<200x64xf32, #tpu.memory_space<vmem>>
      tpu.wait_dma2 semaphore(%run_scoped3A_90 : memref<!tpu.dma_semaphore, #tpu.memory_space<semaphore_mem>>) src(%dma_wait3A_114 : memref<200x64xf32, #tpu.memory_space<vmem>>) dst(%dma_wait3A_110 : memref<200x64xf32, #tpu.memory_space<vmem_shared>>)
      tpu.yield
    }) : () -> ()
    %add3A_11 = arith.constant 200 : i32
    %add3A_12 = arith.addi %mul3A_8, %add3A_11 : i32
    %run_scoped3A_13 = arith.constant 0 : i32
    "tpu.region"() ({
      %run_scoped3A_90 = tpu.sem_alloc : memref<!tpu.dma_semaphore, #tpu.memory_space<semaphore_mem>>
      %dma_start3A_91 = arith.constant 0 : i32
      %dma_start3A_92 = arith.constant 0 : i32
      %dma_start3A_93 = tpu.memref_slice %arg8[%run_scoped3A_13, %dma_start3A_91, %dma_start3A_92] : memref<5x200x64xf32, #tpu.memory_space<vmem>> -> memref<1x200x64xf32, #tpu.memory_space<vmem>>
      %dma_start3A_94 = tpu.memref_squeeze %dma_start3A_93 : memref<1x200x64xf32, #tpu.memory_space<vmem>> -> memref<200x64xf32, #tpu.memory_space<vmem>>
      %dma_start3A_95 = arith.constant 0 : i32
      %dma_start3A_96 = tpu.memref_slice %arg9[%add3A_12, %dma_start3A_95] : memref<10240x64xf32, #tpu.memory_space<vmem_shared>> -> memref<200x64xf32, #tpu.memory_space<vmem_shared>>
      %dma_start3A_97 = arith.constant 0 : i32
      %dma_start3A_98 = tpu.memref_slice %arg9[%add3A_12, %dma_start3A_97] : memref<10240x64xf32, #tpu.memory_space<vmem_shared>> -> memref<200x64xf32, #tpu.memory_space<vmem_shared>>
      %dma_start3A_99 = arith.constant 0 : i32
      %dma_start3A_100 = arith.constant 0 : i32
      %dma_start3A_101 = tpu.memref_slice %arg8[%run_scoped3A_13, %dma_start3A_99, %dma_start3A_100] : memref<5x200x64xf32, #tpu.memory_space<vmem>> -> memref<1x200x64xf32, #tpu.memory_space<vmem>>
      %dma_start3A_102 = tpu.memref_squeeze %dma_start3A_101 : memref<1x200x64xf32, #tpu.memory_space<vmem>> -> memref<200x64xf32, #tpu.memory_space<vmem>>
      tpu.enqueue_dma source(%dma_start3A_102 : memref<200x64xf32, #tpu.memory_space<vmem>>) target(%dma_start3A_98 : memref<200x64xf32, #tpu.memory_space<vmem_shared>>) target_semaphore(%run_scoped3A_90 : memref<!tpu.dma_semaphore, #tpu.memory_space<semaphore_mem>>)
      %dma_wait3A_103 = arith.constant 0 : i32
      %dma_wait3A_104 = arith.constant 0 : i32
      %dma_wait3A_105 = tpu.memref_slice %arg8[%run_scoped3A_13, %dma_wait3A_103, %dma_wait3A_104] : memref<5x200x64xf32, #tpu.memory_space<vmem>> -> memref<1x200x64xf32, #tpu.memory_space<vmem>>
      %dma_wait3A_106 = tpu.memref_squeeze %dma_wait3A_105 : memref<1x200x64xf32, #tpu.memory_space<vmem>> -> memref<200x64xf32, #tpu.memory_space<vmem>>
      %dma_wait3A_107 = arith.constant 0 : i32
      %dma_wait3A_108 = tpu.memref_slice %arg9[%add3A_12, %dma_wait3A_107] : memref<10240x64xf32, #tpu.memory_space<vmem_shared>> -> memref<200x64xf32, #tpu.memory_space<vmem_shared>>
      %dma_wait3A_109 = arith.constant 0 : i32
      %dma_wait3A_110 = tpu.memref_slice %arg9[%add3A_12, %dma_wait3A_109] : memref<10240x64xf32, #tpu.memory_space<vmem_shared>> -> memref<200x64xf32, #tpu.memory_space<vmem_shared>>
      %dma_wait3A_111 = arith.constant 0 : i32
      %dma_wait3A_112 = arith.constant 0 : i32
      %dma_wait3A_113 = tpu.memref_slice %arg8[%run_scoped3A_13, %dma_wait3A_111, %dma_wait3A_112] : memref<5x200x64xf32, #tpu.memory_space<vmem>> -> memref<1x200x64xf32, #tpu.memory_space<vmem>>
      %dma_wait3A_114 = tpu.memref_squeeze %dma_wait3A_113 : memref<1x200x64xf32, #tpu.memory_space<vmem>> -> memref<200x64xf32, #tpu.memory_space<vmem>>
      tpu.wait_dma2 semaphore(%run_scoped3A_90 : memref<!tpu.dma_semaphore, #tpu.memory_space<semaphore_mem>>) src(%dma_wait3A_114 : memref<200x64xf32, #tpu.memory_space<vmem>>) dst(%dma_wait3A_110 : memref<200x64xf32, #tpu.memory_space<vmem_shared>>)
      tpu.yield
    }) : () -> ()
    %add3A_14 = arith.constant 400 : i32
    %add3A_15 = arith.addi %mul3A_8, %add3A_14 : i32
    %run_scoped3A_16 = arith.constant 0 : i32
    "tpu.region"() ({
      %run_scoped3A_90 = tpu.sem_alloc : memref<!tpu.dma_semaphore, #tpu.memory_space<semaphore_mem>>
      %dma_start3A_91 = arith.constant 0 : i32
      %dma_start3A_92 = arith.constant 0 : i32
      %dma_start3A_93 = tpu.memref_slice %arg8[%run_scoped3A_16, %dma_start3A_91, %dma_start3A_92] : memref<5x200x64xf32, #tpu.memory_space<vmem>> -> memref<1x200x64xf32, #tpu.memory_space<vmem>>
      %dma_start3A_94 = tpu.memref_squeeze %dma_start3A_93 : memref<1x200x64xf32, #tpu.memory_space<vmem>> -> memref<200x64xf32, #tpu.memory_space<vmem>>
      %dma_start3A_95 = arith.constant 0 : i32
      %dma_start3A_96 = tpu.memref_slice %arg9[%add3A_15, %dma_start3A_95] : memref<10240x64xf32, #tpu.memory_space<vmem_shared>> -> memref<200x64xf32, #tpu.memory_space<vmem_shared>>
      %dma_start3A_97 = arith.constant 0 : i32
      %dma_start3A_98 = tpu.memref_slice %arg9[%add3A_15, %dma_start3A_97] : memref<10240x64xf32, #tpu.memory_space<vmem_shared>> -> memref<200x64xf32, #tpu.memory_space<vmem_shared>>
      %dma_start3A_99 = arith.constant 0 : i32
      %dma_start3A_100 = arith.constant 0 : i32
      %dma_start3A_101 = tpu.memref_slice %arg8[%run_scoped3A_16, %dma_start3A_99, %dma_start3A_100] : memref<5x200x64xf32, #tpu.memory_space<vmem>> -> memref<1x200x64xf32, #tpu.memory_space<vmem>>
      %dma_start3A_102 = tpu.memref_squeeze %dma_start3A_101 : memref<1x200x64xf32, #tpu.memory_space<vmem>> -> memref<200x64xf32, #tpu.memory_space<vmem>>
      tpu.enqueue_dma source(%dma_start3A_102 : memref<200x64xf32, #tpu.memory_space<vmem>>) target(%dma_start3A_98 : memref<200x64xf32, #tpu.memory_space<vmem_shared>>) target_semaphore(%run_scoped3A_90 : memref<!tpu.dma_semaphore, #tpu.memory_space<semaphore_mem>>)
      %dma_wait3A_103 = arith.constant 0 : i32
      %dma_wait3A_104 = arith.constant 0 : i32
      %dma_wait3A_105 = tpu.memref_slice %arg8[%run_scoped3A_16, %dma_wait3A_103, %dma_wait3A_104] : memref<5x200x64xf32, #tpu.memory_space<vmem>> -> memref<1x200x64xf32, #tpu.memory_space<vmem>>
      %dma_wait3A_106 = tpu.memref_squeeze %dma_wait3A_105 : memref<1x200x64xf32, #tpu.memory_space<vmem>> -> memref<200x64xf32, #tpu.memory_space<vmem>>
      %dma_wait3A_107 = arith.constant 0 : i32
      %dma_wait3A_108 = tpu.memref_slice %arg9[%add3A_15, %dma_wait3A_107] : memref<10240x64xf32, #tpu.memory_space<vmem_shared>> -> memref<200x64xf32, #tpu.memory_space<vmem_shared>>
      %dma_wait3A_109 = arith.constant 0 : i32
      %dma_wait3A_110 = tpu.memref_slice %arg9[%add3A_15, %dma_wait3A_109] : memref<10240x64xf32, #tpu.memory_space<vmem_shared>> -> memref<200x64xf32, #tpu.memory_space<vmem_shared>>
      %dma_wait3A_111 = arith.constant 0 : i32
      %dma_wait3A_112 = arith.constant 0 : i32
      %dma_wait3A_113 = tpu.memref_slice %arg8[%run_scoped3A_16, %dma_wait3A_111, %dma_wait3A_112] : memref<5x200x64xf32, #tpu.memory_space<vmem>> -> memref<1x200x64xf32, #tpu.memory_space<vmem>>
      %dma_wait3A_114 = tpu.memref_squeeze %dma_wait3A_113 : memref<1x200x64xf32, #tpu.memory_space<vmem>> -> memref<200x64xf32, #tpu.memory_space<vmem>>
      tpu.wait_dma2 semaphore(%run_scoped3A_90 : memref<!tpu.dma_semaphore, #tpu.memory_space<semaphore_mem>>) src(%dma_wait3A_114 : memref<200x64xf32, #tpu.memory_space<vmem>>) dst(%dma_wait3A_110 : memref<200x64xf32, #tpu.memory_space<vmem_shared>>)
      tpu.yield
    }) : () -> ()
    %add3A_17 = arith.constant 600 : i32
    %add3A_18 = arith.addi %mul3A_8, %add3A_17 : i32
    %run_scoped3A_19 = arith.constant 0 : i32
    "tpu.region"() ({
      %run_scoped3A_90 = tpu.sem_alloc : memref<!tpu.dma_semaphore, #tpu.memory_space<semaphore_mem>>
      %dma_start3A_91 = arith.constant 0 : i32
      %dma_start3A_92 = arith.constant 0 : i32
      %dma_start3A_93 = tpu.memref_slice %arg8[%run_scoped3A_19, %dma_start3A_91, %dma_start3A_92] : memref<5x200x64xf32, #tpu.memory_space<vmem>> -> memref<1x40x64xf32, #tpu.memory_space<vmem>>
      %dma_start3A_94 = tpu.memref_squeeze %dma_start3A_93 : memref<1x40x64xf32, #tpu.memory_space<vmem>> -> memref<40x64xf32, #tpu.memory_space<vmem>>
      %dma_start3A_95 = arith.constant 0 : i32
      %dma_start3A_96 = tpu.memref_slice %arg9[%add3A_18, %dma_start3A_95] : memref<10240x64xf32, #tpu.memory_space<vmem_shared>> -> memref<40x64xf32, #tpu.memory_space<vmem_shared>>
      %dma_start3A_97 = arith.constant 0 : i32
      %dma_start3A_98 = tpu.memref_slice %arg9[%add3A_18, %dma_start3A_97] : memref<10240x64xf32, #tpu.memory_space<vmem_shared>> -> memref<40x64xf32, #tpu.memory_space<vmem_shared>>
      %dma_start3A_99 = arith.constant 0 : i32
      %dma_start3A_100 = arith.constant 0 : i32
      %dma_start3A_101 = tpu.memref_slice %arg8[%run_scoped3A_19, %dma_start3A_99, %dma_start3A_100] : memref<5x200x64xf32, #tpu.memory_space<vmem>> -> memref<1x40x64xf32, #tpu.memory_space<vmem>>
      %dma_start3A_102 = tpu.memref_squeeze %dma_start3A_101 : memref<1x40x64xf32, #tpu.memory_space<vmem>> -> memref<40x64xf32, #tpu.memory_space<vmem>>
      tpu.enqueue_dma source(%dma_start3A_102 : memref<40x64xf32, #tpu.memory_space<vmem>>) target(%dma_start3A_98 : memref<40x64xf32, #tpu.memory_space<vmem_shared>>) target_semaphore(%run_scoped3A_90 : memref<!tpu.dma_semaphore, #tpu.memory_space<semaphore_mem>>)
      %dma_wait3A_103 = arith.constant 0 : i32
      %dma_wait3A_104 = arith.constant 0 : i32
      %dma_wait3A_105 = tpu.memref_slice %arg8[%run_scoped3A_19, %dma_wait3A_103, %dma_wait3A_104] : memref<5x200x64xf32, #tpu.memory_space<vmem>> -> memref<1x40x64xf32, #tpu.memory_space<vmem>>
      %dma_wait3A_106 = tpu.memref_squeeze %dma_wait3A_105 : memref<1x40x64xf32, #tpu.memory_space<vmem>> -> memref<40x64xf32, #tpu.memory_space<vmem>>
      %dma_wait3A_107 = arith.constant 0 : i32
      %dma_wait3A_108 = tpu.memref_slice %arg9[%add3A_18, %dma_wait3A_107] : memref<10240x64xf32, #tpu.memory_space<vmem_shared>> -> memref<40x64xf32, #tpu.memory_space<vmem_shared>>
      %dma_wait3A_109 = arith.constant 0 : i32
      %dma_wait3A_110 = tpu.memref_slice %arg9[%add3A_18, %dma_wait3A_109] : memref<10240x64xf32, #tpu.memory_space<vmem_shared>> -> memref<40x64xf32, #tpu.memory_space<vmem_shared>>
      %dma_wait3A_111 = arith.constant 0 : i32
      %dma_wait3A_112 = arith.constant 0 : i32
      %dma_wait3A_113 = tpu.memref_slice %arg8[%run_scoped3A_19, %dma_wait3A_111, %dma_wait3A_112] : memref<5x200x64xf32, #tpu.memory_space<vmem>> -> memref<1x40x64xf32, #tpu.memory_space<vmem>>
      %dma_wait3A_114 = tpu.memref_squeeze %dma_wait3A_113 : memref<1x40x64xf32, #tpu.memory_space<vmem>> -> memref<40x64xf32, #tpu.memory_space<vmem>>
      tpu.wait_dma2 semaphore(%run_scoped3A_90 : memref<!tpu.dma_semaphore, #tpu.memory_space<semaphore_mem>>) src(%dma_wait3A_114 : memref<40x64xf32, #tpu.memory_space<vmem>>) dst(%dma_wait3A_110 : memref<40x64xf32, #tpu.memory_space<vmem_shared>>)
      tpu.yield
    }) : () -> ()
    %barrier3A = arith.constant 0 : index
    tpu.barrier barrier_id(%barrier3A)
    %dma_start3A = arith.constant 0 : i32
    %dma_start3A_20 = arith.constant 0 : i32
    %dma_start3A_21 = arith.constant 0 : i32
    %dma_start3A_22 = arith.constant 0 : i32
    %dma_start3A_23 = tpu.memref_slice %arg8[%dma_start3A_20, %dma_start3A_21, %dma_start3A_22] : memref<5x200x64xf32, #tpu.memory_space<vmem>> -> memref<1x200x64xf32, #tpu.memory_space<vmem>>
    %dma_start3A_24 = tpu.memref_squeeze %dma_start3A_23 : memref<1x200x64xf32, #tpu.memory_space<vmem>> -> memref<200x64xf32, #tpu.memory_space<vmem>>
    %dma_start3A_25 = arith.constant 0 : i32
    %dma_start3A_26 = tpu.memref_slice %arg6[%dma_start3A, %dma_start3A_25] : memref<50x200xi32, #tpu.memory_space<vmem>> -> memref<1x200xi32, #tpu.memory_space<vmem>>
    %dma_start3A_27 = tpu.memref_squeeze %dma_start3A_26 : memref<1x200xi32, #tpu.memory_space<vmem>> -> memref<200xi32, #tpu.memory_space<vmem>>
    %dma_start3A_28 = arith.constant 0 : i32
    %dma_start3A_29 = arith.constant 0 : i32
    %dma_start3A_30 = tpu.memref_slice %arg2[%dma_start3A_28, %dma_start3A_29] : memref<10000x64xf32, #tpu.memory_space<hbm>> -> memref<10000x64xf32, #tpu.memory_space<hbm>>
    tpu.enqueue_indirect_dma source(%dma_start3A_30 : memref<10000x64xf32, #tpu.memory_space<hbm>>) target(%dma_start3A_24 : memref<200x64xf32, #tpu.memory_space<vmem>>) offsets(%dma_start3A_27 : memref<200xi32, #tpu.memory_space<vmem>>) semaphore(%arg10 : memref<!tpu.dma_semaphore, #tpu.memory_space<semaphore_mem>>)
    %dma_start3A_31 = arith.constant 1 : i32
    %dma_start3A_32 = arith.constant 1 : i32
    %dma_start3A_33 = arith.constant 0 : i32
    %dma_start3A_34 = arith.constant 0 : i32
    %dma_start3A_35 = tpu.memref_slice %arg8[%dma_start3A_32, %dma_start3A_33, %dma_start3A_34] : memref<5x200x64xf32, #tpu.memory_space<vmem>> -> memref<1x200x64xf32, #tpu.memory_space<vmem>>
    %dma_start3A_36 = tpu.memref_squeeze %dma_start3A_35 : memref<1x200x64xf32, #tpu.memory_space<vmem>> -> memref<200x64xf32, #tpu.memory_space<vmem>>
    %dma_start3A_37 = arith.constant 0 : i32
    %dma_start3A_38 = tpu.memref_slice %arg6[%dma_start3A_31, %dma_start3A_37] : memref<50x200xi32, #tpu.memory_space<vmem>> -> memref<1x200xi32, #tpu.memory_space<vmem>>
    %dma_start3A_39 = tpu.memref_squeeze %dma_start3A_38 : memref<1x200xi32, #tpu.memory_space<vmem>> -> memref<200xi32, #tpu.memory_space<vmem>>
    %dma_start3A_40 = arith.constant 0 : i32
    %dma_start3A_41 = arith.constant 0 : i32
    %dma_start3A_42 = tpu.memref_slice %arg2[%dma_start3A_40, %dma_start3A_41] : memref<10000x64xf32, #tpu.memory_space<hbm>> -> memref<10000x64xf32, #tpu.memory_space<hbm>>
    tpu.enqueue_indirect_dma source(%dma_start3A_42 : memref<10000x64xf32, #tpu.memory_space<hbm>>) target(%dma_start3A_36 : memref<200x64xf32, #tpu.memory_space<vmem>>) offsets(%dma_start3A_39 : memref<200xi32, #tpu.memory_space<vmem>>) semaphore(%arg11 : memref<!tpu.dma_semaphore, #tpu.memory_space<semaphore_mem>>)
    %dma_start3A_43 = arith.constant 2 : i32
    %dma_start3A_44 = arith.constant 2 : i32
    %dma_start3A_45 = arith.constant 0 : i32
    %dma_start3A_46 = arith.constant 0 : i32
    %dma_start3A_47 = tpu.memref_slice %arg8[%dma_start3A_44, %dma_start3A_45, %dma_start3A_46] : memref<5x200x64xf32, #tpu.memory_space<vmem>> -> memref<1x200x64xf32, #tpu.memory_space<vmem>>
    %dma_start3A_48 = tpu.memref_squeeze %dma_start3A_47 : memref<1x200x64xf32, #tpu.memory_space<vmem>> -> memref<200x64xf32, #tpu.memory_space<vmem>>
    %dma_start3A_49 = arith.constant 0 : i32
    %dma_start3A_50 = tpu.memref_slice %arg6[%dma_start3A_43, %dma_start3A_49] : memref<50x200xi32, #tpu.memory_space<vmem>> -> memref<1x200xi32, #tpu.memory_space<vmem>>
    %dma_start3A_51 = tpu.memref_squeeze %dma_start3A_50 : memref<1x200xi32, #tpu.memory_space<vmem>> -> memref<200xi32, #tpu.memory_space<vmem>>
    %dma_start3A_52 = arith.constant 0 : i32
    %dma_start3A_53 = arith.constant 0 : i32
    %dma_start3A_54 = tpu.memref_slice %arg2[%dma_start3A_52, %dma_start3A_53] : memref<10000x64xf32, #tpu.memory_space<hbm>> -> memref<10000x64xf32, #tpu.memory_space<hbm>>
    tpu.enqueue_indirect_dma source(%dma_start3A_54 : memref<10000x64xf32, #tpu.memory_space<hbm>>) target(%dma_start3A_48 : memref<200x64xf32, #tpu.memory_space<vmem>>) offsets(%dma_start3A_51 : memref<200xi32, #tpu.memory_space<vmem>>) semaphore(%arg12 : memref<!tpu.dma_semaphore, #tpu.memory_space<semaphore_mem>>)
    %scan3A_55 = arith.constant 0 : i32
    %scan3A_56 = arith.constant 0 : i32
    %scan3A_57 = arith.constant 10 : i32
    %scan3A_58 = arith.addi %scan3A_56, %scan3A_57 : i32
    %scan3A_59 = arith.constant 1 : i32
    %scan3A_60 = scf.for %scan3A_90 = %scan3A_56 to %scan3A_58 step %scan3A_59 iter_args(%scan3A_91 = %scan3A_55) -> (i32)  : i32 {
      %mul3A_92 = arith.constant 5 : i32
      %mul3A_93 = arith.muli %scan3A_90, %mul3A_92 : i32
      %add3A_94 = arith.constant 0 : i32
      %add3A_95 = arith.addi %mul3A_93, %add3A_94 : i32
      %dma_wait3A_96 = arith.constant 0 : i32
      %dma_wait3A_97 = arith.constant 0 : i32
      %dma_wait3A_98 = arith.constant 0 : i32
      %dma_wait3A_99 = tpu.memref_slice %arg8[%dma_wait3A_96, %dma_wait3A_97, %dma_wait3A_98] : memref<5x200x64xf32, #tpu.memory_space<vmem>> -> memref<1x200x64xf32, #tpu.memory_space<vmem>>
      %dma_wait3A_100 = tpu.memref_squeeze %dma_wait3A_99 : memref<1x200x64xf32, #tpu.memory_space<vmem>> -> memref<200x64xf32, #tpu.memory_space<vmem>>
      %dma_wait3A_101 = arith.constant 0 : i32
      %dma_wait3A_102 = tpu.memref_slice %arg6[%add3A_95, %dma_wait3A_101] : memref<50x200xi32, #tpu.memory_space<vmem>> -> memref<1x200xi32, #tpu.memory_space<vmem>>
      %dma_wait3A_103 = tpu.memref_squeeze %dma_wait3A_102 : memref<1x200xi32, #tpu.memory_space<vmem>> -> memref<200xi32, #tpu.memory_space<vmem>>
      %dma_wait3A_104 = arith.constant 0 : i32
      %dma_wait3A_105 = arith.constant 0 : i32
      %dma_wait3A_106 = tpu.memref_slice %arg2[%dma_wait3A_104, %dma_wait3A_105] : memref<10000x64xf32, #tpu.memory_space<hbm>> -> memref<10000x64xf32, #tpu.memory_space<hbm>>
      tpu.wait_indirect_dma semaphore(%arg10 : memref<!tpu.dma_semaphore, #tpu.memory_space<semaphore_mem>>) src(%dma_wait3A_106 : memref<10000x64xf32, #tpu.memory_space<hbm>>) dst(%dma_wait3A_100 : memref<200x64xf32, #tpu.memory_space<vmem>>)
      %dma_start3A_107 = arith.constant 0 : i32
      %dma_start3A_108 = arith.constant 0 : i32
      %dma_start3A_109 = arith.constant 0 : i32
      %dma_start3A_110 = tpu.memref_slice %arg8[%dma_start3A_107, %dma_start3A_108, %dma_start3A_109] : memref<5x200x64xf32, #tpu.memory_space<vmem>> -> memref<1x200x64xf32, #tpu.memory_space<vmem>>
      %dma_start3A_111 = tpu.memref_squeeze %dma_start3A_110 : memref<1x200x64xf32, #tpu.memory_space<vmem>> -> memref<200x64xf32, #tpu.memory_space<vmem>>
      %dma_start3A_112 = arith.constant 0 : i32
      %dma_start3A_113 = tpu.memref_slice %arg7[%add3A_95, %dma_start3A_112] : memref<50x200xi32, #tpu.memory_space<vmem>> -> memref<1x200xi32, #tpu.memory_space<vmem>>
      %dma_start3A_114 = tpu.memref_squeeze %dma_start3A_113 : memref<1x200xi32, #tpu.memory_space<vmem>> -> memref<200xi32, #tpu.memory_space<vmem>>
      %dma_start3A_115 = arith.constant 0 : i32
      %dma_start3A_116 = arith.constant 0 : i32
      %dma_start3A_117 = tpu.memref_slice %arg9[%dma_start3A_115, %dma_start3A_116] : memref<10240x64xf32, #tpu.memory_space<vmem_shared>> -> memref<10240x64xf32, #tpu.memory_space<vmem_shared>>
      tpu.enqueue_indirect_dma source(%dma_start3A_111 : memref<200x64xf32, #tpu.memory_space<vmem>>) target(%dma_start3A_117 : memref<10240x64xf32, #tpu.memory_space<vmem_shared>>) offsets(%dma_start3A_114 : memref<200xi32, #tpu.memory_space<vmem>>) semaphore(%arg15 : memref<!tpu.dma_semaphore, #tpu.memory_space<semaphore_mem>>) {add = true}
      %ge3A = arith.constant 2 : i32
      %ge3A_118 = arith.cmpi sge, %add3A_95, %ge3A : i32
      %convert_element_type3A = arith.extui %ge3A_118 : i1 to i32
      %cond3A = arith.constant 0 : i32
      %cond3A_119 = arith.cmpi ne, %convert_element_type3A, %cond3A : i32
      scf.if %cond3A_119 {
        %sub3A = arith.constant 2 : i32
        %sub3A_279 = arith.subi %add3A_95, %sub3A : i32
        %dma_wait3A_280 = arith.constant 3 : i32
        %dma_wait3A_281 = arith.constant 0 : i32
        %dma_wait3A_282 = arith.constant 0 : i32
        %dma_wait3A_283 = tpu.memref_slice %arg8[%dma_wait3A_280, %dma_wait3A_281, %dma_wait3A_282] : memref<5x200x64xf32, #tpu.memory_space<vmem>> -> memref<1x200x64xf32, #tpu.memory_space<vmem>>
        %dma_wait3A_284 = tpu.memref_squeeze %dma_wait3A_283 : memref<1x200x64xf32, #tpu.memory_space<vmem>> -> memref<200x64xf32, #tpu.memory_space<vmem>>
        %dma_wait3A_285 = arith.constant 0 : i32
        %dma_wait3A_286 = tpu.memref_slice %arg7[%sub3A_279, %dma_wait3A_285] : memref<50x200xi32, #tpu.memory_space<vmem>> -> memref<1x200xi32, #tpu.memory_space<vmem>>
        %dma_wait3A_287 = tpu.memref_squeeze %dma_wait3A_286 : memref<1x200xi32, #tpu.memory_space<vmem>> -> memref<200xi32, #tpu.memory_space<vmem>>
        %dma_wait3A_288 = arith.constant 0 : i32
        %dma_wait3A_289 = arith.constant 0 : i32
        %dma_wait3A_290 = tpu.memref_slice %arg9[%dma_wait3A_288, %dma_wait3A_289] : memref<10240x64xf32, #tpu.memory_space<vmem_shared>> -> memref<10240x64xf32, #tpu.memory_space<vmem_shared>>
        tpu.wait_indirect_dma semaphore(%arg18 : memref<!tpu.dma_semaphore, #tpu.memory_space<semaphore_mem>>) src(%dma_wait3A_284 : memref<200x64xf32, #tpu.memory_space<vmem>>) dst(%dma_wait3A_290 : memref<10240x64xf32, #tpu.memory_space<vmem_shared>>)
      } else {
      }
      %add3A_120 = arith.constant 3 : i32
      %add3A_121 = arith.addi %add3A_95, %add3A_120 : i32
      %lt3A = arith.constant 50 : i32
      %lt3A_122 = arith.cmpi slt, %add3A_121, %lt3A : i32
      %convert_element_type3A_123 = arith.extui %lt3A_122 : i1 to i32
      %cond3A_124 = arith.constant 0 : i32
      %cond3A_125 = arith.cmpi ne, %convert_element_type3A_123, %cond3A_124 : i32
      scf.if %cond3A_125 {
        %add3A_279 = arith.constant 3 : i32
        %add3A_280 = arith.addi %add3A_95, %add3A_279 : i32
        %dma_start3A_281 = arith.constant 3 : i32
        %dma_start3A_282 = arith.constant 0 : i32
        %dma_start3A_283 = arith.constant 0 : i32
        %dma_start3A_284 = tpu.memref_slice %arg8[%dma_start3A_281, %dma_start3A_282, %dma_start3A_283] : memref<5x200x64xf32, #tpu.memory_space<vmem>> -> memref<1x200x64xf32, #tpu.memory_space<vmem>>
        %dma_start3A_285 = tpu.memref_squeeze %dma_start3A_284 : memref<1x200x64xf32, #tpu.memory_space<vmem>> -> memref<200x64xf32, #tpu.memory_space<vmem>>
        %dma_start3A_286 = arith.constant 0 : i32
        %dma_start3A_287 = tpu.memref_slice %arg6[%add3A_280, %dma_start3A_286] : memref<50x200xi32, #tpu.memory_space<vmem>> -> memref<1x200xi32, #tpu.memory_space<vmem>>
        %dma_start3A_288 = tpu.memref_squeeze %dma_start3A_287 : memref<1x200xi32, #tpu.memory_space<vmem>> -> memref<200xi32, #tpu.memory_space<vmem>>
        %dma_start3A_289 = arith.constant 0 : i32
        %dma_start3A_290 = arith.constant 0 : i32
        %dma_start3A_291 = tpu.memref_slice %arg2[%dma_start3A_289, %dma_start3A_290] : memref<10000x64xf32, #tpu.memory_space<hbm>> -> memref<10000x64xf32, #tpu.memory_space<hbm>>
        tpu.enqueue_indirect_dma source(%dma_start3A_291 : memref<10000x64xf32, #tpu.memory_space<hbm>>) target(%dma_start3A_285 : memref<200x64xf32, #tpu.memory_space<vmem>>) offsets(%dma_start3A_288 : memref<200xi32, #tpu.memory_space<vmem>>) semaphore(%arg13 : memref<!tpu.dma_semaphore, #tpu.memory_space<semaphore_mem>>)
      } else {
      }
      %mul3A_126 = arith.constant 5 : i32
      %mul3A_127 = arith.muli %scan3A_90, %mul3A_126 : i32
      %add3A_128 = arith.constant 1 : i32
      %add3A_129 = arith.addi %mul3A_127, %add3A_128 : i32
      %dma_wait3A_130 = arith.constant 1 : i32
      %dma_wait3A_131 = arith.constant 0 : i32
      %dma_wait3A_132 = arith.constant 0 : i32
      %dma_wait3A_133 = tpu.memref_slice %arg8[%dma_wait3A_130, %dma_wait3A_131, %dma_wait3A_132] : memref<5x200x64xf32, #tpu.memory_space<vmem>> -> memref<1x200x64xf32, #tpu.memory_space<vmem>>
      %dma_wait3A_134 = tpu.memref_squeeze %dma_wait3A_133 : memref<1x200x64xf32, #tpu.memory_space<vmem>> -> memref<200x64xf32, #tpu.memory_space<vmem>>
      %dma_wait3A_135 = arith.constant 0 : i32
      %dma_wait3A_136 = tpu.memref_slice %arg6[%add3A_129, %dma_wait3A_135] : memref<50x200xi32, #tpu.memory_space<vmem>> -> memref<1x200xi32, #tpu.memory_space<vmem>>
      %dma_wait3A_137 = tpu.memref_squeeze %dma_wait3A_136 : memref<1x200xi32, #tpu.memory_space<vmem>> -> memref<200xi32, #tpu.memory_space<vmem>>
      %dma_wait3A_138 = arith.constant 0 : i32
      %dma_wait3A_139 = arith.constant 0 : i32
      %dma_wait3A_140 = tpu.memref_slice %arg2[%dma_wait3A_138, %dma_wait3A_139] : memref<10000x64xf32, #tpu.memory_space<hbm>> -> memref<10000x64xf32, #tpu.memory_space<hbm>>
      tpu.wait_indirect_dma semaphore(%arg11 : memref<!tpu.dma_semaphore, #tpu.memory_space<semaphore_mem>>) src(%dma_wait3A_140 : memref<10000x64xf32, #tpu.memory_space<hbm>>) dst(%dma_wait3A_134 : memref<200x64xf32, #tpu.memory_space<vmem>>)
      %dma_start3A_141 = arith.constant 1 : i32
      %dma_start3A_142 = arith.constant 0 : i32
      %dma_start3A_143 = arith.constant 0 : i32
      %dma_start3A_144 = tpu.memref_slice %arg8[%dma_start3A_141, %dma_start3A_142, %dma_start3A_143] : memref<5x200x64xf32, #tpu.memory_space<vmem>> -> memref<1x200x64xf32, #tpu.memory_space<vmem>>
      %dma_start3A_145 = tpu.memref_squeeze %dma_start3A_144 : memref<1x200x64xf32, #tpu.memory_space<vmem>> -> memref<200x64xf32, #tpu.memory_space<vmem>>
      %dma_start3A_146 = arith.constant 0 : i32
      %dma_start3A_147 = tpu.memref_slice %arg7[%add3A_129, %dma_start3A_146] : memref<50x200xi32, #tpu.memory_space<vmem>> -> memref<1x200xi32, #tpu.memory_space<vmem>>
      %dma_start3A_148 = tpu.memref_squeeze %dma_start3A_147 : memref<1x200xi32, #tpu.memory_space<vmem>> -> memref<200xi32, #tpu.memory_space<vmem>>
      %dma_start3A_149 = arith.constant 0 : i32
      %dma_start3A_150 = arith.constant 0 : i32
      %dma_start3A_151 = tpu.memref_slice %arg9[%dma_start3A_149, %dma_start3A_150] : memref<10240x64xf32, #tpu.memory_space<vmem_shared>> -> memref<10240x64xf32, #tpu.memory_space<vmem_shared>>
      tpu.enqueue_indirect_dma source(%dma_start3A_145 : memref<200x64xf32, #tpu.memory_space<vmem>>) target(%dma_start3A_151 : memref<10240x64xf32, #tpu.memory_space<vmem_shared>>) offsets(%dma_start3A_148 : memref<200xi32, #tpu.memory_space<vmem>>) semaphore(%arg16 : memref<!tpu.dma_semaphore, #tpu.memory_space<semaphore_mem>>) {add = true}
      %ge3A_152 = arith.constant 2 : i32
      %ge3A_153 = arith.cmpi sge, %add3A_129, %ge3A_152 : i32
      %convert_element_type3A_154 = arith.extui %ge3A_153 : i1 to i32
      %cond3A_155 = arith.constant 0 : i32
      %cond3A_156 = arith.cmpi ne, %convert_element_type3A_154, %cond3A_155 : i32
      scf.if %cond3A_156 {
        %sub3A = arith.constant 2 : i32
        %sub3A_279 = arith.subi %add3A_129, %sub3A : i32
        %dma_wait3A_280 = arith.constant 4 : i32
        %dma_wait3A_281 = arith.constant 0 : i32
        %dma_wait3A_282 = arith.constant 0 : i32
        %dma_wait3A_283 = tpu.memref_slice %arg8[%dma_wait3A_280, %dma_wait3A_281, %dma_wait3A_282] : memref<5x200x64xf32, #tpu.memory_space<vmem>> -> memref<1x200x64xf32, #tpu.memory_space<vmem>>
        %dma_wait3A_284 = tpu.memref_squeeze %dma_wait3A_283 : memref<1x200x64xf32, #tpu.memory_space<vmem>> -> memref<200x64xf32, #tpu.memory_space<vmem>>
        %dma_wait3A_285 = arith.constant 0 : i32
        %dma_wait3A_286 = tpu.memref_slice %arg7[%sub3A_279, %dma_wait3A_285] : memref<50x200xi32, #tpu.memory_space<vmem>> -> memref<1x200xi32, #tpu.memory_space<vmem>>
        %dma_wait3A_287 = tpu.memref_squeeze %dma_wait3A_286 : memref<1x200xi32, #tpu.memory_space<vmem>> -> memref<200xi32, #tpu.memory_space<vmem>>
        %dma_wait3A_288 = arith.constant 0 : i32
        %dma_wait3A_289 = arith.constant 0 : i32
        %dma_wait3A_290 = tpu.memref_slice %arg9[%dma_wait3A_288, %dma_wait3A_289] : memref<10240x64xf32, #tpu.memory_space<vmem_shared>> -> memref<10240x64xf32, #tpu.memory_space<vmem_shared>>
        tpu.wait_indirect_dma semaphore(%arg19 : memref<!tpu.dma_semaphore, #tpu.memory_space<semaphore_mem>>) src(%dma_wait3A_284 : memref<200x64xf32, #tpu.memory_space<vmem>>) dst(%dma_wait3A_290 : memref<10240x64xf32, #tpu.memory_space<vmem_shared>>)
      } else {
      }
      %add3A_157 = arith.constant 3 : i32
      %add3A_158 = arith.addi %add3A_129, %add3A_157 : i32
      %lt3A_159 = arith.constant 50 : i32
      %lt3A_160 = arith.cmpi slt, %add3A_158, %lt3A_159 : i32
      %convert_element_type3A_161 = arith.extui %lt3A_160 : i1 to i32
      %cond3A_162 = arith.constant 0 : i32
      %cond3A_163 = arith.cmpi ne, %convert_element_type3A_161, %cond3A_162 : i32
      scf.if %cond3A_163 {
        %add3A_279 = arith.constant 3 : i32
        %add3A_280 = arith.addi %add3A_129, %add3A_279 : i32
        %dma_start3A_281 = arith.constant 4 : i32
        %dma_start3A_282 = arith.constant 0 : i32
        %dma_start3A_283 = arith.constant 0 : i32
        %dma_start3A_284 = tpu.memref_slice %arg8[%dma_start3A_281, %dma_start3A_282, %dma_start3A_283] : memref<5x200x64xf32, #tpu.memory_space<vmem>> -> memref<1x200x64xf32, #tpu.memory_space<vmem>>
        %dma_start3A_285 = tpu.memref_squeeze %dma_start3A_284 : memref<1x200x64xf32, #tpu.memory_space<vmem>> -> memref<200x64xf32, #tpu.memory_space<vmem>>
        %dma_start3A_286 = arith.constant 0 : i32
        %dma_start3A_287 = tpu.memref_slice %arg6[%add3A_280, %dma_start3A_286] : memref<50x200xi32, #tpu.memory_space<vmem>> -> memref<1x200xi32, #tpu.memory_space<vmem>>
        %dma_start3A_288 = tpu.memref_squeeze %dma_start3A_287 : memref<1x200xi32, #tpu.memory_space<vmem>> -> memref<200xi32, #tpu.memory_space<vmem>>
        %dma_start3A_289 = arith.constant 0 : i32
        %dma_start3A_290 = arith.constant 0 : i32
        %dma_start3A_291 = tpu.memref_slice %arg2[%dma_start3A_289, %dma_start3A_290] : memref<10000x64xf32, #tpu.memory_space<hbm>> -> memref<10000x64xf32, #tpu.memory_space<hbm>>
        tpu.enqueue_indirect_dma source(%dma_start3A_291 : memref<10000x64xf32, #tpu.memory_space<hbm>>) target(%dma_start3A_285 : memref<200x64xf32, #tpu.memory_space<vmem>>) offsets(%dma_start3A_288 : memref<200xi32, #tpu.memory_space<vmem>>) semaphore(%arg14 : memref<!tpu.dma_semaphore, #tpu.memory_space<semaphore_mem>>)
      } else {
      }
      %mul3A_164 = arith.constant 5 : i32
      %mul3A_165 = arith.muli %scan3A_90, %mul3A_164 : i32
      %add3A_166 = arith.constant 2 : i32
      %add3A_167 = arith.addi %mul3A_165, %add3A_166 : i32
      %dma_wait3A_168 = arith.constant 2 : i32
      %dma_wait3A_169 = arith.constant 0 : i32
      %dma_wait3A_170 = arith.constant 0 : i32
      %dma_wait3A_171 = tpu.memref_slice %arg8[%dma_wait3A_168, %dma_wait3A_169, %dma_wait3A_170] : memref<5x200x64xf32, #tpu.memory_space<vmem>> -> memref<1x200x64xf32, #tpu.memory_space<vmem>>
      %dma_wait3A_172 = tpu.memref_squeeze %dma_wait3A_171 : memref<1x200x64xf32, #tpu.memory_space<vmem>> -> memref<200x64xf32, #tpu.memory_space<vmem>>
      %dma_wait3A_173 = arith.constant 0 : i32
      %dma_wait3A_174 = tpu.memref_slice %arg6[%add3A_167, %dma_wait3A_173] : memref<50x200xi32, #tpu.memory_space<vmem>> -> memref<1x200xi32, #tpu.memory_space<vmem>>
      %dma_wait3A_175 = tpu.memref_squeeze %dma_wait3A_174 : memref<1x200xi32, #tpu.memory_space<vmem>> -> memref<200xi32, #tpu.memory_space<vmem>>
      %dma_wait3A_176 = arith.constant 0 : i32
      %dma_wait3A_177 = arith.constant 0 : i32
      %dma_wait3A_178 = tpu.memref_slice %arg2[%dma_wait3A_176, %dma_wait3A_177] : memref<10000x64xf32, #tpu.memory_space<hbm>> -> memref<10000x64xf32, #tpu.memory_space<hbm>>
      tpu.wait_indirect_dma semaphore(%arg12 : memref<!tpu.dma_semaphore, #tpu.memory_space<semaphore_mem>>) src(%dma_wait3A_178 : memref<10000x64xf32, #tpu.memory_space<hbm>>) dst(%dma_wait3A_172 : memref<200x64xf32, #tpu.memory_space<vmem>>)
      %dma_start3A_179 = arith.constant 2 : i32
      %dma_start3A_180 = arith.constant 0 : i32
      %dma_start3A_181 = arith.constant 0 : i32
      %dma_start3A_182 = tpu.memref_slice %arg8[%dma_start3A_179, %dma_start3A_180, %dma_start3A_181] : memref<5x200x64xf32, #tpu.memory_space<vmem>> -> memref<1x200x64xf32, #tpu.memory_space<vmem>>
      %dma_start3A_183 = tpu.memref_squeeze %dma_start3A_182 : memref<1x200x64xf32, #tpu.memory_space<vmem>> -> memref<200x64xf32, #tpu.memory_space<vmem>>
      %dma_start3A_184 = arith.constant 0 : i32
      %dma_start3A_185 = tpu.memref_slice %arg7[%add3A_167, %dma_start3A_184] : memref<50x200xi32, #tpu.memory_space<vmem>> -> memref<1x200xi32, #tpu.memory_space<vmem>>
      %dma_start3A_186 = tpu.memref_squeeze %dma_start3A_185 : memref<1x200xi32, #tpu.memory_space<vmem>> -> memref<200xi32, #tpu.memory_space<vmem>>
      %dma_start3A_187 = arith.constant 0 : i32
      %dma_start3A_188 = arith.constant 0 : i32
      %dma_start3A_189 = tpu.memref_slice %arg9[%dma_start3A_187, %dma_start3A_188] : memref<10240x64xf32, #tpu.memory_space<vmem_shared>> -> memref<10240x64xf32, #tpu.memory_space<vmem_shared>>
      tpu.enqueue_indirect_dma source(%dma_start3A_183 : memref<200x64xf32, #tpu.memory_space<vmem>>) target(%dma_start3A_189 : memref<10240x64xf32, #tpu.memory_space<vmem_shared>>) offsets(%dma_start3A_186 : memref<200xi32, #tpu.memory_space<vmem>>) semaphore(%arg17 : memref<!tpu.dma_semaphore, #tpu.memory_space<semaphore_mem>>) {add = true}
      %ge3A_190 = arith.constant 2 : i32
      %ge3A_191 = arith.cmpi sge, %add3A_167, %ge3A_190 : i32
      %convert_element_type3A_192 = arith.extui %ge3A_191 : i1 to i32
      %cond3A_193 = arith.constant 0 : i32
      %cond3A_194 = arith.cmpi ne, %convert_element_type3A_192, %cond3A_193 : i32
      scf.if %cond3A_194 {
        %sub3A = arith.constant 2 : i32
        %sub3A_279 = arith.subi %add3A_167, %sub3A : i32
        %dma_wait3A_280 = arith.constant 0 : i32
        %dma_wait3A_281 = arith.constant 0 : i32
        %dma_wait3A_282 = arith.constant 0 : i32
        %dma_wait3A_283 = tpu.memref_slice %arg8[%dma_wait3A_280, %dma_wait3A_281, %dma_wait3A_282] : memref<5x200x64xf32, #tpu.memory_space<vmem>> -> memref<1x200x64xf32, #tpu.memory_space<vmem>>
        %dma_wait3A_284 = tpu.memref_squeeze %dma_wait3A_283 : memref<1x200x64xf32, #tpu.memory_space<vmem>> -> memref<200x64xf32, #tpu.memory_space<vmem>>
        %dma_wait3A_285 = arith.constant 0 : i32
        %dma_wait3A_286 = tpu.memref_slice %arg7[%sub3A_279, %dma_wait3A_285] : memref<50x200xi32, #tpu.memory_space<vmem>> -> memref<1x200xi32, #tpu.memory_space<vmem>>
        %dma_wait3A_287 = tpu.memref_squeeze %dma_wait3A_286 : memref<1x200xi32, #tpu.memory_space<vmem>> -> memref<200xi32, #tpu.memory_space<vmem>>
        %dma_wait3A_288 = arith.constant 0 : i32
        %dma_wait3A_289 = arith.constant 0 : i32
        %dma_wait3A_290 = tpu.memref_slice %arg9[%dma_wait3A_288, %dma_wait3A_289] : memref<10240x64xf32, #tpu.memory_space<vmem_shared>> -> memref<10240x64xf32, #tpu.memory_space<vmem_shared>>
        tpu.wait_indirect_dma semaphore(%arg15 : memref<!tpu.dma_semaphore, #tpu.memory_space<semaphore_mem>>) src(%dma_wait3A_284 : memref<200x64xf32, #tpu.memory_space<vmem>>) dst(%dma_wait3A_290 : memref<10240x64xf32, #tpu.memory_space<vmem_shared>>)
      } else {
      }
      %add3A_195 = arith.constant 3 : i32
      %add3A_196 = arith.addi %add3A_167, %add3A_195 : i32
      %lt3A_197 = arith.constant 50 : i32
      %lt3A_198 = arith.cmpi slt, %add3A_196, %lt3A_197 : i32
      %convert_element_type3A_199 = arith.extui %lt3A_198 : i1 to i32
      %cond3A_200 = arith.constant 0 : i32
      %cond3A_201 = arith.cmpi ne, %convert_element_type3A_199, %cond3A_200 : i32
      scf.if %cond3A_201 {
        %add3A_279 = arith.constant 3 : i32
        %add3A_280 = arith.addi %add3A_167, %add3A_279 : i32
        %dma_start3A_281 = arith.constant 0 : i32
        %dma_start3A_282 = arith.constant 0 : i32
        %dma_start3A_283 = arith.constant 0 : i32
        %dma_start3A_284 = tpu.memref_slice %arg8[%dma_start3A_281, %dma_start3A_282, %dma_start3A_283] : memref<5x200x64xf32, #tpu.memory_space<vmem>> -> memref<1x200x64xf32, #tpu.memory_space<vmem>>
        %dma_start3A_285 = tpu.memref_squeeze %dma_start3A_284 : memref<1x200x64xf32, #tpu.memory_space<vmem>> -> memref<200x64xf32, #tpu.memory_space<vmem>>
        %dma_start3A_286 = arith.constant 0 : i32
        %dma_start3A_287 = tpu.memref_slice %arg6[%add3A_280, %dma_start3A_286] : memref<50x200xi32, #tpu.memory_space<vmem>> -> memref<1x200xi32, #tpu.memory_space<vmem>>
        %dma_start3A_288 = tpu.memref_squeeze %dma_start3A_287 : memref<1x200xi32, #tpu.memory_space<vmem>> -> memref<200xi32, #tpu.memory_space<vmem>>
        %dma_start3A_289 = arith.constant 0 : i32
        %dma_start3A_290 = arith.constant 0 : i32
        %dma_start3A_291 = tpu.memref_slice %arg2[%dma_start3A_289, %dma_start3A_290] : memref<10000x64xf32, #tpu.memory_space<hbm>> -> memref<10000x64xf32, #tpu.memory_space<hbm>>
        tpu.enqueue_indirect_dma source(%dma_start3A_291 : memref<10000x64xf32, #tpu.memory_space<hbm>>) target(%dma_start3A_285 : memref<200x64xf32, #tpu.memory_space<vmem>>) offsets(%dma_start3A_288 : memref<200xi32, #tpu.memory_space<vmem>>) semaphore(%arg10 : memref<!tpu.dma_semaphore, #tpu.memory_space<semaphore_mem>>)
      } else {
      }
      %mul3A_202 = arith.constant 5 : i32
      %mul3A_203 = arith.muli %scan3A_90, %mul3A_202 : i32
      %add3A_204 = arith.constant 3 : i32
      %add3A_205 = arith.addi %mul3A_203, %add3A_204 : i32
      %dma_wait3A_206 = arith.constant 3 : i32
      %dma_wait3A_207 = arith.constant 0 : i32
      %dma_wait3A_208 = arith.constant 0 : i32
      %dma_wait3A_209 = tpu.memref_slice %arg8[%dma_wait3A_206, %dma_wait3A_207, %dma_wait3A_208] : memref<5x200x64xf32, #tpu.memory_space<vmem>> -> memref<1x200x64xf32, #tpu.memory_space<vmem>>
      %dma_wait3A_210 = tpu.memref_squeeze %dma_wait3A_209 : memref<1x200x64xf32, #tpu.memory_space<vmem>> -> memref<200x64xf32, #tpu.memory_space<vmem>>
      %dma_wait3A_211 = arith.constant 0 : i32
      %dma_wait3A_212 = tpu.memref_slice %arg6[%add3A_205, %dma_wait3A_211] : memref<50x200xi32, #tpu.memory_space<vmem>> -> memref<1x200xi32, #tpu.memory_space<vmem>>
      %dma_wait3A_213 = tpu.memref_squeeze %dma_wait3A_212 : memref<1x200xi32, #tpu.memory_space<vmem>> -> memref<200xi32, #tpu.memory_space<vmem>>
      %dma_wait3A_214 = arith.constant 0 : i32
      %dma_wait3A_215 = arith.constant 0 : i32
      %dma_wait3A_216 = tpu.memref_slice %arg2[%dma_wait3A_214, %dma_wait3A_215] : memref<10000x64xf32, #tpu.memory_space<hbm>> -> memref<10000x64xf32, #tpu.memory_space<hbm>>
      tpu.wait_indirect_dma semaphore(%arg13 : memref<!tpu.dma_semaphore, #tpu.memory_space<semaphore_mem>>) src(%dma_wait3A_216 : memref<10000x64xf32, #tpu.memory_space<hbm>>) dst(%dma_wait3A_210 : memref<200x64xf32, #tpu.memory_space<vmem>>)
      %dma_start3A_217 = arith.constant 3 : i32
      %dma_start3A_218 = arith.constant 0 : i32
      %dma_start3A_219 = arith.constant 0 : i32
      %dma_start3A_220 = tpu.memref_slice %arg8[%dma_start3A_217, %dma_start3A_218, %dma_start3A_219] : memref<5x200x64xf32, #tpu.memory_space<vmem>> -> memref<1x200x64xf32, #tpu.memory_space<vmem>>
      %dma_start3A_221 = tpu.memref_squeeze %dma_start3A_220 : memref<1x200x64xf32, #tpu.memory_space<vmem>> -> memref<200x64xf32, #tpu.memory_space<vmem>>
      %dma_start3A_222 = arith.constant 0 : i32
      %dma_start3A_223 = tpu.memref_slice %arg7[%add3A_205, %dma_start3A_222] : memref<50x200xi32, #tpu.memory_space<vmem>> -> memref<1x200xi32, #tpu.memory_space<vmem>>
      %dma_start3A_224 = tpu.memref_squeeze %dma_start3A_223 : memref<1x200xi32, #tpu.memory_space<vmem>> -> memref<200xi32, #tpu.memory_space<vmem>>
      %dma_start3A_225 = arith.constant 0 : i32
      %dma_start3A_226 = arith.constant 0 : i32
      %dma_start3A_227 = tpu.memref_slice %arg9[%dma_start3A_225, %dma_start3A_226] : memref<10240x64xf32, #tpu.memory_space<vmem_shared>> -> memref<10240x64xf32, #tpu.memory_space<vmem_shared>>
      tpu.enqueue_indirect_dma source(%dma_start3A_221 : memref<200x64xf32, #tpu.memory_space<vmem>>) target(%dma_start3A_227 : memref<10240x64xf32, #tpu.memory_space<vmem_shared>>) offsets(%dma_start3A_224 : memref<200xi32, #tpu.memory_space<vmem>>) semaphore(%arg18 : memref<!tpu.dma_semaphore, #tpu.memory_space<semaphore_mem>>) {add = true}
      %ge3A_228 = arith.constant 2 : i32
      %ge3A_229 = arith.cmpi sge, %add3A_205, %ge3A_228 : i32
      %convert_element_type3A_230 = arith.extui %ge3A_229 : i1 to i32
      %cond3A_231 = arith.constant 0 : i32
      %cond3A_232 = arith.cmpi ne, %convert_element_type3A_230, %cond3A_231 : i32
      scf.if %cond3A_232 {
        %sub3A = arith.constant 2 : i32
        %sub3A_279 = arith.subi %add3A_205, %sub3A : i32
        %dma_wait3A_280 = arith.constant 1 : i32
        %dma_wait3A_281 = arith.constant 0 : i32
        %dma_wait3A_282 = arith.constant 0 : i32
        %dma_wait3A_283 = tpu.memref_slice %arg8[%dma_wait3A_280, %dma_wait3A_281, %dma_wait3A_282] : memref<5x200x64xf32, #tpu.memory_space<vmem>> -> memref<1x200x64xf32, #tpu.memory_space<vmem>>
        %dma_wait3A_284 = tpu.memref_squeeze %dma_wait3A_283 : memref<1x200x64xf32, #tpu.memory_space<vmem>> -> memref<200x64xf32, #tpu.memory_space<vmem>>
        %dma_wait3A_285 = arith.constant 0 : i32
        %dma_wait3A_286 = tpu.memref_slice %arg7[%sub3A_279, %dma_wait3A_285] : memref<50x200xi32, #tpu.memory_space<vmem>> -> memref<1x200xi32, #tpu.memory_space<vmem>>
        %dma_wait3A_287 = tpu.memref_squeeze %dma_wait3A_286 : memref<1x200xi32, #tpu.memory_space<vmem>> -> memref<200xi32, #tpu.memory_space<vmem>>
        %dma_wait3A_288 = arith.constant 0 : i32
        %dma_wait3A_289 = arith.constant 0 : i32
        %dma_wait3A_290 = tpu.memref_slice %arg9[%dma_wait3A_288, %dma_wait3A_289] : memref<10240x64xf32, #tpu.memory_space<vmem_shared>> -> memref<10240x64xf32, #tpu.memory_space<vmem_shared>>
        tpu.wait_indirect_dma semaphore(%arg16 : memref<!tpu.dma_semaphore, #tpu.memory_space<semaphore_mem>>) src(%dma_wait3A_284 : memref<200x64xf32, #tpu.memory_space<vmem>>) dst(%dma_wait3A_290 : memref<10240x64xf32, #tpu.memory_space<vmem_shared>>)
      } else {
      }
      %add3A_233 = arith.constant 3 : i32
      %add3A_234 = arith.addi %add3A_205, %add3A_233 : i32
      %lt3A_235 = arith.constant 50 : i32
      %lt3A_236 = arith.cmpi slt, %add3A_234, %lt3A_235 : i32
      %convert_element_type3A_237 = arith.extui %lt3A_236 : i1 to i32
      %cond3A_238 = arith.constant 0 : i32
      %cond3A_239 = arith.cmpi ne, %convert_element_type3A_237, %cond3A_238 : i32
      scf.if %cond3A_239 {
        %add3A_279 = arith.constant 3 : i32
        %add3A_280 = arith.addi %add3A_205, %add3A_279 : i32
        %dma_start3A_281 = arith.constant 1 : i32
        %dma_start3A_282 = arith.constant 0 : i32
        %dma_start3A_283 = arith.constant 0 : i32
        %dma_start3A_284 = tpu.memref_slice %arg8[%dma_start3A_281, %dma_start3A_282, %dma_start3A_283] : memref<5x200x64xf32, #tpu.memory_space<vmem>> -> memref<1x200x64xf32, #tpu.memory_space<vmem>>
        %dma_start3A_285 = tpu.memref_squeeze %dma_start3A_284 : memref<1x200x64xf32, #tpu.memory_space<vmem>> -> memref<200x64xf32, #tpu.memory_space<vmem>>
        %dma_start3A_286 = arith.constant 0 : i32
        %dma_start3A_287 = tpu.memref_slice %arg6[%add3A_280, %dma_start3A_286] : memref<50x200xi32, #tpu.memory_space<vmem>> -> memref<1x200xi32, #tpu.memory_space<vmem>>
        %dma_start3A_288 = tpu.memref_squeeze %dma_start3A_287 : memref<1x200xi32, #tpu.memory_space<vmem>> -> memref<200xi32, #tpu.memory_space<vmem>>
        %dma_start3A_289 = arith.constant 0 : i32
        %dma_start3A_290 = arith.constant 0 : i32
        %dma_start3A_291 = tpu.memref_slice %arg2[%dma_start3A_289, %dma_start3A_290] : memref<10000x64xf32, #tpu.memory_space<hbm>> -> memref<10000x64xf32, #tpu.memory_space<hbm>>
        tpu.enqueue_indirect_dma source(%dma_start3A_291 : memref<10000x64xf32, #tpu.memory_space<hbm>>) target(%dma_start3A_285 : memref<200x64xf32, #tpu.memory_space<vmem>>) offsets(%dma_start3A_288 : memref<200xi32, #tpu.memory_space<vmem>>) semaphore(%arg11 : memref<!tpu.dma_semaphore, #tpu.memory_space<semaphore_mem>>)
      } else {
      }
      %mul3A_240 = arith.constant 5 : i32
      %mul3A_241 = arith.muli %scan3A_90, %mul3A_240 : i32
      %add3A_242 = arith.constant 4 : i32
      %add3A_243 = arith.addi %mul3A_241, %add3A_242 : i32
      %dma_wait3A_244 = arith.constant 4 : i32
      %dma_wait3A_245 = arith.constant 0 : i32
      %dma_wait3A_246 = arith.constant 0 : i32
      %dma_wait3A_247 = tpu.memref_slice %arg8[%dma_wait3A_244, %dma_wait3A_245, %dma_wait3A_246] : memref<5x200x64xf32, #tpu.memory_space<vmem>> -> memref<1x200x64xf32, #tpu.memory_space<vmem>>
      %dma_wait3A_248 = tpu.memref_squeeze %dma_wait3A_247 : memref<1x200x64xf32, #tpu.memory_space<vmem>> -> memref<200x64xf32, #tpu.memory_space<vmem>>
      %dma_wait3A_249 = arith.constant 0 : i32
      %dma_wait3A_250 = tpu.memref_slice %arg6[%add3A_243, %dma_wait3A_249] : memref<50x200xi32, #tpu.memory_space<vmem>> -> memref<1x200xi32, #tpu.memory_space<vmem>>
      %dma_wait3A_251 = tpu.memref_squeeze %dma_wait3A_250 : memref<1x200xi32, #tpu.memory_space<vmem>> -> memref<200xi32, #tpu.memory_space<vmem>>
      %dma_wait3A_252 = arith.constant 0 : i32
      %dma_wait3A_253 = arith.constant 0 : i32
      %dma_wait3A_254 = tpu.memref_slice %arg2[%dma_wait3A_252, %dma_wait3A_253] : memref<10000x64xf32, #tpu.memory_space<hbm>> -> memref<10000x64xf32, #tpu.memory_space<hbm>>
      tpu.wait_indirect_dma semaphore(%arg14 : memref<!tpu.dma_semaphore, #tpu.memory_space<semaphore_mem>>) src(%dma_wait3A_254 : memref<10000x64xf32, #tpu.memory_space<hbm>>) dst(%dma_wait3A_248 : memref<200x64xf32, #tpu.memory_space<vmem>>)
      %dma_start3A_255 = arith.constant 4 : i32
      %dma_start3A_256 = arith.constant 0 : i32
      %dma_start3A_257 = arith.constant 0 : i32
      %dma_start3A_258 = tpu.memref_slice %arg8[%dma_start3A_255, %dma_start3A_256, %dma_start3A_257] : memref<5x200x64xf32, #tpu.memory_space<vmem>> -> memref<1x200x64xf32, #tpu.memory_space<vmem>>
      %dma_start3A_259 = tpu.memref_squeeze %dma_start3A_258 : memref<1x200x64xf32, #tpu.memory_space<vmem>> -> memref<200x64xf32, #tpu.memory_space<vmem>>
      %dma_start3A_260 = arith.constant 0 : i32
      %dma_start3A_261 = tpu.memref_slice %arg7[%add3A_243, %dma_start3A_260] : memref<50x200xi32, #tpu.memory_space<vmem>> -> memref<1x200xi32, #tpu.memory_space<vmem>>
      %dma_start3A_262 = tpu.memref_squeeze %dma_start3A_261 : memref<1x200xi32, #tpu.memory_space<vmem>> -> memref<200xi32, #tpu.memory_space<vmem>>
      %dma_start3A_263 = arith.constant 0 : i32
      %dma_start3A_264 = arith.constant 0 : i32
      %dma_start3A_265 = tpu.memref_slice %arg9[%dma_start3A_263, %dma_start3A_264] : memref<10240x64xf32, #tpu.memory_space<vmem_shared>> -> memref<10240x64xf32, #tpu.memory_space<vmem_shared>>
      tpu.enqueue_indirect_dma source(%dma_start3A_259 : memref<200x64xf32, #tpu.memory_space<vmem>>) target(%dma_start3A_265 : memref<10240x64xf32, #tpu.memory_space<vmem_shared>>) offsets(%dma_start3A_262 : memref<200xi32, #tpu.memory_space<vmem>>) semaphore(%arg19 : memref<!tpu.dma_semaphore, #tpu.memory_space<semaphore_mem>>) {add = true}
      %ge3A_266 = arith.constant 2 : i32
      %ge3A_267 = arith.cmpi sge, %add3A_243, %ge3A_266 : i32
      %convert_element_type3A_268 = arith.extui %ge3A_267 : i1 to i32
      %cond3A_269 = arith.constant 0 : i32
      %cond3A_270 = arith.cmpi ne, %convert_element_type3A_268, %cond3A_269 : i32
      scf.if %cond3A_270 {
        %sub3A = arith.constant 2 : i32
        %sub3A_279 = arith.subi %add3A_243, %sub3A : i32
        %dma_wait3A_280 = arith.constant 2 : i32
        %dma_wait3A_281 = arith.constant 0 : i32
        %dma_wait3A_282 = arith.constant 0 : i32
        %dma_wait3A_283 = tpu.memref_slice %arg8[%dma_wait3A_280, %dma_wait3A_281, %dma_wait3A_282] : memref<5x200x64xf32, #tpu.memory_space<vmem>> -> memref<1x200x64xf32, #tpu.memory_space<vmem>>
        %dma_wait3A_284 = tpu.memref_squeeze %dma_wait3A_283 : memref<1x200x64xf32, #tpu.memory_space<vmem>> -> memref<200x64xf32, #tpu.memory_space<vmem>>
        %dma_wait3A_285 = arith.constant 0 : i32
        %dma_wait3A_286 = tpu.memref_slice %arg7[%sub3A_279, %dma_wait3A_285] : memref<50x200xi32, #tpu.memory_space<vmem>> -> memref<1x200xi32, #tpu.memory_space<vmem>>
        %dma_wait3A_287 = tpu.memref_squeeze %dma_wait3A_286 : memref<1x200xi32, #tpu.memory_space<vmem>> -> memref<200xi32, #tpu.memory_space<vmem>>
        %dma_wait3A_288 = arith.constant 0 : i32
        %dma_wait3A_289 = arith.constant 0 : i32
        %dma_wait3A_290 = tpu.memref_slice %arg9[%dma_wait3A_288, %dma_wait3A_289] : memref<10240x64xf32, #tpu.memory_space<vmem_shared>> -> memref<10240x64xf32, #tpu.memory_space<vmem_shared>>
        tpu.wait_indirect_dma semaphore(%arg17 : memref<!tpu.dma_semaphore, #tpu.memory_space<semaphore_mem>>) src(%dma_wait3A_284 : memref<200x64xf32, #tpu.memory_space<vmem>>) dst(%dma_wait3A_290 : memref<10240x64xf32, #tpu.memory_space<vmem_shared>>)
      } else {
      }
      %add3A_271 = arith.constant 3 : i32
      %add3A_272 = arith.addi %add3A_243, %add3A_271 : i32
      %lt3A_273 = arith.constant 50 : i32
      %lt3A_274 = arith.cmpi slt, %add3A_272, %lt3A_273 : i32
      %convert_element_type3A_275 = arith.extui %lt3A_274 : i1 to i32
      %cond3A_276 = arith.constant 0 : i32
      %cond3A_277 = arith.cmpi ne, %convert_element_type3A_275, %cond3A_276 : i32
      scf.if %cond3A_277 {
        %add3A_279 = arith.constant 3 : i32
        %add3A_280 = arith.addi %add3A_243, %add3A_279 : i32
        %dma_start3A_281 = arith.constant 2 : i32
        %dma_start3A_282 = arith.constant 0 : i32
        %dma_start3A_283 = arith.constant 0 : i32
        %dma_start3A_284 = tpu.memref_slice %arg8[%dma_start3A_281, %dma_start3A_282, %dma_start3A_283] : memref<5x200x64xf32, #tpu.memory_space<vmem>> -> memref<1x200x64xf32, #tpu.memory_space<vmem>>
        %dma_start3A_285 = tpu.memref_squeeze %dma_start3A_284 : memref<1x200x64xf32, #tpu.memory_space<vmem>> -> memref<200x64xf32, #tpu.memory_space<vmem>>
        %dma_start3A_286 = arith.constant 0 : i32
        %dma_start3A_287 = tpu.memref_slice %arg6[%add3A_280, %dma_start3A_286] : memref<50x200xi32, #tpu.memory_space<vmem>> -> memref<1x200xi32, #tpu.memory_space<vmem>>
        %dma_start3A_288 = tpu.memref_squeeze %dma_start3A_287 : memref<1x200xi32, #tpu.memory_space<vmem>> -> memref<200xi32, #tpu.memory_space<vmem>>
        %dma_start3A_289 = arith.constant 0 : i32
        %dma_start3A_290 = arith.constant 0 : i32
        %dma_start3A_291 = tpu.memref_slice %arg2[%dma_start3A_289, %dma_start3A_290] : memref<10000x64xf32, #tpu.memory_space<hbm>> -> memref<10000x64xf32, #tpu.memory_space<hbm>>
        tpu.enqueue_indirect_dma source(%dma_start3A_291 : memref<10000x64xf32, #tpu.memory_space<hbm>>) target(%dma_start3A_285 : memref<200x64xf32, #tpu.memory_space<vmem>>) offsets(%dma_start3A_288 : memref<200xi32, #tpu.memory_space<vmem>>) semaphore(%arg12 : memref<!tpu.dma_semaphore, #tpu.memory_space<semaphore_mem>>)
      } else {
      }
      %scan3A_278 = arith.constant 0 : i32
      scf.yield %scan3A_278 : i32
    }
    %scan3A_61 = arith.constant 10 : i32
    %dma_wait3A = arith.constant 3 : i32
    %dma_wait3A_62 = arith.constant 48 : i32
    %dma_wait3A_63 = arith.constant 0 : i32
    %dma_wait3A_64 = arith.constant 0 : i32
    %dma_wait3A_65 = tpu.memref_slice %arg8[%dma_wait3A, %dma_wait3A_63, %dma_wait3A_64] : memref<5x200x64xf32, #tpu.memory_space<vmem>> -> memref<1x200x64xf32, #tpu.memory_space<vmem>>
    %dma_wait3A_66 = tpu.memref_squeeze %dma_wait3A_65 : memref<1x200x64xf32, #tpu.memory_space<vmem>> -> memref<200x64xf32, #tpu.memory_space<vmem>>
    %dma_wait3A_67 = arith.constant 0 : i32
    %dma_wait3A_68 = tpu.memref_slice %arg7[%dma_wait3A_62, %dma_wait3A_67] : memref<50x200xi32, #tpu.memory_space<vmem>> -> memref<1x200xi32, #tpu.memory_space<vmem>>
    %dma_wait3A_69 = tpu.memref_squeeze %dma_wait3A_68 : memref<1x200xi32, #tpu.memory_space<vmem>> -> memref<200xi32, #tpu.memory_space<vmem>>
    %dma_wait3A_70 = arith.constant 0 : i32
    %dma_wait3A_71 = arith.constant 0 : i32
    %dma_wait3A_72 = tpu.memref_slice %arg9[%dma_wait3A_70, %dma_wait3A_71] : memref<10240x64xf32, #tpu.memory_space<vmem_shared>> -> memref<10240x64xf32, #tpu.memory_space<vmem_shared>>
    tpu.wait_indirect_dma semaphore(%arg18 : memref<!tpu.dma_semaphore, #tpu.memory_space<semaphore_mem>>) src(%dma_wait3A_66 : memref<200x64xf32, #tpu.memory_space<vmem>>) dst(%dma_wait3A_72 : memref<10240x64xf32, #tpu.memory_space<vmem_shared>>)
    %dma_wait3A_73 = arith.constant 4 : i32
    %dma_wait3A_74 = arith.constant 49 : i32
    %dma_wait3A_75 = arith.constant 0 : i32
    %dma_wait3A_76 = arith.constant 0 : i32
    %dma_wait3A_77 = tpu.memref_slice %arg8[%dma_wait3A_73, %dma_wait3A_75, %dma_wait3A_76] : memref<5x200x64xf32, #tpu.memory_space<vmem>> -> memref<1x200x64xf32, #tpu.memory_space<vmem>>
    %dma_wait3A_78 = tpu.memref_squeeze %dma_wait3A_77 : memref<1x200x64xf32, #tpu.memory_space<vmem>> -> memref<200x64xf32, #tpu.memory_space<vmem>>
    %dma_wait3A_79 = arith.constant 0 : i32
    %dma_wait3A_80 = tpu.memref_slice %arg7[%dma_wait3A_74, %dma_wait3A_79] : memref<50x200xi32, #tpu.memory_space<vmem>> -> memref<1x200xi32, #tpu.memory_space<vmem>>
    %dma_wait3A_81 = tpu.memref_squeeze %dma_wait3A_80 : memref<1x200xi32, #tpu.memory_space<vmem>> -> memref<200xi32, #tpu.memory_space<vmem>>
    %dma_wait3A_82 = arith.constant 0 : i32
    %dma_wait3A_83 = arith.constant 0 : i32
    %dma_wait3A_84 = tpu.memref_slice %arg9[%dma_wait3A_82, %dma_wait3A_83] : memref<10240x64xf32, #tpu.memory_space<vmem_shared>> -> memref<10240x64xf32, #tpu.memory_space<vmem_shared>>
    tpu.wait_indirect_dma semaphore(%arg19 : memref<!tpu.dma_semaphore, #tpu.memory_space<semaphore_mem>>) src(%dma_wait3A_78 : memref<200x64xf32, #tpu.memory_space<vmem>>) dst(%dma_wait3A_84 : memref<10240x64xf32, #tpu.memory_space<vmem_shared>>)
    %barrier3A_85 = arith.constant 0 : index
    tpu.barrier barrier_id(%barrier3A_85)
    %mul3A_86 = arith.constant 640 : i32
    %mul3A_87 = arith.muli %arg1, %mul3A_86 : i32
    %mul3A_88 = arith.constant 640 : i32
    %mul3A_89 = arith.muli %arg1, %mul3A_88 : i32
    "tpu.region"() ({
      %run_scoped3A_90 = tpu.sem_alloc : memref<!tpu.dma_semaphore, #tpu.memory_space<semaphore_mem>>
      %dma_start3A_91 = arith.constant 0 : i32
      %dma_start3A_92 = tpu.memref_slice %arg5[%arg0, %mul3A_89, %dma_start3A_91] : memref<2x10240x64xf32, #tpu.memory_space<hbm>> -> memref<1x640x64xf32, #tpu.memory_space<hbm>>
      %dma_start3A_93 = tpu.memref_squeeze %dma_start3A_92 : memref<1x640x64xf32, #tpu.memory_space<hbm>> -> memref<640x64xf32, #tpu.memory_space<hbm>>
      %dma_start3A_94 = arith.constant 0 : i32
      %dma_start3A_95 = tpu.memref_slice %arg9[%mul3A_87, %dma_start3A_94] : memref<10240x64xf32, #tpu.memory_space<vmem_shared>> -> memref<640x64xf32, #tpu.memory_space<vmem_shared>>
      tpu.enqueue_dma source(%dma_start3A_95 : memref<640x64xf32, #tpu.memory_space<vmem_shared>>) target(%dma_start3A_93 : memref<640x64xf32, #tpu.memory_space<hbm>>) target_semaphore(%run_scoped3A_90 : memref<!tpu.dma_semaphore, #tpu.memory_space<semaphore_mem>>)
      %dma_wait3A_96 = arith.constant 0 : i32
      %dma_wait3A_97 = tpu.memref_slice %arg5[%arg0, %mul3A_89, %dma_wait3A_96] : memref<2x10240x64xf32, #tpu.memory_space<hbm>> -> memref<1x640x64xf32, #tpu.memory_space<hbm>>
      %dma_wait3A_98 = tpu.memref_squeeze %dma_wait3A_97 : memref<1x640x64xf32, #tpu.memory_space<hbm>> -> memref<640x64xf32, #tpu.memory_space<hbm>>
      %dma_wait3A_99 = arith.constant 0 : i32
      %dma_wait3A_100 = tpu.memref_slice %arg9[%mul3A_87, %dma_wait3A_99] : memref<10240x64xf32, #tpu.memory_space<vmem_shared>> -> memref<640x64xf32, #tpu.memory_space<vmem_shared>>
      tpu.wait_dma2 semaphore(%run_scoped3A_90 : memref<!tpu.dma_semaphore, #tpu.memory_space<semaphore_mem>>) src(%dma_wait3A_100 : memref<640x64xf32, #tpu.memory_space<vmem_shared>>) dst(%dma_wait3A_98 : memref<640x64xf32, #tpu.memory_space<hbm>>)
      tpu.yield
    }) : () -> ()
    return
  }
}

#map = affine_map<(d0, d1) -> (0, 0, 0)>
module attributes {stable_mosaic.version = 14 : i64} {
  func.func @k(%arg0: i32, %arg1: i32, %arg2: memref<32x125x80xi32, #tpu.memory_space<hbm>>, %arg3: memref<2x10240x16xf32, #tpu.memory_space<hbm>>, %arg4: memref<125x80xi32, #tpu.memory_space<vmem>>, %arg5: memref<80x16xf32, #tpu.memory_space<vmem>>, %arg6: memref<640x16xf32, #tpu.memory_space<vmem>>, %arg7: memref<10240x16xf32, #tpu.memory_space<vmem_shared>>, %arg8: memref<!tpu.dma_semaphore, #tpu.memory_space<semaphore_mem>>) attributes {dimension_semantics = [#tpu.dimension_semantics<core_parallel>, #tpu.dimension_semantics<subcore_parallel>], iteration_bounds = array<i64: 2, 16>, scalar_prefetch = 0 : i64, scratch_operands = 5 : i64, tpu.core_type = #tpu.core_type<sc_vector_subcore>, window_params = [{transform_indices = #map}, {transform_indices = #map}]} {
    %mul3A = arith.constant 16 : i32
    %mul3A_0 = arith.muli %arg0, %mul3A : i32
    %add3A = arith.addi %mul3A_0, %arg1 : i32
    %scan3A = arith.constant 0 : i32
    %scan3A_1 = arith.constant 0 : i32
    %scan3A_2 = arith.constant 80 : i32
    %scan3A_3 = arith.addi %scan3A_1, %scan3A_2 : i32
    %scan3A_4 = arith.constant 1 : i32
    %scan3A_5 = scf.for %scan3A_35 = %scan3A_1 to %scan3A_3 step %scan3A_4 iter_args(%scan3A_36 = %scan3A) -> (i32)  : i32 {
      %broadcast_in_dim3A = arith.constant 1.000000e+00 : f32
      %broadcast_in_dim3A_37 = vector.broadcast %broadcast_in_dim3A : f32 to vector<16xf32>
      %swap3A = arith.index_cast %scan3A_35 : i32 to index
      %swap3A_38 = arith.constant 0 : index
      %swap3A_39 = tpu.vector_load %arg5[%swap3A, %swap3A_38] {strides = array<i32>} : memref<80x16xf32, #tpu.memory_space<vmem>>, vector<1x16xf32>,
      %swap3A_40 = vector.shape_cast %swap3A_39 : vector<1x16xf32> to vector<16xf32>
      %swap3A_41 = vector.shape_cast %broadcast_in_dim3A_37 : vector<16xf32> to vector<1x16xf32>
      tpu.vector_store %arg5[%swap3A, %swap3A_38], %swap3A_41 {strides = array<i32>} : memref<80x16xf32, #tpu.memory_space<vmem>>, vector<1x16xf32>,
      %scan3A_42 = arith.constant 0 : i32
      scf.yield %scan3A_42 : i32
    }
    %scan3A_6 = arith.constant 80 : i32
    %scan3A_7 = arith.constant 0 : i32
    %scan3A_8 = arith.constant 0 : i32
    %scan3A_9 = arith.constant 640 : i32
    %scan3A_10 = arith.addi %scan3A_8, %scan3A_9 : i32
    %scan3A_11 = arith.constant 1 : i32
    %scan3A_12 = scf.for %scan3A_35 = %scan3A_8 to %scan3A_10 step %scan3A_11 iter_args(%scan3A_36 = %scan3A_7) -> (i32)  : i32 {
      %broadcast_in_dim3A = arith.constant 0.000000e+00 : f32
      %broadcast_in_dim3A_37 = vector.broadcast %broadcast_in_dim3A : f32 to vector<16xf32>
      %swap3A = arith.index_cast %scan3A_35 : i32 to index
      %swap3A_38 = arith.constant 0 : index
      %swap3A_39 = tpu.vector_load %arg6[%swap3A, %swap3A_38] {strides = array<i32>} : memref<640x16xf32, #tpu.memory_space<vmem>>, vector<1x16xf32>,
      %swap3A_40 = vector.shape_cast %swap3A_39 : vector<1x16xf32> to vector<16xf32>
      %swap3A_41 = vector.shape_cast %broadcast_in_dim3A_37 : vector<16xf32> to vector<1x16xf32>
      tpu.vector_store %arg6[%swap3A, %swap3A_38], %swap3A_41 {strides = array<i32>} : memref<640x16xf32, #tpu.memory_space<vmem>>, vector<1x16xf32>,
      %scan3A_42 = arith.constant 0 : i32
      scf.yield %scan3A_42 : i32
    }
    %scan3A_13 = arith.constant 640 : i32
    "tpu.region"() ({
      %run_scoped3A = tpu.sem_alloc : memref<!tpu.dma_semaphore, #tpu.memory_space<semaphore_mem>>
      %dma_start3A = arith.constant 0 : i32
      %dma_start3A_35 = arith.constant 0 : i32
      %dma_start3A_36 = tpu.memref_slice %arg2[%add3A, %dma_start3A, %dma_start3A_35] : memref<32x125x80xi32, #tpu.memory_space<hbm>> -> memref<1x125x80xi32, #tpu.memory_space<hbm>>
      %dma_start3A_37 = tpu.memref_squeeze %dma_start3A_36 : memref<1x125x80xi32, #tpu.memory_space<hbm>> -> memref<125x80xi32, #tpu.memory_space<hbm>>
      %dma_start3A_38 = arith.constant 0 : i32
      %dma_start3A_39 = arith.constant 0 : i32
      %dma_start3A_40 = tpu.memref_slice %arg2[%add3A, %dma_start3A_38, %dma_start3A_39] : memref<32x125x80xi32, #tpu.memory_space<hbm>> -> memref<1x125x80xi32, #tpu.memory_space<hbm>>
      %dma_start3A_41 = tpu.memref_squeeze %dma_start3A_40 : memref<1x125x80xi32, #tpu.memory_space<hbm>> -> memref<125x80xi32, #tpu.memory_space<hbm>>
      tpu.enqueue_dma source(%dma_start3A_41 : memref<125x80xi32, #tpu.memory_space<hbm>>) target(%arg4 : memref<125x80xi32, #tpu.memory_space<vmem>>) target_semaphore(%run_scoped3A : memref<!tpu.dma_semaphore, #tpu.memory_space<semaphore_mem>>)
      %dma_wait3A = arith.constant 0 : i32
      %dma_wait3A_42 = arith.constant 0 : i32
      %dma_wait3A_43 = tpu.memref_slice %arg2[%add3A, %dma_wait3A, %dma_wait3A_42] : memref<32x125x80xi32, #tpu.memory_space<hbm>> -> memref<1x125x80xi32, #tpu.memory_space<hbm>>
      %dma_wait3A_44 = tpu.memref_squeeze %dma_wait3A_43 : memref<1x125x80xi32, #tpu.memory_space<hbm>> -> memref<125x80xi32, #tpu.memory_space<hbm>>
      %dma_wait3A_45 = arith.constant 0 : i32
      %dma_wait3A_46 = arith.constant 0 : i32
      %dma_wait3A_47 = tpu.memref_slice %arg2[%add3A, %dma_wait3A_45, %dma_wait3A_46] : memref<32x125x80xi32, #tpu.memory_space<hbm>> -> memref<1x125x80xi32, #tpu.memory_space<hbm>>
      %dma_wait3A_48 = tpu.memref_squeeze %dma_wait3A_47 : memref<1x125x80xi32, #tpu.memory_space<hbm>> -> memref<125x80xi32, #tpu.memory_space<hbm>>
      tpu.wait_dma2 semaphore(%run_scoped3A : memref<!tpu.dma_semaphore, #tpu.memory_space<semaphore_mem>>) src(%dma_wait3A_48 : memref<125x80xi32, #tpu.memory_space<hbm>>) dst(%arg4 : memref<125x80xi32, #tpu.memory_space<vmem>>)
      tpu.yield
    }) : () -> ()
    %mul3A_14 = arith.constant 640 : i32
    %mul3A_15 = arith.muli %arg1, %mul3A_14 : i32
    "tpu.region"() ({
      %run_scoped3A = tpu.sem_alloc : memref<!tpu.dma_semaphore, #tpu.memory_space<semaphore_mem>>
      %dma_start3A = arith.constant 0 : i32
      %dma_start3A_35 = tpu.memref_slice %arg7[%mul3A_15, %dma_start3A] : memref<10240x16xf32, #tpu.memory_space<vmem_shared>> -> memref<640x16xf32, #tpu.memory_space<vmem_shared>>
      %dma_start3A_36 = arith.constant 0 : i32
      %dma_start3A_37 = tpu.memref_slice %arg7[%mul3A_15, %dma_start3A_36] : memref<10240x16xf32, #tpu.memory_space<vmem_shared>> -> memref<640x16xf32, #tpu.memory_space<vmem_shared>>
      tpu.enqueue_dma source(%arg6 : memref<640x16xf32, #tpu.memory_space<vmem>>) target(%dma_start3A_37 : memref<640x16xf32, #tpu.memory_space<vmem_shared>>) target_semaphore(%run_scoped3A : memref<!tpu.dma_semaphore, #tpu.memory_space<semaphore_mem>>)
      %dma_wait3A = arith.constant 0 : i32
      %dma_wait3A_38 = tpu.memref_slice %arg7[%mul3A_15, %dma_wait3A] : memref<10240x16xf32, #tpu.memory_space<vmem_shared>> -> memref<640x16xf32, #tpu.memory_space<vmem_shared>>
      %dma_wait3A_39 = arith.constant 0 : i32
      %dma_wait3A_40 = tpu.memref_slice %arg7[%mul3A_15, %dma_wait3A_39] : memref<10240x16xf32, #tpu.memory_space<vmem_shared>> -> memref<640x16xf32, #tpu.memory_space<vmem_shared>>
      tpu.wait_dma2 semaphore(%run_scoped3A : memref<!tpu.dma_semaphore, #tpu.memory_space<semaphore_mem>>) src(%arg6 : memref<640x16xf32, #tpu.memory_space<vmem>>) dst(%dma_wait3A_40 : memref<640x16xf32, #tpu.memory_space<vmem_shared>>)
      tpu.yield
    }) : () -> ()
    %barrier3A = arith.constant 0 : index
    tpu.barrier barrier_id(%barrier3A)
    %scan3A_16 = arith.constant 0 : i32
    %scan3A_17 = arith.constant 0 : i32
    %scan3A_18 = arith.constant 125 : i32
    %scan3A_19 = arith.addi %scan3A_17, %scan3A_18 : i32
    %scan3A_20 = arith.constant 1 : i32
    %scan3A_21 = scf.for %scan3A_35 = %scan3A_17 to %scan3A_19 step %scan3A_20 iter_args(%scan3A_36 = %scan3A_16) -> (i32)  : i32 {
      %dma_start3A = arith.constant 0 : i32
      %dma_start3A_37 = tpu.memref_slice %arg4[%scan3A_35, %dma_start3A] : memref<125x80xi32, #tpu.memory_space<vmem>> -> memref<1x80xi32, #tpu.memory_space<vmem>>
      %dma_start3A_38 = tpu.memref_squeeze %dma_start3A_37 : memref<1x80xi32, #tpu.memory_space<vmem>> -> memref<80xi32, #tpu.memory_space<vmem>>
      %dma_start3A_39 = arith.constant 0 : i32
      %dma_start3A_40 = arith.constant 0 : i32
      %dma_start3A_41 = tpu.memref_slice %arg7[%dma_start3A_39, %dma_start3A_40] : memref<10240x16xf32, #tpu.memory_space<vmem_shared>> -> memref<10240x16xf32, #tpu.memory_space<vmem_shared>>
      tpu.enqueue_indirect_dma source(%arg5 : memref<80x16xf32, #tpu.memory_space<vmem>>) target(%dma_start3A_41 : memref<10240x16xf32, #tpu.memory_space<vmem_shared>>) offsets(%dma_start3A_38 : memref<80xi32, #tpu.memory_space<vmem>>) semaphore(%arg8 : memref<!tpu.dma_semaphore, #tpu.memory_space<semaphore_mem>>) {add = true}
      %scan3A_42 = arith.constant 0 : i32
      scf.yield %scan3A_42 : i32
    }
    %scan3A_22 = arith.constant 125 : i32
    %scan3A_23 = arith.constant 0 : i32
    %scan3A_24 = arith.constant 0 : i32
    %scan3A_25 = arith.constant 125 : i32
    %scan3A_26 = arith.addi %scan3A_24, %scan3A_25 : i32
    %scan3A_27 = arith.constant 1 : i32
    %scan3A_28 = scf.for %scan3A_35 = %scan3A_24 to %scan3A_26 step %scan3A_27 iter_args(%scan3A_36 = %scan3A_23) -> (i32)  : i32 {
      %dma_wait3A = arith.constant 0 : i32
      %dma_wait3A_37 = tpu.memref_slice %arg4[%scan3A_35, %dma_wait3A] : memref<125x80xi32, #tpu.memory_space<vmem>> -> memref<1x80xi32, #tpu.memory_space<vmem>>
      %dma_wait3A_38 = tpu.memref_squeeze %dma_wait3A_37 : memref<1x80xi32, #tpu.memory_space<vmem>> -> memref<80xi32, #tpu.memory_space<vmem>>
      %dma_wait3A_39 = arith.constant 0 : i32
      %dma_wait3A_40 = arith.constant 0 : i32
      %dma_wait3A_41 = tpu.memref_slice %arg7[%dma_wait3A_39, %dma_wait3A_40] : memref<10240x16xf32, #tpu.memory_space<vmem_shared>> -> memref<10240x16xf32, #tpu.memory_space<vmem_shared>>
      tpu.wait_indirect_dma semaphore(%arg8 : memref<!tpu.dma_semaphore, #tpu.memory_space<semaphore_mem>>) src(%arg5 : memref<80x16xf32, #tpu.memory_space<vmem>>) dst(%dma_wait3A_41 : memref<10240x16xf32, #tpu.memory_space<vmem_shared>>)
      %scan3A_42 = arith.constant 0 : i32
      scf.yield %scan3A_42 : i32
    }
    %scan3A_29 = arith.constant 125 : i32
    %barrier3A_30 = arith.constant 0 : index
    tpu.barrier barrier_id(%barrier3A_30)
    %mul3A_31 = arith.constant 640 : i32
    %mul3A_32 = arith.muli %arg1, %mul3A_31 : i32
    %mul3A_33 = arith.constant 640 : i32
    %mul3A_34 = arith.muli %arg1, %mul3A_33 : i32
    "tpu.region"() ({
      %run_scoped3A = tpu.sem_alloc : memref<!tpu.dma_semaphore, #tpu.memory_space<semaphore_mem>>
      %dma_start3A = arith.constant 0 : i32
      %dma_start3A_35 = tpu.memref_slice %arg3[%arg0, %mul3A_34, %dma_start3A] : memref<2x10240x16xf32, #tpu.memory_space<hbm>> -> memref<1x640x16xf32, #tpu.memory_space<hbm>>
      %dma_start3A_36 = tpu.memref_squeeze %dma_start3A_35 : memref<1x640x16xf32, #tpu.memory_space<hbm>> -> memref<640x16xf32, #tpu.memory_space<hbm>>
      %dma_start3A_37 = arith.constant 0 : i32
      %dma_start3A_38 = tpu.memref_slice %arg7[%mul3A_32, %dma_start3A_37] : memref<10240x16xf32, #tpu.memory_space<vmem_shared>> -> memref<640x16xf32, #tpu.memory_space<vmem_shared>>
      tpu.enqueue_dma source(%dma_start3A_38 : memref<640x16xf32, #tpu.memory_space<vmem_shared>>) target(%dma_start3A_36 : memref<640x16xf32, #tpu.memory_space<hbm>>) target_semaphore(%run_scoped3A : memref<!tpu.dma_semaphore, #tpu.memory_space<semaphore_mem>>)
      %dma_wait3A = arith.constant 0 : i32
      %dma_wait3A_39 = tpu.memref_slice %arg3[%arg0, %mul3A_34, %dma_wait3A] : memref<2x10240x16xf32, #tpu.memory_space<hbm>> -> memref<1x640x16xf32, #tpu.memory_space<hbm>>
      %dma_wait3A_40 = tpu.memref_squeeze %dma_wait3A_39 : memref<1x640x16xf32, #tpu.memory_space<hbm>> -> memref<640x16xf32, #tpu.memory_space<hbm>>
      %dma_wait3A_41 = arith.constant 0 : i32
      %dma_wait3A_42 = tpu.memref_slice %arg7[%mul3A_32, %dma_wait3A_41] : memref<10240x16xf32, #tpu.memory_space<vmem_shared>> -> memref<640x16xf32, #tpu.memory_space<vmem_shared>>
      tpu.wait_dma2 semaphore(%run_scoped3A : memref<!tpu.dma_semaphore, #tpu.memory_space<semaphore_mem>>) src(%dma_wait3A_42 : memref<640x16xf32, #tpu.memory_space<vmem_shared>>) dst(%dma_wait3A_40 : memref<640x16xf32, #tpu.memory_space<hbm>>)
      tpu.yield
    }) : () -> ()
    return
  }
}

#map = affine_map<(d0, d1) -> (0, 0)>
#map1 = affine_map<(d0, d1) -> (0, 0, 0)>
module attributes {stable_mosaic.version = 14 : i64} {
  func.func @k(%arg0: i32, %arg1: i32, %arg2: memref<10000x64xf32, #tpu.memory_space<hbm>>, %arg3: memref<32x50x200xi32, #tpu.memory_space<hbm>>, %arg4: memref<32x50x200xi32, #tpu.memory_space<hbm>>, %arg5: memref<2x10240x64xf32, #tpu.memory_space<hbm>>, %arg6: memref<50x200xi32, #tpu.memory_space<vmem>>, %arg7: memref<50x200xi32, #tpu.memory_space<vmem>>, %arg8: memref<5x200x64xf32, #tpu.memory_space<vmem>>, %arg9: memref<10240x64xf32, #tpu.memory_space<vmem_shared>>, %arg10: memref<!tpu.dma_semaphore, #tpu.memory_space<semaphore_mem>>, %arg11: memref<!tpu.dma_semaphore, #tpu.memory_space<semaphore_mem>>, %arg12: memref<!tpu.dma_semaphore, #tpu.memory_space<semaphore_mem>>, %arg13: memref<!tpu.dma_semaphore, #tpu.memory_space<semaphore_mem>>, %arg14: memref<!tpu.dma_semaphore, #tpu.memory_space<semaphore_mem>>, %arg15: memref<!tpu.dma_semaphore, #tpu.memory_space<semaphore_mem>>, %arg16: memref<!tpu.dma_semaphore, #tpu.memory_space<semaphore_mem>>, %arg17: memref<!tpu.dma_semaphore, #tpu.memory_space<semaphore_mem>>, %arg18: memref<!tpu.dma_semaphore, #tpu.memory_space<semaphore_mem>>, %arg19: memref<!tpu.dma_semaphore, #tpu.memory_space<semaphore_mem>>) attributes {dimension_semantics = [#tpu.dimension_semantics<core_parallel>, #tpu.dimension_semantics<subcore_parallel>], iteration_bounds = array<i64: 2, 16>, scalar_prefetch = 0 : i64, scratch_operands = 14 : i64, tpu.core_type = #tpu.core_type<sc_vector_subcore>, window_params = [{transform_indices = #map}, {transform_indices = #map1}, {transform_indices = #map1}, {transform_indices = #map1}]} {
    %mul3A = arith.constant 16 : i32
    %mul3A_0 = arith.muli %arg0, %mul3A : i32
    %add3A = arith.addi %mul3A_0, %arg1 : i32
    %scan3A = arith.constant 0 : i32
    %scan3A_1 = arith.constant 0 : i32
    %scan3A_2 = arith.constant 200 : i32
    %scan3A_3 = arith.addi %scan3A_1, %scan3A_2 : i32
    %scan3A_4 = arith.constant 1 : i32
    %scan3A_5 = scf.for %scan3A_90 = %scan3A_1 to %scan3A_3 step %scan3A_4 iter_args(%scan3A_91 = %scan3A) -> (i32)  : i32 {
      %broadcast_in_dim3A = arith.constant 0.000000e+00 : f32
      %broadcast_in_dim3A_92 = vector.broadcast %broadcast_in_dim3A : f32 to vector<64xf32>
      %swap3A = arith.constant 0 : i32
      %swap3A_93 = arith.index_cast %swap3A : i32 to index
      %swap3A_94 = arith.index_cast %scan3A_90 : i32 to index
      %swap3A_95 = arith.constant 0 : index
      %swap3A_96 = tpu.vector_load %arg8[%swap3A_93, %swap3A_94, %swap3A_95] {strides = array<i32>} : memref<5x200x64xf32, #tpu.memory_space<vmem>>, vector<1x1x64xf32>,
      %swap3A_97 = vector.shape_cast %swap3A_96 : vector<1x1x64xf32> to vector<64xf32>
      %swap3A_98 = vector.shape_cast %broadcast_in_dim3A_92 : vector<64xf32> to vector<1x1x64xf32>
      tpu.vector_store %arg8[%swap3A_93, %swap3A_94, %swap3A_95], %swap3A_98 {strides = array<i32>} : memref<5x200x64xf32, #tpu.memory_space<vmem>>, vector<1x1x64xf32>,
      %scan3A_99 = arith.constant 0 : i32
      scf.yield %scan3A_99 : i32
    }
    %scan3A_6 = arith.constant 200 : i32
    "tpu.region"() ({
      %run_scoped3A_90 = tpu.sem_alloc : memref<!tpu.dma_semaphore, #tpu.memory_space<semaphore_mem>>
      %dma_start3A_91 = arith.constant 0 : i32
      %dma_start3A_92 = arith.constant 0 : i32
      %dma_start3A_93 = tpu.memref_slice %arg3[%add3A, %dma_start3A_91, %dma_start3A_92] : memref<32x50x200xi32, #tpu.memory_space<hbm>> -> memref<1x50x200xi32, #tpu.memory_space<hbm>>
      %dma_start3A_94 = tpu.memref_squeeze %dma_start3A_93 : memref<1x50x200xi32, #tpu.memory_space<hbm>> -> memref<50x200xi32, #tpu.memory_space<hbm>>
      %dma_start3A_95 = arith.constant 0 : i32
      %dma_start3A_96 = arith.constant 0 : i32
      %dma_start3A_97 = tpu.memref_slice %arg3[%add3A, %dma_start3A_95, %dma_start3A_96] : memref<32x50x200xi32, #tpu.memory_space<hbm>> -> memref<1x50x200xi32, #tpu.memory_space<hbm>>
      %dma_start3A_98 = tpu.memref_squeeze %dma_start3A_97 : memref<1x50x200xi32, #tpu.memory_space<hbm>> -> memref<50x200xi32, #tpu.memory_space<hbm>>
      tpu.enqueue_dma source(%dma_start3A_98 : memref<50x200xi32, #tpu.memory_space<hbm>>) target(%arg6 : memref<50x200xi32, #tpu.memory_space<vmem>>) target_semaphore(%run_scoped3A_90 : memref<!tpu.dma_semaphore, #tpu.memory_space<semaphore_mem>>)
      %dma_wait3A_99 = arith.constant 0 : i32
      %dma_wait3A_100 = arith.constant 0 : i32
      %dma_wait3A_101 = tpu.memref_slice %arg3[%add3A, %dma_wait3A_99, %dma_wait3A_100] : memref<32x50x200xi32, #tpu.memory_space<hbm>> -> memref<1x50x200xi32, #tpu.memory_space<hbm>>
      %dma_wait3A_102 = tpu.memref_squeeze %dma_wait3A_101 : memref<1x50x200xi32, #tpu.memory_space<hbm>> -> memref<50x200xi32, #tpu.memory_space<hbm>>
      %dma_wait3A_103 = arith.constant 0 : i32
      %dma_wait3A_104 = arith.constant 0 : i32
      %dma_wait3A_105 = tpu.memref_slice %arg3[%add3A, %dma_wait3A_103, %dma_wait3A_104] : memref<32x50x200xi32, #tpu.memory_space<hbm>> -> memref<1x50x200xi32, #tpu.memory_space<hbm>>
      %dma_wait3A_106 = tpu.memref_squeeze %dma_wait3A_105 : memref<1x50x200xi32, #tpu.memory_space<hbm>> -> memref<50x200xi32, #tpu.memory_space<hbm>>
      tpu.wait_dma2 semaphore(%run_scoped3A_90 : memref<!tpu.dma_semaphore, #tpu.memory_space<semaphore_mem>>) src(%dma_wait3A_106 : memref<50x200xi32, #tpu.memory_space<hbm>>) dst(%arg6 : memref<50x200xi32, #tpu.memory_space<vmem>>)
      tpu.yield
    }) : () -> ()
    "tpu.region"() ({
      %run_scoped3A_90 = tpu.sem_alloc : memref<!tpu.dma_semaphore, #tpu.memory_space<semaphore_mem>>
      %dma_start3A_91 = arith.constant 0 : i32
      %dma_start3A_92 = arith.constant 0 : i32
      %dma_start3A_93 = tpu.memref_slice %arg4[%add3A, %dma_start3A_91, %dma_start3A_92] : memref<32x50x200xi32, #tpu.memory_space<hbm>> -> memref<1x50x200xi32, #tpu.memory_space<hbm>>
      %dma_start3A_94 = tpu.memref_squeeze %dma_start3A_93 : memref<1x50x200xi32, #tpu.memory_space<hbm>> -> memref<50x200xi32, #tpu.memory_space<hbm>>
      %dma_start3A_95 = arith.constant 0 : i32
      %dma_start3A_96 = arith.constant 0 : i32
      %dma_start3A_97 = tpu.memref_slice %arg4[%add3A, %dma_start3A_95, %dma_start3A_96] : memref<32x50x200xi32, #tpu.memory_space<hbm>> -> memref<1x50x200xi32, #tpu.memory_space<hbm>>
      %dma_start3A_98 = tpu.memref_squeeze %dma_start3A_97 : memref<1x50x200xi32, #tpu.memory_space<hbm>> -> memref<50x200xi32, #tpu.memory_space<hbm>>
      tpu.enqueue_dma source(%dma_start3A_98 : memref<50x200xi32, #tpu.memory_space<hbm>>) target(%arg7 : memref<50x200xi32, #tpu.memory_space<vmem>>) target_semaphore(%run_scoped3A_90 : memref<!tpu.dma_semaphore, #tpu.memory_space<semaphore_mem>>)
      %dma_wait3A_99 = arith.constant 0 : i32
      %dma_wait3A_100 = arith.constant 0 : i32
      %dma_wait3A_101 = tpu.memref_slice %arg4[%add3A, %dma_wait3A_99, %dma_wait3A_100] : memref<32x50x200xi32, #tpu.memory_space<hbm>> -> memref<1x50x200xi32, #tpu.memory_space<hbm>>
      %dma_wait3A_102 = tpu.memref_squeeze %dma_wait3A_101 : memref<1x50x200xi32, #tpu.memory_space<hbm>> -> memref<50x200xi32, #tpu.memory_space<hbm>>
      %dma_wait3A_103 = arith.constant 0 : i32
      %dma_wait3A_104 = arith.constant 0 : i32
      %dma_wait3A_105 = tpu.memref_slice %arg4[%add3A, %dma_wait3A_103, %dma_wait3A_104] : memref<32x50x200xi32, #tpu.memory_space<hbm>> -> memref<1x50x200xi32, #tpu.memory_space<hbm>>
      %dma_wait3A_106 = tpu.memref_squeeze %dma_wait3A_105 : memref<1x50x200xi32, #tpu.memory_space<hbm>> -> memref<50x200xi32, #tpu.memory_space<hbm>>
      tpu.wait_dma2 semaphore(%run_scoped3A_90 : memref<!tpu.dma_semaphore, #tpu.memory_space<semaphore_mem>>) src(%dma_wait3A_106 : memref<50x200xi32, #tpu.memory_space<hbm>>) dst(%arg7 : memref<50x200xi32, #tpu.memory_space<vmem>>)
      tpu.yield
    }) : () -> ()
    %mul3A_7 = arith.constant 640 : i32
    %mul3A_8 = arith.muli %arg1, %mul3A_7 : i32
    %add3A_9 = arith.constant 0 : i32
    %add3A_10 = arith.addi %mul3A_8, %add3A_9 : i32
    %run_scoped3A = arith.constant 0 : i32
    "tpu.region"() ({
      %run_scoped3A_90 = tpu.sem_alloc : memref<!tpu.dma_semaphore, #tpu.memory_space<semaphore_mem>>
      %dma_start3A_91 = arith.constant 0 : i32
      %dma_start3A_92 = arith.constant 0 : i32
      %dma_start3A_93 = tpu.memref_slice %arg8[%run_scoped3A, %dma_start3A_91, %dma_start3A_92] : memref<5x200x64xf32, #tpu.memory_space<vmem>> -> memref<1x200x64xf32, #tpu.memory_space<vmem>>
      %dma_start3A_94 = tpu.memref_squeeze %dma_start3A_93 : memref<1x200x64xf32, #tpu.memory_space<vmem>> -> memref<200x64xf32, #tpu.memory_space<vmem>>
      %dma_start3A_95 = arith.constant 0 : i32
      %dma_start3A_96 = tpu.memref_slice %arg9[%add3A_10, %dma_start3A_95] : memref<10240x64xf32, #tpu.memory_space<vmem_shared>> -> memref<200x64xf32, #tpu.memory_space<vmem_shared>>
      %dma_start3A_97 = arith.constant 0 : i32
      %dma_start3A_98 = tpu.memref_slice %arg9[%add3A_10, %dma_start3A_97] : memref<10240x64xf32, #tpu.memory_space<vmem_shared>> -> memref<200x64xf32, #tpu.memory_space<vmem_shared>>
      %dma_start3A_99 = arith.constant 0 : i32
      %dma_start3A_100 = arith.constant 0 : i32
      %dma_start3A_101 = tpu.memref_slice %arg8[%run_scoped3A, %dma_start3A_99, %dma_start3A_100] : memref<5x200x64xf32, #tpu.memory_space<vmem>> -> memref<1x200x64xf32, #tpu.memory_space<vmem>>
      %dma_start3A_102 = tpu.memref_squeeze %dma_start3A_101 : memref<1x200x64xf32, #tpu.memory_space<vmem>> -> memref<200x64xf32, #tpu.memory_space<vmem>>
      tpu.enqueue_dma source(%dma_start3A_102 : memref<200x64xf32, #tpu.memory_space<vmem>>) target(%dma_start3A_98 : memref<200x64xf32, #tpu.memory_space<vmem_shared>>) target_semaphore(%run_scoped3A_90 : memref<!tpu.dma_semaphore, #tpu.memory_space<semaphore_mem>>)
      %dma_wait3A_103 = arith.constant 0 : i32
      %dma_wait3A_104 = arith.constant 0 : i32
      %dma_wait3A_105 = tpu.memref_slice %arg8[%run_scoped3A, %dma_wait3A_103, %dma_wait3A_104] : memref<5x200x64xf32, #tpu.memory_space<vmem>> -> memref<1x200x64xf32, #tpu.memory_space<vmem>>
      %dma_wait3A_106 = tpu.memref_squeeze %dma_wait3A_105 : memref<1x200x64xf32, #tpu.memory_space<vmem>> -> memref<200x64xf32, #tpu.memory_space<vmem>>
      %dma_wait3A_107 = arith.constant 0 : i32
      %dma_wait3A_108 = tpu.memref_slice %arg9[%add3A_10, %dma_wait3A_107] : memref<10240x64xf32, #tpu.memory_space<vmem_shared>> -> memref<200x64xf32, #tpu.memory_space<vmem_shared>>
      %dma_wait3A_109 = arith.constant 0 : i32
      %dma_wait3A_110 = tpu.memref_slice %arg9[%add3A_10, %dma_wait3A_109] : memref<10240x64xf32, #tpu.memory_space<vmem_shared>> -> memref<200x64xf32, #tpu.memory_space<vmem_shared>>
      %dma_wait3A_111 = arith.constant 0 : i32
      %dma_wait3A_112 = arith.constant 0 : i32
      %dma_wait3A_113 = tpu.memref_slice %arg8[%run_scoped3A, %dma_wait3A_111, %dma_wait3A_112] : memref<5x200x64xf32, #tpu.memory_space<vmem>> -> memref<1x200x64xf32, #tpu.memory_space<vmem>>
      %dma_wait3A_114 = tpu.memref_squeeze %dma_wait3A_113 : memref<1x200x64xf32, #tpu.memory_space<vmem>> -> memref<200x64xf32, #tpu.memory_space<vmem>>
      tpu.wait_dma2 semaphore(%run_scoped3A_90 : memref<!tpu.dma_semaphore, #tpu.memory_space<semaphore_mem>>) src(%dma_wait3A_114 : memref<200x64xf32, #tpu.memory_space<vmem>>) dst(%dma_wait3A_110 : memref<200x64xf32, #tpu.memory_space<vmem_shared>>)
      tpu.yield
    }) : () -> ()
    %add3A_11 = arith.constant 200 : i32
    %add3A_12 = arith.addi %mul3A_8, %add3A_11 : i32
    %run_scoped3A_13 = arith.constant 0 : i32
    "tpu.region"() ({
      %run_scoped3A_90 = tpu.sem_alloc : memref<!tpu.dma_semaphore, #tpu.memory_space<semaphore_mem>>
      %dma_start3A_91 = arith.constant 0 : i32
      %dma_start3A_92 = arith.constant 0 : i32
      %dma_start3A_93 = tpu.memref_slice %arg8[%run_scoped3A_13, %dma_start3A_91, %dma_start3A_92] : memref<5x200x64xf32, #tpu.memory_space<vmem>> -> memref<1x200x64xf32, #tpu.memory_space<vmem>>
      %dma_start3A_94 = tpu.memref_squeeze %dma_start3A_93 : memref<1x200x64xf32, #tpu.memory_space<vmem>> -> memref<200x64xf32, #tpu.memory_space<vmem>>
      %dma_start3A_95 = arith.constant 0 : i32
      %dma_start3A_96 = tpu.memref_slice %arg9[%add3A_12, %dma_start3A_95] : memref<10240x64xf32, #tpu.memory_space<vmem_shared>> -> memref<200x64xf32, #tpu.memory_space<vmem_shared>>
      %dma_start3A_97 = arith.constant 0 : i32
      %dma_start3A_98 = tpu.memref_slice %arg9[%add3A_12, %dma_start3A_97] : memref<10240x64xf32, #tpu.memory_space<vmem_shared>> -> memref<200x64xf32, #tpu.memory_space<vmem_shared>>
      %dma_start3A_99 = arith.constant 0 : i32
      %dma_start3A_100 = arith.constant 0 : i32
      %dma_start3A_101 = tpu.memref_slice %arg8[%run_scoped3A_13, %dma_start3A_99, %dma_start3A_100] : memref<5x200x64xf32, #tpu.memory_space<vmem>> -> memref<1x200x64xf32, #tpu.memory_space<vmem>>
      %dma_start3A_102 = tpu.memref_squeeze %dma_start3A_101 : memref<1x200x64xf32, #tpu.memory_space<vmem>> -> memref<200x64xf32, #tpu.memory_space<vmem>>
      tpu.enqueue_dma source(%dma_start3A_102 : memref<200x64xf32, #tpu.memory_space<vmem>>) target(%dma_start3A_98 : memref<200x64xf32, #tpu.memory_space<vmem_shared>>) target_semaphore(%run_scoped3A_90 : memref<!tpu.dma_semaphore, #tpu.memory_space<semaphore_mem>>)
      %dma_wait3A_103 = arith.constant 0 : i32
      %dma_wait3A_104 = arith.constant 0 : i32
      %dma_wait3A_105 = tpu.memref_slice %arg8[%run_scoped3A_13, %dma_wait3A_103, %dma_wait3A_104] : memref<5x200x64xf32, #tpu.memory_space<vmem>> -> memref<1x200x64xf32, #tpu.memory_space<vmem>>
      %dma_wait3A_106 = tpu.memref_squeeze %dma_wait3A_105 : memref<1x200x64xf32, #tpu.memory_space<vmem>> -> memref<200x64xf32, #tpu.memory_space<vmem>>
      %dma_wait3A_107 = arith.constant 0 : i32
      %dma_wait3A_108 = tpu.memref_slice %arg9[%add3A_12, %dma_wait3A_107] : memref<10240x64xf32, #tpu.memory_space<vmem_shared>> -> memref<200x64xf32, #tpu.memory_space<vmem_shared>>
      %dma_wait3A_109 = arith.constant 0 : i32
      %dma_wait3A_110 = tpu.memref_slice %arg9[%add3A_12, %dma_wait3A_109] : memref<10240x64xf32, #tpu.memory_space<vmem_shared>> -> memref<200x64xf32, #tpu.memory_space<vmem_shared>>
      %dma_wait3A_111 = arith.constant 0 : i32
      %dma_wait3A_112 = arith.constant 0 : i32
      %dma_wait3A_113 = tpu.memref_slice %arg8[%run_scoped3A_13, %dma_wait3A_111, %dma_wait3A_112] : memref<5x200x64xf32, #tpu.memory_space<vmem>> -> memref<1x200x64xf32, #tpu.memory_space<vmem>>
      %dma_wait3A_114 = tpu.memref_squeeze %dma_wait3A_113 : memref<1x200x64xf32, #tpu.memory_space<vmem>> -> memref<200x64xf32, #tpu.memory_space<vmem>>
      tpu.wait_dma2 semaphore(%run_scoped3A_90 : memref<!tpu.dma_semaphore, #tpu.memory_space<semaphore_mem>>) src(%dma_wait3A_114 : memref<200x64xf32, #tpu.memory_space<vmem>>) dst(%dma_wait3A_110 : memref<200x64xf32, #tpu.memory_space<vmem_shared>>)
      tpu.yield
    }) : () -> ()
    %add3A_14 = arith.constant 400 : i32
    %add3A_15 = arith.addi %mul3A_8, %add3A_14 : i32
    %run_scoped3A_16 = arith.constant 0 : i32
    "tpu.region"() ({
      %run_scoped3A_90 = tpu.sem_alloc : memref<!tpu.dma_semaphore, #tpu.memory_space<semaphore_mem>>
      %dma_start3A_91 = arith.constant 0 : i32
      %dma_start3A_92 = arith.constant 0 : i32
      %dma_start3A_93 = tpu.memref_slice %arg8[%run_scoped3A_16, %dma_start3A_91, %dma_start3A_92] : memref<5x200x64xf32, #tpu.memory_space<vmem>> -> memref<1x200x64xf32, #tpu.memory_space<vmem>>
      %dma_start3A_94 = tpu.memref_squeeze %dma_start3A_93 : memref<1x200x64xf32, #tpu.memory_space<vmem>> -> memref<200x64xf32, #tpu.memory_space<vmem>>
      %dma_start3A_95 = arith.constant 0 : i32
      %dma_start3A_96 = tpu.memref_slice %arg9[%add3A_15, %dma_start3A_95] : memref<10240x64xf32, #tpu.memory_space<vmem_shared>> -> memref<200x64xf32, #tpu.memory_space<vmem_shared>>
      %dma_start3A_97 = arith.constant 0 : i32
      %dma_start3A_98 = tpu.memref_slice %arg9[%add3A_15, %dma_start3A_97] : memref<10240x64xf32, #tpu.memory_space<vmem_shared>> -> memref<200x64xf32, #tpu.memory_space<vmem_shared>>
      %dma_start3A_99 = arith.constant 0 : i32
      %dma_start3A_100 = arith.constant 0 : i32
      %dma_start3A_101 = tpu.memref_slice %arg8[%run_scoped3A_16, %dma_start3A_99, %dma_start3A_100] : memref<5x200x64xf32, #tpu.memory_space<vmem>> -> memref<1x200x64xf32, #tpu.memory_space<vmem>>
      %dma_start3A_102 = tpu.memref_squeeze %dma_start3A_101 : memref<1x200x64xf32, #tpu.memory_space<vmem>> -> memref<200x64xf32, #tpu.memory_space<vmem>>
      tpu.enqueue_dma source(%dma_start3A_102 : memref<200x64xf32, #tpu.memory_space<vmem>>) target(%dma_start3A_98 : memref<200x64xf32, #tpu.memory_space<vmem_shared>>) target_semaphore(%run_scoped3A_90 : memref<!tpu.dma_semaphore, #tpu.memory_space<semaphore_mem>>)
      %dma_wait3A_103 = arith.constant 0 : i32
      %dma_wait3A_104 = arith.constant 0 : i32
      %dma_wait3A_105 = tpu.memref_slice %arg8[%run_scoped3A_16, %dma_wait3A_103, %dma_wait3A_104] : memref<5x200x64xf32, #tpu.memory_space<vmem>> -> memref<1x200x64xf32, #tpu.memory_space<vmem>>
      %dma_wait3A_106 = tpu.memref_squeeze %dma_wait3A_105 : memref<1x200x64xf32, #tpu.memory_space<vmem>> -> memref<200x64xf32, #tpu.memory_space<vmem>>
      %dma_wait3A_107 = arith.constant 0 : i32
      %dma_wait3A_108 = tpu.memref_slice %arg9[%add3A_15, %dma_wait3A_107] : memref<10240x64xf32, #tpu.memory_space<vmem_shared>> -> memref<200x64xf32, #tpu.memory_space<vmem_shared>>
      %dma_wait3A_109 = arith.constant 0 : i32
      %dma_wait3A_110 = tpu.memref_slice %arg9[%add3A_15, %dma_wait3A_109] : memref<10240x64xf32, #tpu.memory_space<vmem_shared>> -> memref<200x64xf32, #tpu.memory_space<vmem_shared>>
      %dma_wait3A_111 = arith.constant 0 : i32
      %dma_wait3A_112 = arith.constant 0 : i32
      %dma_wait3A_113 = tpu.memref_slice %arg8[%run_scoped3A_16, %dma_wait3A_111, %dma_wait3A_112] : memref<5x200x64xf32, #tpu.memory_space<vmem>> -> memref<1x200x64xf32, #tpu.memory_space<vmem>>
      %dma_wait3A_114 = tpu.memref_squeeze %dma_wait3A_113 : memref<1x200x64xf32, #tpu.memory_space<vmem>> -> memref<200x64xf32, #tpu.memory_space<vmem>>
      tpu.wait_dma2 semaphore(%run_scoped3A_90 : memref<!tpu.dma_semaphore, #tpu.memory_space<semaphore_mem>>) src(%dma_wait3A_114 : memref<200x64xf32, #tpu.memory_space<vmem>>) dst(%dma_wait3A_110 : memref<200x64xf32, #tpu.memory_space<vmem_shared>>)
      tpu.yield
    }) : () -> ()
    %add3A_17 = arith.constant 600 : i32
    %add3A_18 = arith.addi %mul3A_8, %add3A_17 : i32
    %run_scoped3A_19 = arith.constant 0 : i32
    "tpu.region"() ({
      %run_scoped3A_90 = tpu.sem_alloc : memref<!tpu.dma_semaphore, #tpu.memory_space<semaphore_mem>>
      %dma_start3A_91 = arith.constant 0 : i32
      %dma_start3A_92 = arith.constant 0 : i32
      %dma_start3A_93 = tpu.memref_slice %arg8[%run_scoped3A_19, %dma_start3A_91, %dma_start3A_92] : memref<5x200x64xf32, #tpu.memory_space<vmem>> -> memref<1x40x64xf32, #tpu.memory_space<vmem>>
      %dma_start3A_94 = tpu.memref_squeeze %dma_start3A_93 : memref<1x40x64xf32, #tpu.memory_space<vmem>> -> memref<40x64xf32, #tpu.memory_space<vmem>>
      %dma_start3A_95 = arith.constant 0 : i32
      %dma_start3A_96 = tpu.memref_slice %arg9[%add3A_18, %dma_start3A_95] : memref<10240x64xf32, #tpu.memory_space<vmem_shared>> -> memref<40x64xf32, #tpu.memory_space<vmem_shared>>
      %dma_start3A_97 = arith.constant 0 : i32
      %dma_start3A_98 = tpu.memref_slice %arg9[%add3A_18, %dma_start3A_97] : memref<10240x64xf32, #tpu.memory_space<vmem_shared>> -> memref<40x64xf32, #tpu.memory_space<vmem_shared>>
      %dma_start3A_99 = arith.constant 0 : i32
      %dma_start3A_100 = arith.constant 0 : i32
      %dma_start3A_101 = tpu.memref_slice %arg8[%run_scoped3A_19, %dma_start3A_99, %dma_start3A_100] : memref<5x200x64xf32, #tpu.memory_space<vmem>> -> memref<1x40x64xf32, #tpu.memory_space<vmem>>
      %dma_start3A_102 = tpu.memref_squeeze %dma_start3A_101 : memref<1x40x64xf32, #tpu.memory_space<vmem>> -> memref<40x64xf32, #tpu.memory_space<vmem>>
      tpu.enqueue_dma source(%dma_start3A_102 : memref<40x64xf32, #tpu.memory_space<vmem>>) target(%dma_start3A_98 : memref<40x64xf32, #tpu.memory_space<vmem_shared>>) target_semaphore(%run_scoped3A_90 : memref<!tpu.dma_semaphore, #tpu.memory_space<semaphore_mem>>)
      %dma_wait3A_103 = arith.constant 0 : i32
      %dma_wait3A_104 = arith.constant 0 : i32
      %dma_wait3A_105 = tpu.memref_slice %arg8[%run_scoped3A_19, %dma_wait3A_103, %dma_wait3A_104] : memref<5x200x64xf32, #tpu.memory_space<vmem>> -> memref<1x40x64xf32, #tpu.memory_space<vmem>>
      %dma_wait3A_106 = tpu.memref_squeeze %dma_wait3A_105 : memref<1x40x64xf32, #tpu.memory_space<vmem>> -> memref<40x64xf32, #tpu.memory_space<vmem>>
      %dma_wait3A_107 = arith.constant 0 : i32
      %dma_wait3A_108 = tpu.memref_slice %arg9[%add3A_18, %dma_wait3A_107] : memref<10240x64xf32, #tpu.memory_space<vmem_shared>> -> memref<40x64xf32, #tpu.memory_space<vmem_shared>>
      %dma_wait3A_109 = arith.constant 0 : i32
      %dma_wait3A_110 = tpu.memref_slice %arg9[%add3A_18, %dma_wait3A_109] : memref<10240x64xf32, #tpu.memory_space<vmem_shared>> -> memref<40x64xf32, #tpu.memory_space<vmem_shared>>
      %dma_wait3A_111 = arith.constant 0 : i32
      %dma_wait3A_112 = arith.constant 0 : i32
      %dma_wait3A_113 = tpu.memref_slice %arg8[%run_scoped3A_19, %dma_wait3A_111, %dma_wait3A_112] : memref<5x200x64xf32, #tpu.memory_space<vmem>> -> memref<1x40x64xf32, #tpu.memory_space<vmem>>
      %dma_wait3A_114 = tpu.memref_squeeze %dma_wait3A_113 : memref<1x40x64xf32, #tpu.memory_space<vmem>> -> memref<40x64xf32, #tpu.memory_space<vmem>>
      tpu.wait_dma2 semaphore(%run_scoped3A_90 : memref<!tpu.dma_semaphore, #tpu.memory_space<semaphore_mem>>) src(%dma_wait3A_114 : memref<40x64xf32, #tpu.memory_space<vmem>>) dst(%dma_wait3A_110 : memref<40x64xf32, #tpu.memory_space<vmem_shared>>)
      tpu.yield
    }) : () -> ()
    %barrier3A = arith.constant 0 : index
    tpu.barrier barrier_id(%barrier3A)
    %dma_start3A = arith.constant 0 : i32
    %dma_start3A_20 = arith.constant 0 : i32
    %dma_start3A_21 = arith.constant 0 : i32
    %dma_start3A_22 = arith.constant 0 : i32
    %dma_start3A_23 = tpu.memref_slice %arg8[%dma_start3A_20, %dma_start3A_21, %dma_start3A_22] : memref<5x200x64xf32, #tpu.memory_space<vmem>> -> memref<1x200x64xf32, #tpu.memory_space<vmem>>
    %dma_start3A_24 = tpu.memref_squeeze %dma_start3A_23 : memref<1x200x64xf32, #tpu.memory_space<vmem>> -> memref<200x64xf32, #tpu.memory_space<vmem>>
    %dma_start3A_25 = arith.constant 0 : i32
    %dma_start3A_26 = tpu.memref_slice %arg6[%dma_start3A, %dma_start3A_25] : memref<50x200xi32, #tpu.memory_space<vmem>> -> memref<1x200xi32, #tpu.memory_space<vmem>>
    %dma_start3A_27 = tpu.memref_squeeze %dma_start3A_26 : memref<1x200xi32, #tpu.memory_space<vmem>> -> memref<200xi32, #tpu.memory_space<vmem>>
    %dma_start3A_28 = arith.constant 0 : i32
    %dma_start3A_29 = arith.constant 0 : i32
    %dma_start3A_30 = tpu.memref_slice %arg2[%dma_start3A_28, %dma_start3A_29] : memref<10000x64xf32, #tpu.memory_space<hbm>> -> memref<10000x64xf32, #tpu.memory_space<hbm>>
    tpu.enqueue_indirect_dma source(%dma_start3A_30 : memref<10000x64xf32, #tpu.memory_space<hbm>>) target(%dma_start3A_24 : memref<200x64xf32, #tpu.memory_space<vmem>>) offsets(%dma_start3A_27 : memref<200xi32, #tpu.memory_space<vmem>>) semaphore(%arg10 : memref<!tpu.dma_semaphore, #tpu.memory_space<semaphore_mem>>)
    %dma_start3A_31 = arith.constant 1 : i32
    %dma_start3A_32 = arith.constant 1 : i32
    %dma_start3A_33 = arith.constant 0 : i32
    %dma_start3A_34 = arith.constant 0 : i32
    %dma_start3A_35 = tpu.memref_slice %arg8[%dma_start3A_32, %dma_start3A_33, %dma_start3A_34] : memref<5x200x64xf32, #tpu.memory_space<vmem>> -> memref<1x200x64xf32, #tpu.memory_space<vmem>>
    %dma_start3A_36 = tpu.memref_squeeze %dma_start3A_35 : memref<1x200x64xf32, #tpu.memory_space<vmem>> -> memref<200x64xf32, #tpu.memory_space<vmem>>
    %dma_start3A_37 = arith.constant 0 : i32
    %dma_start3A_38 = tpu.memref_slice %arg6[%dma_start3A_31, %dma_start3A_37] : memref<50x200xi32, #tpu.memory_space<vmem>> -> memref<1x200xi32, #tpu.memory_space<vmem>>
    %dma_start3A_39 = tpu.memref_squeeze %dma_start3A_38 : memref<1x200xi32, #tpu.memory_space<vmem>> -> memref<200xi32, #tpu.memory_space<vmem>>
    %dma_start3A_40 = arith.constant 0 : i32
    %dma_start3A_41 = arith.constant 0 : i32
    %dma_start3A_42 = tpu.memref_slice %arg2[%dma_start3A_40, %dma_start3A_41] : memref<10000x64xf32, #tpu.memory_space<hbm>> -> memref<10000x64xf32, #tpu.memory_space<hbm>>
    tpu.enqueue_indirect_dma source(%dma_start3A_42 : memref<10000x64xf32, #tpu.memory_space<hbm>>) target(%dma_start3A_36 : memref<200x64xf32, #tpu.memory_space<vmem>>) offsets(%dma_start3A_39 : memref<200xi32, #tpu.memory_space<vmem>>) semaphore(%arg11 : memref<!tpu.dma_semaphore, #tpu.memory_space<semaphore_mem>>)
    %dma_start3A_43 = arith.constant 2 : i32
    %dma_start3A_44 = arith.constant 2 : i32
    %dma_start3A_45 = arith.constant 0 : i32
    %dma_start3A_46 = arith.constant 0 : i32
    %dma_start3A_47 = tpu.memref_slice %arg8[%dma_start3A_44, %dma_start3A_45, %dma_start3A_46] : memref<5x200x64xf32, #tpu.memory_space<vmem>> -> memref<1x200x64xf32, #tpu.memory_space<vmem>>
    %dma_start3A_48 = tpu.memref_squeeze %dma_start3A_47 : memref<1x200x64xf32, #tpu.memory_space<vmem>> -> memref<200x64xf32, #tpu.memory_space<vmem>>
    %dma_start3A_49 = arith.constant 0 : i32
    %dma_start3A_50 = tpu.memref_slice %arg6[%dma_start3A_43, %dma_start3A_49] : memref<50x200xi32, #tpu.memory_space<vmem>> -> memref<1x200xi32, #tpu.memory_space<vmem>>
    %dma_start3A_51 = tpu.memref_squeeze %dma_start3A_50 : memref<1x200xi32, #tpu.memory_space<vmem>> -> memref<200xi32, #tpu.memory_space<vmem>>
    %dma_start3A_52 = arith.constant 0 : i32
    %dma_start3A_53 = arith.constant 0 : i32
    %dma_start3A_54 = tpu.memref_slice %arg2[%dma_start3A_52, %dma_start3A_53] : memref<10000x64xf32, #tpu.memory_space<hbm>> -> memref<10000x64xf32, #tpu.memory_space<hbm>>
    tpu.enqueue_indirect_dma source(%dma_start3A_54 : memref<10000x64xf32, #tpu.memory_space<hbm>>) target(%dma_start3A_48 : memref<200x64xf32, #tpu.memory_space<vmem>>) offsets(%dma_start3A_51 : memref<200xi32, #tpu.memory_space<vmem>>) semaphore(%arg12 : memref<!tpu.dma_semaphore, #tpu.memory_space<semaphore_mem>>)
    %scan3A_55 = arith.constant 0 : i32
    %scan3A_56 = arith.constant 0 : i32
    %scan3A_57 = arith.constant 10 : i32
    %scan3A_58 = arith.addi %scan3A_56, %scan3A_57 : i32
    %scan3A_59 = arith.constant 1 : i32
    %scan3A_60 = scf.for %scan3A_90 = %scan3A_56 to %scan3A_58 step %scan3A_59 iter_args(%scan3A_91 = %scan3A_55) -> (i32)  : i32 {
      %mul3A_92 = arith.constant 5 : i32
      %mul3A_93 = arith.muli %scan3A_90, %mul3A_92 : i32
      %add3A_94 = arith.constant 0 : i32
      %add3A_95 = arith.addi %mul3A_93, %add3A_94 : i32
      %dma_wait3A_96 = arith.constant 0 : i32
      %dma_wait3A_97 = arith.constant 0 : i32
      %dma_wait3A_98 = arith.constant 0 : i32
      %dma_wait3A_99 = tpu.memref_slice %arg8[%dma_wait3A_96, %dma_wait3A_97, %dma_wait3A_98] : memref<5x200x64xf32, #tpu.memory_space<vmem>> -> memref<1x200x64xf32, #tpu.memory_space<vmem>>
      %dma_wait3A_100 = tpu.memref_squeeze %dma_wait3A_99 : memref<1x200x64xf32, #tpu.memory_space<vmem>> -> memref<200x64xf32, #tpu.memory_space<vmem>>
      %dma_wait3A_101 = arith.constant 0 : i32
      %dma_wait3A_102 = tpu.memref_slice %arg6[%add3A_95, %dma_wait3A_101] : memref<50x200xi32, #tpu.memory_space<vmem>> -> memref<1x200xi32, #tpu.memory_space<vmem>>
      %dma_wait3A_103 = tpu.memref_squeeze %dma_wait3A_102 : memref<1x200xi32, #tpu.memory_space<vmem>> -> memref<200xi32, #tpu.memory_space<vmem>>
      %dma_wait3A_104 = arith.constant 0 : i32
      %dma_wait3A_105 = arith.constant 0 : i32
      %dma_wait3A_106 = tpu.memref_slice %arg2[%dma_wait3A_104, %dma_wait3A_105] : memref<10000x64xf32, #tpu.memory_space<hbm>> -> memref<10000x64xf32, #tpu.memory_space<hbm>>
      tpu.wait_indirect_dma semaphore(%arg10 : memref<!tpu.dma_semaphore, #tpu.memory_space<semaphore_mem>>) src(%dma_wait3A_106 : memref<10000x64xf32, #tpu.memory_space<hbm>>) dst(%dma_wait3A_100 : memref<200x64xf32, #tpu.memory_space<vmem>>)
      %dma_start3A_107 = arith.constant 0 : i32
      %dma_start3A_108 = arith.constant 0 : i32
      %dma_start3A_109 = arith.constant 0 : i32
      %dma_start3A_110 = tpu.memref_slice %arg8[%dma_start3A_107, %dma_start3A_108, %dma_start3A_109] : memref<5x200x64xf32, #tpu.memory_space<vmem>> -> memref<1x200x64xf32, #tpu.memory_space<vmem>>
      %dma_start3A_111 = tpu.memref_squeeze %dma_start3A_110 : memref<1x200x64xf32, #tpu.memory_space<vmem>> -> memref<200x64xf32, #tpu.memory_space<vmem>>
      %dma_start3A_112 = arith.constant 0 : i32
      %dma_start3A_113 = tpu.memref_slice %arg7[%add3A_95, %dma_start3A_112] : memref<50x200xi32, #tpu.memory_space<vmem>> -> memref<1x200xi32, #tpu.memory_space<vmem>>
      %dma_start3A_114 = tpu.memref_squeeze %dma_start3A_113 : memref<1x200xi32, #tpu.memory_space<vmem>> -> memref<200xi32, #tpu.memory_space<vmem>>
      %dma_start3A_115 = arith.constant 0 : i32
      %dma_start3A_116 = arith.constant 0 : i32
      %dma_start3A_117 = tpu.memref_slice %arg9[%dma_start3A_115, %dma_start3A_116] : memref<10240x64xf32, #tpu.memory_space<vmem_shared>> -> memref<10240x64xf32, #tpu.memory_space<vmem_shared>>
      tpu.enqueue_indirect_dma source(%dma_start3A_111 : memref<200x64xf32, #tpu.memory_space<vmem>>) target(%dma_start3A_117 : memref<10240x64xf32, #tpu.memory_space<vmem_shared>>) offsets(%dma_start3A_114 : memref<200xi32, #tpu.memory_space<vmem>>) semaphore(%arg15 : memref<!tpu.dma_semaphore, #tpu.memory_space<semaphore_mem>>) {add = true}
      %ge3A = arith.constant 2 : i32
      %ge3A_118 = arith.cmpi sge, %add3A_95, %ge3A : i32
      %convert_element_type3A = arith.extui %ge3A_118 : i1 to i32
      %cond3A = arith.constant 0 : i32
      %cond3A_119 = arith.cmpi ne, %convert_element_type3A, %cond3A : i32
      scf.if %cond3A_119 {
        %sub3A = arith.constant 2 : i32
        %sub3A_279 = arith.subi %add3A_95, %sub3A : i32
        %dma_wait3A_280 = arith.constant 3 : i32
        %dma_wait3A_281 = arith.constant 0 : i32
        %dma_wait3A_282 = arith.constant 0 : i32
        %dma_wait3A_283 = tpu.memref_slice %arg8[%dma_wait3A_280, %dma_wait3A_281, %dma_wait3A_282] : memref<5x200x64xf32, #tpu.memory_space<vmem>> -> memref<1x200x64xf32, #tpu.memory_space<vmem>>
        %dma_wait3A_284 = tpu.memref_squeeze %dma_wait3A_283 : memref<1x200x64xf32, #tpu.memory_space<vmem>> -> memref<200x64xf32, #tpu.memory_space<vmem>>
        %dma_wait3A_285 = arith.constant 0 : i32
        %dma_wait3A_286 = tpu.memref_slice %arg7[%sub3A_279, %dma_wait3A_285] : memref<50x200xi32, #tpu.memory_space<vmem>> -> memref<1x200xi32, #tpu.memory_space<vmem>>
        %dma_wait3A_287 = tpu.memref_squeeze %dma_wait3A_286 : memref<1x200xi32, #tpu.memory_space<vmem>> -> memref<200xi32, #tpu.memory_space<vmem>>
        %dma_wait3A_288 = arith.constant 0 : i32
        %dma_wait3A_289 = arith.constant 0 : i32
        %dma_wait3A_290 = tpu.memref_slice %arg9[%dma_wait3A_288, %dma_wait3A_289] : memref<10240x64xf32, #tpu.memory_space<vmem_shared>> -> memref<10240x64xf32, #tpu.memory_space<vmem_shared>>
        tpu.wait_indirect_dma semaphore(%arg18 : memref<!tpu.dma_semaphore, #tpu.memory_space<semaphore_mem>>) src(%dma_wait3A_284 : memref<200x64xf32, #tpu.memory_space<vmem>>) dst(%dma_wait3A_290 : memref<10240x64xf32, #tpu.memory_space<vmem_shared>>)
      } else {
      }
      %add3A_120 = arith.constant 3 : i32
      %add3A_121 = arith.addi %add3A_95, %add3A_120 : i32
      %lt3A = arith.constant 50 : i32
      %lt3A_122 = arith.cmpi slt, %add3A_121, %lt3A : i32
      %convert_element_type3A_123 = arith.extui %lt3A_122 : i1 to i32
      %cond3A_124 = arith.constant 0 : i32
      %cond3A_125 = arith.cmpi ne, %convert_element_type3A_123, %cond3A_124 : i32
      scf.if %cond3A_125 {
        %add3A_279 = arith.constant 3 : i32
        %add3A_280 = arith.addi %add3A_95, %add3A_279 : i32
        %dma_start3A_281 = arith.constant 3 : i32
        %dma_start3A_282 = arith.constant 0 : i32
        %dma_start3A_283 = arith.constant 0 : i32
        %dma_start3A_284 = tpu.memref_slice %arg8[%dma_start3A_281, %dma_start3A_282, %dma_start3A_283] : memref<5x200x64xf32, #tpu.memory_space<vmem>> -> memref<1x200x64xf32, #tpu.memory_space<vmem>>
        %dma_start3A_285 = tpu.memref_squeeze %dma_start3A_284 : memref<1x200x64xf32, #tpu.memory_space<vmem>> -> memref<200x64xf32, #tpu.memory_space<vmem>>
        %dma_start3A_286 = arith.constant 0 : i32
        %dma_start3A_287 = tpu.memref_slice %arg6[%add3A_280, %dma_start3A_286] : memref<50x200xi32, #tpu.memory_space<vmem>> -> memref<1x200xi32, #tpu.memory_space<vmem>>
        %dma_start3A_288 = tpu.memref_squeeze %dma_start3A_287 : memref<1x200xi32, #tpu.memory_space<vmem>> -> memref<200xi32, #tpu.memory_space<vmem>>
        %dma_start3A_289 = arith.constant 0 : i32
        %dma_start3A_290 = arith.constant 0 : i32
        %dma_start3A_291 = tpu.memref_slice %arg2[%dma_start3A_289, %dma_start3A_290] : memref<10000x64xf32, #tpu.memory_space<hbm>> -> memref<10000x64xf32, #tpu.memory_space<hbm>>
        tpu.enqueue_indirect_dma source(%dma_start3A_291 : memref<10000x64xf32, #tpu.memory_space<hbm>>) target(%dma_start3A_285 : memref<200x64xf32, #tpu.memory_space<vmem>>) offsets(%dma_start3A_288 : memref<200xi32, #tpu.memory_space<vmem>>) semaphore(%arg13 : memref<!tpu.dma_semaphore, #tpu.memory_space<semaphore_mem>>)
      } else {
      }
      %mul3A_126 = arith.constant 5 : i32
      %mul3A_127 = arith.muli %scan3A_90, %mul3A_126 : i32
      %add3A_128 = arith.constant 1 : i32
      %add3A_129 = arith.addi %mul3A_127, %add3A_128 : i32
      %dma_wait3A_130 = arith.constant 1 : i32
      %dma_wait3A_131 = arith.constant 0 : i32
      %dma_wait3A_132 = arith.constant 0 : i32
      %dma_wait3A_133 = tpu.memref_slice %arg8[%dma_wait3A_130, %dma_wait3A_131, %dma_wait3A_132] : memref<5x200x64xf32, #tpu.memory_space<vmem>> -> memref<1x200x64xf32, #tpu.memory_space<vmem>>
      %dma_wait3A_134 = tpu.memref_squeeze %dma_wait3A_133 : memref<1x200x64xf32, #tpu.memory_space<vmem>> -> memref<200x64xf32, #tpu.memory_space<vmem>>
      %dma_wait3A_135 = arith.constant 0 : i32
      %dma_wait3A_136 = tpu.memref_slice %arg6[%add3A_129, %dma_wait3A_135] : memref<50x200xi32, #tpu.memory_space<vmem>> -> memref<1x200xi32, #tpu.memory_space<vmem>>
      %dma_wait3A_137 = tpu.memref_squeeze %dma_wait3A_136 : memref<1x200xi32, #tpu.memory_space<vmem>> -> memref<200xi32, #tpu.memory_space<vmem>>
      %dma_wait3A_138 = arith.constant 0 : i32
      %dma_wait3A_139 = arith.constant 0 : i32
      %dma_wait3A_140 = tpu.memref_slice %arg2[%dma_wait3A_138, %dma_wait3A_139] : memref<10000x64xf32, #tpu.memory_space<hbm>> -> memref<10000x64xf32, #tpu.memory_space<hbm>>
      tpu.wait_indirect_dma semaphore(%arg11 : memref<!tpu.dma_semaphore, #tpu.memory_space<semaphore_mem>>) src(%dma_wait3A_140 : memref<10000x64xf32, #tpu.memory_space<hbm>>) dst(%dma_wait3A_134 : memref<200x64xf32, #tpu.memory_space<vmem>>)
      %dma_start3A_141 = arith.constant 1 : i32
      %dma_start3A_142 = arith.constant 0 : i32
      %dma_start3A_143 = arith.constant 0 : i32
      %dma_start3A_144 = tpu.memref_slice %arg8[%dma_start3A_141, %dma_start3A_142, %dma_start3A_143] : memref<5x200x64xf32, #tpu.memory_space<vmem>> -> memref<1x200x64xf32, #tpu.memory_space<vmem>>
      %dma_start3A_145 = tpu.memref_squeeze %dma_start3A_144 : memref<1x200x64xf32, #tpu.memory_space<vmem>> -> memref<200x64xf32, #tpu.memory_space<vmem>>
      %dma_start3A_146 = arith.constant 0 : i32
      %dma_start3A_147 = tpu.memref_slice %arg7[%add3A_129, %dma_start3A_146] : memref<50x200xi32, #tpu.memory_space<vmem>> -> memref<1x200xi32, #tpu.memory_space<vmem>>
      %dma_start3A_148 = tpu.memref_squeeze %dma_start3A_147 : memref<1x200xi32, #tpu.memory_space<vmem>> -> memref<200xi32, #tpu.memory_space<vmem>>
      %dma_start3A_149 = arith.constant 0 : i32
      %dma_start3A_150 = arith.constant 0 : i32
      %dma_start3A_151 = tpu.memref_slice %arg9[%dma_start3A_149, %dma_start3A_150] : memref<10240x64xf32, #tpu.memory_space<vmem_shared>> -> memref<10240x64xf32, #tpu.memory_space<vmem_shared>>
      tpu.enqueue_indirect_dma source(%dma_start3A_145 : memref<200x64xf32, #tpu.memory_space<vmem>>) target(%dma_start3A_151 : memref<10240x64xf32, #tpu.memory_space<vmem_shared>>) offsets(%dma_start3A_148 : memref<200xi32, #tpu.memory_space<vmem>>) semaphore(%arg16 : memref<!tpu.dma_semaphore, #tpu.memory_space<semaphore_mem>>) {add = true}
      %ge3A_152 = arith.constant 2 : i32
      %ge3A_153 = arith.cmpi sge, %add3A_129, %ge3A_152 : i32
      %convert_element_type3A_154 = arith.extui %ge3A_153 : i1 to i32
      %cond3A_155 = arith.constant 0 : i32
      %cond3A_156 = arith.cmpi ne, %convert_element_type3A_154, %cond3A_155 : i32
      scf.if %cond3A_156 {
        %sub3A = arith.constant 2 : i32
        %sub3A_279 = arith.subi %add3A_129, %sub3A : i32
        %dma_wait3A_280 = arith.constant 4 : i32
        %dma_wait3A_281 = arith.constant 0 : i32
        %dma_wait3A_282 = arith.constant 0 : i32
        %dma_wait3A_283 = tpu.memref_slice %arg8[%dma_wait3A_280, %dma_wait3A_281, %dma_wait3A_282] : memref<5x200x64xf32, #tpu.memory_space<vmem>> -> memref<1x200x64xf32, #tpu.memory_space<vmem>>
        %dma_wait3A_284 = tpu.memref_squeeze %dma_wait3A_283 : memref<1x200x64xf32, #tpu.memory_space<vmem>> -> memref<200x64xf32, #tpu.memory_space<vmem>>
        %dma_wait3A_285 = arith.constant 0 : i32
        %dma_wait3A_286 = tpu.memref_slice %arg7[%sub3A_279, %dma_wait3A_285] : memref<50x200xi32, #tpu.memory_space<vmem>> -> memref<1x200xi32, #tpu.memory_space<vmem>>
        %dma_wait3A_287 = tpu.memref_squeeze %dma_wait3A_286 : memref<1x200xi32, #tpu.memory_space<vmem>> -> memref<200xi32, #tpu.memory_space<vmem>>
        %dma_wait3A_288 = arith.constant 0 : i32
        %dma_wait3A_289 = arith.constant 0 : i32
        %dma_wait3A_290 = tpu.memref_slice %arg9[%dma_wait3A_288, %dma_wait3A_289] : memref<10240x64xf32, #tpu.memory_space<vmem_shared>> -> memref<10240x64xf32, #tpu.memory_space<vmem_shared>>
        tpu.wait_indirect_dma semaphore(%arg19 : memref<!tpu.dma_semaphore, #tpu.memory_space<semaphore_mem>>) src(%dma_wait3A_284 : memref<200x64xf32, #tpu.memory_space<vmem>>) dst(%dma_wait3A_290 : memref<10240x64xf32, #tpu.memory_space<vmem_shared>>)
      } else {
      }
      %add3A_157 = arith.constant 3 : i32
      %add3A_158 = arith.addi %add3A_129, %add3A_157 : i32
      %lt3A_159 = arith.constant 50 : i32
      %lt3A_160 = arith.cmpi slt, %add3A_158, %lt3A_159 : i32
      %convert_element_type3A_161 = arith.extui %lt3A_160 : i1 to i32
      %cond3A_162 = arith.constant 0 : i32
      %cond3A_163 = arith.cmpi ne, %convert_element_type3A_161, %cond3A_162 : i32
      scf.if %cond3A_163 {
        %add3A_279 = arith.constant 3 : i32
        %add3A_280 = arith.addi %add3A_129, %add3A_279 : i32
        %dma_start3A_281 = arith.constant 4 : i32
        %dma_start3A_282 = arith.constant 0 : i32
        %dma_start3A_283 = arith.constant 0 : i32
        %dma_start3A_284 = tpu.memref_slice %arg8[%dma_start3A_281, %dma_start3A_282, %dma_start3A_283] : memref<5x200x64xf32, #tpu.memory_space<vmem>> -> memref<1x200x64xf32, #tpu.memory_space<vmem>>
        %dma_start3A_285 = tpu.memref_squeeze %dma_start3A_284 : memref<1x200x64xf32, #tpu.memory_space<vmem>> -> memref<200x64xf32, #tpu.memory_space<vmem>>
        %dma_start3A_286 = arith.constant 0 : i32
        %dma_start3A_287 = tpu.memref_slice %arg6[%add3A_280, %dma_start3A_286] : memref<50x200xi32, #tpu.memory_space<vmem>> -> memref<1x200xi32, #tpu.memory_space<vmem>>
        %dma_start3A_288 = tpu.memref_squeeze %dma_start3A_287 : memref<1x200xi32, #tpu.memory_space<vmem>> -> memref<200xi32, #tpu.memory_space<vmem>>
        %dma_start3A_289 = arith.constant 0 : i32
        %dma_start3A_290 = arith.constant 0 : i32
        %dma_start3A_291 = tpu.memref_slice %arg2[%dma_start3A_289, %dma_start3A_290] : memref<10000x64xf32, #tpu.memory_space<hbm>> -> memref<10000x64xf32, #tpu.memory_space<hbm>>
        tpu.enqueue_indirect_dma source(%dma_start3A_291 : memref<10000x64xf32, #tpu.memory_space<hbm>>) target(%dma_start3A_285 : memref<200x64xf32, #tpu.memory_space<vmem>>) offsets(%dma_start3A_288 : memref<200xi32, #tpu.memory_space<vmem>>) semaphore(%arg14 : memref<!tpu.dma_semaphore, #tpu.memory_space<semaphore_mem>>)
      } else {
      }
      %mul3A_164 = arith.constant 5 : i32
      %mul3A_165 = arith.muli %scan3A_90, %mul3A_164 : i32
      %add3A_166 = arith.constant 2 : i32
      %add3A_167 = arith.addi %mul3A_165, %add3A_166 : i32
      %dma_wait3A_168 = arith.constant 2 : i32
      %dma_wait3A_169 = arith.constant 0 : i32
      %dma_wait3A_170 = arith.constant 0 : i32
      %dma_wait3A_171 = tpu.memref_slice %arg8[%dma_wait3A_168, %dma_wait3A_169, %dma_wait3A_170] : memref<5x200x64xf32, #tpu.memory_space<vmem>> -> memref<1x200x64xf32, #tpu.memory_space<vmem>>
      %dma_wait3A_172 = tpu.memref_squeeze %dma_wait3A_171 : memref<1x200x64xf32, #tpu.memory_space<vmem>> -> memref<200x64xf32, #tpu.memory_space<vmem>>
      %dma_wait3A_173 = arith.constant 0 : i32
      %dma_wait3A_174 = tpu.memref_slice %arg6[%add3A_167, %dma_wait3A_173] : memref<50x200xi32, #tpu.memory_space<vmem>> -> memref<1x200xi32, #tpu.memory_space<vmem>>
      %dma_wait3A_175 = tpu.memref_squeeze %dma_wait3A_174 : memref<1x200xi32, #tpu.memory_space<vmem>> -> memref<200xi32, #tpu.memory_space<vmem>>
      %dma_wait3A_176 = arith.constant 0 : i32
      %dma_wait3A_177 = arith.constant 0 : i32
      %dma_wait3A_178 = tpu.memref_slice %arg2[%dma_wait3A_176, %dma_wait3A_177] : memref<10000x64xf32, #tpu.memory_space<hbm>> -> memref<10000x64xf32, #tpu.memory_space<hbm>>
      tpu.wait_indirect_dma semaphore(%arg12 : memref<!tpu.dma_semaphore, #tpu.memory_space<semaphore_mem>>) src(%dma_wait3A_178 : memref<10000x64xf32, #tpu.memory_space<hbm>>) dst(%dma_wait3A_172 : memref<200x64xf32, #tpu.memory_space<vmem>>)
      %dma_start3A_179 = arith.constant 2 : i32
      %dma_start3A_180 = arith.constant 0 : i32
      %dma_start3A_181 = arith.constant 0 : i32
      %dma_start3A_182 = tpu.memref_slice %arg8[%dma_start3A_179, %dma_start3A_180, %dma_start3A_181] : memref<5x200x64xf32, #tpu.memory_space<vmem>> -> memref<1x200x64xf32, #tpu.memory_space<vmem>>
      %dma_start3A_183 = tpu.memref_squeeze %dma_start3A_182 : memref<1x200x64xf32, #tpu.memory_space<vmem>> -> memref<200x64xf32, #tpu.memory_space<vmem>>
      %dma_start3A_184 = arith.constant 0 : i32
      %dma_start3A_185 = tpu.memref_slice %arg7[%add3A_167, %dma_start3A_184] : memref<50x200xi32, #tpu.memory_space<vmem>> -> memref<1x200xi32, #tpu.memory_space<vmem>>
      %dma_start3A_186 = tpu.memref_squeeze %dma_start3A_185 : memref<1x200xi32, #tpu.memory_space<vmem>> -> memref<200xi32, #tpu.memory_space<vmem>>
      %dma_start3A_187 = arith.constant 0 : i32
      %dma_start3A_188 = arith.constant 0 : i32
      %dma_start3A_189 = tpu.memref_slice %arg9[%dma_start3A_187, %dma_start3A_188] : memref<10240x64xf32, #tpu.memory_space<vmem_shared>> -> memref<10240x64xf32, #tpu.memory_space<vmem_shared>>
      tpu.enqueue_indirect_dma source(%dma_start3A_183 : memref<200x64xf32, #tpu.memory_space<vmem>>) target(%dma_start3A_189 : memref<10240x64xf32, #tpu.memory_space<vmem_shared>>) offsets(%dma_start3A_186 : memref<200xi32, #tpu.memory_space<vmem>>) semaphore(%arg17 : memref<!tpu.dma_semaphore, #tpu.memory_space<semaphore_mem>>) {add = true}
      %ge3A_190 = arith.constant 2 : i32
      %ge3A_191 = arith.cmpi sge, %add3A_167, %ge3A_190 : i32
      %convert_element_type3A_192 = arith.extui %ge3A_191 : i1 to i32
      %cond3A_193 = arith.constant 0 : i32
      %cond3A_194 = arith.cmpi ne, %convert_element_type3A_192, %cond3A_193 : i32
      scf.if %cond3A_194 {
        %sub3A = arith.constant 2 : i32
        %sub3A_279 = arith.subi %add3A_167, %sub3A : i32
        %dma_wait3A_280 = arith.constant 0 : i32
        %dma_wait3A_281 = arith.constant 0 : i32
        %dma_wait3A_282 = arith.constant 0 : i32
        %dma_wait3A_283 = tpu.memref_slice %arg8[%dma_wait3A_280, %dma_wait3A_281, %dma_wait3A_282] : memref<5x200x64xf32, #tpu.memory_space<vmem>> -> memref<1x200x64xf32, #tpu.memory_space<vmem>>
        %dma_wait3A_284 = tpu.memref_squeeze %dma_wait3A_283 : memref<1x200x64xf32, #tpu.memory_space<vmem>> -> memref<200x64xf32, #tpu.memory_space<vmem>>
        %dma_wait3A_285 = arith.constant 0 : i32
        %dma_wait3A_286 = tpu.memref_slice %arg7[%sub3A_279, %dma_wait3A_285] : memref<50x200xi32, #tpu.memory_space<vmem>> -> memref<1x200xi32, #tpu.memory_space<vmem>>
        %dma_wait3A_287 = tpu.memref_squeeze %dma_wait3A_286 : memref<1x200xi32, #tpu.memory_space<vmem>> -> memref<200xi32, #tpu.memory_space<vmem>>
        %dma_wait3A_288 = arith.constant 0 : i32
        %dma_wait3A_289 = arith.constant 0 : i32
        %dma_wait3A_290 = tpu.memref_slice %arg9[%dma_wait3A_288, %dma_wait3A_289] : memref<10240x64xf32, #tpu.memory_space<vmem_shared>> -> memref<10240x64xf32, #tpu.memory_space<vmem_shared>>
        tpu.wait_indirect_dma semaphore(%arg15 : memref<!tpu.dma_semaphore, #tpu.memory_space<semaphore_mem>>) src(%dma_wait3A_284 : memref<200x64xf32, #tpu.memory_space<vmem>>) dst(%dma_wait3A_290 : memref<10240x64xf32, #tpu.memory_space<vmem_shared>>)
      } else {
      }
      %add3A_195 = arith.constant 3 : i32
      %add3A_196 = arith.addi %add3A_167, %add3A_195 : i32
      %lt3A_197 = arith.constant 50 : i32
      %lt3A_198 = arith.cmpi slt, %add3A_196, %lt3A_197 : i32
      %convert_element_type3A_199 = arith.extui %lt3A_198 : i1 to i32
      %cond3A_200 = arith.constant 0 : i32
      %cond3A_201 = arith.cmpi ne, %convert_element_type3A_199, %cond3A_200 : i32
      scf.if %cond3A_201 {
        %add3A_279 = arith.constant 3 : i32
        %add3A_280 = arith.addi %add3A_167, %add3A_279 : i32
        %dma_start3A_281 = arith.constant 0 : i32
        %dma_start3A_282 = arith.constant 0 : i32
        %dma_start3A_283 = arith.constant 0 : i32
        %dma_start3A_284 = tpu.memref_slice %arg8[%dma_start3A_281, %dma_start3A_282, %dma_start3A_283] : memref<5x200x64xf32, #tpu.memory_space<vmem>> -> memref<1x200x64xf32, #tpu.memory_space<vmem>>
        %dma_start3A_285 = tpu.memref_squeeze %dma_start3A_284 : memref<1x200x64xf32, #tpu.memory_space<vmem>> -> memref<200x64xf32, #tpu.memory_space<vmem>>
        %dma_start3A_286 = arith.constant 0 : i32
        %dma_start3A_287 = tpu.memref_slice %arg6[%add3A_280, %dma_start3A_286] : memref<50x200xi32, #tpu.memory_space<vmem>> -> memref<1x200xi32, #tpu.memory_space<vmem>>
        %dma_start3A_288 = tpu.memref_squeeze %dma_start3A_287 : memref<1x200xi32, #tpu.memory_space<vmem>> -> memref<200xi32, #tpu.memory_space<vmem>>
        %dma_start3A_289 = arith.constant 0 : i32
        %dma_start3A_290 = arith.constant 0 : i32
        %dma_start3A_291 = tpu.memref_slice %arg2[%dma_start3A_289, %dma_start3A_290] : memref<10000x64xf32, #tpu.memory_space<hbm>> -> memref<10000x64xf32, #tpu.memory_space<hbm>>
        tpu.enqueue_indirect_dma source(%dma_start3A_291 : memref<10000x64xf32, #tpu.memory_space<hbm>>) target(%dma_start3A_285 : memref<200x64xf32, #tpu.memory_space<vmem>>) offsets(%dma_start3A_288 : memref<200xi32, #tpu.memory_space<vmem>>) semaphore(%arg10 : memref<!tpu.dma_semaphore, #tpu.memory_space<semaphore_mem>>)
      } else {
      }
      %mul3A_202 = arith.constant 5 : i32
      %mul3A_203 = arith.muli %scan3A_90, %mul3A_202 : i32
      %add3A_204 = arith.constant 3 : i32
      %add3A_205 = arith.addi %mul3A_203, %add3A_204 : i32
      %dma_wait3A_206 = arith.constant 3 : i32
      %dma_wait3A_207 = arith.constant 0 : i32
      %dma_wait3A_208 = arith.constant 0 : i32
      %dma_wait3A_209 = tpu.memref_slice %arg8[%dma_wait3A_206, %dma_wait3A_207, %dma_wait3A_208] : memref<5x200x64xf32, #tpu.memory_space<vmem>> -> memref<1x200x64xf32, #tpu.memory_space<vmem>>
      %dma_wait3A_210 = tpu.memref_squeeze %dma_wait3A_209 : memref<1x200x64xf32, #tpu.memory_space<vmem>> -> memref<200x64xf32, #tpu.memory_space<vmem>>
      %dma_wait3A_211 = arith.constant 0 : i32
      %dma_wait3A_212 = tpu.memref_slice %arg6[%add3A_205, %dma_wait3A_211] : memref<50x200xi32, #tpu.memory_space<vmem>> -> memref<1x200xi32, #tpu.memory_space<vmem>>
      %dma_wait3A_213 = tpu.memref_squeeze %dma_wait3A_212 : memref<1x200xi32, #tpu.memory_space<vmem>> -> memref<200xi32, #tpu.memory_space<vmem>>
      %dma_wait3A_214 = arith.constant 0 : i32
      %dma_wait3A_215 = arith.constant 0 : i32
      %dma_wait3A_216 = tpu.memref_slice %arg2[%dma_wait3A_214, %dma_wait3A_215] : memref<10000x64xf32, #tpu.memory_space<hbm>> -> memref<10000x64xf32, #tpu.memory_space<hbm>>
      tpu.wait_indirect_dma semaphore(%arg13 : memref<!tpu.dma_semaphore, #tpu.memory_space<semaphore_mem>>) src(%dma_wait3A_216 : memref<10000x64xf32, #tpu.memory_space<hbm>>) dst(%dma_wait3A_210 : memref<200x64xf32, #tpu.memory_space<vmem>>)
      %dma_start3A_217 = arith.constant 3 : i32
      %dma_start3A_218 = arith.constant 0 : i32
      %dma_start3A_219 = arith.constant 0 : i32
      %dma_start3A_220 = tpu.memref_slice %arg8[%dma_start3A_217, %dma_start3A_218, %dma_start3A_219] : memref<5x200x64xf32, #tpu.memory_space<vmem>> -> memref<1x200x64xf32, #tpu.memory_space<vmem>>
      %dma_start3A_221 = tpu.memref_squeeze %dma_start3A_220 : memref<1x200x64xf32, #tpu.memory_space<vmem>> -> memref<200x64xf32, #tpu.memory_space<vmem>>
      %dma_start3A_222 = arith.constant 0 : i32
      %dma_start3A_223 = tpu.memref_slice %arg7[%add3A_205, %dma_start3A_222] : memref<50x200xi32, #tpu.memory_space<vmem>> -> memref<1x200xi32, #tpu.memory_space<vmem>>
      %dma_start3A_224 = tpu.memref_squeeze %dma_start3A_223 : memref<1x200xi32, #tpu.memory_space<vmem>> -> memref<200xi32, #tpu.memory_space<vmem>>
      %dma_start3A_225 = arith.constant 0 : i32
      %dma_start3A_226 = arith.constant 0 : i32
      %dma_start3A_227 = tpu.memref_slice %arg9[%dma_start3A_225, %dma_start3A_226] : memref<10240x64xf32, #tpu.memory_space<vmem_shared>> -> memref<10240x64xf32, #tpu.memory_space<vmem_shared>>
      tpu.enqueue_indirect_dma source(%dma_start3A_221 : memref<200x64xf32, #tpu.memory_space<vmem>>) target(%dma_start3A_227 : memref<10240x64xf32, #tpu.memory_space<vmem_shared>>) offsets(%dma_start3A_224 : memref<200xi32, #tpu.memory_space<vmem>>) semaphore(%arg18 : memref<!tpu.dma_semaphore, #tpu.memory_space<semaphore_mem>>) {add = true}
      %ge3A_228 = arith.constant 2 : i32
      %ge3A_229 = arith.cmpi sge, %add3A_205, %ge3A_228 : i32
      %convert_element_type3A_230 = arith.extui %ge3A_229 : i1 to i32
      %cond3A_231 = arith.constant 0 : i32
      %cond3A_232 = arith.cmpi ne, %convert_element_type3A_230, %cond3A_231 : i32
      scf.if %cond3A_232 {
        %sub3A = arith.constant 2 : i32
        %sub3A_279 = arith.subi %add3A_205, %sub3A : i32
        %dma_wait3A_280 = arith.constant 1 : i32
        %dma_wait3A_281 = arith.constant 0 : i32
        %dma_wait3A_282 = arith.constant 0 : i32
        %dma_wait3A_283 = tpu.memref_slice %arg8[%dma_wait3A_280, %dma_wait3A_281, %dma_wait3A_282] : memref<5x200x64xf32, #tpu.memory_space<vmem>> -> memref<1x200x64xf32, #tpu.memory_space<vmem>>
        %dma_wait3A_284 = tpu.memref_squeeze %dma_wait3A_283 : memref<1x200x64xf32, #tpu.memory_space<vmem>> -> memref<200x64xf32, #tpu.memory_space<vmem>>
        %dma_wait3A_285 = arith.constant 0 : i32
        %dma_wait3A_286 = tpu.memref_slice %arg7[%sub3A_279, %dma_wait3A_285] : memref<50x200xi32, #tpu.memory_space<vmem>> -> memref<1x200xi32, #tpu.memory_space<vmem>>
        %dma_wait3A_287 = tpu.memref_squeeze %dma_wait3A_286 : memref<1x200xi32, #tpu.memory_space<vmem>> -> memref<200xi32, #tpu.memory_space<vmem>>
        %dma_wait3A_288 = arith.constant 0 : i32
        %dma_wait3A_289 = arith.constant 0 : i32
        %dma_wait3A_290 = tpu.memref_slice %arg9[%dma_wait3A_288, %dma_wait3A_289] : memref<10240x64xf32, #tpu.memory_space<vmem_shared>> -> memref<10240x64xf32, #tpu.memory_space<vmem_shared>>
        tpu.wait_indirect_dma semaphore(%arg16 : memref<!tpu.dma_semaphore, #tpu.memory_space<semaphore_mem>>) src(%dma_wait3A_284 : memref<200x64xf32, #tpu.memory_space<vmem>>) dst(%dma_wait3A_290 : memref<10240x64xf32, #tpu.memory_space<vmem_shared>>)
      } else {
      }
      %add3A_233 = arith.constant 3 : i32
      %add3A_234 = arith.addi %add3A_205, %add3A_233 : i32
      %lt3A_235 = arith.constant 50 : i32
      %lt3A_236 = arith.cmpi slt, %add3A_234, %lt3A_235 : i32
      %convert_element_type3A_237 = arith.extui %lt3A_236 : i1 to i32
      %cond3A_238 = arith.constant 0 : i32
      %cond3A_239 = arith.cmpi ne, %convert_element_type3A_237, %cond3A_238 : i32
      scf.if %cond3A_239 {
        %add3A_279 = arith.constant 3 : i32
        %add3A_280 = arith.addi %add3A_205, %add3A_279 : i32
        %dma_start3A_281 = arith.constant 1 : i32
        %dma_start3A_282 = arith.constant 0 : i32
        %dma_start3A_283 = arith.constant 0 : i32
        %dma_start3A_284 = tpu.memref_slice %arg8[%dma_start3A_281, %dma_start3A_282, %dma_start3A_283] : memref<5x200x64xf32, #tpu.memory_space<vmem>> -> memref<1x200x64xf32, #tpu.memory_space<vmem>>
        %dma_start3A_285 = tpu.memref_squeeze %dma_start3A_284 : memref<1x200x64xf32, #tpu.memory_space<vmem>> -> memref<200x64xf32, #tpu.memory_space<vmem>>
        %dma_start3A_286 = arith.constant 0 : i32
        %dma_start3A_287 = tpu.memref_slice %arg6[%add3A_280, %dma_start3A_286] : memref<50x200xi32, #tpu.memory_space<vmem>> -> memref<1x200xi32, #tpu.memory_space<vmem>>
        %dma_start3A_288 = tpu.memref_squeeze %dma_start3A_287 : memref<1x200xi32, #tpu.memory_space<vmem>> -> memref<200xi32, #tpu.memory_space<vmem>>
        %dma_start3A_289 = arith.constant 0 : i32
        %dma_start3A_290 = arith.constant 0 : i32
        %dma_start3A_291 = tpu.memref_slice %arg2[%dma_start3A_289, %dma_start3A_290] : memref<10000x64xf32, #tpu.memory_space<hbm>> -> memref<10000x64xf32, #tpu.memory_space<hbm>>
        tpu.enqueue_indirect_dma source(%dma_start3A_291 : memref<10000x64xf32, #tpu.memory_space<hbm>>) target(%dma_start3A_285 : memref<200x64xf32, #tpu.memory_space<vmem>>) offsets(%dma_start3A_288 : memref<200xi32, #tpu.memory_space<vmem>>) semaphore(%arg11 : memref<!tpu.dma_semaphore, #tpu.memory_space<semaphore_mem>>)
      } else {
      }
      %mul3A_240 = arith.constant 5 : i32
      %mul3A_241 = arith.muli %scan3A_90, %mul3A_240 : i32
      %add3A_242 = arith.constant 4 : i32
      %add3A_243 = arith.addi %mul3A_241, %add3A_242 : i32
      %dma_wait3A_244 = arith.constant 4 : i32
      %dma_wait3A_245 = arith.constant 0 : i32
      %dma_wait3A_246 = arith.constant 0 : i32
      %dma_wait3A_247 = tpu.memref_slice %arg8[%dma_wait3A_244, %dma_wait3A_245, %dma_wait3A_246] : memref<5x200x64xf32, #tpu.memory_space<vmem>> -> memref<1x200x64xf32, #tpu.memory_space<vmem>>
      %dma_wait3A_248 = tpu.memref_squeeze %dma_wait3A_247 : memref<1x200x64xf32, #tpu.memory_space<vmem>> -> memref<200x64xf32, #tpu.memory_space<vmem>>
      %dma_wait3A_249 = arith.constant 0 : i32
      %dma_wait3A_250 = tpu.memref_slice %arg6[%add3A_243, %dma_wait3A_249] : memref<50x200xi32, #tpu.memory_space<vmem>> -> memref<1x200xi32, #tpu.memory_space<vmem>>
      %dma_wait3A_251 = tpu.memref_squeeze %dma_wait3A_250 : memref<1x200xi32, #tpu.memory_space<vmem>> -> memref<200xi32, #tpu.memory_space<vmem>>
      %dma_wait3A_252 = arith.constant 0 : i32
      %dma_wait3A_253 = arith.constant 0 : i32
      %dma_wait3A_254 = tpu.memref_slice %arg2[%dma_wait3A_252, %dma_wait3A_253] : memref<10000x64xf32, #tpu.memory_space<hbm>> -> memref<10000x64xf32, #tpu.memory_space<hbm>>
      tpu.wait_indirect_dma semaphore(%arg14 : memref<!tpu.dma_semaphore, #tpu.memory_space<semaphore_mem>>) src(%dma_wait3A_254 : memref<10000x64xf32, #tpu.memory_space<hbm>>) dst(%dma_wait3A_248 : memref<200x64xf32, #tpu.memory_space<vmem>>)
      %dma_start3A_255 = arith.constant 4 : i32
      %dma_start3A_256 = arith.constant 0 : i32
      %dma_start3A_257 = arith.constant 0 : i32
      %dma_start3A_258 = tpu.memref_slice %arg8[%dma_start3A_255, %dma_start3A_256, %dma_start3A_257] : memref<5x200x64xf32, #tpu.memory_space<vmem>> -> memref<1x200x64xf32, #tpu.memory_space<vmem>>
      %dma_start3A_259 = tpu.memref_squeeze %dma_start3A_258 : memref<1x200x64xf32, #tpu.memory_space<vmem>> -> memref<200x64xf32, #tpu.memory_space<vmem>>
      %dma_start3A_260 = arith.constant 0 : i32
      %dma_start3A_261 = tpu.memref_slice %arg7[%add3A_243, %dma_start3A_260] : memref<50x200xi32, #tpu.memory_space<vmem>> -> memref<1x200xi32, #tpu.memory_space<vmem>>
      %dma_start3A_262 = tpu.memref_squeeze %dma_start3A_261 : memref<1x200xi32, #tpu.memory_space<vmem>> -> memref<200xi32, #tpu.memory_space<vmem>>
      %dma_start3A_263 = arith.constant 0 : i32
      %dma_start3A_264 = arith.constant 0 : i32
      %dma_start3A_265 = tpu.memref_slice %arg9[%dma_start3A_263, %dma_start3A_264] : memref<10240x64xf32, #tpu.memory_space<vmem_shared>> -> memref<10240x64xf32, #tpu.memory_space<vmem_shared>>
      tpu.enqueue_indirect_dma source(%dma_start3A_259 : memref<200x64xf32, #tpu.memory_space<vmem>>) target(%dma_start3A_265 : memref<10240x64xf32, #tpu.memory_space<vmem_shared>>) offsets(%dma_start3A_262 : memref<200xi32, #tpu.memory_space<vmem>>) semaphore(%arg19 : memref<!tpu.dma_semaphore, #tpu.memory_space<semaphore_mem>>) {add = true}
      %ge3A_266 = arith.constant 2 : i32
      %ge3A_267 = arith.cmpi sge, %add3A_243, %ge3A_266 : i32
      %convert_element_type3A_268 = arith.extui %ge3A_267 : i1 to i32
      %cond3A_269 = arith.constant 0 : i32
      %cond3A_270 = arith.cmpi ne, %convert_element_type3A_268, %cond3A_269 : i32
      scf.if %cond3A_270 {
        %sub3A = arith.constant 2 : i32
        %sub3A_279 = arith.subi %add3A_243, %sub3A : i32
        %dma_wait3A_280 = arith.constant 2 : i32
        %dma_wait3A_281 = arith.constant 0 : i32
        %dma_wait3A_282 = arith.constant 0 : i32
        %dma_wait3A_283 = tpu.memref_slice %arg8[%dma_wait3A_280, %dma_wait3A_281, %dma_wait3A_282] : memref<5x200x64xf32, #tpu.memory_space<vmem>> -> memref<1x200x64xf32, #tpu.memory_space<vmem>>
        %dma_wait3A_284 = tpu.memref_squeeze %dma_wait3A_283 : memref<1x200x64xf32, #tpu.memory_space<vmem>> -> memref<200x64xf32, #tpu.memory_space<vmem>>
        %dma_wait3A_285 = arith.constant 0 : i32
        %dma_wait3A_286 = tpu.memref_slice %arg7[%sub3A_279, %dma_wait3A_285] : memref<50x200xi32, #tpu.memory_space<vmem>> -> memref<1x200xi32, #tpu.memory_space<vmem>>
        %dma_wait3A_287 = tpu.memref_squeeze %dma_wait3A_286 : memref<1x200xi32, #tpu.memory_space<vmem>> -> memref<200xi32, #tpu.memory_space<vmem>>
        %dma_wait3A_288 = arith.constant 0 : i32
        %dma_wait3A_289 = arith.constant 0 : i32
        %dma_wait3A_290 = tpu.memref_slice %arg9[%dma_wait3A_288, %dma_wait3A_289] : memref<10240x64xf32, #tpu.memory_space<vmem_shared>> -> memref<10240x64xf32, #tpu.memory_space<vmem_shared>>
        tpu.wait_indirect_dma semaphore(%arg17 : memref<!tpu.dma_semaphore, #tpu.memory_space<semaphore_mem>>) src(%dma_wait3A_284 : memref<200x64xf32, #tpu.memory_space<vmem>>) dst(%dma_wait3A_290 : memref<10240x64xf32, #tpu.memory_space<vmem_shared>>)
      } else {
      }
      %add3A_271 = arith.constant 3 : i32
      %add3A_272 = arith.addi %add3A_243, %add3A_271 : i32
      %lt3A_273 = arith.constant 50 : i32
      %lt3A_274 = arith.cmpi slt, %add3A_272, %lt3A_273 : i32
      %convert_element_type3A_275 = arith.extui %lt3A_274 : i1 to i32
      %cond3A_276 = arith.constant 0 : i32
      %cond3A_277 = arith.cmpi ne, %convert_element_type3A_275, %cond3A_276 : i32
      scf.if %cond3A_277 {
        %add3A_279 = arith.constant 3 : i32
        %add3A_280 = arith.addi %add3A_243, %add3A_279 : i32
        %dma_start3A_281 = arith.constant 2 : i32
        %dma_start3A_282 = arith.constant 0 : i32
        %dma_start3A_283 = arith.constant 0 : i32
        %dma_start3A_284 = tpu.memref_slice %arg8[%dma_start3A_281, %dma_start3A_282, %dma_start3A_283] : memref<5x200x64xf32, #tpu.memory_space<vmem>> -> memref<1x200x64xf32, #tpu.memory_space<vmem>>
        %dma_start3A_285 = tpu.memref_squeeze %dma_start3A_284 : memref<1x200x64xf32, #tpu.memory_space<vmem>> -> memref<200x64xf32, #tpu.memory_space<vmem>>
        %dma_start3A_286 = arith.constant 0 : i32
        %dma_start3A_287 = tpu.memref_slice %arg6[%add3A_280, %dma_start3A_286] : memref<50x200xi32, #tpu.memory_space<vmem>> -> memref<1x200xi32, #tpu.memory_space<vmem>>
        %dma_start3A_288 = tpu.memref_squeeze %dma_start3A_287 : memref<1x200xi32, #tpu.memory_space<vmem>> -> memref<200xi32, #tpu.memory_space<vmem>>
        %dma_start3A_289 = arith.constant 0 : i32
        %dma_start3A_290 = arith.constant 0 : i32
        %dma_start3A_291 = tpu.memref_slice %arg2[%dma_start3A_289, %dma_start3A_290] : memref<10000x64xf32, #tpu.memory_space<hbm>> -> memref<10000x64xf32, #tpu.memory_space<hbm>>
        tpu.enqueue_indirect_dma source(%dma_start3A_291 : memref<10000x64xf32, #tpu.memory_space<hbm>>) target(%dma_start3A_285 : memref<200x64xf32, #tpu.memory_space<vmem>>) offsets(%dma_start3A_288 : memref<200xi32, #tpu.memory_space<vmem>>) semaphore(%arg12 : memref<!tpu.dma_semaphore, #tpu.memory_space<semaphore_mem>>)
      } else {
      }
      %scan3A_278 = arith.constant 0 : i32
      scf.yield %scan3A_278 : i32
    }
    %scan3A_61 = arith.constant 10 : i32
    %dma_wait3A = arith.constant 3 : i32
    %dma_wait3A_62 = arith.constant 48 : i32
    %dma_wait3A_63 = arith.constant 0 : i32
    %dma_wait3A_64 = arith.constant 0 : i32
    %dma_wait3A_65 = tpu.memref_slice %arg8[%dma_wait3A, %dma_wait3A_63, %dma_wait3A_64] : memref<5x200x64xf32, #tpu.memory_space<vmem>> -> memref<1x200x64xf32, #tpu.memory_space<vmem>>
    %dma_wait3A_66 = tpu.memref_squeeze %dma_wait3A_65 : memref<1x200x64xf32, #tpu.memory_space<vmem>> -> memref<200x64xf32, #tpu.memory_space<vmem>>
    %dma_wait3A_67 = arith.constant 0 : i32
    %dma_wait3A_68 = tpu.memref_slice %arg7[%dma_wait3A_62, %dma_wait3A_67] : memref<50x200xi32, #tpu.memory_space<vmem>> -> memref<1x200xi32, #tpu.memory_space<vmem>>
    %dma_wait3A_69 = tpu.memref_squeeze %dma_wait3A_68 : memref<1x200xi32, #tpu.memory_space<vmem>> -> memref<200xi32, #tpu.memory_space<vmem>>
    %dma_wait3A_70 = arith.constant 0 : i32
    %dma_wait3A_71 = arith.constant 0 : i32
    %dma_wait3A_72 = tpu.memref_slice %arg9[%dma_wait3A_70, %dma_wait3A_71] : memref<10240x64xf32, #tpu.memory_space<vmem_shared>> -> memref<10240x64xf32, #tpu.memory_space<vmem_shared>>
    tpu.wait_indirect_dma semaphore(%arg18 : memref<!tpu.dma_semaphore, #tpu.memory_space<semaphore_mem>>) src(%dma_wait3A_66 : memref<200x64xf32, #tpu.memory_space<vmem>>) dst(%dma_wait3A_72 : memref<10240x64xf32, #tpu.memory_space<vmem_shared>>)
    %dma_wait3A_73 = arith.constant 4 : i32
    %dma_wait3A_74 = arith.constant 49 : i32
    %dma_wait3A_75 = arith.constant 0 : i32
    %dma_wait3A_76 = arith.constant 0 : i32
    %dma_wait3A_77 = tpu.memref_slice %arg8[%dma_wait3A_73, %dma_wait3A_75, %dma_wait3A_76] : memref<5x200x64xf32, #tpu.memory_space<vmem>> -> memref<1x200x64xf32, #tpu.memory_space<vmem>>
    %dma_wait3A_78 = tpu.memref_squeeze %dma_wait3A_77 : memref<1x200x64xf32, #tpu.memory_space<vmem>> -> memref<200x64xf32, #tpu.memory_space<vmem>>
    %dma_wait3A_79 = arith.constant 0 : i32
    %dma_wait3A_80 = tpu.memref_slice %arg7[%dma_wait3A_74, %dma_wait3A_79] : memref<50x200xi32, #tpu.memory_space<vmem>> -> memref<1x200xi32, #tpu.memory_space<vmem>>
    %dma_wait3A_81 = tpu.memref_squeeze %dma_wait3A_80 : memref<1x200xi32, #tpu.memory_space<vmem>> -> memref<200xi32, #tpu.memory_space<vmem>>
    %dma_wait3A_82 = arith.constant 0 : i32
    %dma_wait3A_83 = arith.constant 0 : i32
    %dma_wait3A_84 = tpu.memref_slice %arg9[%dma_wait3A_82, %dma_wait3A_83] : memref<10240x64xf32, #tpu.memory_space<vmem_shared>> -> memref<10240x64xf32, #tpu.memory_space<vmem_shared>>
    tpu.wait_indirect_dma semaphore(%arg19 : memref<!tpu.dma_semaphore, #tpu.memory_space<semaphore_mem>>) src(%dma_wait3A_78 : memref<200x64xf32, #tpu.memory_space<vmem>>) dst(%dma_wait3A_84 : memref<10240x64xf32, #tpu.memory_space<vmem_shared>>)
    %barrier3A_85 = arith.constant 0 : index
    tpu.barrier barrier_id(%barrier3A_85)
    %mul3A_86 = arith.constant 640 : i32
    %mul3A_87 = arith.muli %arg1, %mul3A_86 : i32
    %mul3A_88 = arith.constant 640 : i32
    %mul3A_89 = arith.muli %arg1, %mul3A_88 : i32
    "tpu.region"() ({
      %run_scoped3A_90 = tpu.sem_alloc : memref<!tpu.dma_semaphore, #tpu.memory_space<semaphore_mem>>
      %dma_start3A_91 = arith.constant 0 : i32
      %dma_start3A_92 = tpu.memref_slice %arg5[%arg0, %mul3A_89, %dma_start3A_91] : memref<2x10240x64xf32, #tpu.memory_space<hbm>> -> memref<1x640x64xf32, #tpu.memory_space<hbm>>
      %dma_start3A_93 = tpu.memref_squeeze %dma_start3A_92 : memref<1x640x64xf32, #tpu.memory_space<hbm>> -> memref<640x64xf32, #tpu.memory_space<hbm>>
      %dma_start3A_94 = arith.constant 0 : i32
      %dma_start3A_95 = tpu.memref_slice %arg9[%mul3A_87, %dma_start3A_94] : memref<10240x64xf32, #tpu.memory_space<vmem_shared>> -> memref<640x64xf32, #tpu.memory_space<vmem_shared>>
      tpu.enqueue_dma source(%dma_start3A_95 : memref<640x64xf32, #tpu.memory_space<vmem_shared>>) target(%dma_start3A_93 : memref<640x64xf32, #tpu.memory_space<hbm>>) target_semaphore(%run_scoped3A_90 : memref<!tpu.dma_semaphore, #tpu.memory_space<semaphore_mem>>)
      %dma_wait3A_96 = arith.constant 0 : i32
      %dma_wait3A_97 = tpu.memref_slice %arg5[%arg0, %mul3A_89, %dma_wait3A_96] : memref<2x10240x64xf32, #tpu.memory_space<hbm>> -> memref<1x640x64xf32, #tpu.memory_space<hbm>>
      %dma_wait3A_98 = tpu.memref_squeeze %dma_wait3A_97 : memref<1x640x64xf32, #tpu.memory_space<hbm>> -> memref<640x64xf32, #tpu.memory_space<hbm>>
      %dma_wait3A_99 = arith.constant 0 : i32
      %dma_wait3A_100 = tpu.memref_slice %arg9[%mul3A_87, %dma_wait3A_99] : memref<10240x64xf32, #tpu.memory_space<vmem_shared>> -> memref<640x64xf32, #tpu.memory_space<vmem_shared>>
      tpu.wait_dma2 semaphore(%run_scoped3A_90 : memref<!tpu.dma_semaphore, #tpu.memory_space<semaphore_mem>>) src(%dma_wait3A_100 : memref<640x64xf32, #tpu.memory_space<vmem_shared>>) dst(%dma_wait3A_98 : memref<640x64xf32, #tpu.memory_space<hbm>>)
      tpu.yield
    }) : () -> ()
    return
  }
}

#map = affine_map<(d0, d1) -> (0, 0)>
#map1 = affine_map<(d0, d1) -> (0, 0, 0)>
module attributes {stable_mosaic.version = 14 : i64} {
  func.func @k(%arg0: i32, %arg1: i32, %arg2: memref<10000x64xf32, #tpu.memory_space<hbm>>, %arg3: memref<10000x64xf32, #tpu.memory_space<hbm>>, %arg4: memref<32x125x80xi32, #tpu.memory_space<hbm>>, %arg5: memref<32x125x80xi32, #tpu.memory_space<hbm>>, %arg6: memref<320000x128xf32, #tpu.memory_space<hbm>>, %arg7: memref<125x80xi32, #tpu.memory_space<vmem>>, %arg8: memref<125x80xi32, #tpu.memory_space<vmem>>, %arg9: memref<5x80x64xf32, #tpu.memory_space<vmem>>, %arg10: memref<5x80x64xf32, #tpu.memory_space<vmem>>, %arg11: memref<!tpu.dma_semaphore, #tpu.memory_space<semaphore_mem>>, %arg12: memref<!tpu.dma_semaphore, #tpu.memory_space<semaphore_mem>>, %arg13: memref<!tpu.dma_semaphore, #tpu.memory_space<semaphore_mem>>, %arg14: memref<!tpu.dma_semaphore, #tpu.memory_space<semaphore_mem>>, %arg15: memref<!tpu.dma_semaphore, #tpu.memory_space<semaphore_mem>>, %arg16: memref<!tpu.dma_semaphore, #tpu.memory_space<semaphore_mem>>, %arg17: memref<!tpu.dma_semaphore, #tpu.memory_space<semaphore_mem>>, %arg18: memref<!tpu.dma_semaphore, #tpu.memory_space<semaphore_mem>>, %arg19: memref<!tpu.dma_semaphore, #tpu.memory_space<semaphore_mem>>, %arg20: memref<!tpu.dma_semaphore, #tpu.memory_space<semaphore_mem>>) attributes {dimension_semantics = [#tpu.dimension_semantics<core_parallel>, #tpu.dimension_semantics<subcore_parallel>], iteration_bounds = array<i64: 2, 16>, scalar_prefetch = 0 : i64, scratch_operands = 14 : i64, tpu.core_type = #tpu.core_type<sc_vector_subcore>, window_params = [{transform_indices = #map}, {transform_indices = #map}, {transform_indices = #map1}, {transform_indices = #map1}, {transform_indices = #map}]} {
    %mul3A = arith.constant 16 : i32
    %mul3A_0 = arith.muli %arg0, %mul3A : i32
    %add3A = arith.addi %mul3A_0, %arg1 : i32
    "tpu.region"() ({
      %run_scoped3A = tpu.sem_alloc : memref<!tpu.dma_semaphore, #tpu.memory_space<semaphore_mem>>
      %dma_start3A_137 = arith.constant 0 : i32
      %dma_start3A_138 = arith.constant 0 : i32
      %dma_start3A_139 = tpu.memref_slice %arg4[%add3A, %dma_start3A_137, %dma_start3A_138] : memref<32x125x80xi32, #tpu.memory_space<hbm>> -> memref<1x125x80xi32, #tpu.memory_space<hbm>>
      %dma_start3A_140 = tpu.memref_squeeze %dma_start3A_139 : memref<1x125x80xi32, #tpu.memory_space<hbm>> -> memref<125x80xi32, #tpu.memory_space<hbm>>
      %dma_start3A_141 = arith.constant 0 : i32
      %dma_start3A_142 = arith.constant 0 : i32
      %dma_start3A_143 = tpu.memref_slice %arg4[%add3A, %dma_start3A_141, %dma_start3A_142] : memref<32x125x80xi32, #tpu.memory_space<hbm>> -> memref<1x125x80xi32, #tpu.memory_space<hbm>>
      %dma_start3A_144 = tpu.memref_squeeze %dma_start3A_143 : memref<1x125x80xi32, #tpu.memory_space<hbm>> -> memref<125x80xi32, #tpu.memory_space<hbm>>
      tpu.enqueue_dma source(%dma_start3A_144 : memref<125x80xi32, #tpu.memory_space<hbm>>) target(%arg7 : memref<125x80xi32, #tpu.memory_space<vmem>>) target_semaphore(%run_scoped3A : memref<!tpu.dma_semaphore, #tpu.memory_space<semaphore_mem>>)
      %dma_wait3A_145 = arith.constant 0 : i32
      %dma_wait3A_146 = arith.constant 0 : i32
      %dma_wait3A_147 = tpu.memref_slice %arg4[%add3A, %dma_wait3A_145, %dma_wait3A_146] : memref<32x125x80xi32, #tpu.memory_space<hbm>> -> memref<1x125x80xi32, #tpu.memory_space<hbm>>
      %dma_wait3A_148 = tpu.memref_squeeze %dma_wait3A_147 : memref<1x125x80xi32, #tpu.memory_space<hbm>> -> memref<125x80xi32, #tpu.memory_space<hbm>>
      %dma_wait3A_149 = arith.constant 0 : i32
      %dma_wait3A_150 = arith.constant 0 : i32
      %dma_wait3A_151 = tpu.memref_slice %arg4[%add3A, %dma_wait3A_149, %dma_wait3A_150] : memref<32x125x80xi32, #tpu.memory_space<hbm>> -> memref<1x125x80xi32, #tpu.memory_space<hbm>>
      %dma_wait3A_152 = tpu.memref_squeeze %dma_wait3A_151 : memref<1x125x80xi32, #tpu.memory_space<hbm>> -> memref<125x80xi32, #tpu.memory_space<hbm>>
      tpu.wait_dma2 semaphore(%run_scoped3A : memref<!tpu.dma_semaphore, #tpu.memory_space<semaphore_mem>>) src(%dma_wait3A_152 : memref<125x80xi32, #tpu.memory_space<hbm>>) dst(%arg7 : memref<125x80xi32, #tpu.memory_space<vmem>>)
      tpu.yield
    }) : () -> ()
    "tpu.region"() ({
      %run_scoped3A = tpu.sem_alloc : memref<!tpu.dma_semaphore, #tpu.memory_space<semaphore_mem>>
      %dma_start3A_137 = arith.constant 0 : i32
      %dma_start3A_138 = arith.constant 0 : i32
      %dma_start3A_139 = tpu.memref_slice %arg5[%add3A, %dma_start3A_137, %dma_start3A_138] : memref<32x125x80xi32, #tpu.memory_space<hbm>> -> memref<1x125x80xi32, #tpu.memory_space<hbm>>
      %dma_start3A_140 = tpu.memref_squeeze %dma_start3A_139 : memref<1x125x80xi32, #tpu.memory_space<hbm>> -> memref<125x80xi32, #tpu.memory_space<hbm>>
      %dma_start3A_141 = arith.constant 0 : i32
      %dma_start3A_142 = arith.constant 0 : i32
      %dma_start3A_143 = tpu.memref_slice %arg5[%add3A, %dma_start3A_141, %dma_start3A_142] : memref<32x125x80xi32, #tpu.memory_space<hbm>> -> memref<1x125x80xi32, #tpu.memory_space<hbm>>
      %dma_start3A_144 = tpu.memref_squeeze %dma_start3A_143 : memref<1x125x80xi32, #tpu.memory_space<hbm>> -> memref<125x80xi32, #tpu.memory_space<hbm>>
      tpu.enqueue_dma source(%dma_start3A_144 : memref<125x80xi32, #tpu.memory_space<hbm>>) target(%arg8 : memref<125x80xi32, #tpu.memory_space<vmem>>) target_semaphore(%run_scoped3A : memref<!tpu.dma_semaphore, #tpu.memory_space<semaphore_mem>>)
      %dma_wait3A_145 = arith.constant 0 : i32
      %dma_wait3A_146 = arith.constant 0 : i32
      %dma_wait3A_147 = tpu.memref_slice %arg5[%add3A, %dma_wait3A_145, %dma_wait3A_146] : memref<32x125x80xi32, #tpu.memory_space<hbm>> -> memref<1x125x80xi32, #tpu.memory_space<hbm>>
      %dma_wait3A_148 = tpu.memref_squeeze %dma_wait3A_147 : memref<1x125x80xi32, #tpu.memory_space<hbm>> -> memref<125x80xi32, #tpu.memory_space<hbm>>
      %dma_wait3A_149 = arith.constant 0 : i32
      %dma_wait3A_150 = arith.constant 0 : i32
      %dma_wait3A_151 = tpu.memref_slice %arg5[%add3A, %dma_wait3A_149, %dma_wait3A_150] : memref<32x125x80xi32, #tpu.memory_space<hbm>> -> memref<1x125x80xi32, #tpu.memory_space<hbm>>
      %dma_wait3A_152 = tpu.memref_squeeze %dma_wait3A_151 : memref<1x125x80xi32, #tpu.memory_space<hbm>> -> memref<125x80xi32, #tpu.memory_space<hbm>>
      tpu.wait_dma2 semaphore(%run_scoped3A : memref<!tpu.dma_semaphore, #tpu.memory_space<semaphore_mem>>) src(%dma_wait3A_152 : memref<125x80xi32, #tpu.memory_space<hbm>>) dst(%arg8 : memref<125x80xi32, #tpu.memory_space<vmem>>)
      tpu.yield
    }) : () -> ()
    %dma_start3A = arith.constant 0 : i32
    %dma_start3A_1 = arith.constant 0 : i32
    %dma_start3A_2 = arith.constant 0 : i32
    %dma_start3A_3 = arith.constant 0 : i32
    %dma_start3A_4 = tpu.memref_slice %arg9[%dma_start3A_1, %dma_start3A_2, %dma_start3A_3] : memref<5x80x64xf32, #tpu.memory_space<vmem>> -> memref<1x80x64xf32, #tpu.memory_space<vmem>>
    %dma_start3A_5 = tpu.memref_squeeze %dma_start3A_4 : memref<1x80x64xf32, #tpu.memory_space<vmem>> -> memref<80x64xf32, #tpu.memory_space<vmem>>
    %dma_start3A_6 = arith.constant 0 : i32
    %dma_start3A_7 = tpu.memref_slice %arg7[%dma_start3A, %dma_start3A_6] : memref<125x80xi32, #tpu.memory_space<vmem>> -> memref<1x80xi32, #tpu.memory_space<vmem>>
    %dma_start3A_8 = tpu.memref_squeeze %dma_start3A_7 : memref<1x80xi32, #tpu.memory_space<vmem>> -> memref<80xi32, #tpu.memory_space<vmem>>
    %dma_start3A_9 = arith.constant 0 : i32
    %dma_start3A_10 = arith.constant 0 : i32
    %dma_start3A_11 = tpu.memref_slice %arg2[%dma_start3A_9, %dma_start3A_10] : memref<10000x64xf32, #tpu.memory_space<hbm>> -> memref<10000x64xf32, #tpu.memory_space<hbm>>
    tpu.enqueue_indirect_dma source(%dma_start3A_11 : memref<10000x64xf32, #tpu.memory_space<hbm>>) target(%dma_start3A_5 : memref<80x64xf32, #tpu.memory_space<vmem>>) offsets(%dma_start3A_8 : memref<80xi32, #tpu.memory_space<vmem>>) semaphore(%arg11 : memref<!tpu.dma_semaphore, #tpu.memory_space<semaphore_mem>>)
    %dma_start3A_12 = arith.constant 0 : i32
    %dma_start3A_13 = arith.constant 0 : i32
    %dma_start3A_14 = arith.constant 0 : i32
    %dma_start3A_15 = arith.constant 0 : i32
    %dma_start3A_16 = tpu.memref_slice %arg10[%dma_start3A_13, %dma_start3A_14, %dma_start3A_15] : memref<5x80x64xf32, #tpu.memory_space<vmem>> -> memref<1x80x64xf32, #tpu.memory_space<vmem>>
    %dma_start3A_17 = tpu.memref_squeeze %dma_start3A_16 : memref<1x80x64xf32, #tpu.memory_space<vmem>> -> memref<80x64xf32, #tpu.memory_space<vmem>>
    %dma_start3A_18 = arith.constant 0 : i32
    %dma_start3A_19 = tpu.memref_slice %arg8[%dma_start3A_12, %dma_start3A_18] : memref<125x80xi32, #tpu.memory_space<vmem>> -> memref<1x80xi32, #tpu.memory_space<vmem>>
    %dma_start3A_20 = tpu.memref_squeeze %dma_start3A_19 : memref<1x80xi32, #tpu.memory_space<vmem>> -> memref<80xi32, #tpu.memory_space<vmem>>
    %dma_start3A_21 = arith.constant 0 : i32
    %dma_start3A_22 = arith.constant 0 : i32
    %dma_start3A_23 = tpu.memref_slice %arg3[%dma_start3A_21, %dma_start3A_22] : memref<10000x64xf32, #tpu.memory_space<hbm>> -> memref<10000x64xf32, #tpu.memory_space<hbm>>
    tpu.enqueue_indirect_dma source(%dma_start3A_23 : memref<10000x64xf32, #tpu.memory_space<hbm>>) target(%dma_start3A_17 : memref<80x64xf32, #tpu.memory_space<vmem>>) offsets(%dma_start3A_20 : memref<80xi32, #tpu.memory_space<vmem>>) semaphore(%arg11 : memref<!tpu.dma_semaphore, #tpu.memory_space<semaphore_mem>>)
    %dma_start3A_24 = arith.constant 1 : i32
    %dma_start3A_25 = arith.constant 1 : i32
    %dma_start3A_26 = arith.constant 0 : i32
    %dma_start3A_27 = arith.constant 0 : i32
    %dma_start3A_28 = tpu.memref_slice %arg9[%dma_start3A_25, %dma_start3A_26, %dma_start3A_27] : memref<5x80x64xf32, #tpu.memory_space<vmem>> -> memref<1x80x64xf32, #tpu.memory_space<vmem>>
    %dma_start3A_29 = tpu.memref_squeeze %dma_start3A_28 : memref<1x80x64xf32, #tpu.memory_space<vmem>> -> memref<80x64xf32, #tpu.memory_space<vmem>>
    %dma_start3A_30 = arith.constant 0 : i32
    %dma_start3A_31 = tpu.memref_slice %arg7[%dma_start3A_24, %dma_start3A_30] : memref<125x80xi32, #tpu.memory_space<vmem>> -> memref<1x80xi32, #tpu.memory_space<vmem>>
    %dma_start3A_32 = tpu.memref_squeeze %dma_start3A_31 : memref<1x80xi32, #tpu.memory_space<vmem>> -> memref<80xi32, #tpu.memory_space<vmem>>
    %dma_start3A_33 = arith.constant 0 : i32
    %dma_start3A_34 = arith.constant 0 : i32
    %dma_start3A_35 = tpu.memref_slice %arg2[%dma_start3A_33, %dma_start3A_34] : memref<10000x64xf32, #tpu.memory_space<hbm>> -> memref<10000x64xf32, #tpu.memory_space<hbm>>
    tpu.enqueue_indirect_dma source(%dma_start3A_35 : memref<10000x64xf32, #tpu.memory_space<hbm>>) target(%dma_start3A_29 : memref<80x64xf32, #tpu.memory_space<vmem>>) offsets(%dma_start3A_32 : memref<80xi32, #tpu.memory_space<vmem>>) semaphore(%arg12 : memref<!tpu.dma_semaphore, #tpu.memory_space<semaphore_mem>>)
    %dma_start3A_36 = arith.constant 1 : i32
    %dma_start3A_37 = arith.constant 1 : i32
    %dma_start3A_38 = arith.constant 0 : i32
    %dma_start3A_39 = arith.constant 0 : i32
    %dma_start3A_40 = tpu.memref_slice %arg10[%dma_start3A_37, %dma_start3A_38, %dma_start3A_39] : memref<5x80x64xf32, #tpu.memory_space<vmem>> -> memref<1x80x64xf32, #tpu.memory_space<vmem>>
    %dma_start3A_41 = tpu.memref_squeeze %dma_start3A_40 : memref<1x80x64xf32, #tpu.memory_space<vmem>> -> memref<80x64xf32, #tpu.memory_space<vmem>>
    %dma_start3A_42 = arith.constant 0 : i32
    %dma_start3A_43 = tpu.memref_slice %arg8[%dma_start3A_36, %dma_start3A_42] : memref<125x80xi32, #tpu.memory_space<vmem>> -> memref<1x80xi32, #tpu.memory_space<vmem>>
    %dma_start3A_44 = tpu.memref_squeeze %dma_start3A_43 : memref<1x80xi32, #tpu.memory_space<vmem>> -> memref<80xi32, #tpu.memory_space<vmem>>
    %dma_start3A_45 = arith.constant 0 : i32
    %dma_start3A_46 = arith.constant 0 : i32
    %dma_start3A_47 = tpu.memref_slice %arg3[%dma_start3A_45, %dma_start3A_46] : memref<10000x64xf32, #tpu.memory_space<hbm>> -> memref<10000x64xf32, #tpu.memory_space<hbm>>
    tpu.enqueue_indirect_dma source(%dma_start3A_47 : memref<10000x64xf32, #tpu.memory_space<hbm>>) target(%dma_start3A_41 : memref<80x64xf32, #tpu.memory_space<vmem>>) offsets(%dma_start3A_44 : memref<80xi32, #tpu.memory_space<vmem>>) semaphore(%arg12 : memref<!tpu.dma_semaphore, #tpu.memory_space<semaphore_mem>>)
    %dma_start3A_48 = arith.constant 2 : i32
    %dma_start3A_49 = arith.constant 2 : i32
    %dma_start3A_50 = arith.constant 0 : i32
    %dma_start3A_51 = arith.constant 0 : i32
    %dma_start3A_52 = tpu.memref_slice %arg9[%dma_start3A_49, %dma_start3A_50, %dma_start3A_51] : memref<5x80x64xf32, #tpu.memory_space<vmem>> -> memref<1x80x64xf32, #tpu.memory_space<vmem>>
    %dma_start3A_53 = tpu.memref_squeeze %dma_start3A_52 : memref<1x80x64xf32, #tpu.memory_space<vmem>> -> memref<80x64xf32, #tpu.memory_space<vmem>>
    %dma_start3A_54 = arith.constant 0 : i32
    %dma_start3A_55 = tpu.memref_slice %arg7[%dma_start3A_48, %dma_start3A_54] : memref<125x80xi32, #tpu.memory_space<vmem>> -> memref<1x80xi32, #tpu.memory_space<vmem>>
    %dma_start3A_56 = tpu.memref_squeeze %dma_start3A_55 : memref<1x80xi32, #tpu.memory_space<vmem>> -> memref<80xi32, #tpu.memory_space<vmem>>
    %dma_start3A_57 = arith.constant 0 : i32
    %dma_start3A_58 = arith.constant 0 : i32
    %dma_start3A_59 = tpu.memref_slice %arg2[%dma_start3A_57, %dma_start3A_58] : memref<10000x64xf32, #tpu.memory_space<hbm>> -> memref<10000x64xf32, #tpu.memory_space<hbm>>
    tpu.enqueue_indirect_dma source(%dma_start3A_59 : memref<10000x64xf32, #tpu.memory_space<hbm>>) target(%dma_start3A_53 : memref<80x64xf32, #tpu.memory_space<vmem>>) offsets(%dma_start3A_56 : memref<80xi32, #tpu.memory_space<vmem>>) semaphore(%arg13 : memref<!tpu.dma_semaphore, #tpu.memory_space<semaphore_mem>>)
    %dma_start3A_60 = arith.constant 2 : i32
    %dma_start3A_61 = arith.constant 2 : i32
    %dma_start3A_62 = arith.constant 0 : i32
    %dma_start3A_63 = arith.constant 0 : i32
    %dma_start3A_64 = tpu.memref_slice %arg10[%dma_start3A_61, %dma_start3A_62, %dma_start3A_63] : memref<5x80x64xf32, #tpu.memory_space<vmem>> -> memref<1x80x64xf32, #tpu.memory_space<vmem>>
    %dma_start3A_65 = tpu.memref_squeeze %dma_start3A_64 : memref<1x80x64xf32, #tpu.memory_space<vmem>> -> memref<80x64xf32, #tpu.memory_space<vmem>>
    %dma_start3A_66 = arith.constant 0 : i32
    %dma_start3A_67 = tpu.memref_slice %arg8[%dma_start3A_60, %dma_start3A_66] : memref<125x80xi32, #tpu.memory_space<vmem>> -> memref<1x80xi32, #tpu.memory_space<vmem>>
    %dma_start3A_68 = tpu.memref_squeeze %dma_start3A_67 : memref<1x80xi32, #tpu.memory_space<vmem>> -> memref<80xi32, #tpu.memory_space<vmem>>
    %dma_start3A_69 = arith.constant 0 : i32
    %dma_start3A_70 = arith.constant 0 : i32
    %dma_start3A_71 = tpu.memref_slice %arg3[%dma_start3A_69, %dma_start3A_70] : memref<10000x64xf32, #tpu.memory_space<hbm>> -> memref<10000x64xf32, #tpu.memory_space<hbm>>
    tpu.enqueue_indirect_dma source(%dma_start3A_71 : memref<10000x64xf32, #tpu.memory_space<hbm>>) target(%dma_start3A_65 : memref<80x64xf32, #tpu.memory_space<vmem>>) offsets(%dma_start3A_68 : memref<80xi32, #tpu.memory_space<vmem>>) semaphore(%arg13 : memref<!tpu.dma_semaphore, #tpu.memory_space<semaphore_mem>>)
    %scan3A = arith.constant 0 : i32
    %scan3A_72 = arith.constant 0 : i32
    %scan3A_73 = arith.constant 25 : i32
    %scan3A_74 = arith.addi %scan3A_72, %scan3A_73 : i32
    %scan3A_75 = arith.constant 1 : i32
    %scan3A_76 = scf.for %scan3A_137 = %scan3A_72 to %scan3A_74 step %scan3A_75 iter_args(%scan3A_138 = %scan3A) -> (i32)  : i32 {
      %mul3A_139 = arith.constant 5 : i32
      %mul3A_140 = arith.muli %scan3A_137, %mul3A_139 : i32
      %add3A_141 = arith.constant 0 : i32
      %add3A_142 = arith.addi %mul3A_140, %add3A_141 : i32
      %dma_wait3A_143 = arith.constant 0 : i32
      %dma_wait3A_144 = arith.constant 0 : i32
      %dma_wait3A_145 = arith.constant 0 : i32
      %dma_wait3A_146 = tpu.memref_slice %arg9[%dma_wait3A_143, %dma_wait3A_144, %dma_wait3A_145] : memref<5x80x64xf32, #tpu.memory_space<vmem>> -> memref<1x80x64xf32, #tpu.memory_space<vmem>>
      %dma_wait3A_147 = tpu.memref_squeeze %dma_wait3A_146 : memref<1x80x64xf32, #tpu.memory_space<vmem>> -> memref<80x64xf32, #tpu.memory_space<vmem>>
      %dma_wait3A_148 = arith.constant 0 : i32
      %dma_wait3A_149 = tpu.memref_slice %arg7[%add3A_142, %dma_wait3A_148] : memref<125x80xi32, #tpu.memory_space<vmem>> -> memref<1x80xi32, #tpu.memory_space<vmem>>
      %dma_wait3A_150 = tpu.memref_squeeze %dma_wait3A_149 : memref<1x80xi32, #tpu.memory_space<vmem>> -> memref<80xi32, #tpu.memory_space<vmem>>
      %dma_wait3A_151 = arith.constant 0 : i32
      %dma_wait3A_152 = arith.constant 0 : i32
      %dma_wait3A_153 = tpu.memref_slice %arg2[%dma_wait3A_151, %dma_wait3A_152] : memref<10000x64xf32, #tpu.memory_space<hbm>> -> memref<10000x64xf32, #tpu.memory_space<hbm>>
      tpu.wait_indirect_dma semaphore(%arg11 : memref<!tpu.dma_semaphore, #tpu.memory_space<semaphore_mem>>) src(%dma_wait3A_153 : memref<10000x64xf32, #tpu.memory_space<hbm>>) dst(%dma_wait3A_147 : memref<80x64xf32, #tpu.memory_space<vmem>>)
      %dma_wait3A_154 = arith.constant 0 : i32
      %dma_wait3A_155 = arith.constant 0 : i32
      %dma_wait3A_156 = arith.constant 0 : i32
      %dma_wait3A_157 = tpu.memref_slice %arg10[%dma_wait3A_154, %dma_wait3A_155, %dma_wait3A_156] : memref<5x80x64xf32, #tpu.memory_space<vmem>> -> memref<1x80x64xf32, #tpu.memory_space<vmem>>
      %dma_wait3A_158 = tpu.memref_squeeze %dma_wait3A_157 : memref<1x80x64xf32, #tpu.memory_space<vmem>> -> memref<80x64xf32, #tpu.memory_space<vmem>>
      %dma_wait3A_159 = arith.constant 0 : i32
      %dma_wait3A_160 = tpu.memref_slice %arg8[%add3A_142, %dma_wait3A_159] : memref<125x80xi32, #tpu.memory_space<vmem>> -> memref<1x80xi32, #tpu.memory_space<vmem>>
      %dma_wait3A_161 = tpu.memref_squeeze %dma_wait3A_160 : memref<1x80xi32, #tpu.memory_space<vmem>> -> memref<80xi32, #tpu.memory_space<vmem>>
      %dma_wait3A_162 = arith.constant 0 : i32
      %dma_wait3A_163 = arith.constant 0 : i32
      %dma_wait3A_164 = tpu.memref_slice %arg3[%dma_wait3A_162, %dma_wait3A_163] : memref<10000x64xf32, #tpu.memory_space<hbm>> -> memref<10000x64xf32, #tpu.memory_space<hbm>>
      tpu.wait_indirect_dma semaphore(%arg11 : memref<!tpu.dma_semaphore, #tpu.memory_space<semaphore_mem>>) src(%dma_wait3A_164 : memref<10000x64xf32, #tpu.memory_space<hbm>>) dst(%dma_wait3A_158 : memref<80x64xf32, #tpu.memory_space<vmem>>)
      %mul3A_165 = arith.constant 10000 : i32
      %mul3A_166 = arith.muli %add3A, %mul3A_165 : i32
      %mul3A_167 = arith.constant 80 : i32
      %mul3A_168 = arith.muli %add3A_142, %mul3A_167 : i32
      %add3A_169 = arith.addi %mul3A_166, %mul3A_168 : i32
      %dma_start3A_170 = arith.constant 0 : i32
      %dma_start3A_171 = arith.constant 0 : i32
      %dma_start3A_172 = arith.constant 0 : i32
      %dma_start3A_173 = tpu.memref_slice %arg9[%dma_start3A_170, %dma_start3A_171, %dma_start3A_172] : memref<5x80x64xf32, #tpu.memory_space<vmem>> -> memref<1x80x64xf32, #tpu.memory_space<vmem>>
      %dma_start3A_174 = tpu.memref_squeeze %dma_start3A_173 : memref<1x80x64xf32, #tpu.memory_space<vmem>> -> memref<80x64xf32, #tpu.memory_space<vmem>>
      %dma_start3A_175 = arith.constant 0 : i32
      %dma_start3A_176 = tpu.memref_slice %arg6[%add3A_169, %dma_start3A_175] : memref<320000x128xf32, #tpu.memory_space<hbm>> -> memref<80x64xf32, #tpu.memory_space<hbm>>
      %dma_start3A_177 = arith.constant 0 : i32
      %dma_start3A_178 = tpu.memref_slice %arg6[%add3A_169, %dma_start3A_177] : memref<320000x128xf32, #tpu.memory_space<hbm>> -> memref<80x64xf32, #tpu.memory_space<hbm>>
      %dma_start3A_179 = arith.constant 0 : i32
      %dma_start3A_180 = arith.constant 0 : i32
      %dma_start3A_181 = tpu.memref_slice %arg9[%dma_start3A_170, %dma_start3A_179, %dma_start3A_180] : memref<5x80x64xf32, #tpu.memory_space<vmem>> -> memref<1x80x64xf32, #tpu.memory_space<vmem>>
      %dma_start3A_182 = tpu.memref_squeeze %dma_start3A_181 : memref<1x80x64xf32, #tpu.memory_space<vmem>> -> memref<80x64xf32, #tpu.memory_space<vmem>>
      tpu.enqueue_dma source(%dma_start3A_182 : memref<80x64xf32, #tpu.memory_space<vmem>>) target(%dma_start3A_178 : memref<80x64xf32, #tpu.memory_space<hbm>>) target_semaphore(%arg16 : memref<!tpu.dma_semaphore, #tpu.memory_space<semaphore_mem>>)
      %dma_start3A_183 = arith.constant 0 : i32
      %dma_start3A_184 = arith.constant 0 : i32
      %dma_start3A_185 = arith.constant 0 : i32
      %dma_start3A_186 = tpu.memref_slice %arg10[%dma_start3A_183, %dma_start3A_184, %dma_start3A_185] : memref<5x80x64xf32, #tpu.memory_space<vmem>> -> memref<1x80x64xf32, #tpu.memory_space<vmem>>
      %dma_start3A_187 = tpu.memref_squeeze %dma_start3A_186 : memref<1x80x64xf32, #tpu.memory_space<vmem>> -> memref<80x64xf32, #tpu.memory_space<vmem>>
      %dma_start3A_188 = arith.constant 64 : i32
      %dma_start3A_189 = tpu.memref_slice %arg6[%add3A_169, %dma_start3A_188] : memref<320000x128xf32, #tpu.memory_space<hbm>> -> memref<80x64xf32, #tpu.memory_space<hbm>>
      %dma_start3A_190 = arith.constant 64 : i32
      %dma_start3A_191 = tpu.memref_slice %arg6[%add3A_169, %dma_start3A_190] : memref<320000x128xf32, #tpu.memory_space<hbm>> -> memref<80x64xf32, #tpu.memory_space<hbm>>
      %dma_start3A_192 = arith.constant 0 : i32
      %dma_start3A_193 = arith.constant 0 : i32
      %dma_start3A_194 = tpu.memref_slice %arg10[%dma_start3A_183, %dma_start3A_192, %dma_start3A_193] : memref<5x80x64xf32, #tpu.memory_space<vmem>> -> memref<1x80x64xf32, #tpu.memory_space<vmem>>
      %dma_start3A_195 = tpu.memref_squeeze %dma_start3A_194 : memref<1x80x64xf32, #tpu.memory_space<vmem>> -> memref<80x64xf32, #tpu.memory_space<vmem>>
      tpu.enqueue_dma source(%dma_start3A_195 : memref<80x64xf32, #tpu.memory_space<vmem>>) target(%dma_start3A_191 : memref<80x64xf32, #tpu.memory_space<hbm>>) target_semaphore(%arg16 : memref<!tpu.dma_semaphore, #tpu.memory_space<semaphore_mem>>)
      %ge3A = arith.constant 2 : i32
      %ge3A_196 = arith.cmpi sge, %add3A_142, %ge3A : i32
      %convert_element_type3A = arith.extui %ge3A_196 : i1 to i32
      %cond3A = arith.constant 0 : i32
      %cond3A_197 = arith.cmpi ne, %convert_element_type3A, %cond3A : i32
      scf.if %cond3A_197 {
        %sub3A = arith.constant 2 : i32
        %sub3A_481 = arith.subi %add3A_142, %sub3A : i32
        %mul3A_482 = arith.constant 10000 : i32
        %mul3A_483 = arith.muli %add3A, %mul3A_482 : i32
        %mul3A_484 = arith.constant 80 : i32
        %mul3A_485 = arith.muli %sub3A_481, %mul3A_484 : i32
        %add3A_486 = arith.addi %mul3A_483, %mul3A_485 : i32
        %dma_wait3A_487 = arith.constant 3 : i32
        %dma_wait3A_488 = arith.constant 0 : i32
        %dma_wait3A_489 = arith.constant 0 : i32
        %dma_wait3A_490 = tpu.memref_slice %arg9[%dma_wait3A_487, %dma_wait3A_488, %dma_wait3A_489] : memref<5x80x64xf32, #tpu.memory_space<vmem>> -> memref<1x80x64xf32, #tpu.memory_space<vmem>>
        %dma_wait3A_491 = tpu.memref_squeeze %dma_wait3A_490 : memref<1x80x64xf32, #tpu.memory_space<vmem>> -> memref<80x64xf32, #tpu.memory_space<vmem>>
        %dma_wait3A_492 = arith.constant 0 : i32
        %dma_wait3A_493 = tpu.memref_slice %arg6[%add3A_486, %dma_wait3A_492] : memref<320000x128xf32, #tpu.memory_space<hbm>> -> memref<80x64xf32, #tpu.memory_space<hbm>>
        %dma_wait3A_494 = arith.constant 0 : i32
        %dma_wait3A_495 = tpu.memref_slice %arg6[%add3A_486, %dma_wait3A_494] : memref<320000x128xf32, #tpu.memory_space<hbm>> -> memref<80x64xf32, #tpu.memory_space<hbm>>
        %dma_wait3A_496 = arith.constant 0 : i32
        %dma_wait3A_497 = arith.constant 0 : i32
        %dma_wait3A_498 = tpu.memref_slice %arg9[%dma_wait3A_487, %dma_wait3A_496, %dma_wait3A_497] : memref<5x80x64xf32, #tpu.memory_space<vmem>> -> memref<1x80x64xf32, #tpu.memory_space<vmem>>
        %dma_wait3A_499 = tpu.memref_squeeze %dma_wait3A_498 : memref<1x80x64xf32, #tpu.memory_space<vmem>> -> memref<80x64xf32, #tpu.memory_space<vmem>>
        tpu.wait_dma2 semaphore(%arg19 : memref<!tpu.dma_semaphore, #tpu.memory_space<semaphore_mem>>) src(%dma_wait3A_499 : memref<80x64xf32, #tpu.memory_space<vmem>>) dst(%dma_wait3A_495 : memref<80x64xf32, #tpu.memory_space<hbm>>)
        %dma_wait3A_500 = arith.constant 3 : i32
        %dma_wait3A_501 = arith.constant 0 : i32
        %dma_wait3A_502 = arith.constant 0 : i32
        %dma_wait3A_503 = tpu.memref_slice %arg10[%dma_wait3A_500, %dma_wait3A_501, %dma_wait3A_502] : memref<5x80x64xf32, #tpu.memory_space<vmem>> -> memref<1x80x64xf32, #tpu.memory_space<vmem>>
        %dma_wait3A_504 = tpu.memref_squeeze %dma_wait3A_503 : memref<1x80x64xf32, #tpu.memory_space<vmem>> -> memref<80x64xf32, #tpu.memory_space<vmem>>
        %dma_wait3A_505 = arith.constant 64 : i32
        %dma_wait3A_506 = tpu.memref_slice %arg6[%add3A_486, %dma_wait3A_505] : memref<320000x128xf32, #tpu.memory_space<hbm>> -> memref<80x64xf32, #tpu.memory_space<hbm>>
        %dma_wait3A_507 = arith.constant 64 : i32
        %dma_wait3A_508 = tpu.memref_slice %arg6[%add3A_486, %dma_wait3A_507] : memref<320000x128xf32, #tpu.memory_space<hbm>> -> memref<80x64xf32, #tpu.memory_space<hbm>>
        %dma_wait3A_509 = arith.constant 0 : i32
        %dma_wait3A_510 = arith.constant 0 : i32
        %dma_wait3A_511 = tpu.memref_slice %arg10[%dma_wait3A_500, %dma_wait3A_509, %dma_wait3A_510] : memref<5x80x64xf32, #tpu.memory_space<vmem>> -> memref<1x80x64xf32, #tpu.memory_space<vmem>>
        %dma_wait3A_512 = tpu.memref_squeeze %dma_wait3A_511 : memref<1x80x64xf32, #tpu.memory_space<vmem>> -> memref<80x64xf32, #tpu.memory_space<vmem>>
        tpu.wait_dma2 semaphore(%arg19 : memref<!tpu.dma_semaphore, #tpu.memory_space<semaphore_mem>>) src(%dma_wait3A_512 : memref<80x64xf32, #tpu.memory_space<vmem>>) dst(%dma_wait3A_508 : memref<80x64xf32, #tpu.memory_space<hbm>>)
      } else {
      }
      %add3A_198 = arith.constant 3 : i32
      %add3A_199 = arith.addi %add3A_142, %add3A_198 : i32
      %lt3A = arith.constant 125 : i32
      %lt3A_200 = arith.cmpi slt, %add3A_199, %lt3A : i32
      %convert_element_type3A_201 = arith.extui %lt3A_200 : i1 to i32
      %cond3A_202 = arith.constant 0 : i32
      %cond3A_203 = arith.cmpi ne, %convert_element_type3A_201, %cond3A_202 : i32
      scf.if %cond3A_203 {
        %add3A_481 = arith.constant 3 : i32
        %add3A_482 = arith.addi %add3A_142, %add3A_481 : i32
        %dma_start3A_483 = arith.constant 3 : i32
        %dma_start3A_484 = arith.constant 0 : i32
        %dma_start3A_485 = arith.constant 0 : i32
        %dma_start3A_486 = tpu.memref_slice %arg9[%dma_start3A_483, %dma_start3A_484, %dma_start3A_485] : memref<5x80x64xf32, #tpu.memory_space<vmem>> -> memref<1x80x64xf32, #tpu.memory_space<vmem>>
        %dma_start3A_487 = tpu.memref_squeeze %dma_start3A_486 : memref<1x80x64xf32, #tpu.memory_space<vmem>> -> memref<80x64xf32, #tpu.memory_space<vmem>>
        %dma_start3A_488 = arith.constant 0 : i32
        %dma_start3A_489 = tpu.memref_slice %arg7[%add3A_482, %dma_start3A_488] : memref<125x80xi32, #tpu.memory_space<vmem>> -> memref<1x80xi32, #tpu.memory_space<vmem>>
        %dma_start3A_490 = tpu.memref_squeeze %dma_start3A_489 : memref<1x80xi32, #tpu.memory_space<vmem>> -> memref<80xi32, #tpu.memory_space<vmem>>
        %dma_start3A_491 = arith.constant 0 : i32
        %dma_start3A_492 = arith.constant 0 : i32
        %dma_start3A_493 = tpu.memref_slice %arg2[%dma_start3A_491, %dma_start3A_492] : memref<10000x64xf32, #tpu.memory_space<hbm>> -> memref<10000x64xf32, #tpu.memory_space<hbm>>
        tpu.enqueue_indirect_dma source(%dma_start3A_493 : memref<10000x64xf32, #tpu.memory_space<hbm>>) target(%dma_start3A_487 : memref<80x64xf32, #tpu.memory_space<vmem>>) offsets(%dma_start3A_490 : memref<80xi32, #tpu.memory_space<vmem>>) semaphore(%arg14 : memref<!tpu.dma_semaphore, #tpu.memory_space<semaphore_mem>>)
        %dma_start3A_494 = arith.constant 3 : i32
        %dma_start3A_495 = arith.constant 0 : i32
        %dma_start3A_496 = arith.constant 0 : i32
        %dma_start3A_497 = tpu.memref_slice %arg10[%dma_start3A_494, %dma_start3A_495, %dma_start3A_496] : memref<5x80x64xf32, #tpu.memory_space<vmem>> -> memref<1x80x64xf32, #tpu.memory_space<vmem>>
        %dma_start3A_498 = tpu.memref_squeeze %dma_start3A_497 : memref<1x80x64xf32, #tpu.memory_space<vmem>> -> memref<80x64xf32, #tpu.memory_space<vmem>>
        %dma_start3A_499 = arith.constant 0 : i32
        %dma_start3A_500 = tpu.memref_slice %arg8[%add3A_482, %dma_start3A_499] : memref<125x80xi32, #tpu.memory_space<vmem>> -> memref<1x80xi32, #tpu.memory_space<vmem>>
        %dma_start3A_501 = tpu.memref_squeeze %dma_start3A_500 : memref<1x80xi32, #tpu.memory_space<vmem>> -> memref<80xi32, #tpu.memory_space<vmem>>
        %dma_start3A_502 = arith.constant 0 : i32
        %dma_start3A_503 = arith.constant 0 : i32
        %dma_start3A_504 = tpu.memref_slice %arg3[%dma_start3A_502, %dma_start3A_503] : memref<10000x64xf32, #tpu.memory_space<hbm>> -> memref<10000x64xf32, #tpu.memory_space<hbm>>
        tpu.enqueue_indirect_dma source(%dma_start3A_504 : memref<10000x64xf32, #tpu.memory_space<hbm>>) target(%dma_start3A_498 : memref<80x64xf32, #tpu.memory_space<vmem>>) offsets(%dma_start3A_501 : memref<80xi32, #tpu.memory_space<vmem>>) semaphore(%arg14 : memref<!tpu.dma_semaphore, #tpu.memory_space<semaphore_mem>>)
      } else {
      }
      %mul3A_204 = arith.constant 5 : i32
      %mul3A_205 = arith.muli %scan3A_137, %mul3A_204 : i32
      %add3A_206 = arith.constant 1 : i32
      %add3A_207 = arith.addi %mul3A_205, %add3A_206 : i32
      %dma_wait3A_208 = arith.constant 1 : i32
      %dma_wait3A_209 = arith.constant 0 : i32
      %dma_wait3A_210 = arith.constant 0 : i32
      %dma_wait3A_211 = tpu.memref_slice %arg9[%dma_wait3A_208, %dma_wait3A_209, %dma_wait3A_210] : memref<5x80x64xf32, #tpu.memory_space<vmem>> -> memref<1x80x64xf32, #tpu.memory_space<vmem>>
      %dma_wait3A_212 = tpu.memref_squeeze %dma_wait3A_211 : memref<1x80x64xf32, #tpu.memory_space<vmem>> -> memref<80x64xf32, #tpu.memory_space<vmem>>
      %dma_wait3A_213 = arith.constant 0 : i32
      %dma_wait3A_214 = tpu.memref_slice %arg7[%add3A_207, %dma_wait3A_213] : memref<125x80xi32, #tpu.memory_space<vmem>> -> memref<1x80xi32, #tpu.memory_space<vmem>>
      %dma_wait3A_215 = tpu.memref_squeeze %dma_wait3A_214 : memref<1x80xi32, #tpu.memory_space<vmem>> -> memref<80xi32, #tpu.memory_space<vmem>>
      %dma_wait3A_216 = arith.constant 0 : i32
      %dma_wait3A_217 = arith.constant 0 : i32
      %dma_wait3A_218 = tpu.memref_slice %arg2[%dma_wait3A_216, %dma_wait3A_217] : memref<10000x64xf32, #tpu.memory_space<hbm>> -> memref<10000x64xf32, #tpu.memory_space<hbm>>
      tpu.wait_indirect_dma semaphore(%arg12 : memref<!tpu.dma_semaphore, #tpu.memory_space<semaphore_mem>>) src(%dma_wait3A_218 : memref<10000x64xf32, #tpu.memory_space<hbm>>) dst(%dma_wait3A_212 : memref<80x64xf32, #tpu.memory_space<vmem>>)
      %dma_wait3A_219 = arith.constant 1 : i32
      %dma_wait3A_220 = arith.constant 0 : i32
      %dma_wait3A_221 = arith.constant 0 : i32
      %dma_wait3A_222 = tpu.memref_slice %arg10[%dma_wait3A_219, %dma_wait3A_220, %dma_wait3A_221] : memref<5x80x64xf32, #tpu.memory_space<vmem>> -> memref<1x80x64xf32, #tpu.memory_space<vmem>>
      %dma_wait3A_223 = tpu.memref_squeeze %dma_wait3A_222 : memref<1x80x64xf32, #tpu.memory_space<vmem>> -> memref<80x64xf32, #tpu.memory_space<vmem>>
      %dma_wait3A_224 = arith.constant 0 : i32
      %dma_wait3A_225 = tpu.memref_slice %arg8[%add3A_207, %dma_wait3A_224] : memref<125x80xi32, #tpu.memory_space<vmem>> -> memref<1x80xi32, #tpu.memory_space<vmem>>
      %dma_wait3A_226 = tpu.memref_squeeze %dma_wait3A_225 : memref<1x80xi32, #tpu.memory_space<vmem>> -> memref<80xi32, #tpu.memory_space<vmem>>
      %dma_wait3A_227 = arith.constant 0 : i32
      %dma_wait3A_228 = arith.constant 0 : i32
      %dma_wait3A_229 = tpu.memref_slice %arg3[%dma_wait3A_227, %dma_wait3A_228] : memref<10000x64xf32, #tpu.memory_space<hbm>> -> memref<10000x64xf32, #tpu.memory_space<hbm>>
      tpu.wait_indirect_dma semaphore(%arg12 : memref<!tpu.dma_semaphore, #tpu.memory_space<semaphore_mem>>) src(%dma_wait3A_229 : memref<10000x64xf32, #tpu.memory_space<hbm>>) dst(%dma_wait3A_223 : memref<80x64xf32, #tpu.memory_space<vmem>>)
      %mul3A_230 = arith.constant 10000 : i32
      %mul3A_231 = arith.muli %add3A, %mul3A_230 : i32
      %mul3A_232 = arith.constant 80 : i32
      %mul3A_233 = arith.muli %add3A_207, %mul3A_232 : i32
      %add3A_234 = arith.addi %mul3A_231, %mul3A_233 : i32
      %dma_start3A_235 = arith.constant 1 : i32
      %dma_start3A_236 = arith.constant 0 : i32
      %dma_start3A_237 = arith.constant 0 : i32
      %dma_start3A_238 = tpu.memref_slice %arg9[%dma_start3A_235, %dma_start3A_236, %dma_start3A_237] : memref<5x80x64xf32, #tpu.memory_space<vmem>> -> memref<1x80x64xf32, #tpu.memory_space<vmem>>
      %dma_start3A_239 = tpu.memref_squeeze %dma_start3A_238 : memref<1x80x64xf32, #tpu.memory_space<vmem>> -> memref<80x64xf32, #tpu.memory_space<vmem>>
      %dma_start3A_240 = arith.constant 0 : i32
      %dma_start3A_241 = tpu.memref_slice %arg6[%add3A_234, %dma_start3A_240] : memref<320000x128xf32, #tpu.memory_space<hbm>> -> memref<80x64xf32, #tpu.memory_space<hbm>>
      %dma_start3A_242 = arith.constant 0 : i32
      %dma_start3A_243 = tpu.memref_slice %arg6[%add3A_234, %dma_start3A_242] : memref<320000x128xf32, #tpu.memory_space<hbm>> -> memref<80x64xf32, #tpu.memory_space<hbm>>
      %dma_start3A_244 = arith.constant 0 : i32
      %dma_start3A_245 = arith.constant 0 : i32
      %dma_start3A_246 = tpu.memref_slice %arg9[%dma_start3A_235, %dma_start3A_244, %dma_start3A_245] : memref<5x80x64xf32, #tpu.memory_space<vmem>> -> memref<1x80x64xf32, #tpu.memory_space<vmem>>
      %dma_start3A_247 = tpu.memref_squeeze %dma_start3A_246 : memref<1x80x64xf32, #tpu.memory_space<vmem>> -> memref<80x64xf32, #tpu.memory_space<vmem>>
      tpu.enqueue_dma source(%dma_start3A_247 : memref<80x64xf32, #tpu.memory_space<vmem>>) target(%dma_start3A_243 : memref<80x64xf32, #tpu.memory_space<hbm>>) target_semaphore(%arg17 : memref<!tpu.dma_semaphore, #tpu.memory_space<semaphore_mem>>)
      %dma_start3A_248 = arith.constant 1 : i32
      %dma_start3A_249 = arith.constant 0 : i32
      %dma_start3A_250 = arith.constant 0 : i32
      %dma_start3A_251 = tpu.memref_slice %arg10[%dma_start3A_248, %dma_start3A_249, %dma_start3A_250] : memref<5x80x64xf32, #tpu.memory_space<vmem>> -> memref<1x80x64xf32, #tpu.memory_space<vmem>>
      %dma_start3A_252 = tpu.memref_squeeze %dma_start3A_251 : memref<1x80x64xf32, #tpu.memory_space<vmem>> -> memref<80x64xf32, #tpu.memory_space<vmem>>
      %dma_start3A_253 = arith.constant 64 : i32
      %dma_start3A_254 = tpu.memref_slice %arg6[%add3A_234, %dma_start3A_253] : memref<320000x128xf32, #tpu.memory_space<hbm>> -> memref<80x64xf32, #tpu.memory_space<hbm>>
      %dma_start3A_255 = arith.constant 64 : i32
      %dma_start3A_256 = tpu.memref_slice %arg6[%add3A_234, %dma_start3A_255] : memref<320000x128xf32, #tpu.memory_space<hbm>> -> memref<80x64xf32, #tpu.memory_space<hbm>>
      %dma_start3A_257 = arith.constant 0 : i32
      %dma_start3A_258 = arith.constant 0 : i32
      %dma_start3A_259 = tpu.memref_slice %arg10[%dma_start3A_248, %dma_start3A_257, %dma_start3A_258] : memref<5x80x64xf32, #tpu.memory_space<vmem>> -> memref<1x80x64xf32, #tpu.memory_space<vmem>>
      %dma_start3A_260 = tpu.memref_squeeze %dma_start3A_259 : memref<1x80x64xf32, #tpu.memory_space<vmem>> -> memref<80x64xf32, #tpu.memory_space<vmem>>
      tpu.enqueue_dma source(%dma_start3A_260 : memref<80x64xf32, #tpu.memory_space<vmem>>) target(%dma_start3A_256 : memref<80x64xf32, #tpu.memory_space<hbm>>) target_semaphore(%arg17 : memref<!tpu.dma_semaphore, #tpu.memory_space<semaphore_mem>>)
      %ge3A_261 = arith.constant 2 : i32
      %ge3A_262 = arith.cmpi sge, %add3A_207, %ge3A_261 : i32
      %convert_element_type3A_263 = arith.extui %ge3A_262 : i1 to i32
      %cond3A_264 = arith.constant 0 : i32
      %cond3A_265 = arith.cmpi ne, %convert_element_type3A_263, %cond3A_264 : i32
      scf.if %cond3A_265 {
        %sub3A = arith.constant 2 : i32
        %sub3A_481 = arith.subi %add3A_207, %sub3A : i32
        %mul3A_482 = arith.constant 10000 : i32
        %mul3A_483 = arith.muli %add3A, %mul3A_482 : i32
        %mul3A_484 = arith.constant 80 : i32
        %mul3A_485 = arith.muli %sub3A_481, %mul3A_484 : i32
        %add3A_486 = arith.addi %mul3A_483, %mul3A_485 : i32
        %dma_wait3A_487 = arith.constant 4 : i32
        %dma_wait3A_488 = arith.constant 0 : i32
        %dma_wait3A_489 = arith.constant 0 : i32
        %dma_wait3A_490 = tpu.memref_slice %arg9[%dma_wait3A_487, %dma_wait3A_488, %dma_wait3A_489] : memref<5x80x64xf32, #tpu.memory_space<vmem>> -> memref<1x80x64xf32, #tpu.memory_space<vmem>>
        %dma_wait3A_491 = tpu.memref_squeeze %dma_wait3A_490 : memref<1x80x64xf32, #tpu.memory_space<vmem>> -> memref<80x64xf32, #tpu.memory_space<vmem>>
        %dma_wait3A_492 = arith.constant 0 : i32
        %dma_wait3A_493 = tpu.memref_slice %arg6[%add3A_486, %dma_wait3A_492] : memref<320000x128xf32, #tpu.memory_space<hbm>> -> memref<80x64xf32, #tpu.memory_space<hbm>>
        %dma_wait3A_494 = arith.constant 0 : i32
        %dma_wait3A_495 = tpu.memref_slice %arg6[%add3A_486, %dma_wait3A_494] : memref<320000x128xf32, #tpu.memory_space<hbm>> -> memref<80x64xf32, #tpu.memory_space<hbm>>
        %dma_wait3A_496 = arith.constant 0 : i32
        %dma_wait3A_497 = arith.constant 0 : i32
        %dma_wait3A_498 = tpu.memref_slice %arg9[%dma_wait3A_487, %dma_wait3A_496, %dma_wait3A_497] : memref<5x80x64xf32, #tpu.memory_space<vmem>> -> memref<1x80x64xf32, #tpu.memory_space<vmem>>
        %dma_wait3A_499 = tpu.memref_squeeze %dma_wait3A_498 : memref<1x80x64xf32, #tpu.memory_space<vmem>> -> memref<80x64xf32, #tpu.memory_space<vmem>>
        tpu.wait_dma2 semaphore(%arg20 : memref<!tpu.dma_semaphore, #tpu.memory_space<semaphore_mem>>) src(%dma_wait3A_499 : memref<80x64xf32, #tpu.memory_space<vmem>>) dst(%dma_wait3A_495 : memref<80x64xf32, #tpu.memory_space<hbm>>)
        %dma_wait3A_500 = arith.constant 4 : i32
        %dma_wait3A_501 = arith.constant 0 : i32
        %dma_wait3A_502 = arith.constant 0 : i32
        %dma_wait3A_503 = tpu.memref_slice %arg10[%dma_wait3A_500, %dma_wait3A_501, %dma_wait3A_502] : memref<5x80x64xf32, #tpu.memory_space<vmem>> -> memref<1x80x64xf32, #tpu.memory_space<vmem>>
        %dma_wait3A_504 = tpu.memref_squeeze %dma_wait3A_503 : memref<1x80x64xf32, #tpu.memory_space<vmem>> -> memref<80x64xf32, #tpu.memory_space<vmem>>
        %dma_wait3A_505 = arith.constant 64 : i32
        %dma_wait3A_506 = tpu.memref_slice %arg6[%add3A_486, %dma_wait3A_505] : memref<320000x128xf32, #tpu.memory_space<hbm>> -> memref<80x64xf32, #tpu.memory_space<hbm>>
        %dma_wait3A_507 = arith.constant 64 : i32
        %dma_wait3A_508 = tpu.memref_slice %arg6[%add3A_486, %dma_wait3A_507] : memref<320000x128xf32, #tpu.memory_space<hbm>> -> memref<80x64xf32, #tpu.memory_space<hbm>>
        %dma_wait3A_509 = arith.constant 0 : i32
        %dma_wait3A_510 = arith.constant 0 : i32
        %dma_wait3A_511 = tpu.memref_slice %arg10[%dma_wait3A_500, %dma_wait3A_509, %dma_wait3A_510] : memref<5x80x64xf32, #tpu.memory_space<vmem>> -> memref<1x80x64xf32, #tpu.memory_space<vmem>>
        %dma_wait3A_512 = tpu.memref_squeeze %dma_wait3A_511 : memref<1x80x64xf32, #tpu.memory_space<vmem>> -> memref<80x64xf32, #tpu.memory_space<vmem>>
        tpu.wait_dma2 semaphore(%arg20 : memref<!tpu.dma_semaphore, #tpu.memory_space<semaphore_mem>>) src(%dma_wait3A_512 : memref<80x64xf32, #tpu.memory_space<vmem>>) dst(%dma_wait3A_508 : memref<80x64xf32, #tpu.memory_space<hbm>>)
      } else {
      }
      %add3A_266 = arith.constant 3 : i32
      %add3A_267 = arith.addi %add3A_207, %add3A_266 : i32
      %lt3A_268 = arith.constant 125 : i32
      %lt3A_269 = arith.cmpi slt, %add3A_267, %lt3A_268 : i32
      %convert_element_type3A_270 = arith.extui %lt3A_269 : i1 to i32
      %cond3A_271 = arith.constant 0 : i32
      %cond3A_272 = arith.cmpi ne, %convert_element_type3A_270, %cond3A_271 : i32
      scf.if %cond3A_272 {
        %add3A_481 = arith.constant 3 : i32
        %add3A_482 = arith.addi %add3A_207, %add3A_481 : i32
        %dma_start3A_483 = arith.constant 4 : i32
        %dma_start3A_484 = arith.constant 0 : i32
        %dma_start3A_485 = arith.constant 0 : i32
        %dma_start3A_486 = tpu.memref_slice %arg9[%dma_start3A_483, %dma_start3A_484, %dma_start3A_485] : memref<5x80x64xf32, #tpu.memory_space<vmem>> -> memref<1x80x64xf32, #tpu.memory_space<vmem>>
        %dma_start3A_487 = tpu.memref_squeeze %dma_start3A_486 : memref<1x80x64xf32, #tpu.memory_space<vmem>> -> memref<80x64xf32, #tpu.memory_space<vmem>>
        %dma_start3A_488 = arith.constant 0 : i32
        %dma_start3A_489 = tpu.memref_slice %arg7[%add3A_482, %dma_start3A_488] : memref<125x80xi32, #tpu.memory_space<vmem>> -> memref<1x80xi32, #tpu.memory_space<vmem>>
        %dma_start3A_490 = tpu.memref_squeeze %dma_start3A_489 : memref<1x80xi32, #tpu.memory_space<vmem>> -> memref<80xi32, #tpu.memory_space<vmem>>
        %dma_start3A_491 = arith.constant 0 : i32
        %dma_start3A_492 = arith.constant 0 : i32
        %dma_start3A_493 = tpu.memref_slice %arg2[%dma_start3A_491, %dma_start3A_492] : memref<10000x64xf32, #tpu.memory_space<hbm>> -> memref<10000x64xf32, #tpu.memory_space<hbm>>
        tpu.enqueue_indirect_dma source(%dma_start3A_493 : memref<10000x64xf32, #tpu.memory_space<hbm>>) target(%dma_start3A_487 : memref<80x64xf32, #tpu.memory_space<vmem>>) offsets(%dma_start3A_490 : memref<80xi32, #tpu.memory_space<vmem>>) semaphore(%arg15 : memref<!tpu.dma_semaphore, #tpu.memory_space<semaphore_mem>>)
        %dma_start3A_494 = arith.constant 4 : i32
        %dma_start3A_495 = arith.constant 0 : i32
        %dma_start3A_496 = arith.constant 0 : i32
        %dma_start3A_497 = tpu.memref_slice %arg10[%dma_start3A_494, %dma_start3A_495, %dma_start3A_496] : memref<5x80x64xf32, #tpu.memory_space<vmem>> -> memref<1x80x64xf32, #tpu.memory_space<vmem>>
        %dma_start3A_498 = tpu.memref_squeeze %dma_start3A_497 : memref<1x80x64xf32, #tpu.memory_space<vmem>> -> memref<80x64xf32, #tpu.memory_space<vmem>>
        %dma_start3A_499 = arith.constant 0 : i32
        %dma_start3A_500 = tpu.memref_slice %arg8[%add3A_482, %dma_start3A_499] : memref<125x80xi32, #tpu.memory_space<vmem>> -> memref<1x80xi32, #tpu.memory_space<vmem>>
        %dma_start3A_501 = tpu.memref_squeeze %dma_start3A_500 : memref<1x80xi32, #tpu.memory_space<vmem>> -> memref<80xi32, #tpu.memory_space<vmem>>
        %dma_start3A_502 = arith.constant 0 : i32
        %dma_start3A_503 = arith.constant 0 : i32
        %dma_start3A_504 = tpu.memref_slice %arg3[%dma_start3A_502, %dma_start3A_503] : memref<10000x64xf32, #tpu.memory_space<hbm>> -> memref<10000x64xf32, #tpu.memory_space<hbm>>
        tpu.enqueue_indirect_dma source(%dma_start3A_504 : memref<10000x64xf32, #tpu.memory_space<hbm>>) target(%dma_start3A_498 : memref<80x64xf32, #tpu.memory_space<vmem>>) offsets(%dma_start3A_501 : memref<80xi32, #tpu.memory_space<vmem>>) semaphore(%arg15 : memref<!tpu.dma_semaphore, #tpu.memory_space<semaphore_mem>>)
      } else {
      }
      %mul3A_273 = arith.constant 5 : i32
      %mul3A_274 = arith.muli %scan3A_137, %mul3A_273 : i32
      %add3A_275 = arith.constant 2 : i32
      %add3A_276 = arith.addi %mul3A_274, %add3A_275 : i32
      %dma_wait3A_277 = arith.constant 2 : i32
      %dma_wait3A_278 = arith.constant 0 : i32
      %dma_wait3A_279 = arith.constant 0 : i32
      %dma_wait3A_280 = tpu.memref_slice %arg9[%dma_wait3A_277, %dma_wait3A_278, %dma_wait3A_279] : memref<5x80x64xf32, #tpu.memory_space<vmem>> -> memref<1x80x64xf32, #tpu.memory_space<vmem>>
      %dma_wait3A_281 = tpu.memref_squeeze %dma_wait3A_280 : memref<1x80x64xf32, #tpu.memory_space<vmem>> -> memref<80x64xf32, #tpu.memory_space<vmem>>
      %dma_wait3A_282 = arith.constant 0 : i32
      %dma_wait3A_283 = tpu.memref_slice %arg7[%add3A_276, %dma_wait3A_282] : memref<125x80xi32, #tpu.memory_space<vmem>> -> memref<1x80xi32, #tpu.memory_space<vmem>>
      %dma_wait3A_284 = tpu.memref_squeeze %dma_wait3A_283 : memref<1x80xi32, #tpu.memory_space<vmem>> -> memref<80xi32, #tpu.memory_space<vmem>>
      %dma_wait3A_285 = arith.constant 0 : i32
      %dma_wait3A_286 = arith.constant 0 : i32
      %dma_wait3A_287 = tpu.memref_slice %arg2[%dma_wait3A_285, %dma_wait3A_286] : memref<10000x64xf32, #tpu.memory_space<hbm>> -> memref<10000x64xf32, #tpu.memory_space<hbm>>
      tpu.wait_indirect_dma semaphore(%arg13 : memref<!tpu.dma_semaphore, #tpu.memory_space<semaphore_mem>>) src(%dma_wait3A_287 : memref<10000x64xf32, #tpu.memory_space<hbm>>) dst(%dma_wait3A_281 : memref<80x64xf32, #tpu.memory_space<vmem>>)
      %dma_wait3A_288 = arith.constant 2 : i32
      %dma_wait3A_289 = arith.constant 0 : i32
      %dma_wait3A_290 = arith.constant 0 : i32
      %dma_wait3A_291 = tpu.memref_slice %arg10[%dma_wait3A_288, %dma_wait3A_289, %dma_wait3A_290] : memref<5x80x64xf32, #tpu.memory_space<vmem>> -> memref<1x80x64xf32, #tpu.memory_space<vmem>>
      %dma_wait3A_292 = tpu.memref_squeeze %dma_wait3A_291 : memref<1x80x64xf32, #tpu.memory_space<vmem>> -> memref<80x64xf32, #tpu.memory_space<vmem>>
      %dma_wait3A_293 = arith.constant 0 : i32
      %dma_wait3A_294 = tpu.memref_slice %arg8[%add3A_276, %dma_wait3A_293] : memref<125x80xi32, #tpu.memory_space<vmem>> -> memref<1x80xi32, #tpu.memory_space<vmem>>
      %dma_wait3A_295 = tpu.memref_squeeze %dma_wait3A_294 : memref<1x80xi32, #tpu.memory_space<vmem>> -> memref<80xi32, #tpu.memory_space<vmem>>
      %dma_wait3A_296 = arith.constant 0 : i32
      %dma_wait3A_297 = arith.constant 0 : i32
      %dma_wait3A_298 = tpu.memref_slice %arg3[%dma_wait3A_296, %dma_wait3A_297] : memref<10000x64xf32, #tpu.memory_space<hbm>> -> memref<10000x64xf32, #tpu.memory_space<hbm>>
      tpu.wait_indirect_dma semaphore(%arg13 : memref<!tpu.dma_semaphore, #tpu.memory_space<semaphore_mem>>) src(%dma_wait3A_298 : memref<10000x64xf32, #tpu.memory_space<hbm>>) dst(%dma_wait3A_292 : memref<80x64xf32, #tpu.memory_space<vmem>>)
      %mul3A_299 = arith.constant 10000 : i32
      %mul3A_300 = arith.muli %add3A, %mul3A_299 : i32
      %mul3A_301 = arith.constant 80 : i32
      %mul3A_302 = arith.muli %add3A_276, %mul3A_301 : i32
      %add3A_303 = arith.addi %mul3A_300, %mul3A_302 : i32
      %dma_start3A_304 = arith.constant 2 : i32
      %dma_start3A_305 = arith.constant 0 : i32
      %dma_start3A_306 = arith.constant 0 : i32
      %dma_start3A_307 = tpu.memref_slice %arg9[%dma_start3A_304, %dma_start3A_305, %dma_start3A_306] : memref<5x80x64xf32, #tpu.memory_space<vmem>> -> memref<1x80x64xf32, #tpu.memory_space<vmem>>
      %dma_start3A_308 = tpu.memref_squeeze %dma_start3A_307 : memref<1x80x64xf32, #tpu.memory_space<vmem>> -> memref<80x64xf32, #tpu.memory_space<vmem>>
      %dma_start3A_309 = arith.constant 0 : i32
      %dma_start3A_310 = tpu.memref_slice %arg6[%add3A_303, %dma_start3A_309] : memref<320000x128xf32, #tpu.memory_space<hbm>> -> memref<80x64xf32, #tpu.memory_space<hbm>>
      %dma_start3A_311 = arith.constant 0 : i32
      %dma_start3A_312 = tpu.memref_slice %arg6[%add3A_303, %dma_start3A_311] : memref<320000x128xf32, #tpu.memory_space<hbm>> -> memref<80x64xf32, #tpu.memory_space<hbm>>
      %dma_start3A_313 = arith.constant 0 : i32
      %dma_start3A_314 = arith.constant 0 : i32
      %dma_start3A_315 = tpu.memref_slice %arg9[%dma_start3A_304, %dma_start3A_313, %dma_start3A_314] : memref<5x80x64xf32, #tpu.memory_space<vmem>> -> memref<1x80x64xf32, #tpu.memory_space<vmem>>
      %dma_start3A_316 = tpu.memref_squeeze %dma_start3A_315 : memref<1x80x64xf32, #tpu.memory_space<vmem>> -> memref<80x64xf32, #tpu.memory_space<vmem>>
      tpu.enqueue_dma source(%dma_start3A_316 : memref<80x64xf32, #tpu.memory_space<vmem>>) target(%dma_start3A_312 : memref<80x64xf32, #tpu.memory_space<hbm>>) target_semaphore(%arg18 : memref<!tpu.dma_semaphore, #tpu.memory_space<semaphore_mem>>)
      %dma_start3A_317 = arith.constant 2 : i32
      %dma_start3A_318 = arith.constant 0 : i32
      %dma_start3A_319 = arith.constant 0 : i32
      %dma_start3A_320 = tpu.memref_slice %arg10[%dma_start3A_317, %dma_start3A_318, %dma_start3A_319] : memref<5x80x64xf32, #tpu.memory_space<vmem>> -> memref<1x80x64xf32, #tpu.memory_space<vmem>>
      %dma_start3A_321 = tpu.memref_squeeze %dma_start3A_320 : memref<1x80x64xf32, #tpu.memory_space<vmem>> -> memref<80x64xf32, #tpu.memory_space<vmem>>
      %dma_start3A_322 = arith.constant 64 : i32
      %dma_start3A_323 = tpu.memref_slice %arg6[%add3A_303, %dma_start3A_322] : memref<320000x128xf32, #tpu.memory_space<hbm>> -> memref<80x64xf32, #tpu.memory_space<hbm>>
      %dma_start3A_324 = arith.constant 64 : i32
      %dma_start3A_325 = tpu.memref_slice %arg6[%add3A_303, %dma_start3A_324] : memref<320000x128xf32, #tpu.memory_space<hbm>> -> memref<80x64xf32, #tpu.memory_space<hbm>>
      %dma_start3A_326 = arith.constant 0 : i32
      %dma_start3A_327 = arith.constant 0 : i32
      %dma_start3A_328 = tpu.memref_slice %arg10[%dma_start3A_317, %dma_start3A_326, %dma_start3A_327] : memref<5x80x64xf32, #tpu.memory_space<vmem>> -> memref<1x80x64xf32, #tpu.memory_space<vmem>>
      %dma_start3A_329 = tpu.memref_squeeze %dma_start3A_328 : memref<1x80x64xf32, #tpu.memory_space<vmem>> -> memref<80x64xf32, #tpu.memory_space<vmem>>
      tpu.enqueue_dma source(%dma_start3A_329 : memref<80x64xf32, #tpu.memory_space<vmem>>) target(%dma_start3A_325 : memref<80x64xf32, #tpu.memory_space<hbm>>) target_semaphore(%arg18 : memref<!tpu.dma_semaphore, #tpu.memory_space<semaphore_mem>>)
      %ge3A_330 = arith.constant 2 : i32
      %ge3A_331 = arith.cmpi sge, %add3A_276, %ge3A_330 : i32
      %convert_element_type3A_332 = arith.extui %ge3A_331 : i1 to i32
      %cond3A_333 = arith.constant 0 : i32
      %cond3A_334 = arith.cmpi ne, %convert_element_type3A_332, %cond3A_333 : i32
      scf.if %cond3A_334 {
        %sub3A = arith.constant 2 : i32
        %sub3A_481 = arith.subi %add3A_276, %sub3A : i32
        %mul3A_482 = arith.constant 10000 : i32
        %mul3A_483 = arith.muli %add3A, %mul3A_482 : i32
        %mul3A_484 = arith.constant 80 : i32
        %mul3A_485 = arith.muli %sub3A_481, %mul3A_484 : i32
        %add3A_486 = arith.addi %mul3A_483, %mul3A_485 : i32
        %dma_wait3A_487 = arith.constant 0 : i32
        %dma_wait3A_488 = arith.constant 0 : i32
        %dma_wait3A_489 = arith.constant 0 : i32
        %dma_wait3A_490 = tpu.memref_slice %arg9[%dma_wait3A_487, %dma_wait3A_488, %dma_wait3A_489] : memref<5x80x64xf32, #tpu.memory_space<vmem>> -> memref<1x80x64xf32, #tpu.memory_space<vmem>>
        %dma_wait3A_491 = tpu.memref_squeeze %dma_wait3A_490 : memref<1x80x64xf32, #tpu.memory_space<vmem>> -> memref<80x64xf32, #tpu.memory_space<vmem>>
        %dma_wait3A_492 = arith.constant 0 : i32
        %dma_wait3A_493 = tpu.memref_slice %arg6[%add3A_486, %dma_wait3A_492] : memref<320000x128xf32, #tpu.memory_space<hbm>> -> memref<80x64xf32, #tpu.memory_space<hbm>>
        %dma_wait3A_494 = arith.constant 0 : i32
        %dma_wait3A_495 = tpu.memref_slice %arg6[%add3A_486, %dma_wait3A_494] : memref<320000x128xf32, #tpu.memory_space<hbm>> -> memref<80x64xf32, #tpu.memory_space<hbm>>
        %dma_wait3A_496 = arith.constant 0 : i32
        %dma_wait3A_497 = arith.constant 0 : i32
        %dma_wait3A_498 = tpu.memref_slice %arg9[%dma_wait3A_487, %dma_wait3A_496, %dma_wait3A_497] : memref<5x80x64xf32, #tpu.memory_space<vmem>> -> memref<1x80x64xf32, #tpu.memory_space<vmem>>
        %dma_wait3A_499 = tpu.memref_squeeze %dma_wait3A_498 : memref<1x80x64xf32, #tpu.memory_space<vmem>> -> memref<80x64xf32, #tpu.memory_space<vmem>>
        tpu.wait_dma2 semaphore(%arg16 : memref<!tpu.dma_semaphore, #tpu.memory_space<semaphore_mem>>) src(%dma_wait3A_499 : memref<80x64xf32, #tpu.memory_space<vmem>>) dst(%dma_wait3A_495 : memref<80x64xf32, #tpu.memory_space<hbm>>)
        %dma_wait3A_500 = arith.constant 0 : i32
        %dma_wait3A_501 = arith.constant 0 : i32
        %dma_wait3A_502 = arith.constant 0 : i32
        %dma_wait3A_503 = tpu.memref_slice %arg10[%dma_wait3A_500, %dma_wait3A_501, %dma_wait3A_502] : memref<5x80x64xf32, #tpu.memory_space<vmem>> -> memref<1x80x64xf32, #tpu.memory_space<vmem>>
        %dma_wait3A_504 = tpu.memref_squeeze %dma_wait3A_503 : memref<1x80x64xf32, #tpu.memory_space<vmem>> -> memref<80x64xf32, #tpu.memory_space<vmem>>
        %dma_wait3A_505 = arith.constant 64 : i32
        %dma_wait3A_506 = tpu.memref_slice %arg6[%add3A_486, %dma_wait3A_505] : memref<320000x128xf32, #tpu.memory_space<hbm>> -> memref<80x64xf32, #tpu.memory_space<hbm>>
        %dma_wait3A_507 = arith.constant 64 : i32
        %dma_wait3A_508 = tpu.memref_slice %arg6[%add3A_486, %dma_wait3A_507] : memref<320000x128xf32, #tpu.memory_space<hbm>> -> memref<80x64xf32, #tpu.memory_space<hbm>>
        %dma_wait3A_509 = arith.constant 0 : i32
        %dma_wait3A_510 = arith.constant 0 : i32
        %dma_wait3A_511 = tpu.memref_slice %arg10[%dma_wait3A_500, %dma_wait3A_509, %dma_wait3A_510] : memref<5x80x64xf32, #tpu.memory_space<vmem>> -> memref<1x80x64xf32, #tpu.memory_space<vmem>>
        %dma_wait3A_512 = tpu.memref_squeeze %dma_wait3A_511 : memref<1x80x64xf32, #tpu.memory_space<vmem>> -> memref<80x64xf32, #tpu.memory_space<vmem>>
        tpu.wait_dma2 semaphore(%arg16 : memref<!tpu.dma_semaphore, #tpu.memory_space<semaphore_mem>>) src(%dma_wait3A_512 : memref<80x64xf32, #tpu.memory_space<vmem>>) dst(%dma_wait3A_508 : memref<80x64xf32, #tpu.memory_space<hbm>>)
      } else {
      }
      %add3A_335 = arith.constant 3 : i32
      %add3A_336 = arith.addi %add3A_276, %add3A_335 : i32
      %lt3A_337 = arith.constant 125 : i32
      %lt3A_338 = arith.cmpi slt, %add3A_336, %lt3A_337 : i32
      %convert_element_type3A_339 = arith.extui %lt3A_338 : i1 to i32
      %cond3A_340 = arith.constant 0 : i32
      %cond3A_341 = arith.cmpi ne, %convert_element_type3A_339, %cond3A_340 : i32
      scf.if %cond3A_341 {
        %add3A_481 = arith.constant 3 : i32
        %add3A_482 = arith.addi %add3A_276, %add3A_481 : i32
        %dma_start3A_483 = arith.constant 0 : i32
        %dma_start3A_484 = arith.constant 0 : i32
        %dma_start3A_485 = arith.constant 0 : i32
        %dma_start3A_486 = tpu.memref_slice %arg9[%dma_start3A_483, %dma_start3A_484, %dma_start3A_485] : memref<5x80x64xf32, #tpu.memory_space<vmem>> -> memref<1x80x64xf32, #tpu.memory_space<vmem>>
        %dma_start3A_487 = tpu.memref_squeeze %dma_start3A_486 : memref<1x80x64xf32, #tpu.memory_space<vmem>> -> memref<80x64xf32, #tpu.memory_space<vmem>>
        %dma_start3A_488 = arith.constant 0 : i32
        %dma_start3A_489 = tpu.memref_slice %arg7[%add3A_482, %dma_start3A_488] : memref<125x80xi32, #tpu.memory_space<vmem>> -> memref<1x80xi32, #tpu.memory_space<vmem>>
        %dma_start3A_490 = tpu.memref_squeeze %dma_start3A_489 : memref<1x80xi32, #tpu.memory_space<vmem>> -> memref<80xi32, #tpu.memory_space<vmem>>
        %dma_start3A_491 = arith.constant 0 : i32
        %dma_start3A_492 = arith.constant 0 : i32
        %dma_start3A_493 = tpu.memref_slice %arg2[%dma_start3A_491, %dma_start3A_492] : memref<10000x64xf32, #tpu.memory_space<hbm>> -> memref<10000x64xf32, #tpu.memory_space<hbm>>
        tpu.enqueue_indirect_dma source(%dma_start3A_493 : memref<10000x64xf32, #tpu.memory_space<hbm>>) target(%dma_start3A_487 : memref<80x64xf32, #tpu.memory_space<vmem>>) offsets(%dma_start3A_490 : memref<80xi32, #tpu.memory_space<vmem>>) semaphore(%arg11 : memref<!tpu.dma_semaphore, #tpu.memory_space<semaphore_mem>>)
        %dma_start3A_494 = arith.constant 0 : i32
        %dma_start3A_495 = arith.constant 0 : i32
        %dma_start3A_496 = arith.constant 0 : i32
        %dma_start3A_497 = tpu.memref_slice %arg10[%dma_start3A_494, %dma_start3A_495, %dma_start3A_496] : memref<5x80x64xf32, #tpu.memory_space<vmem>> -> memref<1x80x64xf32, #tpu.memory_space<vmem>>
        %dma_start3A_498 = tpu.memref_squeeze %dma_start3A_497 : memref<1x80x64xf32, #tpu.memory_space<vmem>> -> memref<80x64xf32, #tpu.memory_space<vmem>>
        %dma_start3A_499 = arith.constant 0 : i32
        %dma_start3A_500 = tpu.memref_slice %arg8[%add3A_482, %dma_start3A_499] : memref<125x80xi32, #tpu.memory_space<vmem>> -> memref<1x80xi32, #tpu.memory_space<vmem>>
        %dma_start3A_501 = tpu.memref_squeeze %dma_start3A_500 : memref<1x80xi32, #tpu.memory_space<vmem>> -> memref<80xi32, #tpu.memory_space<vmem>>
        %dma_start3A_502 = arith.constant 0 : i32
        %dma_start3A_503 = arith.constant 0 : i32
        %dma_start3A_504 = tpu.memref_slice %arg3[%dma_start3A_502, %dma_start3A_503] : memref<10000x64xf32, #tpu.memory_space<hbm>> -> memref<10000x64xf32, #tpu.memory_space<hbm>>
        tpu.enqueue_indirect_dma source(%dma_start3A_504 : memref<10000x64xf32, #tpu.memory_space<hbm>>) target(%dma_start3A_498 : memref<80x64xf32, #tpu.memory_space<vmem>>) offsets(%dma_start3A_501 : memref<80xi32, #tpu.memory_space<vmem>>) semaphore(%arg11 : memref<!tpu.dma_semaphore, #tpu.memory_space<semaphore_mem>>)
      } else {
      }
      %mul3A_342 = arith.constant 5 : i32
      %mul3A_343 = arith.muli %scan3A_137, %mul3A_342 : i32
      %add3A_344 = arith.constant 3 : i32
      %add3A_345 = arith.addi %mul3A_343, %add3A_344 : i32
      %dma_wait3A_346 = arith.constant 3 : i32
      %dma_wait3A_347 = arith.constant 0 : i32
      %dma_wait3A_348 = arith.constant 0 : i32
      %dma_wait3A_349 = tpu.memref_slice %arg9[%dma_wait3A_346, %dma_wait3A_347, %dma_wait3A_348] : memref<5x80x64xf32, #tpu.memory_space<vmem>> -> memref<1x80x64xf32, #tpu.memory_space<vmem>>
      %dma_wait3A_350 = tpu.memref_squeeze %dma_wait3A_349 : memref<1x80x64xf32, #tpu.memory_space<vmem>> -> memref<80x64xf32, #tpu.memory_space<vmem>>
      %dma_wait3A_351 = arith.constant 0 : i32
      %dma_wait3A_352 = tpu.memref_slice %arg7[%add3A_345, %dma_wait3A_351] : memref<125x80xi32, #tpu.memory_space<vmem>> -> memref<1x80xi32, #tpu.memory_space<vmem>>
      %dma_wait3A_353 = tpu.memref_squeeze %dma_wait3A_352 : memref<1x80xi32, #tpu.memory_space<vmem>> -> memref<80xi32, #tpu.memory_space<vmem>>
      %dma_wait3A_354 = arith.constant 0 : i32
      %dma_wait3A_355 = arith.constant 0 : i32
      %dma_wait3A_356 = tpu.memref_slice %arg2[%dma_wait3A_354, %dma_wait3A_355] : memref<10000x64xf32, #tpu.memory_space<hbm>> -> memref<10000x64xf32, #tpu.memory_space<hbm>>
      tpu.wait_indirect_dma semaphore(%arg14 : memref<!tpu.dma_semaphore, #tpu.memory_space<semaphore_mem>>) src(%dma_wait3A_356 : memref<10000x64xf32, #tpu.memory_space<hbm>>) dst(%dma_wait3A_350 : memref<80x64xf32, #tpu.memory_space<vmem>>)
      %dma_wait3A_357 = arith.constant 3 : i32
      %dma_wait3A_358 = arith.constant 0 : i32
      %dma_wait3A_359 = arith.constant 0 : i32
      %dma_wait3A_360 = tpu.memref_slice %arg10[%dma_wait3A_357, %dma_wait3A_358, %dma_wait3A_359] : memref<5x80x64xf32, #tpu.memory_space<vmem>> -> memref<1x80x64xf32, #tpu.memory_space<vmem>>
      %dma_wait3A_361 = tpu.memref_squeeze %dma_wait3A_360 : memref<1x80x64xf32, #tpu.memory_space<vmem>> -> memref<80x64xf32, #tpu.memory_space<vmem>>
      %dma_wait3A_362 = arith.constant 0 : i32
      %dma_wait3A_363 = tpu.memref_slice %arg8[%add3A_345, %dma_wait3A_362] : memref<125x80xi32, #tpu.memory_space<vmem>> -> memref<1x80xi32, #tpu.memory_space<vmem>>
      %dma_wait3A_364 = tpu.memref_squeeze %dma_wait3A_363 : memref<1x80xi32, #tpu.memory_space<vmem>> -> memref<80xi32, #tpu.memory_space<vmem>>
      %dma_wait3A_365 = arith.constant 0 : i32
      %dma_wait3A_366 = arith.constant 0 : i32
      %dma_wait3A_367 = tpu.memref_slice %arg3[%dma_wait3A_365, %dma_wait3A_366] : memref<10000x64xf32, #tpu.memory_space<hbm>> -> memref<10000x64xf32, #tpu.memory_space<hbm>>
      tpu.wait_indirect_dma semaphore(%arg14 : memref<!tpu.dma_semaphore, #tpu.memory_space<semaphore_mem>>) src(%dma_wait3A_367 : memref<10000x64xf32, #tpu.memory_space<hbm>>) dst(%dma_wait3A_361 : memref<80x64xf32, #tpu.memory_space<vmem>>)
      %mul3A_368 = arith.constant 10000 : i32
      %mul3A_369 = arith.muli %add3A, %mul3A_368 : i32
      %mul3A_370 = arith.constant 80 : i32
      %mul3A_371 = arith.muli %add3A_345, %mul3A_370 : i32
      %add3A_372 = arith.addi %mul3A_369, %mul3A_371 : i32
      %dma_start3A_373 = arith.constant 3 : i32
      %dma_start3A_374 = arith.constant 0 : i32
      %dma_start3A_375 = arith.constant 0 : i32
      %dma_start3A_376 = tpu.memref_slice %arg9[%dma_start3A_373, %dma_start3A_374, %dma_start3A_375] : memref<5x80x64xf32, #tpu.memory_space<vmem>> -> memref<1x80x64xf32, #tpu.memory_space<vmem>>
      %dma_start3A_377 = tpu.memref_squeeze %dma_start3A_376 : memref<1x80x64xf32, #tpu.memory_space<vmem>> -> memref<80x64xf32, #tpu.memory_space<vmem>>
      %dma_start3A_378 = arith.constant 0 : i32
      %dma_start3A_379 = tpu.memref_slice %arg6[%add3A_372, %dma_start3A_378] : memref<320000x128xf32, #tpu.memory_space<hbm>> -> memref<80x64xf32, #tpu.memory_space<hbm>>
      %dma_start3A_380 = arith.constant 0 : i32
      %dma_start3A_381 = tpu.memref_slice %arg6[%add3A_372, %dma_start3A_380] : memref<320000x128xf32, #tpu.memory_space<hbm>> -> memref<80x64xf32, #tpu.memory_space<hbm>>
      %dma_start3A_382 = arith.constant 0 : i32
      %dma_start3A_383 = arith.constant 0 : i32
      %dma_start3A_384 = tpu.memref_slice %arg9[%dma_start3A_373, %dma_start3A_382, %dma_start3A_383] : memref<5x80x64xf32, #tpu.memory_space<vmem>> -> memref<1x80x64xf32, #tpu.memory_space<vmem>>
      %dma_start3A_385 = tpu.memref_squeeze %dma_start3A_384 : memref<1x80x64xf32, #tpu.memory_space<vmem>> -> memref<80x64xf32, #tpu.memory_space<vmem>>
      tpu.enqueue_dma source(%dma_start3A_385 : memref<80x64xf32, #tpu.memory_space<vmem>>) target(%dma_start3A_381 : memref<80x64xf32, #tpu.memory_space<hbm>>) target_semaphore(%arg19 : memref<!tpu.dma_semaphore, #tpu.memory_space<semaphore_mem>>)
      %dma_start3A_386 = arith.constant 3 : i32
      %dma_start3A_387 = arith.constant 0 : i32
      %dma_start3A_388 = arith.constant 0 : i32
      %dma_start3A_389 = tpu.memref_slice %arg10[%dma_start3A_386, %dma_start3A_387, %dma_start3A_388] : memref<5x80x64xf32, #tpu.memory_space<vmem>> -> memref<1x80x64xf32, #tpu.memory_space<vmem>>
      %dma_start3A_390 = tpu.memref_squeeze %dma_start3A_389 : memref<1x80x64xf32, #tpu.memory_space<vmem>> -> memref<80x64xf32, #tpu.memory_space<vmem>>
      %dma_start3A_391 = arith.constant 64 : i32
      %dma_start3A_392 = tpu.memref_slice %arg6[%add3A_372, %dma_start3A_391] : memref<320000x128xf32, #tpu.memory_space<hbm>> -> memref<80x64xf32, #tpu.memory_space<hbm>>
      %dma_start3A_393 = arith.constant 64 : i32
      %dma_start3A_394 = tpu.memref_slice %arg6[%add3A_372, %dma_start3A_393] : memref<320000x128xf32, #tpu.memory_space<hbm>> -> memref<80x64xf32, #tpu.memory_space<hbm>>
      %dma_start3A_395 = arith.constant 0 : i32
      %dma_start3A_396 = arith.constant 0 : i32
      %dma_start3A_397 = tpu.memref_slice %arg10[%dma_start3A_386, %dma_start3A_395, %dma_start3A_396] : memref<5x80x64xf32, #tpu.memory_space<vmem>> -> memref<1x80x64xf32, #tpu.memory_space<vmem>>
      %dma_start3A_398 = tpu.memref_squeeze %dma_start3A_397 : memref<1x80x64xf32, #tpu.memory_space<vmem>> -> memref<80x64xf32, #tpu.memory_space<vmem>>
      tpu.enqueue_dma source(%dma_start3A_398 : memref<80x64xf32, #tpu.memory_space<vmem>>) target(%dma_start3A_394 : memref<80x64xf32, #tpu.memory_space<hbm>>) target_semaphore(%arg19 : memref<!tpu.dma_semaphore, #tpu.memory_space<semaphore_mem>>)
      %ge3A_399 = arith.constant 2 : i32
      %ge3A_400 = arith.cmpi sge, %add3A_345, %ge3A_399 : i32
      %convert_element_type3A_401 = arith.extui %ge3A_400 : i1 to i32
      %cond3A_402 = arith.constant 0 : i32
      %cond3A_403 = arith.cmpi ne, %convert_element_type3A_401, %cond3A_402 : i32
      scf.if %cond3A_403 {
        %sub3A = arith.constant 2 : i32
        %sub3A_481 = arith.subi %add3A_345, %sub3A : i32
        %mul3A_482 = arith.constant 10000 : i32
        %mul3A_483 = arith.muli %add3A, %mul3A_482 : i32
        %mul3A_484 = arith.constant 80 : i32
        %mul3A_485 = arith.muli %sub3A_481, %mul3A_484 : i32
        %add3A_486 = arith.addi %mul3A_483, %mul3A_485 : i32
        %dma_wait3A_487 = arith.constant 1 : i32
        %dma_wait3A_488 = arith.constant 0 : i32
        %dma_wait3A_489 = arith.constant 0 : i32
        %dma_wait3A_490 = tpu.memref_slice %arg9[%dma_wait3A_487, %dma_wait3A_488, %dma_wait3A_489] : memref<5x80x64xf32, #tpu.memory_space<vmem>> -> memref<1x80x64xf32, #tpu.memory_space<vmem>>
        %dma_wait3A_491 = tpu.memref_squeeze %dma_wait3A_490 : memref<1x80x64xf32, #tpu.memory_space<vmem>> -> memref<80x64xf32, #tpu.memory_space<vmem>>
        %dma_wait3A_492 = arith.constant 0 : i32
        %dma_wait3A_493 = tpu.memref_slice %arg6[%add3A_486, %dma_wait3A_492] : memref<320000x128xf32, #tpu.memory_space<hbm>> -> memref<80x64xf32, #tpu.memory_space<hbm>>
        %dma_wait3A_494 = arith.constant 0 : i32
        %dma_wait3A_495 = tpu.memref_slice %arg6[%add3A_486, %dma_wait3A_494] : memref<320000x128xf32, #tpu.memory_space<hbm>> -> memref<80x64xf32, #tpu.memory_space<hbm>>
        %dma_wait3A_496 = arith.constant 0 : i32
        %dma_wait3A_497 = arith.constant 0 : i32
        %dma_wait3A_498 = tpu.memref_slice %arg9[%dma_wait3A_487, %dma_wait3A_496, %dma_wait3A_497] : memref<5x80x64xf32, #tpu.memory_space<vmem>> -> memref<1x80x64xf32, #tpu.memory_space<vmem>>
        %dma_wait3A_499 = tpu.memref_squeeze %dma_wait3A_498 : memref<1x80x64xf32, #tpu.memory_space<vmem>> -> memref<80x64xf32, #tpu.memory_space<vmem>>
        tpu.wait_dma2 semaphore(%arg17 : memref<!tpu.dma_semaphore, #tpu.memory_space<semaphore_mem>>) src(%dma_wait3A_499 : memref<80x64xf32, #tpu.memory_space<vmem>>) dst(%dma_wait3A_495 : memref<80x64xf32, #tpu.memory_space<hbm>>)
        %dma_wait3A_500 = arith.constant 1 : i32
        %dma_wait3A_501 = arith.constant 0 : i32
        %dma_wait3A_502 = arith.constant 0 : i32
        %dma_wait3A_503 = tpu.memref_slice %arg10[%dma_wait3A_500, %dma_wait3A_501, %dma_wait3A_502] : memref<5x80x64xf32, #tpu.memory_space<vmem>> -> memref<1x80x64xf32, #tpu.memory_space<vmem>>
        %dma_wait3A_504 = tpu.memref_squeeze %dma_wait3A_503 : memref<1x80x64xf32, #tpu.memory_space<vmem>> -> memref<80x64xf32, #tpu.memory_space<vmem>>
        %dma_wait3A_505 = arith.constant 64 : i32
        %dma_wait3A_506 = tpu.memref_slice %arg6[%add3A_486, %dma_wait3A_505] : memref<320000x128xf32, #tpu.memory_space<hbm>> -> memref<80x64xf32, #tpu.memory_space<hbm>>
        %dma_wait3A_507 = arith.constant 64 : i32
        %dma_wait3A_508 = tpu.memref_slice %arg6[%add3A_486, %dma_wait3A_507] : memref<320000x128xf32, #tpu.memory_space<hbm>> -> memref<80x64xf32, #tpu.memory_space<hbm>>
        %dma_wait3A_509 = arith.constant 0 : i32
        %dma_wait3A_510 = arith.constant 0 : i32
        %dma_wait3A_511 = tpu.memref_slice %arg10[%dma_wait3A_500, %dma_wait3A_509, %dma_wait3A_510] : memref<5x80x64xf32, #tpu.memory_space<vmem>> -> memref<1x80x64xf32, #tpu.memory_space<vmem>>
        %dma_wait3A_512 = tpu.memref_squeeze %dma_wait3A_511 : memref<1x80x64xf32, #tpu.memory_space<vmem>> -> memref<80x64xf32, #tpu.memory_space<vmem>>
        tpu.wait_dma2 semaphore(%arg17 : memref<!tpu.dma_semaphore, #tpu.memory_space<semaphore_mem>>) src(%dma_wait3A_512 : memref<80x64xf32, #tpu.memory_space<vmem>>) dst(%dma_wait3A_508 : memref<80x64xf32, #tpu.memory_space<hbm>>)
      } else {
      }
      %add3A_404 = arith.constant 3 : i32
      %add3A_405 = arith.addi %add3A_345, %add3A_404 : i32
      %lt3A_406 = arith.constant 125 : i32
      %lt3A_407 = arith.cmpi slt, %add3A_405, %lt3A_406 : i32
      %convert_element_type3A_408 = arith.extui %lt3A_407 : i1 to i32
      %cond3A_409 = arith.constant 0 : i32
      %cond3A_410 = arith.cmpi ne, %convert_element_type3A_408, %cond3A_409 : i32
      scf.if %cond3A_410 {
        %add3A_481 = arith.constant 3 : i32
        %add3A_482 = arith.addi %add3A_345, %add3A_481 : i32
        %dma_start3A_483 = arith.constant 1 : i32
        %dma_start3A_484 = arith.constant 0 : i32
        %dma_start3A_485 = arith.constant 0 : i32
        %dma_start3A_486 = tpu.memref_slice %arg9[%dma_start3A_483, %dma_start3A_484, %dma_start3A_485] : memref<5x80x64xf32, #tpu.memory_space<vmem>> -> memref<1x80x64xf32, #tpu.memory_space<vmem>>
        %dma_start3A_487 = tpu.memref_squeeze %dma_start3A_486 : memref<1x80x64xf32, #tpu.memory_space<vmem>> -> memref<80x64xf32, #tpu.memory_space<vmem>>
        %dma_start3A_488 = arith.constant 0 : i32
        %dma_start3A_489 = tpu.memref_slice %arg7[%add3A_482, %dma_start3A_488] : memref<125x80xi32, #tpu.memory_space<vmem>> -> memref<1x80xi32, #tpu.memory_space<vmem>>
        %dma_start3A_490 = tpu.memref_squeeze %dma_start3A_489 : memref<1x80xi32, #tpu.memory_space<vmem>> -> memref<80xi32, #tpu.memory_space<vmem>>
        %dma_start3A_491 = arith.constant 0 : i32
        %dma_start3A_492 = arith.constant 0 : i32
        %dma_start3A_493 = tpu.memref_slice %arg2[%dma_start3A_491, %dma_start3A_492] : memref<10000x64xf32, #tpu.memory_space<hbm>> -> memref<10000x64xf32, #tpu.memory_space<hbm>>
        tpu.enqueue_indirect_dma source(%dma_start3A_493 : memref<10000x64xf32, #tpu.memory_space<hbm>>) target(%dma_start3A_487 : memref<80x64xf32, #tpu.memory_space<vmem>>) offsets(%dma_start3A_490 : memref<80xi32, #tpu.memory_space<vmem>>) semaphore(%arg12 : memref<!tpu.dma_semaphore, #tpu.memory_space<semaphore_mem>>)
        %dma_start3A_494 = arith.constant 1 : i32
        %dma_start3A_495 = arith.constant 0 : i32
        %dma_start3A_496 = arith.constant 0 : i32
        %dma_start3A_497 = tpu.memref_slice %arg10[%dma_start3A_494, %dma_start3A_495, %dma_start3A_496] : memref<5x80x64xf32, #tpu.memory_space<vmem>> -> memref<1x80x64xf32, #tpu.memory_space<vmem>>
        %dma_start3A_498 = tpu.memref_squeeze %dma_start3A_497 : memref<1x80x64xf32, #tpu.memory_space<vmem>> -> memref<80x64xf32, #tpu.memory_space<vmem>>
        %dma_start3A_499 = arith.constant 0 : i32
        %dma_start3A_500 = tpu.memref_slice %arg8[%add3A_482, %dma_start3A_499] : memref<125x80xi32, #tpu.memory_space<vmem>> -> memref<1x80xi32, #tpu.memory_space<vmem>>
        %dma_start3A_501 = tpu.memref_squeeze %dma_start3A_500 : memref<1x80xi32, #tpu.memory_space<vmem>> -> memref<80xi32, #tpu.memory_space<vmem>>
        %dma_start3A_502 = arith.constant 0 : i32
        %dma_start3A_503 = arith.constant 0 : i32
        %dma_start3A_504 = tpu.memref_slice %arg3[%dma_start3A_502, %dma_start3A_503] : memref<10000x64xf32, #tpu.memory_space<hbm>> -> memref<10000x64xf32, #tpu.memory_space<hbm>>
        tpu.enqueue_indirect_dma source(%dma_start3A_504 : memref<10000x64xf32, #tpu.memory_space<hbm>>) target(%dma_start3A_498 : memref<80x64xf32, #tpu.memory_space<vmem>>) offsets(%dma_start3A_501 : memref<80xi32, #tpu.memory_space<vmem>>) semaphore(%arg12 : memref<!tpu.dma_semaphore, #tpu.memory_space<semaphore_mem>>)
      } else {
      }
      %mul3A_411 = arith.constant 5 : i32
      %mul3A_412 = arith.muli %scan3A_137, %mul3A_411 : i32
      %add3A_413 = arith.constant 4 : i32
      %add3A_414 = arith.addi %mul3A_412, %add3A_413 : i32
      %dma_wait3A_415 = arith.constant 4 : i32
      %dma_wait3A_416 = arith.constant 0 : i32
      %dma_wait3A_417 = arith.constant 0 : i32
      %dma_wait3A_418 = tpu.memref_slice %arg9[%dma_wait3A_415, %dma_wait3A_416, %dma_wait3A_417] : memref<5x80x64xf32, #tpu.memory_space<vmem>> -> memref<1x80x64xf32, #tpu.memory_space<vmem>>
      %dma_wait3A_419 = tpu.memref_squeeze %dma_wait3A_418 : memref<1x80x64xf32, #tpu.memory_space<vmem>> -> memref<80x64xf32, #tpu.memory_space<vmem>>
      %dma_wait3A_420 = arith.constant 0 : i32
      %dma_wait3A_421 = tpu.memref_slice %arg7[%add3A_414, %dma_wait3A_420] : memref<125x80xi32, #tpu.memory_space<vmem>> -> memref<1x80xi32, #tpu.memory_space<vmem>>
      %dma_wait3A_422 = tpu.memref_squeeze %dma_wait3A_421 : memref<1x80xi32, #tpu.memory_space<vmem>> -> memref<80xi32, #tpu.memory_space<vmem>>
      %dma_wait3A_423 = arith.constant 0 : i32
      %dma_wait3A_424 = arith.constant 0 : i32
      %dma_wait3A_425 = tpu.memref_slice %arg2[%dma_wait3A_423, %dma_wait3A_424] : memref<10000x64xf32, #tpu.memory_space<hbm>> -> memref<10000x64xf32, #tpu.memory_space<hbm>>
      tpu.wait_indirect_dma semaphore(%arg15 : memref<!tpu.dma_semaphore, #tpu.memory_space<semaphore_mem>>) src(%dma_wait3A_425 : memref<10000x64xf32, #tpu.memory_space<hbm>>) dst(%dma_wait3A_419 : memref<80x64xf32, #tpu.memory_space<vmem>>)
      %dma_wait3A_426 = arith.constant 4 : i32
      %dma_wait3A_427 = arith.constant 0 : i32
      %dma_wait3A_428 = arith.constant 0 : i32
      %dma_wait3A_429 = tpu.memref_slice %arg10[%dma_wait3A_426, %dma_wait3A_427, %dma_wait3A_428] : memref<5x80x64xf32, #tpu.memory_space<vmem>> -> memref<1x80x64xf32, #tpu.memory_space<vmem>>
      %dma_wait3A_430 = tpu.memref_squeeze %dma_wait3A_429 : memref<1x80x64xf32, #tpu.memory_space<vmem>> -> memref<80x64xf32, #tpu.memory_space<vmem>>
      %dma_wait3A_431 = arith.constant 0 : i32
      %dma_wait3A_432 = tpu.memref_slice %arg8[%add3A_414, %dma_wait3A_431] : memref<125x80xi32, #tpu.memory_space<vmem>> -> memref<1x80xi32, #tpu.memory_space<vmem>>
      %dma_wait3A_433 = tpu.memref_squeeze %dma_wait3A_432 : memref<1x80xi32, #tpu.memory_space<vmem>> -> memref<80xi32, #tpu.memory_space<vmem>>
      %dma_wait3A_434 = arith.constant 0 : i32
      %dma_wait3A_435 = arith.constant 0 : i32
      %dma_wait3A_436 = tpu.memref_slice %arg3[%dma_wait3A_434, %dma_wait3A_435] : memref<10000x64xf32, #tpu.memory_space<hbm>> -> memref<10000x64xf32, #tpu.memory_space<hbm>>
      tpu.wait_indirect_dma semaphore(%arg15 : memref<!tpu.dma_semaphore, #tpu.memory_space<semaphore_mem>>) src(%dma_wait3A_436 : memref<10000x64xf32, #tpu.memory_space<hbm>>) dst(%dma_wait3A_430 : memref<80x64xf32, #tpu.memory_space<vmem>>)
      %mul3A_437 = arith.constant 10000 : i32
      %mul3A_438 = arith.muli %add3A, %mul3A_437 : i32
      %mul3A_439 = arith.constant 80 : i32
      %mul3A_440 = arith.muli %add3A_414, %mul3A_439 : i32
      %add3A_441 = arith.addi %mul3A_438, %mul3A_440 : i32
      %dma_start3A_442 = arith.constant 4 : i32
      %dma_start3A_443 = arith.constant 0 : i32
      %dma_start3A_444 = arith.constant 0 : i32
      %dma_start3A_445 = tpu.memref_slice %arg9[%dma_start3A_442, %dma_start3A_443, %dma_start3A_444] : memref<5x80x64xf32, #tpu.memory_space<vmem>> -> memref<1x80x64xf32, #tpu.memory_space<vmem>>
      %dma_start3A_446 = tpu.memref_squeeze %dma_start3A_445 : memref<1x80x64xf32, #tpu.memory_space<vmem>> -> memref<80x64xf32, #tpu.memory_space<vmem>>
      %dma_start3A_447 = arith.constant 0 : i32
      %dma_start3A_448 = tpu.memref_slice %arg6[%add3A_441, %dma_start3A_447] : memref<320000x128xf32, #tpu.memory_space<hbm>> -> memref<80x64xf32, #tpu.memory_space<hbm>>
      %dma_start3A_449 = arith.constant 0 : i32
      %dma_start3A_450 = tpu.memref_slice %arg6[%add3A_441, %dma_start3A_449] : memref<320000x128xf32, #tpu.memory_space<hbm>> -> memref<80x64xf32, #tpu.memory_space<hbm>>
      %dma_start3A_451 = arith.constant 0 : i32
      %dma_start3A_452 = arith.constant 0 : i32
      %dma_start3A_453 = tpu.memref_slice %arg9[%dma_start3A_442, %dma_start3A_451, %dma_start3A_452] : memref<5x80x64xf32, #tpu.memory_space<vmem>> -> memref<1x80x64xf32, #tpu.memory_space<vmem>>
      %dma_start3A_454 = tpu.memref_squeeze %dma_start3A_453 : memref<1x80x64xf32, #tpu.memory_space<vmem>> -> memref<80x64xf32, #tpu.memory_space<vmem>>
      tpu.enqueue_dma source(%dma_start3A_454 : memref<80x64xf32, #tpu.memory_space<vmem>>) target(%dma_start3A_450 : memref<80x64xf32, #tpu.memory_space<hbm>>) target_semaphore(%arg20 : memref<!tpu.dma_semaphore, #tpu.memory_space<semaphore_mem>>)
      %dma_start3A_455 = arith.constant 4 : i32
      %dma_start3A_456 = arith.constant 0 : i32
      %dma_start3A_457 = arith.constant 0 : i32
      %dma_start3A_458 = tpu.memref_slice %arg10[%dma_start3A_455, %dma_start3A_456, %dma_start3A_457] : memref<5x80x64xf32, #tpu.memory_space<vmem>> -> memref<1x80x64xf32, #tpu.memory_space<vmem>>
      %dma_start3A_459 = tpu.memref_squeeze %dma_start3A_458 : memref<1x80x64xf32, #tpu.memory_space<vmem>> -> memref<80x64xf32, #tpu.memory_space<vmem>>
      %dma_start3A_460 = arith.constant 64 : i32
      %dma_start3A_461 = tpu.memref_slice %arg6[%add3A_441, %dma_start3A_460] : memref<320000x128xf32, #tpu.memory_space<hbm>> -> memref<80x64xf32, #tpu.memory_space<hbm>>
      %dma_start3A_462 = arith.constant 64 : i32
      %dma_start3A_463 = tpu.memref_slice %arg6[%add3A_441, %dma_start3A_462] : memref<320000x128xf32, #tpu.memory_space<hbm>> -> memref<80x64xf32, #tpu.memory_space<hbm>>
      %dma_start3A_464 = arith.constant 0 : i32
      %dma_start3A_465 = arith.constant 0 : i32
      %dma_start3A_466 = tpu.memref_slice %arg10[%dma_start3A_455, %dma_start3A_464, %dma_start3A_465] : memref<5x80x64xf32, #tpu.memory_space<vmem>> -> memref<1x80x64xf32, #tpu.memory_space<vmem>>
      %dma_start3A_467 = tpu.memref_squeeze %dma_start3A_466 : memref<1x80x64xf32, #tpu.memory_space<vmem>> -> memref<80x64xf32, #tpu.memory_space<vmem>>
      tpu.enqueue_dma source(%dma_start3A_467 : memref<80x64xf32, #tpu.memory_space<vmem>>) target(%dma_start3A_463 : memref<80x64xf32, #tpu.memory_space<hbm>>) target_semaphore(%arg20 : memref<!tpu.dma_semaphore, #tpu.memory_space<semaphore_mem>>)
      %ge3A_468 = arith.constant 2 : i32
      %ge3A_469 = arith.cmpi sge, %add3A_414, %ge3A_468 : i32
      %convert_element_type3A_470 = arith.extui %ge3A_469 : i1 to i32
      %cond3A_471 = arith.constant 0 : i32
      %cond3A_472 = arith.cmpi ne, %convert_element_type3A_470, %cond3A_471 : i32
      scf.if %cond3A_472 {
        %sub3A = arith.constant 2 : i32
        %sub3A_481 = arith.subi %add3A_414, %sub3A : i32
        %mul3A_482 = arith.constant 10000 : i32
        %mul3A_483 = arith.muli %add3A, %mul3A_482 : i32
        %mul3A_484 = arith.constant 80 : i32
        %mul3A_485 = arith.muli %sub3A_481, %mul3A_484 : i32
        %add3A_486 = arith.addi %mul3A_483, %mul3A_485 : i32
        %dma_wait3A_487 = arith.constant 2 : i32
        %dma_wait3A_488 = arith.constant 0 : i32
        %dma_wait3A_489 = arith.constant 0 : i32
        %dma_wait3A_490 = tpu.memref_slice %arg9[%dma_wait3A_487, %dma_wait3A_488, %dma_wait3A_489] : memref<5x80x64xf32, #tpu.memory_space<vmem>> -> memref<1x80x64xf32, #tpu.memory_space<vmem>>
        %dma_wait3A_491 = tpu.memref_squeeze %dma_wait3A_490 : memref<1x80x64xf32, #tpu.memory_space<vmem>> -> memref<80x64xf32, #tpu.memory_space<vmem>>
        %dma_wait3A_492 = arith.constant 0 : i32
        %dma_wait3A_493 = tpu.memref_slice %arg6[%add3A_486, %dma_wait3A_492] : memref<320000x128xf32, #tpu.memory_space<hbm>> -> memref<80x64xf32, #tpu.memory_space<hbm>>
        %dma_wait3A_494 = arith.constant 0 : i32
        %dma_wait3A_495 = tpu.memref_slice %arg6[%add3A_486, %dma_wait3A_494] : memref<320000x128xf32, #tpu.memory_space<hbm>> -> memref<80x64xf32, #tpu.memory_space<hbm>>
        %dma_wait3A_496 = arith.constant 0 : i32
        %dma_wait3A_497 = arith.constant 0 : i32
        %dma_wait3A_498 = tpu.memref_slice %arg9[%dma_wait3A_487, %dma_wait3A_496, %dma_wait3A_497] : memref<5x80x64xf32, #tpu.memory_space<vmem>> -> memref<1x80x64xf32, #tpu.memory_space<vmem>>
        %dma_wait3A_499 = tpu.memref_squeeze %dma_wait3A_498 : memref<1x80x64xf32, #tpu.memory_space<vmem>> -> memref<80x64xf32, #tpu.memory_space<vmem>>
        tpu.wait_dma2 semaphore(%arg18 : memref<!tpu.dma_semaphore, #tpu.memory_space<semaphore_mem>>) src(%dma_wait3A_499 : memref<80x64xf32, #tpu.memory_space<vmem>>) dst(%dma_wait3A_495 : memref<80x64xf32, #tpu.memory_space<hbm>>)
        %dma_wait3A_500 = arith.constant 2 : i32
        %dma_wait3A_501 = arith.constant 0 : i32
        %dma_wait3A_502 = arith.constant 0 : i32
        %dma_wait3A_503 = tpu.memref_slice %arg10[%dma_wait3A_500, %dma_wait3A_501, %dma_wait3A_502] : memref<5x80x64xf32, #tpu.memory_space<vmem>> -> memref<1x80x64xf32, #tpu.memory_space<vmem>>
        %dma_wait3A_504 = tpu.memref_squeeze %dma_wait3A_503 : memref<1x80x64xf32, #tpu.memory_space<vmem>> -> memref<80x64xf32, #tpu.memory_space<vmem>>
        %dma_wait3A_505 = arith.constant 64 : i32
        %dma_wait3A_506 = tpu.memref_slice %arg6[%add3A_486, %dma_wait3A_505] : memref<320000x128xf32, #tpu.memory_space<hbm>> -> memref<80x64xf32, #tpu.memory_space<hbm>>
        %dma_wait3A_507 = arith.constant 64 : i32
        %dma_wait3A_508 = tpu.memref_slice %arg6[%add3A_486, %dma_wait3A_507] : memref<320000x128xf32, #tpu.memory_space<hbm>> -> memref<80x64xf32, #tpu.memory_space<hbm>>
        %dma_wait3A_509 = arith.constant 0 : i32
        %dma_wait3A_510 = arith.constant 0 : i32
        %dma_wait3A_511 = tpu.memref_slice %arg10[%dma_wait3A_500, %dma_wait3A_509, %dma_wait3A_510] : memref<5x80x64xf32, #tpu.memory_space<vmem>> -> memref<1x80x64xf32, #tpu.memory_space<vmem>>
        %dma_wait3A_512 = tpu.memref_squeeze %dma_wait3A_511 : memref<1x80x64xf32, #tpu.memory_space<vmem>> -> memref<80x64xf32, #tpu.memory_space<vmem>>
        tpu.wait_dma2 semaphore(%arg18 : memref<!tpu.dma_semaphore, #tpu.memory_space<semaphore_mem>>) src(%dma_wait3A_512 : memref<80x64xf32, #tpu.memory_space<vmem>>) dst(%dma_wait3A_508 : memref<80x64xf32, #tpu.memory_space<hbm>>)
      } else {
      }
      %add3A_473 = arith.constant 3 : i32
      %add3A_474 = arith.addi %add3A_414, %add3A_473 : i32
      %lt3A_475 = arith.constant 125 : i32
      %lt3A_476 = arith.cmpi slt, %add3A_474, %lt3A_475 : i32
      %convert_element_type3A_477 = arith.extui %lt3A_476 : i1 to i32
      %cond3A_478 = arith.constant 0 : i32
      %cond3A_479 = arith.cmpi ne, %convert_element_type3A_477, %cond3A_478 : i32
      scf.if %cond3A_479 {
        %add3A_481 = arith.constant 3 : i32
        %add3A_482 = arith.addi %add3A_414, %add3A_481 : i32
        %dma_start3A_483 = arith.constant 2 : i32
        %dma_start3A_484 = arith.constant 0 : i32
        %dma_start3A_485 = arith.constant 0 : i32
        %dma_start3A_486 = tpu.memref_slice %arg9[%dma_start3A_483, %dma_start3A_484, %dma_start3A_485] : memref<5x80x64xf32, #tpu.memory_space<vmem>> -> memref<1x80x64xf32, #tpu.memory_space<vmem>>
        %dma_start3A_487 = tpu.memref_squeeze %dma_start3A_486 : memref<1x80x64xf32, #tpu.memory_space<vmem>> -> memref<80x64xf32, #tpu.memory_space<vmem>>
        %dma_start3A_488 = arith.constant 0 : i32
        %dma_start3A_489 = tpu.memref_slice %arg7[%add3A_482, %dma_start3A_488] : memref<125x80xi32, #tpu.memory_space<vmem>> -> memref<1x80xi32, #tpu.memory_space<vmem>>
        %dma_start3A_490 = tpu.memref_squeeze %dma_start3A_489 : memref<1x80xi32, #tpu.memory_space<vmem>> -> memref<80xi32, #tpu.memory_space<vmem>>
        %dma_start3A_491 = arith.constant 0 : i32
        %dma_start3A_492 = arith.constant 0 : i32
        %dma_start3A_493 = tpu.memref_slice %arg2[%dma_start3A_491, %dma_start3A_492] : memref<10000x64xf32, #tpu.memory_space<hbm>> -> memref<10000x64xf32, #tpu.memory_space<hbm>>
        tpu.enqueue_indirect_dma source(%dma_start3A_493 : memref<10000x64xf32, #tpu.memory_space<hbm>>) target(%dma_start3A_487 : memref<80x64xf32, #tpu.memory_space<vmem>>) offsets(%dma_start3A_490 : memref<80xi32, #tpu.memory_space<vmem>>) semaphore(%arg13 : memref<!tpu.dma_semaphore, #tpu.memory_space<semaphore_mem>>)
        %dma_start3A_494 = arith.constant 2 : i32
        %dma_start3A_495 = arith.constant 0 : i32
        %dma_start3A_496 = arith.constant 0 : i32
        %dma_start3A_497 = tpu.memref_slice %arg10[%dma_start3A_494, %dma_start3A_495, %dma_start3A_496] : memref<5x80x64xf32, #tpu.memory_space<vmem>> -> memref<1x80x64xf32, #tpu.memory_space<vmem>>
        %dma_start3A_498 = tpu.memref_squeeze %dma_start3A_497 : memref<1x80x64xf32, #tpu.memory_space<vmem>> -> memref<80x64xf32, #tpu.memory_space<vmem>>
        %dma_start3A_499 = arith.constant 0 : i32
        %dma_start3A_500 = tpu.memref_slice %arg8[%add3A_482, %dma_start3A_499] : memref<125x80xi32, #tpu.memory_space<vmem>> -> memref<1x80xi32, #tpu.memory_space<vmem>>
        %dma_start3A_501 = tpu.memref_squeeze %dma_start3A_500 : memref<1x80xi32, #tpu.memory_space<vmem>> -> memref<80xi32, #tpu.memory_space<vmem>>
        %dma_start3A_502 = arith.constant 0 : i32
        %dma_start3A_503 = arith.constant 0 : i32
        %dma_start3A_504 = tpu.memref_slice %arg3[%dma_start3A_502, %dma_start3A_503] : memref<10000x64xf32, #tpu.memory_space<hbm>> -> memref<10000x64xf32, #tpu.memory_space<hbm>>
        tpu.enqueue_indirect_dma source(%dma_start3A_504 : memref<10000x64xf32, #tpu.memory_space<hbm>>) target(%dma_start3A_498 : memref<80x64xf32, #tpu.memory_space<vmem>>) offsets(%dma_start3A_501 : memref<80xi32, #tpu.memory_space<vmem>>) semaphore(%arg13 : memref<!tpu.dma_semaphore, #tpu.memory_space<semaphore_mem>>)
      } else {
      }
      %scan3A_480 = arith.constant 0 : i32
      scf.yield %scan3A_480 : i32
    }
    %scan3A_77 = arith.constant 25 : i32
    %mul3A_78 = arith.constant 10000 : i32
    %mul3A_79 = arith.muli %add3A, %mul3A_78 : i32
    %add3A_80 = arith.constant 9840 : i32
    %add3A_81 = arith.addi %mul3A_79, %add3A_80 : i32
    %dma_wait3A = arith.constant 3 : i32
    %dma_wait3A_82 = arith.constant 0 : i32
    %dma_wait3A_83 = arith.constant 0 : i32
    %dma_wait3A_84 = tpu.memref_slice %arg9[%dma_wait3A, %dma_wait3A_82, %dma_wait3A_83] : memref<5x80x64xf32, #tpu.memory_space<vmem>> -> memref<1x80x64xf32, #tpu.memory_space<vmem>>
    %dma_wait3A_85 = tpu.memref_squeeze %dma_wait3A_84 : memref<1x80x64xf32, #tpu.memory_space<vmem>> -> memref<80x64xf32, #tpu.memory_space<vmem>>
    %dma_wait3A_86 = arith.constant 0 : i32
    %dma_wait3A_87 = tpu.memref_slice %arg6[%add3A_81, %dma_wait3A_86] : memref<320000x128xf32, #tpu.memory_space<hbm>> -> memref<80x64xf32, #tpu.memory_space<hbm>>
    %dma_wait3A_88 = arith.constant 0 : i32
    %dma_wait3A_89 = tpu.memref_slice %arg6[%add3A_81, %dma_wait3A_88] : memref<320000x128xf32, #tpu.memory_space<hbm>> -> memref<80x64xf32, #tpu.memory_space<hbm>>
    %dma_wait3A_90 = arith.constant 0 : i32
    %dma_wait3A_91 = arith.constant 0 : i32
    %dma_wait3A_92 = tpu.memref_slice %arg9[%dma_wait3A, %dma_wait3A_90, %dma_wait3A_91] : memref<5x80x64xf32, #tpu.memory_space<vmem>> -> memref<1x80x64xf32, #tpu.memory_space<vmem>>
    %dma_wait3A_93 = tpu.memref_squeeze %dma_wait3A_92 : memref<1x80x64xf32, #tpu.memory_space<vmem>> -> memref<80x64xf32, #tpu.memory_space<vmem>>
    tpu.wait_dma2 semaphore(%arg19 : memref<!tpu.dma_semaphore, #tpu.memory_space<semaphore_mem>>) src(%dma_wait3A_93 : memref<80x64xf32, #tpu.memory_space<vmem>>) dst(%dma_wait3A_89 : memref<80x64xf32, #tpu.memory_space<hbm>>)
    %dma_wait3A_94 = arith.constant 3 : i32
    %dma_wait3A_95 = arith.constant 0 : i32
    %dma_wait3A_96 = arith.constant 0 : i32
    %dma_wait3A_97 = tpu.memref_slice %arg10[%dma_wait3A_94, %dma_wait3A_95, %dma_wait3A_96] : memref<5x80x64xf32, #tpu.memory_space<vmem>> -> memref<1x80x64xf32, #tpu.memory_space<vmem>>
    %dma_wait3A_98 = tpu.memref_squeeze %dma_wait3A_97 : memref<1x80x64xf32, #tpu.memory_space<vmem>> -> memref<80x64xf32, #tpu.memory_space<vmem>>
    %dma_wait3A_99 = arith.constant 64 : i32
    %dma_wait3A_100 = tpu.memref_slice %arg6[%add3A_81, %dma_wait3A_99] : memref<320000x128xf32, #tpu.memory_space<hbm>> -> memref<80x64xf32, #tpu.memory_space<hbm>>
    %dma_wait3A_101 = arith.constant 64 : i32
    %dma_wait3A_102 = tpu.memref_slice %arg6[%add3A_81, %dma_wait3A_101] : memref<320000x128xf32, #tpu.memory_space<hbm>> -> memref<80x64xf32, #tpu.memory_space<hbm>>
    %dma_wait3A_103 = arith.constant 0 : i32
    %dma_wait3A_104 = arith.constant 0 : i32
    %dma_wait3A_105 = tpu.memref_slice %arg10[%dma_wait3A_94, %dma_wait3A_103, %dma_wait3A_104] : memref<5x80x64xf32, #tpu.memory_space<vmem>> -> memref<1x80x64xf32, #tpu.memory_space<vmem>>
    %dma_wait3A_106 = tpu.memref_squeeze %dma_wait3A_105 : memref<1x80x64xf32, #tpu.memory_space<vmem>> -> memref<80x64xf32, #tpu.memory_space<vmem>>
    tpu.wait_dma2 semaphore(%arg19 : memref<!tpu.dma_semaphore, #tpu.memory_space<semaphore_mem>>) src(%dma_wait3A_106 : memref<80x64xf32, #tpu.memory_space<vmem>>) dst(%dma_wait3A_102 : memref<80x64xf32, #tpu.memory_space<hbm>>)
    %mul3A_107 = arith.constant 10000 : i32
    %mul3A_108 = arith.muli %add3A, %mul3A_107 : i32
    %add3A_109 = arith.constant 9920 : i32
    %add3A_110 = arith.addi %mul3A_108, %add3A_109 : i32
    %dma_wait3A_111 = arith.constant 4 : i32
    %dma_wait3A_112 = arith.constant 0 : i32
    %dma_wait3A_113 = arith.constant 0 : i32
    %dma_wait3A_114 = tpu.memref_slice %arg9[%dma_wait3A_111, %dma_wait3A_112, %dma_wait3A_113] : memref<5x80x64xf32, #tpu.memory_space<vmem>> -> memref<1x80x64xf32, #tpu.memory_space<vmem>>
    %dma_wait3A_115 = tpu.memref_squeeze %dma_wait3A_114 : memref<1x80x64xf32, #tpu.memory_space<vmem>> -> memref<80x64xf32, #tpu.memory_space<vmem>>
    %dma_wait3A_116 = arith.constant 0 : i32
    %dma_wait3A_117 = tpu.memref_slice %arg6[%add3A_110, %dma_wait3A_116] : memref<320000x128xf32, #tpu.memory_space<hbm>> -> memref<80x64xf32, #tpu.memory_space<hbm>>
    %dma_wait3A_118 = arith.constant 0 : i32
    %dma_wait3A_119 = tpu.memref_slice %arg6[%add3A_110, %dma_wait3A_118] : memref<320000x128xf32, #tpu.memory_space<hbm>> -> memref<80x64xf32, #tpu.memory_space<hbm>>
    %dma_wait3A_120 = arith.constant 0 : i32
    %dma_wait3A_121 = arith.constant 0 : i32
    %dma_wait3A_122 = tpu.memref_slice %arg9[%dma_wait3A_111, %dma_wait3A_120, %dma_wait3A_121] : memref<5x80x64xf32, #tpu.memory_space<vmem>> -> memref<1x80x64xf32, #tpu.memory_space<vmem>>
    %dma_wait3A_123 = tpu.memref_squeeze %dma_wait3A_122 : memref<1x80x64xf32, #tpu.memory_space<vmem>> -> memref<80x64xf32, #tpu.memory_space<vmem>>
    tpu.wait_dma2 semaphore(%arg20 : memref<!tpu.dma_semaphore, #tpu.memory_space<semaphore_mem>>) src(%dma_wait3A_123 : memref<80x64xf32, #tpu.memory_space<vmem>>) dst(%dma_wait3A_119 : memref<80x64xf32, #tpu.memory_space<hbm>>)
    %dma_wait3A_124 = arith.constant 4 : i32
    %dma_wait3A_125 = arith.constant 0 : i32
    %dma_wait3A_126 = arith.constant 0 : i32
    %dma_wait3A_127 = tpu.memref_slice %arg10[%dma_wait3A_124, %dma_wait3A_125, %dma_wait3A_126] : memref<5x80x64xf32, #tpu.memory_space<vmem>> -> memref<1x80x64xf32, #tpu.memory_space<vmem>>
    %dma_wait3A_128 = tpu.memref_squeeze %dma_wait3A_127 : memref<1x80x64xf32, #tpu.memory_space<vmem>> -> memref<80x64xf32, #tpu.memory_space<vmem>>
    %dma_wait3A_129 = arith.constant 64 : i32
    %dma_wait3A_130 = tpu.memref_slice %arg6[%add3A_110, %dma_wait3A_129] : memref<320000x128xf32, #tpu.memory_space<hbm>> -> memref<80x64xf32, #tpu.memory_space<hbm>>
    %dma_wait3A_131 = arith.constant 64 : i32
    %dma_wait3A_132 = tpu.memref_slice %arg6[%add3A_110, %dma_wait3A_131] : memref<320000x128xf32, #tpu.memory_space<hbm>> -> memref<80x64xf32, #tpu.memory_space<hbm>>
    %dma_wait3A_133 = arith.constant 0 : i32
    %dma_wait3A_134 = arith.constant 0 : i32
    %dma_wait3A_135 = tpu.memref_slice %arg10[%dma_wait3A_124, %dma_wait3A_133, %dma_wait3A_134] : memref<5x80x64xf32, #tpu.memory_space<vmem>> -> memref<1x80x64xf32, #tpu.memory_space<vmem>>
    %dma_wait3A_136 = tpu.memref_squeeze %dma_wait3A_135 : memref<1x80x64xf32, #tpu.memory_space<vmem>> -> memref<80x64xf32, #tpu.memory_space<vmem>>
    tpu.wait_dma2 semaphore(%arg20 : memref<!tpu.dma_semaphore, #tpu.memory_space<semaphore_mem>>) src(%dma_wait3A_136 : memref<80x64xf32, #tpu.memory_space<vmem>>) dst(%dma_wait3A_132 : memref<80x64xf32, #tpu.memory_space<hbm>>)
    return
  }
}

module attributes {stable_mosaic.version = 14 : i64} {
  func.func @body(%arg0: memref<2x10240x16xf32, #tpu.memory_space<vmem>>, %arg1: memref<10000x128xf32, #tpu.memory_space<vmem>>, %arg2: memref<128x64xf32, #tpu.memory_space<vmem>>, %arg3: memref<10000x64xf32, #tpu.memory_space<vmem>>, %arg4: memref<10000x64xf32, #tpu.memory_space<vmem>>) attributes {dimension_semantics = [], scalar_prefetch = 0 : i64, scratch_operands = 0 : i64, tpu.core_type = #tpu.core_type<tc>} {
    %get3A = arith.constant 0 : index
    %get3A_0 = arith.constant 0 : index
    %get3A_1 = arith.constant 0 : index
    %get3A_2 = vector.load %arg0[%get3A, %get3A_0, %get3A_1] : memref<2x10240x16xf32, #tpu.memory_space<vmem>>, vector<2x10240x16xf32>
    %slice3A = vector.extract_strided_slice %get3A_2 {offsets = [0, 0, 0], sizes = [1, 10000, 1], strides = [1, 1, 1]} : vector<2x10240x16xf32> to vector<1x10000x1xf32>
    %squeeze3A = vector.shape_cast %slice3A : vector<1x10000x1xf32> to vector<10000x1xf32>
    %slice3A_3 = vector.extract_strided_slice %get3A_2 {offsets = [1, 0, 0], sizes = [1, 10000, 1], strides = [1, 1, 1]} : vector<2x10240x16xf32> to vector<1x10000x1xf32>
    %squeeze3A_4 = vector.shape_cast %slice3A_3 : vector<1x10000x1xf32> to vector<10000x1xf32>
    %add3A = arith.addf %squeeze3A, %squeeze3A_4 : vector<10000x1xf32>
    %add3A_5 = arith.constant 1.000000e+00 : f32
    %add3A_6 = vector.broadcast %add3A_5 : f32 to vector<10000x1xf32>
    %add3A_7 = arith.addf %add3A, %add3A_6 : vector<10000x1xf32>
    %rsqrt3A = math.rsqrt %add3A_7 : vector<10000x1xf32>
    %broadcast_in_dim3A = vector.shape_cast %rsqrt3A : vector<10000x1xf32> to vector<10000x1xf32>
    %broadcast_in_dim3A_8 = vector.broadcast %broadcast_in_dim3A : vector<10000x1xf32> to vector<10000x64xf32>
    %swap3A = arith.constant 0 : index
    %swap3A_9 = arith.constant 0 : index
    %swap3A_10 = vector.load %arg3[%swap3A, %swap3A_9] : memref<10000x64xf32, #tpu.memory_space<vmem>>, vector<10000x64xf32>
    tpu.vector_store %arg3[%swap3A, %swap3A_9], %broadcast_in_dim3A_8 {strides = array<i32>} : memref<10000x64xf32, #tpu.memory_space<vmem>>, vector<10000x64xf32>,
    %get3A_11 = arith.constant 0 : index
    %get3A_12 = arith.constant 0 : index
    %get3A_13 = vector.load %arg1[%get3A_11, %get3A_12] : memref<10000x128xf32, #tpu.memory_space<vmem>>, vector<10000x128xf32>
    %get3A_14 = arith.constant 0 : index
    %get3A_15 = arith.constant 0 : index
    %get3A_16 = vector.load %arg2[%get3A_14, %get3A_15] : memref<128x64xf32, #tpu.memory_space<vmem>>, vector<128x64xf32>
    %dot_general3A = arith.constant dense<0.000000e+00> : vector<10000x64xf32>
    %dot_general3A_17 = tpu.matmul %get3A_13, %get3A_16, %dot_general3A {dimension_numbers = #tpu.dot_dimension_numbers<[1], [0], [0], [1], [0, 0, 1, 1], [], []>, transpose_lhs_hint = false} : vector<10000x128xf32>, vector<128x64xf32>, vector<10000x64xf32> -> vector<10000x64xf32>
    %mul3A = arith.mulf %dot_general3A_17, %broadcast_in_dim3A_8 : vector<10000x64xf32>
    %swap3A_18 = arith.constant 0 : index
    %swap3A_19 = arith.constant 0 : index
    %swap3A_20 = vector.load %arg4[%swap3A_18, %swap3A_19] : memref<10000x64xf32, #tpu.memory_space<vmem>>, vector<10000x64xf32>
    tpu.vector_store %arg4[%swap3A_18, %swap3A_19], %mul3A {strides = array<i32>} : memref<10000x64xf32, #tpu.memory_space<vmem>>, vector<10000x64xf32>,
    return
  }
}

module attributes {stable_mosaic.version = 14 : i64} {
  func.func @body(%arg0: memref<2x10240x64xf32, #tpu.memory_space<vmem>>, %arg1: memref<10000x64xf32, #tpu.memory_space<vmem>>, %arg2: memref<10000x64xf32, #tpu.memory_space<vmem>>, %arg3: memref<1x64xf32, #tpu.memory_space<vmem>>, %arg4: memref<128x64xf32, #tpu.memory_space<vmem>>, %arg5: memref<1x64xf32, #tpu.memory_space<vmem>>, %arg6: memref<10000x64xf32, #tpu.memory_space<vmem>>, %arg7: memref<10000x64xf32, #tpu.memory_space<vmem>>) attributes {dimension_semantics = [], scalar_prefetch = 0 : i64, scratch_operands = 0 : i64, tpu.core_type = #tpu.core_type<tc>} {
    %get3A = arith.constant 0 : index
    %get3A_0 = arith.constant 0 : index
    %get3A_1 = arith.constant 0 : index
    %get3A_2 = vector.load %arg0[%get3A, %get3A_0, %get3A_1] : memref<2x10240x64xf32, #tpu.memory_space<vmem>>, vector<2x10240x64xf32>
    %get3A_3 = arith.constant 0 : index
    %get3A_4 = arith.constant 0 : index
    %get3A_5 = vector.load %arg4[%get3A_3, %get3A_4] : memref<128x64xf32, #tpu.memory_space<vmem>>, vector<128x64xf32>
    %slice3A = vector.extract_strided_slice %get3A_2 {offsets = [0, 0, 0], sizes = [1, 10000, 64], strides = [1, 1, 1]} : vector<2x10240x64xf32> to vector<1x10000x64xf32>
    %squeeze3A = vector.shape_cast %slice3A : vector<1x10000x64xf32> to vector<10000x64xf32>
    %slice3A_6 = vector.extract_strided_slice %get3A_2 {offsets = [1, 0, 0], sizes = [1, 10000, 64], strides = [1, 1, 1]} : vector<2x10240x64xf32> to vector<1x10000x64xf32>
    %squeeze3A_7 = vector.shape_cast %slice3A_6 : vector<1x10000x64xf32> to vector<10000x64xf32>
    %add3A = arith.addf %squeeze3A, %squeeze3A_7 : vector<10000x64xf32>
    %get3A_8 = arith.constant 0 : index
    %get3A_9 = arith.constant 0 : index
    %get3A_10 = vector.load %arg1[%get3A_8, %get3A_9] : memref<10000x64xf32, #tpu.memory_space<vmem>>, vector<10000x64xf32>
    %add3A_11 = arith.addf %add3A, %get3A_10 : vector<10000x64xf32>
    %get3A_12 = arith.constant 0 : index
    %get3A_13 = arith.constant 0 : index
    %get3A_14 = vector.load %arg2[%get3A_12, %get3A_13] : memref<10000x64xf32, #tpu.memory_space<vmem>>, vector<10000x64xf32>
    %mul3A = arith.mulf %add3A_11, %get3A_14 : vector<10000x64xf32>
    %get3A_15 = arith.constant 0 : index
    %get3A_16 = arith.constant 0 : index
    %get3A_17 = vector.load %arg3[%get3A_15, %get3A_16] : memref<1x64xf32, #tpu.memory_space<vmem>>, vector<1x64xf32>
    %add3A_18 = vector.broadcast %get3A_17 : vector<1x64xf32> to vector<10000x64xf32>
    %add3A_19 = arith.addf %mul3A, %add3A_18 : vector<10000x64xf32>
    %max3A = arith.constant 0.000000e+00 : f32
    %max3A_20 = vector.broadcast %max3A : f32 to vector<10000x64xf32>
    %max3A_21 = arith.maximumf %add3A_19, %max3A_20 : vector<10000x64xf32>
    %slice3A_22 = vector.extract_strided_slice %get3A_5 {offsets = [0, 0], sizes = [64, 64], strides = [1, 1]} : vector<128x64xf32> to vector<64x64xf32>
    %dot_general3A = arith.constant dense<0.000000e+00> : vector<10000x64xf32>
    %dot_general3A_23 = tpu.matmul %max3A_21, %slice3A_22, %dot_general3A {dimension_numbers = #tpu.dot_dimension_numbers<[1], [0], [0], [1], [0, 0, 1, 1], [], []>, transpose_lhs_hint = false} : vector<10000x64xf32>, vector<64x64xf32>, vector<10000x64xf32> -> vector<10000x64xf32>
    %swap3A = arith.constant 0 : index
    %swap3A_24 = arith.constant 0 : index
    %swap3A_25 = vector.load %arg6[%swap3A, %swap3A_24] : memref<10000x64xf32, #tpu.memory_space<vmem>>, vector<10000x64xf32>
    tpu.vector_store %arg6[%swap3A, %swap3A_24], %dot_general3A_23 {strides = array<i32>} : memref<10000x64xf32, #tpu.memory_space<vmem>>, vector<10000x64xf32>,
    %slice3A_26 = vector.extract_strided_slice %get3A_5 {offsets = [64, 0], sizes = [64, 64], strides = [1, 1]} : vector<128x64xf32> to vector<64x64xf32>
    %dot_general3A_27 = arith.constant dense<0.000000e+00> : vector<10000x64xf32>
    %dot_general3A_28 = tpu.matmul %max3A_21, %slice3A_26, %dot_general3A_27 {dimension_numbers = #tpu.dot_dimension_numbers<[1], [0], [0], [1], [0, 0, 1, 1], [], []>, transpose_lhs_hint = false} : vector<10000x64xf32>, vector<64x64xf32>, vector<10000x64xf32> -> vector<10000x64xf32>
    %get3A_29 = arith.constant 0 : index
    %get3A_30 = arith.constant 0 : index
    %get3A_31 = vector.load %arg5[%get3A_29, %get3A_30] : memref<1x64xf32, #tpu.memory_space<vmem>>, vector<1x64xf32>
    %add3A_32 = vector.broadcast %get3A_31 : vector<1x64xf32> to vector<10000x64xf32>
    %add3A_33 = arith.addf %dot_general3A_28, %add3A_32 : vector<10000x64xf32>
    %swap3A_34 = arith.constant 0 : index
    %swap3A_35 = arith.constant 0 : index
    %swap3A_36 = vector.load %arg7[%swap3A_34, %swap3A_35] : memref<10000x64xf32, #tpu.memory_space<vmem>>, vector<10000x64xf32>
    tpu.vector_store %arg7[%swap3A_34, %swap3A_35], %add3A_33 {strides = array<i32>} : memref<10000x64xf32, #tpu.memory_space<vmem>>, vector<10000x64xf32>,
    return
  }
}

module attributes {stable_mosaic.version = 14 : i64} {
  func.func @body(%arg0: memref<2x10240x64xf32, #tpu.memory_space<vmem>>, %arg1: memref<10000x64xf32, #tpu.memory_space<vmem>>, %arg2: memref<10000x64xf32, #tpu.memory_space<vmem>>, %arg3: memref<1x64xf32, #tpu.memory_space<vmem>>, %arg4: memref<64x64xf32, #tpu.memory_space<vmem>>, %arg5: memref<10000x64xf32, #tpu.memory_space<vmem>>) attributes {dimension_semantics = [], scalar_prefetch = 0 : i64, scratch_operands = 0 : i64, tpu.core_type = #tpu.core_type<tc>} {
    %get3A = arith.constant 0 : index
    %get3A_0 = arith.constant 0 : index
    %get3A_1 = arith.constant 0 : index
    %get3A_2 = vector.load %arg0[%get3A, %get3A_0, %get3A_1] : memref<2x10240x64xf32, #tpu.memory_space<vmem>>, vector<2x10240x64xf32>
    %get3A_3 = arith.constant 0 : index
    %get3A_4 = arith.constant 0 : index
    %get3A_5 = vector.load %arg2[%get3A_3, %get3A_4] : memref<10000x64xf32, #tpu.memory_space<vmem>>, vector<10000x64xf32>
    %slice3A = vector.extract_strided_slice %get3A_2 {offsets = [0, 0, 0], sizes = [1, 10000, 64], strides = [1, 1, 1]} : vector<2x10240x64xf32> to vector<1x10000x64xf32>
    %squeeze3A = vector.shape_cast %slice3A : vector<1x10000x64xf32> to vector<10000x64xf32>
    %slice3A_6 = vector.extract_strided_slice %get3A_2 {offsets = [1, 0, 0], sizes = [1, 10000, 64], strides = [1, 1, 1]} : vector<2x10240x64xf32> to vector<1x10000x64xf32>
    %squeeze3A_7 = vector.shape_cast %slice3A_6 : vector<1x10000x64xf32> to vector<10000x64xf32>
    %add3A = arith.addf %squeeze3A, %squeeze3A_7 : vector<10000x64xf32>
    %get3A_8 = arith.constant 0 : index
    %get3A_9 = arith.constant 0 : index
    %get3A_10 = vector.load %arg1[%get3A_8, %get3A_9] : memref<10000x64xf32, #tpu.memory_space<vmem>>, vector<10000x64xf32>
    %add3A_11 = arith.addf %add3A, %get3A_10 : vector<10000x64xf32>
    %mul3A = arith.mulf %add3A_11, %get3A_5 : vector<10000x64xf32>
    %get3A_12 = arith.constant 0 : index
    %get3A_13 = arith.constant 0 : index
    %get3A_14 = vector.load %arg3[%get3A_12, %get3A_13] : memref<1x64xf32, #tpu.memory_space<vmem>>, vector<1x64xf32>
    %add3A_15 = vector.broadcast %get3A_14 : vector<1x64xf32> to vector<10000x64xf32>
    %add3A_16 = arith.addf %mul3A, %add3A_15 : vector<10000x64xf32>
    %max3A = arith.constant 0.000000e+00 : f32
    %max3A_17 = vector.broadcast %max3A : f32 to vector<10000x64xf32>
    %max3A_18 = arith.maximumf %add3A_16, %max3A_17 : vector<10000x64xf32>
    %get3A_19 = arith.constant 0 : index
    %get3A_20 = arith.constant 0 : index
    %get3A_21 = vector.load %arg4[%get3A_19, %get3A_20] : memref<64x64xf32, #tpu.memory_space<vmem>>, vector<64x64xf32>
    %dot_general3A = arith.constant dense<0.000000e+00> : vector<10000x64xf32>
    %dot_general3A_22 = tpu.matmul %max3A_18, %get3A_21, %dot_general3A {dimension_numbers = #tpu.dot_dimension_numbers<[1], [0], [0], [1], [0, 0, 1, 1], [], []>, transpose_lhs_hint = false} : vector<10000x64xf32>, vector<64x64xf32>, vector<10000x64xf32> -> vector<10000x64xf32>
    %mul3A_23 = arith.mulf %dot_general3A_22, %get3A_5 : vector<10000x64xf32>
    %swap3A = arith.constant 0 : index
    %swap3A_24 = arith.constant 0 : index
    %swap3A_25 = vector.load %arg5[%swap3A, %swap3A_24] : memref<10000x64xf32, #tpu.memory_space<vmem>>, vector<10000x64xf32>
    tpu.vector_store %arg5[%swap3A, %swap3A_24], %mul3A_23 {strides = array<i32>} : memref<10000x64xf32, #tpu.memory_space<vmem>>, vector<10000x64xf32>,
    return
  }
}

module attributes {stable_mosaic.version = 14 : i64} {
  func.func @body(%arg0: i32, %arg1: memref<8000x128xf32, #tpu.memory_space<vmem>>, %arg2: memref<64x16xf32, #tpu.memory_space<vmem>>, %arg3: memref<1x16xf32, #tpu.memory_space<vmem>>, %arg4: memref<8000x16xf32, #tpu.memory_space<vmem>>) attributes {dimension_semantics = [#tpu.dimension_semantics<arbitrary>], iteration_bounds = array<i64: 40>, scalar_prefetch = 0 : i64, scratch_operands = 0 : i64, tpu.core_type = #tpu.core_type<tc>, window_params = [{transform_indices = @transform_0, window_bounds = array<i64: 8000, 128>}, {pipeline_mode = #tpu.pipeline_mode<synchronous>, transform_indices = @transform_1, window_bounds = array<i64: 64, 16>}, {pipeline_mode = #tpu.pipeline_mode<synchronous>, transform_indices = @transform_2, window_bounds = array<i64: 1, 16>}, {transform_indices = @transform_3, window_bounds = array<i64: 8000, 16>}]} {
    %get3A = arith.constant 0 : index
    %get3A_0 = arith.constant 0 : index
    %get3A_1 = vector.load %arg1[%get3A, %get3A_0] : memref<8000x128xf32, #tpu.memory_space<vmem>>, vector<8000x128xf32>
    %slice3A = vector.extract_strided_slice %get3A_1 {offsets = [0, 0], sizes = [8000, 64], strides = [1, 1]} : vector<8000x128xf32> to vector<8000x64xf32>
    %slice3A_2 = vector.extract_strided_slice %get3A_1 {offsets = [0, 64], sizes = [8000, 64], strides = [1, 1]} : vector<8000x128xf32> to vector<8000x64xf32>
    %add3A = arith.addf %slice3A, %slice3A_2 : vector<8000x64xf32>
    %max3A = arith.constant 0.000000e+00 : f32
    %max3A_3 = vector.broadcast %max3A : f32 to vector<8000x64xf32>
    %max3A_4 = arith.maximumf %add3A, %max3A_3 : vector<8000x64xf32>
    %get3A_5 = arith.constant 0 : index
    %get3A_6 = arith.constant 0 : index
    %get3A_7 = vector.load %arg2[%get3A_5, %get3A_6] : memref<64x16xf32, #tpu.memory_space<vmem>>, vector<64x16xf32>
    %dot_general3A = arith.constant dense<0.000000e+00> : vector<8000x16xf32>
    %dot_general3A_8 = tpu.matmul %max3A_4, %get3A_7, %dot_general3A {dimension_numbers = #tpu.dot_dimension_numbers<[1], [0], [0], [1], [0, 0, 1, 1], [], []>, transpose_lhs_hint = false} : vector<8000x64xf32>, vector<64x16xf32>, vector<8000x16xf32> -> vector<8000x16xf32>
    %get3A_9 = arith.constant 0 : index
    %get3A_10 = arith.constant 0 : index
    %get3A_11 = vector.load %arg3[%get3A_9, %get3A_10] : memref<1x16xf32, #tpu.memory_space<vmem>>, vector<1x16xf32>
    %add3A_12 = vector.broadcast %get3A_11 : vector<1x16xf32> to vector<8000x16xf32>
    %add3A_13 = arith.addf %dot_general3A_8, %add3A_12 : vector<8000x16xf32>
    %reduce_max3A = arith.constant dense<0xFF800000> : vector<8000xf32>
    %reduce_max3A_14 = vector.multi_reduction <maximumf>, %add3A_13, %reduce_max3A [1] : vector<8000x16xf32> to vector<8000xf32>
    %broadcast_in_dim3A = vector.shape_cast %reduce_max3A_14 : vector<8000xf32> to vector<8000x1xf32>
    %sub3A = vector.broadcast %broadcast_in_dim3A : vector<8000x1xf32> to vector<8000x16xf32>
    %sub3A_15 = arith.subf %add3A_13, %sub3A : vector<8000x16xf32>
    %exp3A = math.exp %sub3A_15 : vector<8000x16xf32>
    %reduce_sum3A = arith.constant dense<0.000000e+00> : vector<8000xf32>
    %reduce_sum3A_16 = vector.multi_reduction <add>, %exp3A, %reduce_sum3A [1] : vector<8000x16xf32> to vector<8000xf32>
    %broadcast_in_dim3A_17 = vector.shape_cast %reduce_sum3A_16 : vector<8000xf32> to vector<8000x1xf32>
    %log3A = math.log %broadcast_in_dim3A_17 : vector<8000x1xf32>
    %add3A_18 = arith.addf %log3A, %broadcast_in_dim3A : vector<8000x1xf32>
    %sub3A_19 = vector.broadcast %add3A_18 : vector<8000x1xf32> to vector<8000x16xf32>
    %sub3A_20 = arith.subf %add3A_13, %sub3A_19 : vector<8000x16xf32>
    %swap3A = arith.constant 0 : index
    %swap3A_21 = arith.constant 0 : index
    %swap3A_22 = vector.load %arg4[%swap3A, %swap3A_21] : memref<8000x16xf32, #tpu.memory_space<vmem>>, vector<8000x16xf32>
    tpu.vector_store %arg4[%swap3A, %swap3A_21], %sub3A_20 {strides = array<i32>} : memref<8000x16xf32, #tpu.memory_space<vmem>>, vector<8000x16xf32>,
    return
  }
  func.func @transform_0(%arg0: i32) -> (i32, i32) {
    %c0_i32 = arith.constant 0 : i32
    %c0_i32_0 = arith.constant 0 : i32
    return %arg0, %c0_i32 : i32, i32
  }
  func.func @transform_1(%arg0: i32) -> (i32, i32) {
    %c0_i32 = arith.constant 0 : i32
    %c0_i32_0 = arith.constant 0 : i32
    %c0_i32_1 = arith.constant 0 : i32
    return %c0_i32, %c0_i32_0 : i32, i32
  }
  func.func @transform_2(%arg0: i32) -> (i32, i32) {
    %c0_i32 = arith.constant 0 : i32
    %c0_i32_0 = arith.constant 0 : i32
    %c0_i32_1 = arith.constant 0 : i32
    return %c0_i32, %c0_i32_0 : i32, i32
  }
  func.func @transform_3(%arg0: i32) -> (i32, i32) {
    %c0_i32 = arith.constant 0 : i32
    %c0_i32_0 = arith.constant 0 : i32
    return %arg0, %c0_i32 : i32, i32
  }
}

</mosaic_0001>

<sc_bundles>
// kernel: kernel.12.cloned.1.call-start
scs
__scs_entry_jumppad:
0x0: {  	(pc) =	sbr.rel $0x88, $3  }
0x1: {  	(tag) =	ssettag $0x0;
	lr =	simm.s32 $0x1  }
0x2: {  	[smem:$0x3F95] =	sst lr;
	_ =	strace $0xD0000000  }
0x3: {  	_ = 	snop  }
0x4: {  	_ = 	snop  }
0x5: {  	_ = 	snop  }
0x6: {  	_ = 	snop  }
0x7: {  	_ = 	snop  }
__scs_overlays_trampoline_lowered:
0x8: {  	[smem:$0x3FA4] =	sst s0  }
0x9: {  	[smem:$0x3FA5] =	sst s1  }
0xa: {  	[smem:$0x3FA6] =	sst s2  }
0xb: {  	[smem:$0x3FA7] =	sst s3  }
0xc: {  	[smem:$0x3FA8] =	sst s4  }
0xd: {  	[smem:$0x3FA9] =	sst s5  }
0xe: {  	[smem:$0x3FAA] =	sst s6  }
0xf: {  	[smem:$0x3FAB] =	sst s7  }
0x10: {  	[smem:$0x3FAC] =	sst s8  }
0x11: {  	[smem:$0x3FAD] =	sst s9;
	s0 =	simm.s32 @!p0 $0x0  }
0x12: {  	s1 =	sld [smem:$0x3F93];
	s0 =	simm.s32 @p0 $0x1  }
0x13: {  	[smem:$0x3FAE] =	sst s0;
	s0 =	simm.s32 @!p1 $0x0  }
0x14: {  	s2 =	sld [smem:$0x3F92];
	s0 =	simm.s32 @p1 $0x1  }
0x15: {  	[smem:$0x3FAF] =	sst s0;
	s0 =	simm.s32 @!p2 $0x0  }
0x16: {  	s3 =	sld [smem:$0x3FDB];
	s0 =	simm.s32 @p2 $0x1  }
0x17: {  	s4 =	simm.s32 $0x1BF5;
	[smem:$0x3FB1] =	sst s0  }
0x18: {  	s0 =	sld [smem:$0x3F94];
	_ =	swait.ge [sflag:s4], $0x0  }
0x19: {  	s7 =	sld [smem:$0x3F95]  }
0x1a: {  	s8 =	sadd.s32 $0xFFFFE003, lr  }
0x1b: {  	s9 =	sadd.s32 $0xFFFFFEF7, lr;
	s5 =	simm.s32 $0xFFFFFFFF;
	p2 =	slt.u32 s8, $0xFFFFF086  }
0x1c: {  	p1 =	slt.u32 s9, $0xF7A;
	s5 =	simm.s32 @!p2 $0x0  }
0x1d: {  	s5 =	simm.s32 @p1 $0x1;
	p0 =	seq.s32 s7, s2  }
0x1e: {  	s7 =	smul.u32 @!p0 $0xF7A, s2;
	p2 =	seq.s32 @!p0 s5, $0x0  }
0x1f: {  	s9 =	smul.u32 $0xF7A, s1;
	s8 =	simm.s32 @!p0 $0x1BF5;
	p2 =	por !p2, p0  }
0x20: {  	[sflag:s8] =	ssyncset.s32 @!p0 $0xFFFFF086;
	s6 =	sadd.s32 @!p0 s3, s7;
	s7 =	simm.s32 @!p0 $0x108  }
0x21: {  	s3 =	sadd.s32 s3, s9;
	s6 =	sadd.s32 @!p0 $0x88, s6;
	s7 =	simm.s32 @p2 $0x1082  }
0x22: {  	[simem:s7], [sflag:s8] =	dma.local @!p0 [hbm:s6], $0xF7A  }
0x23: {  	s9 =	sor.u32 $0xD0000000, s2;
	s6 =	simm.s32 $0x108;
	_ =	swait.ge @!p0 [sflag:s8], $0x0  }
0x24: {  	s3 =	sadd.s32 $0x88, s3;
	s6 =	simm.s32 @!p1 $0x1082;
	[sflag:s4] =	ssyncset.s32 $0xFFFFF086  }
0x25: {  	[simem:s6], [sflag:s4] =	dma.local [hbm:s3], $0xF7A  }
0x26: {  	[smem:$0x3F95] =	sst s1;
	(tag) =	ssettag s2;
	_ =	strace s9  }
0x27: {  	s1 =	sld [smem:$0x3FA5]  }
0x28: {  	s2 =	sld [smem:$0x3FA6]  }
0x29: {  	s4 =	sld [smem:$0x3FA8]  }
0x2a: {  	p0 =	seq.s32 s5, $0x0;
	s5 =	sld [smem:$0x3FA9]  }
0x2b: {  	s6 =	sld [smem:$0x3FAA]  }
0x2c: {  	s7 =	sld [smem:$0x3FAB]  }
0x2d: {  	s3 =	simm.s32 $0x108;
	s8 =	sld [smem:$0x3FAC]  }
0x2e: {  	s3 =	simm.s32 @!p0 $0x1082;
	s9 =	sld [smem:$0x3FAD]  }
0x2f: {  	lr =	sadd.s32 s0, s3;
	s0 =	sld [smem:$0x3FA4]  }
0x30: {  	s3 =	sld [smem:$0x3FA7]  }
0x31: {  	[smem:$0x3FB0] =	sst s10  }
0x32: {  	s10 =	sld [smem:$0x3FAE];
	_ =	sdelay $0x3  }
0x33: {  	p0 =	seq.s32 s10, $0x1;
	s10 =	sld [smem:$0x3FB0];
	_ =	sdelay $0x3  }
0x34: {  	[smem:$0x3FB0] =	sst s10  }
0x35: {  	s10 =	sld [smem:$0x3FAF];
	_ =	sdelay $0x3  }
0x36: {  	p1 =	seq.s32 s10, $0x1;
	s10 =	sld [smem:$0x3FB0];
	_ =	sdelay $0x3  }
0x37: {  	[smem:$0x3FB0] =	sst s10  }
0x38: {  	s10 =	sld [smem:$0x3FB1]  }
0x39: {  	_ = 	snop;
	(pc) =	sbr.ind lr, $3  }
0x3a: {  	_ = 	snop  }
0x3b: {  	_ = 	snop  }
0x3c: {  	p2 =	seq.s32 s10, $0x1;
	s10 =	sld [smem:$0x3FB0]  }
0x3d: {  	_ =	shalt  }
0x3e: {  	_ =	shalt  }
0x3f: {  	_ =	shalt  }
0x40: {  	_ =	shalt  }
0x41: {  	_ =	shalt  }
0x42: {  	_ =	shalt  }
0x43: {  	_ =	shalt  }
0x44: {  	_ =	shalt  }
0x45: {  	_ =	shalt  }
0x46: {  	_ =	shalt  }
0x47: {  	_ =	shalt  }
0x48: {  	_ =	shalt  }
0x49: {  	_ =	shalt  }
0x4a: {  	_ =	shalt  }
0x4b: {  	_ =	shalt  }
0x4c: {  	_ =	shalt  }
0x4d: {  	_ =	shalt  }
0x4e: {  	_ =	shalt  }
0x4f: {  	_ =	shalt  }
0x50: {  	_ =	shalt  }
0x51: {  	_ =	shalt  }
0x52: {  	_ =	shalt  }
0x53: {  	_ =	shalt  }
0x54: {  	_ =	shalt  }
0x55: {  	_ =	shalt  }
0x56: {  	_ =	shalt  }
0x57: {  	_ =	shalt  }
0x58: {  	_ =	shalt  }
0x59: {  	_ =	shalt  }
0x5a: {  	_ =	shalt  }
0x5b: {  	_ =	shalt  }
0x5c: {  	_ =	shalt  }
0x5d: {  	_ =	shalt  }
0x5e: {  	_ =	shalt  }
0x5f: {  	_ =	shalt  }
0x60: {  	_ =	shalt  }
0x61: {  	_ =	shalt  }
0x62: {  	_ =	shalt  }
0x63: {  	_ =	shalt  }
0x64: {  	_ =	shalt  }
0x65: {  	_ =	shalt  }
0x66: {  	_ =	shalt  }
0x67: {  	_ =	shalt  }
0x68: {  	_ =	shalt  }
0x69: {  	_ =	shalt  }
0x6a: {  	_ =	shalt  }
0x6b: {  	_ =	shalt  }
0x6c: {  	_ =	shalt  }
0x6d: {  	_ =	shalt  }
0x6e: {  	_ =	shalt  }
0x6f: {  	_ =	shalt  }
0x70: {  	_ =	shalt  }
0x71: {  	_ =	shalt  }
0x72: {  	_ =	shalt  }
0x73: {  	_ =	shalt  }
0x74: {  	_ =	shalt  }
0x75: {  	_ =	shalt  }
0x76: {  	_ =	shalt  }
0x77: {  	_ =	shalt  }
0x78: {  	_ =	shalt  }
0x79: {  	_ =	shalt  }
0x7a: {  	_ =	shalt  }
0x7b: {  	_ =	shalt  }
0x7c: {  	_ =	shalt  }
0x7d: {  	_ =	shalt  }
0x7e: {  	_ =	shalt  }
0x7f: {  	_ =	shalt  }
0x80: {  	_ =	shalt  }
0x81: {  	_ =	shalt  }
0x82: {  	_ =	shalt  }
0x83: {  	_ =	shalt  }
0x84: {  	_ =	shalt  }
0x85: {  	_ =	shalt  }
0x86: {  	_ =	shalt  }
0x87: {  	_ =	shalt  }
.Lfunc_end0:
.L_simem_size_0:
called_computation_lowered:
.L_overlay_start_0:
0x88: {  	s2 =	sld [smem:$0x3FD9]  }
0x89: {  	s3 =	sld [smem:$0x3FFE];
	_ =	sdelay $0x1  }
0x8a: {  	s1 =	srdreg.scid  }
0x8b: {  	s0 =	sand.u32 $0x1, s1  }
0x8c: {  	s16 =	sshll.u32 s0, $0xA;
	s2 =	sadd.s32 s3, s2  }
0x8d: {  	s2 =	sadd.s32 s2, s16  }
0x8e: {  	[smem:$0x3FBC] =	sst s2  }
0x8f: {  	_ = 	snop  }
0x90: {  	(tm) =	ssettm $0x1  }
0x91: {  	s17 =	sld [smem:$0x3FFB];
	_ =	sdelay $0x3  }
0x92: {  	_ =	strace s17  }
0x93: {  	s2 =	sld [smem:$0x3FFC];
	_ =	sdelay $0x3  }
0x94: {  	_ =	strace s2  }
0x95: {  	s2 =	sld [smem:$0x3FFD];
	_ =	sdelay $0x3  }
0x96: {  	_ =	strace s2  }
0x97: {  	_ =	strace $0x8FFFFFFF  }
0x98: {  	s18 =	sld [smem:$0x3FDB];
	_ =	sdelay $0x1  }
0x99: {  	s19 =	simm.s32 $_scs_section_size  }
0x9a: {  	s4 =	simm.s32 $_size__tile_overlayer_lowered;
	s5 =	simm.s32 $_tile_overlayer_lowered  }
0x9b: {  	s22 =	simm.s32 $0x1BFF;
	s21 =	sshll.u32 s5, $0x1;
	s2 =	sadd.s32 s19, s18  }
0x9c: {  	s6 =	simm.s32 $0x0;
	s20 =	sshll.u32 s4, $0x1;
	s4 =	sadd.s32 s21, s2  }
0x9d: {  	[timem:s6], [sflag:s22] =	dma.local [hbm:s4], s20  }
0x9e: {  	_ =	swait.ge [sflag:s22], s20  }
0x9f: {  	s3 =	ssub.s32 $0x0, s20;
	[sflag:s22] =	ssyncset.done $0x0  }
0xa0: {  	[sflag:s22] =	ssyncadd.s32 s3;
	_ =	sdelay $0x1  }
0xa1: {  	s23 =	simm.s32 $0x1B8B  }
0xa2: {  	_ =	swait.ge [sflag:s23], $0x1  }
0xa3: {  	[sflag:s23] =	ssyncset.done $0x0  }
0xa4: {  	s25 =	simm.s32 $0x1B8E;
	s24 =	sld [smem:$0x3FFE];
	[sflag:s23] =	ssyncadd.s32 $0xFFFFFFFF  }
0xa5: {  	s26 =	simm.s32 $execute0_lowered;
	[smem:$0x3FD2] =	sst s25  }
0xa6: {  	s4 =	sshll.u32 s26, $0x1;
	_ =	strace $0x80000046;
	[dreg:$0x1] =	wrdreg $0xFFFFFFFF  }
0xa7: {  	s28 =	simm.s32 $_size_execute0_lowered;
	s2 =	sadd.s32 s2, s4;
	[dreg:$0x0] =	wrdreg $0x0  }
0xa8: {  	s4 =	sshll.u32 s28, $0x1;
	[dreg:$0x2] =	wrdreg s2  }
0xa9: {  	[dreg:$0x3] =	wrdreg s4  }
0xaa: {  	[dreg:$0x4] =	wrdreg $0xC0  }
0xab: {  	_ =	task [dreg:s6], $0x5FFFF  }
0xac: {  	[dreg:$0x1] =	wrdreg $0xFFFFFFFF  }
0xad: {  	[dreg:$0x0] =	wrdreg $0x60  }
0xae: {  	[dreg:$0x2] =	wrdreg s24  }
0xaf: {  	[dreg:$0x3] =	wrdreg $0x54100  }
0xb0: {  	[dreg:$0x4] =	wrdreg $0x9  }
0xb1: {  	_ =	task.clear_ibuf [dreg:s6], $0x5FFFF;
	_ =	strace $0x90000046  }
0xb2: {  	s29 =	simm.s32 $0x9;
	_ =	strace $0x80000048  }
0xb3: {  	_ =	swait.ge [sflag:s29], $0x1  }
0xb4: {  	[sflag:s29] =	ssyncadd.s32 $0xFFFFFFFF  }
0xb5: {  	_ =	strace $0x90000048  }
0xb6: {  	_ =	sfence  }
0xb7: {  	s30 =	sld [smem:$0x0];
	_ =	sdelay $0x2  }
0xb8: {  	s31 =	sshll.u32 s1, $0xD;
	s1 =	sshrl.u32 s1, $0x2  }
0xb9: {  	s3 =	sand.u32 $0x4000, s31;
	s1 =	sadd.s32 s1, s30  }
0xba: {  	s0 =	sor.u32 s3, s0;
	s1 =	sshll.u32 s1, $0x11  }
0xbb: {  	s0 =	sor.u32 s1, s0  }
0xbc: {  	s0 =	sadd.s32 $0x8F2B, s0  }
0xbd: {  	[sflag:s0] =	ssyncadd.remote.s32 $0x1  }
0xbe: {  	_ =	sfence.sel $0xFFFF  }
0xbf: {  	[dreg:$0x0] =	wrdreg $0xFFFFFFFF;
	(pc) =	sbr.abs _section_cstart, $3  }
0xc0: {  	[dreg:$0x1] =	wrdreg $0xFFFFFFFF  }
0xc1: {  	_ =	task.clear_ibuf [dreg:s6], $0x2FFFF;
	_ =	strace $0x9FFFFFFF  }
0xc2: {  	(tm) =	ssettm $0x7FFFFFFF  }
0xc3: {  	_ =	shalt  }
tec
execute0_lowered:
.L_overlay_start_1:
0x0: {  	(tag) =	ssettag $0x1  }
0x1: {  	s4 =	rddreg [dreg:$0x0]  }
0x2: {  	s2 =	rddreg [dreg:$0x1];
	s3 =	srdreg.scid  }
0x3: {  	s1 =	stileid.u32;
	s0 =	rddreg [dreg:$0x2];
	s10 =	simm.s32 $0x50  }
0x4: {  	s11 =	simm.s32 $0x2710;
	s12 =	simm.s32 $0x1;
	s5 =	sand.u32 $0x1, s3  }
0x5: {  	s6 =	smul.u32 $0x2800, s1;
	s3 =	simm.s32 $0x0;
	s13 =	sshll.u32 s1, $0x6  }
0x6: {  	s7 =	sshll.u32 s5, $0x4;
	s8 =	smul.u32 $0x28000, s5;
	[smem:$0x7FF] =	sst s3  }
0x7: {  	s5 =	ssub.s32 $0x2, s5;
	s13 =	sor.u32 $0x1C02, s13;
	s7 =	sor.u32 s1, s7  }
0x8: {  	s9 =	sshrl.u32 s5, $0x1;
	s7 =	smul.u32 $0x4E2, s7;
	s8 =	sadd.s32 s6, s8  }
0x9: {  	_ =	strace $0x80000047;
	s9 =	ssub.s32 s5, s9;
	s8 =	sshrl.u32 s8, $0x3  }
0xa: {  	s5 =	sadd.s32 s6, s2;
	s7 =	sadd.s32 s7, s4;
	s8 =	sadd.s32 s8, s4  }
0xb: {  	s14 =	sshrl.u32 s5, $0x3;
	s4 =	sadd.s32 $0xCA00, s7;
	s6 =	sadd.s32 $0x16800, s8  }
0xc: {  	v0 =	vimm.f32 $1.000000000e+00;
	v1 =	vimm.f32 $0.0e+00;
	s7 =	smax.u32 s9, $0x1;
	s8 =	simm.s32 $0x2;
	s9 =	simm.s32 $0x2C10  }
.LBB2_1:
0xd: {  	s15 =	simm.s32 $0x0  }
.LBB2_2:
0xe: {  	p0 =	sne.s32 s15, $0x13C0  }
.Ltmp0:
0xf: {  	_ = 	snop;
	(pc) =	sbr.rel @p0 .LBB2_2-.Ltmp0, $3  }
0x10: {  	_ =	sdelay $0x1  }
0x11: {  	s16 =	sshra.s32 s15, $0x2  }
0x12: {  	s15 =	sadd.s32 $0x40, s15;
	[tilespmem:s16+$0x2710] =	vst v0  }
0x13: {  	s15 =	simm.s32 $0x40;
	s16 =	simm.s32 $0x0  }
.LBB2_4:
0x14: {  	p0 =	sne.s32 s15, $0x9FC0;
	[tilespmem:s16+$0x2C10] =	vst v1;
	s16 =	smov.u32 s15;
	s15 =	sadd.s32 $0x40, s15  }
.Ltmp1:
0x15: {  	(pc) =	sbr.rel @p0 .LBB2_4-.Ltmp1, $2  }
0x16: {  	_ =	sdelay $0x2  }
0x17: {  	s16 =	sshra.s32 s16, $0x2  }
0x18: {  	[tilespmem:s16+$0x2C10] =	vst v1;
	s15 =	simm.s32 $0x0  }
0x19: {  	[tilespmem:s15], [sflag:$0x2] =	stream.linear.gather [hbm4b:s4+s15], $0x2710, $0x38;
	[tilespmem:$0x7C10] =	vst v63  }
0x1a: {  	_ =	swait.ge [sflag:s8], $0x2710  }
0x1b: {  	[sflag:s8] =	ssyncset.done $0x0  }
0x1c: {  	[sflag:s8] =	ssyncadd.s32 $0xFFFFD8F0  }
0x1d: {  	[spmem:s5] =	stream.linear.scatter [tilespmem:s9], [sflag:$0x2], $0x2800, $0x38;
	[tilespmem:$0x7C10] =	vst v63  }
0x1e: {  	_ =	swait.ge [sflag:s8], $0x2800  }
0x1f: {  	[sflag:s8] =	ssyncset.done $0x0  }
0x20: {  	[sflag:s8] =	ssyncadd.s32 $0xFFFFD800  }
0x21: {  	[bflag:$0x0] =	sbarrier.arrive $0xFFFF  }
.LBB2_6:
0x22: {  	p0 =	sne.s32 s15, $0x9B00  }
.Ltmp2:
0x23: {  	_ = 	snop;
	(pc) =	sbr.rel @p0 .LBB2_6-.Ltmp2, $3  }
0x24: {  	_ =	sdelay $0x1  }
0x25: {  	s16 =	sshra.s32 s15, $0x2;
	s15 =	sadd.s32 $0x140, s15  }
0x26: {  	[spmem:s2] =	stream.indirect.scatter.add.f32 [tilespmem:s11], [sflag:$0x1], $0x10, s16, s10, $0xb8;
	[tilespmem:$0x7C10] =	vst v63  }
0x27: {  	_ =	swait.ge [sflag:s12], $0x500  }
0x28: {  	s15 =	simm.s32 $0x7C;
	[sflag:s12] =	ssyncset.done $0x0  }
.LBB2_8:
0x29: {  	p0 =	sne.s32 s15, $0x1;
	s15 =	sadd.s32 $0xFFFFFFFF, s15;
	[sflag:s12] =	ssyncadd.s32 $0xFFFFFB00  }
.Ltmp3:
0x2a: {  	(pc) =	sbr.rel @p0 .LBB2_8-.Ltmp3, $3  }
0x2b: {  	_ =	sdelay $0x1  }
0x2c: {  	_ =	swait.ge [sflag:s12], $0x500  }
0x2d: {  	[sflag:s12] =	ssyncset.done $0x0  }
0x2e: {  	s3 =	sadd.s32 $0x1, s3  }
0x2f: {  	[sflag:s12] =	ssyncadd.s32 $0xFFFFFB00;
	p0 =	sne.s32 s3, s7  }
.Ltmp4:
0x30: {  	[bflag:$0x0] =	sbarrier.arrive $0xFFFF;
	(pc) =	sbr.rel @p0 .LBB2_1-.Ltmp4, $4  }
0x31: {  	[hbm:s6], [sflag:s13] =	dma.local [spmem:s14], $0x500  }
0x32: {  	_ =	swait.ge [sflag:s8], $0x500  }
0x33: {  	[sflag:s8] =	ssyncset.done $0x0  }
0x34: {  	[sflag:s8] =	ssyncadd.s32 $0xFFFFFB00  }
0x35: {  	_ =	sfence.sel $0x180000  }
0x36: {  	[bflag:$0x0] =	sbarrier.arrive $0xFFFF  }
0x37: {  	p0 =	sne.s32 s1, $0x0;
	_ =	strace $0x90000047  }
0x38: {  	s0 =	sadd.s32 @!p0 $0x100000, s0;
	[bflag:$0x2] =	sbarrier.arrive $0xFFFF  }
0x39: {  	[sflag:s0] =	ssyncadd.tile.s32 @!p0 $0x1;
	_ =	shalt  }
.Lfunc_end2:
_tile_overlayer_lowered:
.L_overlay_start_2:
0x3a: {  	(tag) =	ssettag $0x2  }
0x3b: {  	s0 =	rddreg [dreg:$0x0];
	s2 =	stileid.u32  }
0x3c: {  	s1 =	rddreg [dreg:$0x1];
	p0 =	sne.s32 s2, $0x0  }
0x3d: {  	s3 =	rddreg [dreg:$0x2];
	[bflag:$0x3] =	sbarrier.arrive $0xFFFF;
	s2 =	simm.s32 @!p0 $0x1C02  }
0x3e: {  	[timem:s3], [sflag:s2] =	dma.local @!p0 [hbm:s0], s1  }
0x3f: {  	s0 =	simm.s32 @!p0 $0x2  }
0x40: {  	_ =	swait.ge @!p0 [sflag:s0], s1  }
0x41: {  	s1 =	ssub.s32 @!p0 $0x0, s1;
	[sflag:s0] =	ssyncset.done @!p0 $0x0  }
0x42: {  	[sflag:s0] =	ssyncadd.s32 @!p0 s1  }
0x43: {  	[bflag:$0x3] =	sbarrier.arrive $0xFFFF  }
0x44: {  	_ =	shalt  }

// kernel: kernel.15.cloned.1.call-start
scs
__scs_entry_jumppad:
0x0: {  	(pc) =	sbr.rel $0x88, $3  }
0x1: {  	(tag) =	ssettag $0x0;
	lr =	simm.s32 $0x1  }
0x2: {  	[smem:$0x3F95] =	sst lr;
	_ =	strace $0xD0000000  }
0x3: {  	_ = 	snop  }
0x4: {  	_ = 	snop  }
0x5: {  	_ = 	snop  }
0x6: {  	_ = 	snop  }
0x7: {  	_ = 	snop  }
__scs_overlays_trampoline_lowered:
0x8: {  	[smem:$0x3FA4] =	sst s0  }
0x9: {  	[smem:$0x3FA5] =	sst s1  }
0xa: {  	[smem:$0x3FA6] =	sst s2  }
0xb: {  	[smem:$0x3FA7] =	sst s3  }
0xc: {  	[smem:$0x3FA8] =	sst s4  }
0xd: {  	[smem:$0x3FA9] =	sst s5  }
0xe: {  	[smem:$0x3FAA] =	sst s6  }
0xf: {  	[smem:$0x3FAB] =	sst s7  }
0x10: {  	[smem:$0x3FAC] =	sst s8  }
0x11: {  	[smem:$0x3FAD] =	sst s9;
	s0 =	simm.s32 @!p0 $0x0  }
0x12: {  	s1 =	sld [smem:$0x3F93];
	s0 =	simm.s32 @p0 $0x1  }
0x13: {  	[smem:$0x3FAE] =	sst s0;
	s0 =	simm.s32 @!p1 $0x0  }
0x14: {  	s2 =	sld [smem:$0x3F92];
	s0 =	simm.s32 @p1 $0x1  }
0x15: {  	[smem:$0x3FAF] =	sst s0;
	s0 =	simm.s32 @!p2 $0x0  }
0x16: {  	s3 =	sld [smem:$0x3FDB];
	s0 =	simm.s32 @p2 $0x1  }
0x17: {  	s4 =	simm.s32 $0x1BF5;
	[smem:$0x3FB1] =	sst s0  }
0x18: {  	s0 =	sld [smem:$0x3F94];
	_ =	swait.ge [sflag:s4], $0x0  }
0x19: {  	s7 =	sld [smem:$0x3F95]  }
0x1a: {  	s8 =	sadd.s32 $0xFFFFE003, lr  }
0x1b: {  	s9 =	sadd.s32 $0xFFFFFEF7, lr;
	s5 =	simm.s32 $0xFFFFFFFF;
	p2 =	slt.u32 s8, $0xFFFFF086  }
0x1c: {  	p1 =	slt.u32 s9, $0xF7A;
	s5 =	simm.s32 @!p2 $0x0  }
0x1d: {  	s5 =	simm.s32 @p1 $0x1;
	p0 =	seq.s32 s7, s2  }
0x1e: {  	s7 =	smul.u32 @!p0 $0xF7A, s2;
	p2 =	seq.s32 @!p0 s5, $0x0  }
0x1f: {  	s9 =	smul.u32 $0xF7A, s1;
	s8 =	simm.s32 @!p0 $0x1BF5;
	p2 =	por !p2, p0  }
0x20: {  	[sflag:s8] =	ssyncset.s32 @!p0 $0xFFFFF086;
	s6 =	sadd.s32 @!p0 s3, s7;
	s7 =	simm.s32 @!p0 $0x108  }
0x21: {  	s3 =	sadd.s32 s3, s9;
	s6 =	sadd.s32 @!p0 $0x88, s6;
	s7 =	simm.s32 @p2 $0x1082  }
0x22: {  	[simem:s7], [sflag:s8] =	dma.local @!p0 [hbm:s6], $0xF7A  }
0x23: {  	s9 =	sor.u32 $0xD0000000, s2;
	s6 =	simm.s32 $0x108;
	_ =	swait.ge @!p0 [sflag:s8], $0x0  }
0x24: {  	s3 =	sadd.s32 $0x88, s3;
	s6 =	simm.s32 @!p1 $0x1082;
	[sflag:s4] =	ssyncset.s32 $0xFFFFF086  }
0x25: {  	[simem:s6], [sflag:s4] =	dma.local [hbm:s3], $0xF7A  }
0x26: {  	[smem:$0x3F95] =	sst s1;
	(tag) =	ssettag s2;
	_ =	strace s9  }
0x27: {  	s1 =	sld [smem:$0x3FA5]  }
0x28: {  	s2 =	sld [smem:$0x3FA6]  }
0x29: {  	s4 =	sld [smem:$0x3FA8]  }
0x2a: {  	p0 =	seq.s32 s5, $0x0;
	s5 =	sld [smem:$0x3FA9]  }
0x2b: {  	s6 =	sld [smem:$0x3FAA]  }
0x2c: {  	s7 =	sld [smem:$0x3FAB]  }
0x2d: {  	s3 =	simm.s32 $0x108;
	s8 =	sld [smem:$0x3FAC]  }
0x2e: {  	s3 =	simm.s32 @!p0 $0x1082;
	s9 =	sld [smem:$0x3FAD]  }
0x2f: {  	lr =	sadd.s32 s0, s3;
	s0 =	sld [smem:$0x3FA4]  }
0x30: {  	s3 =	sld [smem:$0x3FA7]  }
0x31: {  	[smem:$0x3FB0] =	sst s10  }
0x32: {  	s10 =	sld [smem:$0x3FAE];
	_ =	sdelay $0x3  }
0x33: {  	p0 =	seq.s32 s10, $0x1;
	s10 =	sld [smem:$0x3FB0];
	_ =	sdelay $0x3  }
0x34: {  	[smem:$0x3FB0] =	sst s10  }
0x35: {  	s10 =	sld [smem:$0x3FAF];
	_ =	sdelay $0x3  }
0x36: {  	p1 =	seq.s32 s10, $0x1;
	s10 =	sld [smem:$0x3FB0];
	_ =	sdelay $0x3  }
0x37: {  	[smem:$0x3FB0] =	sst s10  }
0x38: {  	s10 =	sld [smem:$0x3FB1]  }
0x39: {  	_ = 	snop;
	(pc) =	sbr.ind lr, $3  }
0x3a: {  	_ = 	snop  }
0x3b: {  	_ = 	snop  }
0x3c: {  	p2 =	seq.s32 s10, $0x1;
	s10 =	sld [smem:$0x3FB0]  }
0x3d: {  	_ =	shalt  }
0x3e: {  	_ =	shalt  }
0x3f: {  	_ =	shalt  }
0x40: {  	_ =	shalt  }
0x41: {  	_ =	shalt  }
0x42: {  	_ =	shalt  }
0x43: {  	_ =	shalt  }
0x44: {  	_ =	shalt  }
0x45: {  	_ =	shalt  }
0x46: {  	_ =	shalt  }
0x47: {  	_ =	shalt  }
0x48: {  	_ =	shalt  }
0x49: {  	_ =	shalt  }
0x4a: {  	_ =	shalt  }
0x4b: {  	_ =	shalt  }
0x4c: {  	_ =	shalt  }
0x4d: {  	_ =	shalt  }
0x4e: {  	_ =	shalt  }
0x4f: {  	_ =	shalt  }
0x50: {  	_ =	shalt  }
0x51: {  	_ =	shalt  }
0x52: {  	_ =	shalt  }
0x53: {  	_ =	shalt  }
0x54: {  	_ =	shalt  }
0x55: {  	_ =	shalt  }
0x56: {  	_ =	shalt  }
0x57: {  	_ =	shalt  }
0x58: {  	_ =	shalt  }
0x59: {  	_ =	shalt  }
0x5a: {  	_ =	shalt  }
0x5b: {  	_ =	shalt  }
0x5c: {  	_ =	shalt  }
0x5d: {  	_ =	shalt  }
0x5e: {  	_ =	shalt  }
0x5f: {  	_ =	shalt  }
0x60: {  	_ =	shalt  }
0x61: {  	_ =	shalt  }
0x62: {  	_ =	shalt  }
0x63: {  	_ =	shalt  }
0x64: {  	_ =	shalt  }
0x65: {  	_ =	shalt  }
0x66: {  	_ =	shalt  }
0x67: {  	_ =	shalt  }
0x68: {  	_ =	shalt  }
0x69: {  	_ =	shalt  }
0x6a: {  	_ =	shalt  }
0x6b: {  	_ =	shalt  }
0x6c: {  	_ =	shalt  }
0x6d: {  	_ =	shalt  }
0x6e: {  	_ =	shalt  }
0x6f: {  	_ =	shalt  }
0x70: {  	_ =	shalt  }
0x71: {  	_ =	shalt  }
0x72: {  	_ =	shalt  }
0x73: {  	_ =	shalt  }
0x74: {  	_ =	shalt  }
0x75: {  	_ =	shalt  }
0x76: {  	_ =	shalt  }
0x77: {  	_ =	shalt  }
0x78: {  	_ =	shalt  }
0x79: {  	_ =	shalt  }
0x7a: {  	_ =	shalt  }
0x7b: {  	_ =	shalt  }
0x7c: {  	_ =	shalt  }
0x7d: {  	_ =	shalt  }
0x7e: {  	_ =	shalt  }
0x7f: {  	_ =	shalt  }
0x80: {  	_ =	shalt  }
0x81: {  	_ =	shalt  }
0x82: {  	_ =	shalt  }
0x83: {  	_ =	shalt  }
0x84: {  	_ =	shalt  }
0x85: {  	_ =	shalt  }
0x86: {  	_ =	shalt  }
0x87: {  	_ =	shalt  }
.Lfunc_end0:
.L_simem_size_0:
called_computation.1_lowered:
.L_overlay_start_0:
0x88: {  	s2 =	sld [smem:$0x3FD9]  }
0x89: {  	s3 =	sld [smem:$0x3FFE];
	_ =	sdelay $0x1  }
0x8a: {  	s1 =	srdreg.scid  }
0x8b: {  	s0 =	sand.u32 $0x1, s1  }
0x8c: {  	s17 =	sshll.u32 s0, $0xA;
	s2 =	sadd.s32 s3, s2  }
0x8d: {  	s2 =	sadd.s32 s2, s17  }
0x8e: {  	[smem:$0x3FBC] =	sst s2  }
0x8f: {  	_ = 	snop  }
0x90: {  	s2 =	sld [smem:$0x3FD0];
	(tm) =	ssettm $0x1  }
0x91: {  	s18 =	sld [smem:$0x3FFB];
	_ =	sdelay $0x3  }
0x92: {  	_ =	strace s18  }
0x93: {  	s3 =	sld [smem:$0x3FFC];
	_ =	sdelay $0x3  }
0x94: {  	_ =	strace s3  }
0x95: {  	s3 =	sld [smem:$0x3FFD];
	_ =	sdelay $0x3  }
0x96: {  	_ =	strace s3  }
0x97: {  	_ =	strace $0x8FFFFFFF  }
0x98: {  	s19 =	sld [smem:$0x3FDB];
	_ =	sdelay $0x1  }
0x99: {  	s4 =	simm.s32 $_scs_section_size  }
0x9a: {  	s5 =	simm.s32 $_size__tile_overlayer_lowered;
	s6 =	simm.s32 $_tile_overlayer_lowered  }
0x9b: {  	s22 =	simm.s32 $0x1BFF;
	s21 =	sshll.u32 s6, $0x1;
	s3 =	sadd.s32 s4, s19  }
0x9c: {  	s7 =	simm.s32 $0x0;
	s20 =	sshll.u32 s5, $0x1;
	s5 =	sadd.s32 s21, s3  }
0x9d: {  	[timem:s7], [sflag:s22] =	dma.local [hbm:s5], s20  }
0x9e: {  	_ =	swait.ge [sflag:s22], s20  }
0x9f: {  	s4 =	ssub.s32 $0x0, s20;
	[sflag:s22] =	ssyncset.done $0x0  }
0xa0: {  	[sflag:s22] =	ssyncadd.s32 s4;
	_ =	sdelay $0x1  }
0xa1: {  	s23 =	simm.s32 $0x1B8B  }
0xa2: {  	_ =	swait.ge [sflag:s23], $0x1  }
0xa3: {  	[sflag:s23] =	ssyncset.done $0x0  }
0xa4: {  	s25 =	simm.s32 $0x1B8E;
	s24 =	sld [smem:$0x3FFE];
	[sflag:s23] =	ssyncadd.s32 $0xFFFFFFFF  }
0xa5: {  	s26 =	simm.s32 $execute0_lowered;
	[smem:$0x3FD2] =	sst s25  }
0xa6: {  	s5 =	sshll.u32 s26, $0x1;
	_ =	strace $0x80000049;
	[dreg:$0x1] =	wrdreg $0xFFFFFFFF  }
0xa7: {  	s28 =	simm.s32 $_size_execute0_lowered;
	s3 =	sadd.s32 s3, s5;
	[dreg:$0x0] =	wrdreg $0x0  }
0xa8: {  	s5 =	sshll.u32 s28, $0x1;
	[dreg:$0x2] =	wrdreg s3  }
0xa9: {  	[dreg:$0x3] =	wrdreg s5  }
0xaa: {  	[dreg:$0x4] =	wrdreg $0xC0  }
0xab: {  	_ =	task [dreg:s7], $0x5FFFF  }
0xac: {  	[dreg:$0x1] =	wrdreg $0xFFFFFFFF  }
0xad: {  	[dreg:$0x0] =	wrdreg $0x60  }
0xae: {  	[dreg:$0x2] =	wrdreg s2  }
0xaf: {  	[dreg:$0x3] =	wrdreg s24  }
0xb0: {  	[dreg:$0x4] =	wrdreg $0x148200  }
0xb1: {  	[dreg:$0x5] =	wrdreg $0x9  }
0xb2: {  	_ =	task.clear_ibuf [dreg:s7], $0x6FFFF;
	_ =	strace $0x90000049  }
0xb3: {  	s29 =	simm.s32 $0x9;
	_ =	strace $0x8000004B  }
0xb4: {  	_ =	swait.ge [sflag:s29], $0x1  }
0xb5: {  	[sflag:s29] =	ssyncadd.s32 $0xFFFFFFFF  }
0xb6: {  	_ =	strace $0x9000004B  }
0xb7: {  	_ =	sfence  }
0xb8: {  	s30 =	sld [smem:$0x0];
	_ =	sdelay $0x2  }
0xb9: {  	s31 =	sshll.u32 s1, $0xD;
	s1 =	sshrl.u32 s1, $0x2  }
0xba: {  	s3 =	sand.u32 $0x4000, s31;
	s1 =	sadd.s32 s1, s30  }
0xbb: {  	s0 =	sor.u32 s3, s0;
	s1 =	sshll.u32 s1, $0x11  }
0xbc: {  	s0 =	sor.u32 s1, s0  }
0xbd: {  	s0 =	sadd.s32 $0x8F2B, s0  }
0xbe: {  	[sflag:s0] =	ssyncadd.remote.s32 $0x1  }
0xbf: {  	_ =	sfence.sel $0xFFFF  }
0xc0: {  	[dreg:$0x0] =	wrdreg $0xFFFFFFFF;
	(pc) =	sbr.abs _section_cstart, $3  }
0xc1: {  	[dreg:$0x1] =	wrdreg $0xFFFFFFFF  }
0xc2: {  	_ =	task.clear_ibuf [dreg:s7], $0x2FFFF;
	_ =	strace $0x9FFFFFFF  }
0xc3: {  	(tm) =	ssettm $0x7FFFFFFF  }
tec
execute0_lowered:
.L_overlay_start_1:
0x0: {  	(tag) =	ssettag $0x1  }
0x1: {  	s2 =	rddreg [dreg:$0x0]  }
0x2: {  	s0 =	rddreg [dreg:$0x1]  }
0x3: {  	s3 =	rddreg [dreg:$0x2];
	s1 =	srdreg.scid  }
0x4: {  	s8 =	stileid.u32;
	s4 =	simm.s32 $0x0;
	s13 =	simm.s32 $0xB  }
0x5: {  	s14 =	simm.s32 $0x2710;
	s15 =	simm.s32 $0x4E20;
	s16 =	simm.s32 $0xC8  }
0x6: {  	s17 =	simm.s32 $0x8020;
	s19 =	simm.s32 $0xB220;
	s20 =	simm.s32 $0x1  }
0x7: {  	s22 =	simm.s32 $0xE420;
	s28 =	simm.s32 $0x3;
	s30 =	simm.s32 $0x6  }
0x8: {  	s18 =	simm.s32 $0x7;
	s29 =	simm.s32 $0x8;
	s21 =	simm.s32 $0xA  }
0x9: {  	s1 =	sand.u32 $0x1, s1;
	s7 =	smul.u32 $0xA000, s8;
	[smem:$0x7FF] =	sst s4  }
0xa: {  	s5 =	sshll.u32 s1, $0x4;
	s6 =	smul.u32 $0xA0000, s1;
	_ =	strace $0x8000004A  }
0xb: {  	s1 =	ssub.s32 $0x2, s1;
	s5 =	sor.u32 s8, s5;
	s8 =	smul.u32 $0x28000, s8  }
0xc: {  	s23 =	sshrl.u32 s1, $0x1;
	s5 =	smul.u32 $0x4E2, s5;
	s6 =	sadd.s32 s7, s6  }
0xd: {  	s1 =	ssub.s32 s1, s23;
	s7 =	sadd.s32 s7, s3;
	s23 =	simm.s32 $0x2  }
0xe: {  	s6 =	sshrl.u32 s6, $0x3;
	s8 =	sshrl.u32 s8, $0x2;
	s12 =	smax.u32 s1, $0x1  }
0xf: {  	s1 =	simm.s32 $0x9;
	s9 =	sadd.s32 s5, s0;
	s0 =	sadd.s32 s6, s0  }
.Ltmp0:
0x10: {  	s10 =	sadd.s32 s8, s3;
	s24 =	sadd.s32 $0x2C00, s9;
	(pc) =	sbr.rel .LBB2_1-.Ltmp0, $4  }
0x11: {  	s25 =	sadd.s32 $0xCA00, s9;
	s26 =	sadd.s32 $0x3200, s10;
	[dreg:$0x4] =	wrdreg s24  }
0x12: {  	s31 =	sadd.s32 $0x6400, s10;
	s10 =	sadd.s32 $0x9600, s10;
	[dreg:$0x5] =	wrdreg s25  }
0x13: {  	s11 =	sadd.s32 $0x16800, s0;
	s0 =	simm.s32 $0x4;
	[dreg:$0x6] =	wrdreg s26  }
0x14: {  	v0 =	vimm.f32 $0.0e+00;
	[dreg:$0x7] =	wrdreg s31;
	s26 =	simm.s32 $0x11620;
	s24 =	simm.s32 $0x5  }
.LBB2_6:
0x15: {  	_ =	swait.ge [sflag:s1], $0x3200  }
0x16: {  	[sflag:s1] =	ssyncset.done $0x0  }
0x17: {  	[sflag:s1] =	ssyncadd.s32 $0xFFFFCE00  }
0x18: {  	s5 =	stileid.u32;
	_ =	swait.ge [sflag:s21], $0x3200  }
0x19: {  	s6 =	sshrl.u32 s7, $0x3;
	s4 =	sadd.s32 $0x1, s4;
	[sflag:s21] =	ssyncset.done $0x0  }
0x1a: {  	s5 =	sshll.u32 s5, $0x6;
	p0 =	sne.s32 s4, s12;
	[sflag:s21] =	ssyncadd.s32 $0xFFFFCE00  }
.Ltmp1:
0x1b: {  	s5 =	sor.u32 $0x1C0B, s5;
	[bflag:$0x0] =	sbarrier.arrive $0xFFFF;
	(pc) =	sbr.rel @!p0 .LBB2_7-.Ltmp1, $4  }
0x1c: {  	[hbm:s11], [sflag:s5] =	dma.local [spmem:s6], $0x1400  }
0x1d: {  	_ =	swait.ge [sflag:s13], $0x1400  }
0x1e: {  	[sflag:s13] =	ssyncset.done $0x0  }
0x1f: {  	[sflag:s13] =	ssyncadd.s32 $0xFFFFEC00  }
.LBB2_1:
0x20: {  	s31 =	simm.s32 $0x100;
	s25 =	simm.s32 $0x0  }
.LBB2_2:
0x21: {  	p0 =	sne.s32 s31, $0xC700;
	[tilespmem:s25+$0x4E50] =	vst v0;
	s5 =	smov.u32 s31;
	s31 =	sadd.s32 $0x100, s31  }
.Ltmp2:
0x22: {  	[tilespmem:s25+$0x4E40] =	vst v0;
	(pc) =	sbr.rel @p0 .LBB2_2-.Ltmp2, $3  }
0x23: {  	[tilespmem:s25+$0x4E20] =	vst v0  }
0x24: {  	[tilespmem:s25+$0x4E30] =	vst v0;
	_ =	sdelay $0x1  }
0x25: {  	s25 =	sshra.s32 s5, $0x2  }
0x26: {  	[tilespmem:s25+$0x4E50] =	vst v0  }
0x27: {  	[tilespmem:s25+$0x4E40] =	vst v0  }
0x28: {  	[tilespmem:s25+$0x4E20] =	vst v0  }
0x29: {  	[tilespmem:s25+$0x4E30] =	vst v0;
	s25 =	simm.s32 $0x0;
	s5 =	rddreg [dreg:$0x4]  }
0x2a: {  	[tilespmem:s25], [sflag:$0xB] =	stream.linear.gather [hbm4b:s5+s25], $0x2710, $0x38;
	[tilespmem:$0x1E820] =	vst v63  }
0x2b: {  	_ =	swait.ge [sflag:s13], $0x2710  }
0x2c: {  	[sflag:s13] =	ssyncset.done $0x0  }
0x2d: {  	s31 =	rddreg [dreg:$0x5];
	[sflag:s13] =	ssyncadd.s32 $0xFFFFD8F0  }
0x2e: {  	[tilespmem:s14], [sflag:$0xB] =	stream.linear.gather [hbm4b:s31+s25], $0x2710, $0x38;
	[tilespmem:$0x1E820] =	vst v63  }
0x2f: {  	_ =	swait.ge [sflag:s13], $0x2710  }
0x30: {  	[sflag:s13] =	ssyncset.done $0x0  }
0x31: {  	[sflag:s13] =	ssyncadd.s32 $0xFFFFD8F0  }
0x32: {  	[spmem:s7] =	stream.linear.scatter [tilespmem:s15], [sflag:$0xB], $0x3200, $0x38;
	[tilespmem:$0x1E820] =	vst v63  }
0x33: {  	_ =	swait.ge [sflag:s13], $0x3200  }
0x34: {  	[sflag:s13] =	ssyncset.done $0x0  }
0x35: {  	s6 =	rddreg [dreg:$0x6];
	[sflag:s13] =	ssyncadd.s32 $0xFFFFCE00  }
0x36: {  	[spmem:s6] =	stream.linear.scatter [tilespmem:s15], [sflag:$0xB], $0x3200, $0x38;
	[tilespmem:$0x1E820] =	vst v63  }
0x37: {  	_ =	swait.ge [sflag:s13], $0x3200  }
0x38: {  	[sflag:s13] =	ssyncset.done $0x0  }
0x39: {  	s8 =	rddreg [dreg:$0x7];
	[sflag:s13] =	ssyncadd.s32 $0xFFFFCE00  }
0x3a: {  	[spmem:s8] =	stream.linear.scatter [tilespmem:s15], [sflag:$0xB], $0x3200, $0x38;
	[tilespmem:$0x1E820] =	vst v63  }
0x3b: {  	_ =	swait.ge [sflag:s13], $0x3200  }
0x3c: {  	[sflag:s13] =	ssyncset.done $0x0  }
0x3d: {  	[sflag:s13] =	ssyncadd.s32 $0xFFFFCE00  }
0x3e: {  	[spmem:s10] =	stream.linear.scatter [tilespmem:s15], [sflag:$0xB], $0xA00, $0x38;
	[tilespmem:$0x1E820] =	vst v63  }
0x3f: {  	_ =	swait.ge [sflag:s13], $0xA00  }
0x40: {  	[sflag:s13] =	ssyncset.done $0x0  }
0x41: {  	[sflag:s13] =	ssyncadd.s32 $0xFFFFF600  }
0x42: {  	[bflag:$0x0] =	sbarrier.arrive $0xFFFF  }
0x43: {  	[tilespmem:s15], [sflag:$0x1] =	stream.indirect.gather [hbm4b:s2+s16], $0x40, s25, s16, $0xb8;
	[tilespmem:$0x1E820] =	vst v63  }
0x44: {  	_ = 	snop  }
0x45: {  	[tilespmem:s17], [sflag:$0x2] =	stream.indirect.gather [hbm4b:s2+s16], $0x40, s16, s16, $0xb8;
	[tilespmem:$0x1E820] =	vst v63  }
0x46: {  	s9 =	simm.s32 $0x190  }
0x47: {  	[tilespmem:s19], [sflag:$0x3] =	stream.indirect.gather [hbm4b:s2+s16], $0x40, s9, s16, $0xb8;
	[tilespmem:$0x1E820] =	vst v63  }
0x48: {  	_ =	swait.ge [sflag:s20], $0x3200  }
0x49: {  	[sflag:s20] =	ssyncset.done $0x0  }
0x4a: {  	[sflag:s20] =	ssyncadd.s32 $0xFFFFCE00  }
0x4b: {  	[spmem:s3] =	stream.indirect.scatter.add.f32 [tilespmem:s15], [sflag:$0x6], $0x40, s14, s16, $0xb8;
	[tilespmem:$0x1E820] =	vst v63  }
0x4c: {  	s31 =	simm.s32 $0x258  }
0x4d: {  	[tilespmem:s22], [sflag:$0x4] =	stream.indirect.gather [hbm4b:s2+s16], $0x40, s31, s16, $0xb8;
	[tilespmem:$0x1E820] =	vst v63  }
0x4e: {  	_ =	swait.ge [sflag:s23], $0x3200  }
0x4f: {  	[sflag:s23] =	ssyncset.done $0x0  }
0x50: {  	s6 =	simm.s32 $0x27D8;
	[sflag:s23] =	ssyncadd.s32 $0xFFFFCE00  }
0x51: {  	[spmem:s3] =	stream.indirect.scatter.add.f32 [tilespmem:s17], [sflag:$0x7], $0x40, s6, s16, $0xb8;
	[tilespmem:$0x1E820] =	vst v63  }
0x52: {  	s8 =	simm.s32 $0x320  }
0x53: {  	[tilespmem:s26], [sflag:$0x5] =	stream.indirect.gather [hbm4b:s2+s16], $0x40, s8, s16, $0xb8;
	[tilespmem:$0x1E820] =	vst v63  }
0x54: {  	_ =	swait.ge [sflag:s28], $0x3200  }
0x55: {  	[sflag:s28] =	ssyncset.done $0x0  }
0x56: {  	s9 =	simm.s32 $0x28A0;
	[sflag:s28] =	ssyncadd.s32 $0xFFFFCE00  }
0x57: {  	[spmem:s3] =	stream.indirect.scatter.add.f32 [tilespmem:s19], [sflag:$0x8], $0x40, s9, s16, $0xb8;
	[tilespmem:$0x1E820] =	vst v63  }
0x58: {  	_ =	swait.ge [sflag:s30], $0x3200  }
0x59: {  	[sflag:s30] =	ssyncset.done $0x0  }
0x5a: {  	s31 =	simm.s32 $0x3E8;
	[sflag:s30] =	ssyncadd.s32 $0xFFFFCE00  }
0x5b: {  	[tilespmem:s15], [sflag:$0x1] =	stream.indirect.gather [hbm4b:s2+s16], $0x40, s31, s16, $0xb8;
	[tilespmem:$0x1E820] =	vst v63  }
0x5c: {  	_ =	swait.ge [sflag:s0], $0x3200  }
0x5d: {  	[sflag:s0] =	ssyncset.done $0x0  }
0x5e: {  	s6 =	simm.s32 $0x2968;
	[sflag:s0] =	ssyncadd.s32 $0xFFFFCE00  }
0x5f: {  	[spmem:s3] =	stream.indirect.scatter.add.f32 [tilespmem:s22], [sflag:$0x9], $0x40, s6, s16, $0xb8;
	[tilespmem:$0x1E820] =	vst v63  }
0x60: {  	_ =	swait.ge [sflag:s18], $0x3200  }
0x61: {  	[sflag:s18] =	ssyncset.done $0x0  }
0x62: {  	s8 =	simm.s32 $0x4B0;
	[sflag:s18] =	ssyncadd.s32 $0xFFFFCE00  }
0x63: {  	[tilespmem:s17], [sflag:$0x2] =	stream.indirect.gather [hbm4b:s2+s16], $0x40, s8, s16, $0xb8;
	[tilespmem:$0x1E820] =	vst v63  }
0x64: {  	_ =	swait.ge [sflag:s24], $0x3200  }
0x65: {  	[sflag:s24] =	ssyncset.done $0x0  }
0x66: {  	s9 =	simm.s32 $0x2A30;
	[sflag:s24] =	ssyncadd.s32 $0xFFFFCE00  }
0x67: {  	[spmem:s3] =	stream.indirect.scatter.add.f32 [tilespmem:s26], [sflag:$0xA], $0x40, s9, s16, $0xb8;
	[tilespmem:$0x1E820] =	vst v63  }
0x68: {  	_ =	swait.ge [sflag:s29], $0x3200  }
0x69: {  	[sflag:s29] =	ssyncset.done $0x0  }
0x6a: {  	s31 =	simm.s32 $0x578;
	[sflag:s29] =	ssyncadd.s32 $0xFFFFCE00  }
0x6b: {  	[tilespmem:s19], [sflag:$0x3] =	stream.indirect.gather [hbm4b:s2+s16], $0x40, s31, s16, $0xb8;
	[tilespmem:$0x1E820] =	vst v63  }
.LBB2_4:
0x6c: {  	_ =	swait.ge [sflag:s20], $0x3200  }
0x6d: {  	s31 =	sshra.s32 s25, $0x2;
	[sflag:s20] =	ssyncset.done $0x0  }
0x6e: {  	s5 =	sadd.s32 $0x2AF8, s31;
	[sflag:s20] =	ssyncadd.s32 $0xFFFFCE00  }
0x6f: {  	[spmem:s3] =	stream.indirect.scatter.add.f32 [tilespmem:s15], [sflag:$0x6], $0x40, s5, s16, $0xb8;
	[tilespmem:$0x1E820] =	vst v63  }
0x70: {  	_ =	swait.ge [sflag:s1], $0x3200  }
0x71: {  	[sflag:s1] =	ssyncset.done $0x0  }
0x72: {  	s8 =	sadd.s32 $0x640, s31;
	[sflag:s1] =	ssyncadd.s32 $0xFFFFCE00  }
0x73: {  	[tilespmem:s22], [sflag:$0x4] =	stream.indirect.gather [hbm4b:s2+s16], $0x40, s8, s16, $0xb8;
	[tilespmem:$0x1E820] =	vst v63  }
0x74: {  	_ =	swait.ge [sflag:s23], $0x3200  }
0x75: {  	[sflag:s23] =	ssyncset.done $0x0  }
0x76: {  	s9 =	sadd.s32 $0x2BC0, s31;
	[sflag:s23] =	ssyncadd.s32 $0xFFFFCE00  }
0x77: {  	[spmem:s3] =	stream.indirect.scatter.add.f32 [tilespmem:s17], [sflag:$0x7], $0x40, s9, s16, $0xb8;
	[tilespmem:$0x1E820] =	vst v63  }
0x78: {  	_ =	swait.ge [sflag:s21], $0x3200  }
0x79: {  	[sflag:s21] =	ssyncset.done $0x0  }
0x7a: {  	s6 =	sadd.s32 $0x708, s31;
	[sflag:s21] =	ssyncadd.s32 $0xFFFFCE00  }
0x7b: {  	[tilespmem:s26], [sflag:$0x5] =	stream.indirect.gather [hbm4b:s2+s16], $0x40, s6, s16, $0xb8;
	[tilespmem:$0x1E820] =	vst v63  }
0x7c: {  	_ =	swait.ge [sflag:s28], $0x3200  }
0x7d: {  	[sflag:s28] =	ssyncset.done $0x0  }
0x7e: {  	s8 =	sadd.s32 $0x2C88, s31;
	[sflag:s28] =	ssyncadd.s32 $0xFFFFCE00  }
0x7f: {  	[spmem:s3] =	stream.indirect.scatter.add.f32 [tilespmem:s19], [sflag:$0x8], $0x40, s8, s16, $0xb8;
	[tilespmem:$0x1E820] =	vst v63  }
0x80: {  	_ =	swait.ge [sflag:s30], $0x3200  }
0x81: {  	p0 =	seq.s32 s25, $0x7D00;
	[sflag:s30] =	ssyncset.done $0x0  }
0x82: {  	s5 =	simm.s32 @p0 $0x4;
	[sflag:s30] =	ssyncadd.s32 $0xFFFFCE00  }
0x83: {  	_ =	swait.ge @p0 [sflag:s5], $0x3200  }
0x84: {  	[sflag:s5] =	ssyncset.done @p0 $0x0  }
0x85: {  	[sflag:s5] =	ssyncadd.s32 @p0 $0xFFFFCE00;
	s5 =	sshra.s32 @p0 s25, $0x2  }
0x86: {  	s6 =	simm.s32 @p0 $0xC8;
	s8 =	simm.s32 @p0 $0xE420;
	s5 =	sadd.s32 @p0 $0x2D50, s5  }
0x87: {  	[spmem:s3] =	stream.indirect.scatter.add.f32 @p0 [tilespmem:s8], [sflag:$0x9], $0x40, s5, s6, $0xb8;
	[tilespmem:$0x1E820] =	vst v63  }
0x88: {  	s5 =	simm.s32 @p0 $0x7  }
0x89: {  	_ =	swait.ge @p0 [sflag:s5], $0x3200  }
0x8a: {  	[sflag:s5] =	ssyncset.done @p0 $0x0  }
0x8b: {  	[sflag:s5] =	ssyncadd.s32 @p0 $0xFFFFCE00;
	s5 =	sshra.s32 @!p0 s25, $0x2  }
0x8c: {  	s9 =	simm.s32 @!p0 $0x4E20;
	s8 =	simm.s32 @!p0 $0xC8;
	s6 =	sadd.s32 @!p0 $0x7D0, s5  }
0x8d: {  	[tilespmem:s9], [sflag:$0x1] =	stream.indirect.gather @!p0 [hbm4b:s2+s8], $0x40, s6, s8, $0xb8;
	[tilespmem:$0x1E820] =	vst v63  }
0x8e: {  	s6 =	simm.s32 @!p0 $0x4  }
0x8f: {  	_ =	swait.ge @!p0 [sflag:s6], $0x3200  }
0x90: {  	[sflag:s6] =	ssyncset.done @!p0 $0x0  }
0x91: {  	s9 =	simm.s32 @!p0 $0xE420;
	[sflag:s6] =	ssyncadd.s32 @!p0 $0xFFFFCE00;
	s6 =	sadd.s32 @!p0 $0x2D50, s5  }
0x92: {  	[spmem:s3] =	stream.indirect.scatter.add.f32 @!p0 [tilespmem:s9], [sflag:$0x9], $0x40, s6, s8, $0xb8;
	[tilespmem:$0x1E820] =	vst v63  }
0x93: {  	s6 =	simm.s32 @!p0 $0x7  }
0x94: {  	_ =	swait.ge @!p0 [sflag:s6], $0x3200  }
0x95: {  	[sflag:s6] =	ssyncset.done @!p0 $0x0  }
0x96: {  	s5 =	sadd.s32 @!p0 $0x898, s5;
	[sflag:s6] =	ssyncadd.s32 @!p0 $0xFFFFCE00;
	s6 =	simm.s32 @!p0 $0x8020  }
0x97: {  	[tilespmem:s6], [sflag:$0x2] =	stream.indirect.gather @!p0 [hbm4b:s2+s8], $0x40, s5, s8, $0xb8;
	[tilespmem:$0x1E820] =	vst v63  }
0x98: {  	_ =	swait.ge [sflag:s24], $0x3200  }
0x99: {  	[sflag:s24] =	ssyncset.done $0x0  }
.Ltmp3:
0x9a: {  	s9 =	sadd.s32 $0x2E18, s31;
	[sflag:s24] =	ssyncadd.s32 $0xFFFFCE00;
	(pc) =	sbr.rel @p0 .LBB2_6-.Ltmp3, $4  }
0x9b: {  	[spmem:s3] =	stream.indirect.scatter.add.f32 [tilespmem:s26], [sflag:$0xA], $0x40, s9, s16, $0xb8;
	[tilespmem:$0x1E820] =	vst v63  }
0x9c: {  	_ =	swait.ge [sflag:s29], $0x3200  }
0x9d: {  	[sflag:s29] =	ssyncset.done $0x0  }
0x9e: {  	[sflag:s29] =	ssyncadd.s32 $0xFFFFCE00  }
.Ltmp4:
0x9f: {  	(pc) =	sbr.rel .LBB2_4-.Ltmp4, $3  }
0xa0: {  	_ =	sdelay $0x1  }
0xa1: {  	s5 =	sadd.s32 $0x960, s31;
	s25 =	sadd.s32 $0xFA0, s25  }
0xa2: {  	[tilespmem:s19], [sflag:$0x3] =	stream.indirect.gather [hbm4b:s2+s16], $0x40, s5, s16, $0xb8;
	[tilespmem:$0x1E820] =	vst v63  }
.LBB2_7:
0xa3: {  	_ =	sfence.sel $0x180000  }
0xa4: {  	[bflag:$0x0] =	sbarrier.arrive $0xFFFF  }
0xa5: {  	_ =	strace $0x9000004A  }
0xa6: {  	s0 =	stileid.u32;
	[bflag:$0x2] =	sbarrier.arrive $0xFFFF  }
0xa7: {  	p0 =	sne.s32 s0, $0x0;
	s0 =	rddreg [dreg:$0x3]  }
0xa8: {  	s0 =	sadd.s32 @!p0 $0x100000, s0  }
0xa9: {  	[sflag:s0] =	ssyncadd.tile.s32 @!p0 $0x1;
	_ =	shalt  }
.Lfunc_end2:
_tile_overlayer_lowered:
.L_overlay_start_2:
0xaa: {  	(tag) =	ssettag $0x2  }
0xab: {  	s0 =	rddreg [dreg:$0x0];
	s2 =	stileid.u32  }
0xac: {  	s1 =	rddreg [dreg:$0x1];
	p0 =	sne.s32 s2, $0x0  }
0xad: {  	s3 =	rddreg [dreg:$0x2];
	[bflag:$0x3] =	sbarrier.arrive $0xFFFF;
	s2 =	simm.s32 @!p0 $0x1C0B  }
0xae: {  	[timem:s3], [sflag:s2] =	dma.local @!p0 [hbm:s0], s1  }
0xaf: {  	s0 =	simm.s32 @!p0 $0xB  }
0xb0: {  	_ =	swait.ge @!p0 [sflag:s0], s1  }
0xb1: {  	s1 =	ssub.s32 @!p0 $0x0, s1;
	[sflag:s0] =	ssyncset.done @!p0 $0x0  }
0xb2: {  	[sflag:s0] =	ssyncadd.s32 @!p0 s1  }
0xb3: {  	[bflag:$0x3] =	sbarrier.arrive $0xFFFF  }
0xb4: {  	_ =	shalt  }

// kernel: kernel.18.cloned.1.call-start
scs
__scs_entry_jumppad:
0x0: {  	(pc) =	sbr.rel $0x88, $3  }
0x1: {  	(tag) =	ssettag $0x0;
	lr =	simm.s32 $0x1  }
0x2: {  	[smem:$0x3F95] =	sst lr;
	_ =	strace $0xD0000000  }
0x3: {  	_ = 	snop  }
0x4: {  	_ = 	snop  }
0x5: {  	_ = 	snop  }
0x6: {  	_ = 	snop  }
0x7: {  	_ = 	snop  }
__scs_overlays_trampoline_lowered:
0x8: {  	[smem:$0x3FA4] =	sst s0  }
0x9: {  	[smem:$0x3FA5] =	sst s1  }
0xa: {  	[smem:$0x3FA6] =	sst s2  }
0xb: {  	[smem:$0x3FA7] =	sst s3  }
0xc: {  	[smem:$0x3FA8] =	sst s4  }
0xd: {  	[smem:$0x3FA9] =	sst s5  }
0xe: {  	[smem:$0x3FAA] =	sst s6  }
0xf: {  	[smem:$0x3FAB] =	sst s7  }
0x10: {  	[smem:$0x3FAC] =	sst s8  }
0x11: {  	[smem:$0x3FAD] =	sst s9;
	s0 =	simm.s32 @!p0 $0x0  }
0x12: {  	s1 =	sld [smem:$0x3F93];
	s0 =	simm.s32 @p0 $0x1  }
0x13: {  	[smem:$0x3FAE] =	sst s0;
	s0 =	simm.s32 @!p1 $0x0  }
0x14: {  	s2 =	sld [smem:$0x3F92];
	s0 =	simm.s32 @p1 $0x1  }
0x15: {  	[smem:$0x3FAF] =	sst s0;
	s0 =	simm.s32 @!p2 $0x0  }
0x16: {  	s3 =	sld [smem:$0x3FDB];
	s0 =	simm.s32 @p2 $0x1  }
0x17: {  	s4 =	simm.s32 $0x1BF5;
	[smem:$0x3FB1] =	sst s0  }
0x18: {  	s0 =	sld [smem:$0x3F94];
	_ =	swait.ge [sflag:s4], $0x0  }
0x19: {  	s7 =	sld [smem:$0x3F95]  }
0x1a: {  	s8 =	sadd.s32 $0xFFFFE003, lr  }
0x1b: {  	s9 =	sadd.s32 $0xFFFFFEF7, lr;
	s5 =	simm.s32 $0xFFFFFFFF;
	p2 =	slt.u32 s8, $0xFFFFF086  }
0x1c: {  	p1 =	slt.u32 s9, $0xF7A;
	s5 =	simm.s32 @!p2 $0x0  }
0x1d: {  	s5 =	simm.s32 @p1 $0x1;
	p0 =	seq.s32 s7, s2  }
0x1e: {  	s7 =	smul.u32 @!p0 $0xF7A, s2;
	p2 =	seq.s32 @!p0 s5, $0x0  }
0x1f: {  	s9 =	smul.u32 $0xF7A, s1;
	s8 =	simm.s32 @!p0 $0x1BF5;
	p2 =	por !p2, p0  }
0x20: {  	[sflag:s8] =	ssyncset.s32 @!p0 $0xFFFFF086;
	s6 =	sadd.s32 @!p0 s3, s7;
	s7 =	simm.s32 @!p0 $0x108  }
0x21: {  	s3 =	sadd.s32 s3, s9;
	s6 =	sadd.s32 @!p0 $0x88, s6;
	s7 =	simm.s32 @p2 $0x1082  }
0x22: {  	[simem:s7], [sflag:s8] =	dma.local @!p0 [hbm:s6], $0xF7A  }
0x23: {  	s9 =	sor.u32 $0xD0000000, s2;
	s6 =	simm.s32 $0x108;
	_ =	swait.ge @!p0 [sflag:s8], $0x0  }
0x24: {  	s3 =	sadd.s32 $0x88, s3;
	s6 =	simm.s32 @!p1 $0x1082;
	[sflag:s4] =	ssyncset.s32 $0xFFFFF086  }
0x25: {  	[simem:s6], [sflag:s4] =	dma.local [hbm:s3], $0xF7A  }
0x26: {  	[smem:$0x3F95] =	sst s1;
	(tag) =	ssettag s2;
	_ =	strace s9  }
0x27: {  	s1 =	sld [smem:$0x3FA5]  }
0x28: {  	s2 =	sld [smem:$0x3FA6]  }
0x29: {  	s4 =	sld [smem:$0x3FA8]  }
0x2a: {  	p0 =	seq.s32 s5, $0x0;
	s5 =	sld [smem:$0x3FA9]  }
0x2b: {  	s6 =	sld [smem:$0x3FAA]  }
0x2c: {  	s7 =	sld [smem:$0x3FAB]  }
0x2d: {  	s3 =	simm.s32 $0x108;
	s8 =	sld [smem:$0x3FAC]  }
0x2e: {  	s3 =	simm.s32 @!p0 $0x1082;
	s9 =	sld [smem:$0x3FAD]  }
0x2f: {  	lr =	sadd.s32 s0, s3;
	s0 =	sld [smem:$0x3FA4]  }
0x30: {  	s3 =	sld [smem:$0x3FA7]  }
0x31: {  	[smem:$0x3FB0] =	sst s10  }
0x32: {  	s10 =	sld [smem:$0x3FAE];
	_ =	sdelay $0x3  }
0x33: {  	p0 =	seq.s32 s10, $0x1;
	s10 =	sld [smem:$0x3FB0];
	_ =	sdelay $0x3  }
0x34: {  	[smem:$0x3FB0] =	sst s10  }
0x35: {  	s10 =	sld [smem:$0x3FAF];
	_ =	sdelay $0x3  }
0x36: {  	p1 =	seq.s32 s10, $0x1;
	s10 =	sld [smem:$0x3FB0];
	_ =	sdelay $0x3  }
0x37: {  	[smem:$0x3FB0] =	sst s10  }
0x38: {  	s10 =	sld [smem:$0x3FB1]  }
0x39: {  	_ = 	snop;
	(pc) =	sbr.ind lr, $3  }
0x3a: {  	_ = 	snop  }
0x3b: {  	_ = 	snop  }
0x3c: {  	p2 =	seq.s32 s10, $0x1;
	s10 =	sld [smem:$0x3FB0]  }
0x3d: {  	_ =	shalt  }
0x3e: {  	_ =	shalt  }
0x3f: {  	_ =	shalt  }
0x40: {  	_ =	shalt  }
0x41: {  	_ =	shalt  }
0x42: {  	_ =	shalt  }
0x43: {  	_ =	shalt  }
0x44: {  	_ =	shalt  }
0x45: {  	_ =	shalt  }
0x46: {  	_ =	shalt  }
0x47: {  	_ =	shalt  }
0x48: {  	_ =	shalt  }
0x49: {  	_ =	shalt  }
0x4a: {  	_ =	shalt  }
0x4b: {  	_ =	shalt  }
0x4c: {  	_ =	shalt  }
0x4d: {  	_ =	shalt  }
0x4e: {  	_ =	shalt  }
0x4f: {  	_ =	shalt  }
0x50: {  	_ =	shalt  }
0x51: {  	_ =	shalt  }
0x52: {  	_ =	shalt  }
0x53: {  	_ =	shalt  }
0x54: {  	_ =	shalt  }
0x55: {  	_ =	shalt  }
0x56: {  	_ =	shalt  }
0x57: {  	_ =	shalt  }
0x58: {  	_ =	shalt  }
0x59: {  	_ =	shalt  }
0x5a: {  	_ =	shalt  }
0x5b: {  	_ =	shalt  }
0x5c: {  	_ =	shalt  }
0x5d: {  	_ =	shalt  }
0x5e: {  	_ =	shalt  }
0x5f: {  	_ =	shalt  }
0x60: {  	_ =	shalt  }
0x61: {  	_ =	shalt  }
0x62: {  	_ =	shalt  }
0x63: {  	_ =	shalt  }
0x64: {  	_ =	shalt  }
0x65: {  	_ =	shalt  }
0x66: {  	_ =	shalt  }
0x67: {  	_ =	shalt  }
0x68: {  	_ =	shalt  }
0x69: {  	_ =	shalt  }
0x6a: {  	_ =	shalt  }
0x6b: {  	_ =	shalt  }
0x6c: {  	_ =	shalt  }
0x6d: {  	_ =	shalt  }
0x6e: {  	_ =	shalt  }
0x6f: {  	_ =	shalt  }
0x70: {  	_ =	shalt  }
0x71: {  	_ =	shalt  }
0x72: {  	_ =	shalt  }
0x73: {  	_ =	shalt  }
0x74: {  	_ =	shalt  }
0x75: {  	_ =	shalt  }
0x76: {  	_ =	shalt  }
0x77: {  	_ =	shalt  }
0x78: {  	_ =	shalt  }
0x79: {  	_ =	shalt  }
0x7a: {  	_ =	shalt  }
0x7b: {  	_ =	shalt  }
0x7c: {  	_ =	shalt  }
0x7d: {  	_ =	shalt  }
0x7e: {  	_ =	shalt  }
0x7f: {  	_ =	shalt  }
0x80: {  	_ =	shalt  }
0x81: {  	_ =	shalt  }
0x82: {  	_ =	shalt  }
0x83: {  	_ =	shalt  }
0x84: {  	_ =	shalt  }
0x85: {  	_ =	shalt  }
0x86: {  	_ =	shalt  }
0x87: {  	_ =	shalt  }
.Lfunc_end0:
.L_simem_size_0:
called_computation.2_lowered:
.L_overlay_start_0:
0x88: {  	s2 =	sld [smem:$0x3FD9]  }
0x89: {  	s3 =	sld [smem:$0x3FFE];
	_ =	sdelay $0x1  }
0x8a: {  	s1 =	srdreg.scid  }
0x8b: {  	s0 =	sand.u32 $0x1, s1  }
0x8c: {  	s17 =	sshll.u32 s0, $0xA;
	s2 =	sadd.s32 s3, s2  }
0x8d: {  	s2 =	sadd.s32 s2, s17  }
0x8e: {  	[smem:$0x3FBC] =	sst s2  }
0x8f: {  	_ = 	snop  }
0x90: {  	s2 =	sld [smem:$0x3FD0];
	(tm) =	ssettm $0x1  }
0x91: {  	s18 =	sld [smem:$0x3FFB];
	_ =	sdelay $0x3  }
0x92: {  	_ =	strace s18  }
0x93: {  	s3 =	sld [smem:$0x3FFC];
	_ =	sdelay $0x3  }
0x94: {  	_ =	strace s3  }
0x95: {  	s3 =	sld [smem:$0x3FFD];
	_ =	sdelay $0x3  }
0x96: {  	_ =	strace s3  }
0x97: {  	_ =	strace $0x8FFFFFFF  }
0x98: {  	s19 =	sld [smem:$0x3FDB];
	_ =	sdelay $0x1  }
0x99: {  	s4 =	simm.s32 $_scs_section_size  }
0x9a: {  	s5 =	simm.s32 $_size__tile_overlayer_lowered;
	s6 =	simm.s32 $_tile_overlayer_lowered  }
0x9b: {  	s22 =	simm.s32 $0x1BFF;
	s21 =	sshll.u32 s6, $0x1;
	s3 =	sadd.s32 s4, s19  }
0x9c: {  	s7 =	simm.s32 $0x0;
	s20 =	sshll.u32 s5, $0x1;
	s5 =	sadd.s32 s21, s3  }
0x9d: {  	[timem:s7], [sflag:s22] =	dma.local [hbm:s5], s20  }
0x9e: {  	_ =	swait.ge [sflag:s22], s20  }
0x9f: {  	s4 =	ssub.s32 $0x0, s20;
	[sflag:s22] =	ssyncset.done $0x0  }
0xa0: {  	[sflag:s22] =	ssyncadd.s32 s4;
	_ =	sdelay $0x1  }
0xa1: {  	s23 =	simm.s32 $0x1B8B  }
0xa2: {  	_ =	swait.ge [sflag:s23], $0x1  }
0xa3: {  	[sflag:s23] =	ssyncset.done $0x0  }
0xa4: {  	s25 =	simm.s32 $0x1B8E;
	s24 =	sld [smem:$0x3FFE];
	[sflag:s23] =	ssyncadd.s32 $0xFFFFFFFF  }
0xa5: {  	s26 =	simm.s32 $execute0_lowered;
	[smem:$0x3FD2] =	sst s25  }
0xa6: {  	s5 =	sshll.u32 s26, $0x1;
	_ =	strace $0x8000004C;
	[dreg:$0x1] =	wrdreg $0xFFFFFFFF  }
0xa7: {  	s28 =	simm.s32 $_size_execute0_lowered;
	s3 =	sadd.s32 s3, s5;
	[dreg:$0x0] =	wrdreg $0x0  }
0xa8: {  	s5 =	sshll.u32 s28, $0x1;
	[dreg:$0x2] =	wrdreg s3  }
0xa9: {  	[dreg:$0x3] =	wrdreg s5  }
0xaa: {  	[dreg:$0x4] =	wrdreg $0xC0  }
0xab: {  	_ =	task [dreg:s7], $0x5FFFF  }
0xac: {  	[dreg:$0x1] =	wrdreg $0xFFFFFFFF  }
0xad: {  	[dreg:$0x0] =	wrdreg $0x60  }
0xae: {  	[dreg:$0x2] =	wrdreg s2  }
0xaf: {  	[dreg:$0x3] =	wrdreg s24  }
0xb0: {  	[dreg:$0x4] =	wrdreg $0x148200  }
0xb1: {  	[dreg:$0x5] =	wrdreg $0x9  }
0xb2: {  	_ =	task.clear_ibuf [dreg:s7], $0x6FFFF;
	_ =	strace $0x9000004C  }
0xb3: {  	s29 =	simm.s32 $0x9;
	_ =	strace $0x8000004E  }
0xb4: {  	_ =	swait.ge [sflag:s29], $0x1  }
0xb5: {  	[sflag:s29] =	ssyncadd.s32 $0xFFFFFFFF  }
0xb6: {  	_ =	strace $0x9000004E  }
0xb7: {  	_ =	sfence  }
0xb8: {  	s30 =	sld [smem:$0x0];
	_ =	sdelay $0x2  }
0xb9: {  	s31 =	sshll.u32 s1, $0xD;
	s1 =	sshrl.u32 s1, $0x2  }
0xba: {  	s3 =	sand.u32 $0x4000, s31;
	s1 =	sadd.s32 s1, s30  }
0xbb: {  	s0 =	sor.u32 s3, s0;
	s1 =	sshll.u32 s1, $0x11  }
0xbc: {  	s0 =	sor.u32 s1, s0  }
0xbd: {  	s0 =	sadd.s32 $0x8F2B, s0  }
0xbe: {  	[sflag:s0] =	ssyncadd.remote.s32 $0x1  }
0xbf: {  	_ =	sfence.sel $0xFFFF  }
0xc0: {  	[dreg:$0x0] =	wrdreg $0xFFFFFFFF;
	(pc) =	sbr.abs _section_cstart, $3  }
0xc1: {  	[dreg:$0x1] =	wrdreg $0xFFFFFFFF  }
0xc2: {  	_ =	task.clear_ibuf [dreg:s7], $0x2FFFF;
	_ =	strace $0x9FFFFFFF  }
0xc3: {  	(tm) =	ssettm $0x7FFFFFFF  }
tec
execute0_lowered:
.L_overlay_start_1:
0x0: {  	(tag) =	ssettag $0x1  }
0x1: {  	s2 =	rddreg [dreg:$0x0]  }
0x2: {  	s0 =	rddreg [dreg:$0x1]  }
0x3: {  	s3 =	rddreg [dreg:$0x2];
	s1 =	srdreg.scid  }
0x4: {  	s8 =	stileid.u32;
	s4 =	simm.s32 $0x0;
	s13 =	simm.s32 $0xB  }
0x5: {  	s14 =	simm.s32 $0x2710;
	s15 =	simm.s32 $0x4E20;
	s16 =	simm.s32 $0xC8  }
0x6: {  	s17 =	simm.s32 $0x8020;
	s19 =	simm.s32 $0xB220;
	s20 =	simm.s32 $0x1  }
0x7: {  	s22 =	simm.s32 $0xE420;
	s28 =	simm.s32 $0x3;
	s30 =	simm.s32 $0x6  }
0x8: {  	s18 =	simm.s32 $0x7;
	s29 =	simm.s32 $0x8;
	s21 =	simm.s32 $0xA  }
0x9: {  	s1 =	sand.u32 $0x1, s1;
	s7 =	smul.u32 $0xA000, s8;
	[smem:$0x7FF] =	sst s4  }
0xa: {  	s5 =	sshll.u32 s1, $0x4;
	s6 =	smul.u32 $0xA0000, s1;
	_ =	strace $0x8000004D  }
0xb: {  	s1 =	ssub.s32 $0x2, s1;
	s5 =	sor.u32 s8, s5;
	s8 =	smul.u32 $0x28000, s8  }
0xc: {  	s23 =	sshrl.u32 s1, $0x1;
	s5 =	smul.u32 $0x4E2, s5;
	s6 =	sadd.s32 s7, s6  }
0xd: {  	s1 =	ssub.s32 s1, s23;
	s7 =	sadd.s32 s7, s3;
	s23 =	simm.s32 $0x2  }
0xe: {  	s6 =	sshrl.u32 s6, $0x3;
	s8 =	sshrl.u32 s8, $0x2;
	s12 =	smax.u32 s1, $0x1  }
0xf: {  	s1 =	simm.s32 $0x9;
	s9 =	sadd.s32 s5, s0;
	s0 =	sadd.s32 s6, s0  }
.Ltmp0:
0x10: {  	s10 =	sadd.s32 s8, s3;
	s24 =	sadd.s32 $0x2C00, s9;
	(pc) =	sbr.rel .LBB2_1-.Ltmp0, $4  }
0x11: {  	s25 =	sadd.s32 $0xCA00, s9;
	s26 =	sadd.s32 $0x3200, s10;
	[dreg:$0x4] =	wrdreg s24  }
0x12: {  	s31 =	sadd.s32 $0x6400, s10;
	s10 =	sadd.s32 $0x9600, s10;
	[dreg:$0x5] =	wrdreg s25  }
0x13: {  	s11 =	sadd.s32 $0x16800, s0;
	s0 =	simm.s32 $0x4;
	[dreg:$0x6] =	wrdreg s26  }
0x14: {  	v0 =	vimm.f32 $0.0e+00;
	[dreg:$0x7] =	wrdreg s31;
	s26 =	simm.s32 $0x11620;
	s24 =	simm.s32 $0x5  }
.LBB2_6:
0x15: {  	_ =	swait.ge [sflag:s1], $0x3200  }
0x16: {  	[sflag:s1] =	ssyncset.done $0x0  }
0x17: {  	[sflag:s1] =	ssyncadd.s32 $0xFFFFCE00  }
0x18: {  	s5 =	stileid.u32;
	_ =	swait.ge [sflag:s21], $0x3200  }
0x19: {  	s6 =	sshrl.u32 s7, $0x3;
	s4 =	sadd.s32 $0x1, s4;
	[sflag:s21] =	ssyncset.done $0x0  }
0x1a: {  	s5 =	sshll.u32 s5, $0x6;
	p0 =	sne.s32 s4, s12;
	[sflag:s21] =	ssyncadd.s32 $0xFFFFCE00  }
.Ltmp1:
0x1b: {  	s5 =	sor.u32 $0x1C0B, s5;
	[bflag:$0x0] =	sbarrier.arrive $0xFFFF;
	(pc) =	sbr.rel @!p0 .LBB2_7-.Ltmp1, $4  }
0x1c: {  	[hbm:s11], [sflag:s5] =	dma.local [spmem:s6], $0x1400  }
0x1d: {  	_ =	swait.ge [sflag:s13], $0x1400  }
0x1e: {  	[sflag:s13] =	ssyncset.done $0x0  }
0x1f: {  	[sflag:s13] =	ssyncadd.s32 $0xFFFFEC00  }
.LBB2_1:
0x20: {  	s31 =	simm.s32 $0x100;
	s25 =	simm.s32 $0x0  }
.LBB2_2:
0x21: {  	p0 =	sne.s32 s31, $0xC700;
	[tilespmem:s25+$0x4E50] =	vst v0;
	s5 =	smov.u32 s31;
	s31 =	sadd.s32 $0x100, s31  }
.Ltmp2:
0x22: {  	[tilespmem:s25+$0x4E40] =	vst v0;
	(pc) =	sbr.rel @p0 .LBB2_2-.Ltmp2, $3  }
0x23: {  	[tilespmem:s25+$0x4E20] =	vst v0  }
0x24: {  	[tilespmem:s25+$0x4E30] =	vst v0;
	_ =	sdelay $0x1  }
0x25: {  	s25 =	sshra.s32 s5, $0x2  }
0x26: {  	[tilespmem:s25+$0x4E50] =	vst v0  }
0x27: {  	[tilespmem:s25+$0x4E40] =	vst v0  }
0x28: {  	[tilespmem:s25+$0x4E20] =	vst v0  }
0x29: {  	[tilespmem:s25+$0x4E30] =	vst v0;
	s25 =	simm.s32 $0x0;
	s5 =	rddreg [dreg:$0x4]  }
0x2a: {  	[tilespmem:s25], [sflag:$0xB] =	stream.linear.gather [hbm4b:s5+s25], $0x2710, $0x38;
	[tilespmem:$0x1E820] =	vst v63  }
0x2b: {  	_ =	swait.ge [sflag:s13], $0x2710  }
0x2c: {  	[sflag:s13] =	ssyncset.done $0x0  }
0x2d: {  	s31 =	rddreg [dreg:$0x5];
	[sflag:s13] =	ssyncadd.s32 $0xFFFFD8F0  }
0x2e: {  	[tilespmem:s14], [sflag:$0xB] =	stream.linear.gather [hbm4b:s31+s25], $0x2710, $0x38;
	[tilespmem:$0x1E820] =	vst v63  }
0x2f: {  	_ =	swait.ge [sflag:s13], $0x2710  }
0x30: {  	[sflag:s13] =	ssyncset.done $0x0  }
0x31: {  	[sflag:s13] =	ssyncadd.s32 $0xFFFFD8F0  }
0x32: {  	[spmem:s7] =	stream.linear.scatter [tilespmem:s15], [sflag:$0xB], $0x3200, $0x38;
	[tilespmem:$0x1E820] =	vst v63  }
0x33: {  	_ =	swait.ge [sflag:s13], $0x3200  }
0x34: {  	[sflag:s13] =	ssyncset.done $0x0  }
0x35: {  	s6 =	rddreg [dreg:$0x6];
	[sflag:s13] =	ssyncadd.s32 $0xFFFFCE00  }
0x36: {  	[spmem:s6] =	stream.linear.scatter [tilespmem:s15], [sflag:$0xB], $0x3200, $0x38;
	[tilespmem:$0x1E820] =	vst v63  }
0x37: {  	_ =	swait.ge [sflag:s13], $0x3200  }
0x38: {  	[sflag:s13] =	ssyncset.done $0x0  }
0x39: {  	s8 =	rddreg [dreg:$0x7];
	[sflag:s13] =	ssyncadd.s32 $0xFFFFCE00  }
0x3a: {  	[spmem:s8] =	stream.linear.scatter [tilespmem:s15], [sflag:$0xB], $0x3200, $0x38;
	[tilespmem:$0x1E820] =	vst v63  }
0x3b: {  	_ =	swait.ge [sflag:s13], $0x3200  }
0x3c: {  	[sflag:s13] =	ssyncset.done $0x0  }
0x3d: {  	[sflag:s13] =	ssyncadd.s32 $0xFFFFCE00  }
0x3e: {  	[spmem:s10] =	stream.linear.scatter [tilespmem:s15], [sflag:$0xB], $0xA00, $0x38;
	[tilespmem:$0x1E820] =	vst v63  }
0x3f: {  	_ =	swait.ge [sflag:s13], $0xA00  }
0x40: {  	[sflag:s13] =	ssyncset.done $0x0  }
0x41: {  	[sflag:s13] =	ssyncadd.s32 $0xFFFFF600  }
0x42: {  	[bflag:$0x0] =	sbarrier.arrive $0xFFFF  }
0x43: {  	[tilespmem:s15], [sflag:$0x1] =	stream.indirect.gather [hbm4b:s2+s16], $0x40, s25, s16, $0xb8;
	[tilespmem:$0x1E820] =	vst v63  }
0x44: {  	_ = 	snop  }
0x45: {  	[tilespmem:s17], [sflag:$0x2] =	stream.indirect.gather [hbm4b:s2+s16], $0x40, s16, s16, $0xb8;
	[tilespmem:$0x1E820] =	vst v63  }
0x46: {  	s9 =	simm.s32 $0x190  }
0x47: {  	[tilespmem:s19], [sflag:$0x3] =	stream.indirect.gather [hbm4b:s2+s16], $0x40, s9, s16, $0xb8;
	[tilespmem:$0x1E820] =	vst v63  }
0x48: {  	_ =	swait.ge [sflag:s20], $0x3200  }
0x49: {  	[sflag:s20] =	ssyncset.done $0x0  }
0x4a: {  	[sflag:s20] =	ssyncadd.s32 $0xFFFFCE00  }
0x4b: {  	[spmem:s3] =	stream.indirect.scatter.add.f32 [tilespmem:s15], [sflag:$0x6], $0x40, s14, s16, $0xb8;
	[tilespmem:$0x1E820] =	vst v63  }
0x4c: {  	s31 =	simm.s32 $0x258  }
0x4d: {  	[tilespmem:s22], [sflag:$0x4] =	stream.indirect.gather [hbm4b:s2+s16], $0x40, s31, s16, $0xb8;
	[tilespmem:$0x1E820] =	vst v63  }
0x4e: {  	_ =	swait.ge [sflag:s23], $0x3200  }
0x4f: {  	[sflag:s23] =	ssyncset.done $0x0  }
0x50: {  	s6 =	simm.s32 $0x27D8;
	[sflag:s23] =	ssyncadd.s32 $0xFFFFCE00  }
0x51: {  	[spmem:s3] =	stream.indirect.scatter.add.f32 [tilespmem:s17], [sflag:$0x7], $0x40, s6, s16, $0xb8;
	[tilespmem:$0x1E820] =	vst v63  }
0x52: {  	s8 =	simm.s32 $0x320  }
0x53: {  	[tilespmem:s26], [sflag:$0x5] =	stream.indirect.gather [hbm4b:s2+s16], $0x40, s8, s16, $0xb8;
	[tilespmem:$0x1E820] =	vst v63  }
0x54: {  	_ =	swait.ge [sflag:s28], $0x3200  }
0x55: {  	[sflag:s28] =	ssyncset.done $0x0  }
0x56: {  	s9 =	simm.s32 $0x28A0;
	[sflag:s28] =	ssyncadd.s32 $0xFFFFCE00  }
0x57: {  	[spmem:s3] =	stream.indirect.scatter.add.f32 [tilespmem:s19], [sflag:$0x8], $0x40, s9, s16, $0xb8;
	[tilespmem:$0x1E820] =	vst v63  }
0x58: {  	_ =	swait.ge [sflag:s30], $0x3200  }
0x59: {  	[sflag:s30] =	ssyncset.done $0x0  }
0x5a: {  	s31 =	simm.s32 $0x3E8;
	[sflag:s30] =	ssyncadd.s32 $0xFFFFCE00  }
0x5b: {  	[tilespmem:s15], [sflag:$0x1] =	stream.indirect.gather [hbm4b:s2+s16], $0x40, s31, s16, $0xb8;
	[tilespmem:$0x1E820] =	vst v63  }
0x5c: {  	_ =	swait.ge [sflag:s0], $0x3200  }
0x5d: {  	[sflag:s0] =	ssyncset.done $0x0  }
0x5e: {  	s6 =	simm.s32 $0x2968;
	[sflag:s0] =	ssyncadd.s32 $0xFFFFCE00  }
0x5f: {  	[spmem:s3] =	stream.indirect.scatter.add.f32 [tilespmem:s22], [sflag:$0x9], $0x40, s6, s16, $0xb8;
	[tilespmem:$0x1E820] =	vst v63  }
0x60: {  	_ =	swait.ge [sflag:s18], $0x3200  }
0x61: {  	[sflag:s18] =	ssyncset.done $0x0  }
0x62: {  	s8 =	simm.s32 $0x4B0;
	[sflag:s18] =	ssyncadd.s32 $0xFFFFCE00  }
0x63: {  	[tilespmem:s17], [sflag:$0x2] =	stream.indirect.gather [hbm4b:s2+s16], $0x40, s8, s16, $0xb8;
	[tilespmem:$0x1E820] =	vst v63  }
0x64: {  	_ =	swait.ge [sflag:s24], $0x3200  }
0x65: {  	[sflag:s24] =	ssyncset.done $0x0  }
0x66: {  	s9 =	simm.s32 $0x2A30;
	[sflag:s24] =	ssyncadd.s32 $0xFFFFCE00  }
0x67: {  	[spmem:s3] =	stream.indirect.scatter.add.f32 [tilespmem:s26], [sflag:$0xA], $0x40, s9, s16, $0xb8;
	[tilespmem:$0x1E820] =	vst v63  }
0x68: {  	_ =	swait.ge [sflag:s29], $0x3200  }
0x69: {  	[sflag:s29] =	ssyncset.done $0x0  }
0x6a: {  	s31 =	simm.s32 $0x578;
	[sflag:s29] =	ssyncadd.s32 $0xFFFFCE00  }
0x6b: {  	[tilespmem:s19], [sflag:$0x3] =	stream.indirect.gather [hbm4b:s2+s16], $0x40, s31, s16, $0xb8;
	[tilespmem:$0x1E820] =	vst v63  }
.LBB2_4:
0x6c: {  	_ =	swait.ge [sflag:s20], $0x3200  }
0x6d: {  	s31 =	sshra.s32 s25, $0x2;
	[sflag:s20] =	ssyncset.done $0x0  }
0x6e: {  	s5 =	sadd.s32 $0x2AF8, s31;
	[sflag:s20] =	ssyncadd.s32 $0xFFFFCE00  }
0x6f: {  	[spmem:s3] =	stream.indirect.scatter.add.f32 [tilespmem:s15], [sflag:$0x6], $0x40, s5, s16, $0xb8;
	[tilespmem:$0x1E820] =	vst v63  }
0x70: {  	_ =	swait.ge [sflag:s1], $0x3200  }
0x71: {  	[sflag:s1] =	ssyncset.done $0x0  }
0x72: {  	s8 =	sadd.s32 $0x640, s31;
	[sflag:s1] =	ssyncadd.s32 $0xFFFFCE00  }
0x73: {  	[tilespmem:s22], [sflag:$0x4] =	stream.indirect.gather [hbm4b:s2+s16], $0x40, s8, s16, $0xb8;
	[tilespmem:$0x1E820] =	vst v63  }
0x74: {  	_ =	swait.ge [sflag:s23], $0x3200  }
0x75: {  	[sflag:s23] =	ssyncset.done $0x0  }
0x76: {  	s9 =	sadd.s32 $0x2BC0, s31;
	[sflag:s23] =	ssyncadd.s32 $0xFFFFCE00  }
0x77: {  	[spmem:s3] =	stream.indirect.scatter.add.f32 [tilespmem:s17], [sflag:$0x7], $0x40, s9, s16, $0xb8;
	[tilespmem:$0x1E820] =	vst v63  }
0x78: {  	_ =	swait.ge [sflag:s21], $0x3200  }
0x79: {  	[sflag:s21] =	ssyncset.done $0x0  }
0x7a: {  	s6 =	sadd.s32 $0x708, s31;
	[sflag:s21] =	ssyncadd.s32 $0xFFFFCE00  }
0x7b: {  	[tilespmem:s26], [sflag:$0x5] =	stream.indirect.gather [hbm4b:s2+s16], $0x40, s6, s16, $0xb8;
	[tilespmem:$0x1E820] =	vst v63  }
0x7c: {  	_ =	swait.ge [sflag:s28], $0x3200  }
0x7d: {  	[sflag:s28] =	ssyncset.done $0x0  }
0x7e: {  	s8 =	sadd.s32 $0x2C88, s31;
	[sflag:s28] =	ssyncadd.s32 $0xFFFFCE00  }
0x7f: {  	[spmem:s3] =	stream.indirect.scatter.add.f32 [tilespmem:s19], [sflag:$0x8], $0x40, s8, s16, $0xb8;
	[tilespmem:$0x1E820] =	vst v63  }
0x80: {  	_ =	swait.ge [sflag:s30], $0x3200  }
0x81: {  	p0 =	seq.s32 s25, $0x7D00;
	[sflag:s30] =	ssyncset.done $0x0  }
0x82: {  	s5 =	simm.s32 @p0 $0x4;
	[sflag:s30] =	ssyncadd.s32 $0xFFFFCE00  }
0x83: {  	_ =	swait.ge @p0 [sflag:s5], $0x3200  }
0x84: {  	[sflag:s5] =	ssyncset.done @p0 $0x0  }
0x85: {  	[sflag:s5] =	ssyncadd.s32 @p0 $0xFFFFCE00;
	s5 =	sshra.s32 @p0 s25, $0x2  }
0x86: {  	s6 =	simm.s32 @p0 $0xC8;
	s8 =	simm.s32 @p0 $0xE420;
	s5 =	sadd.s32 @p0 $0x2D50, s5  }
0x87: {  	[spmem:s3] =	stream.indirect.scatter.add.f32 @p0 [tilespmem:s8], [sflag:$0x9], $0x40, s5, s6, $0xb8;
	[tilespmem:$0x1E820] =	vst v63  }
0x88: {  	s5 =	simm.s32 @p0 $0x7  }
0x89: {  	_ =	swait.ge @p0 [sflag:s5], $0x3200  }
0x8a: {  	[sflag:s5] =	ssyncset.done @p0 $0x0  }
0x8b: {  	[sflag:s5] =	ssyncadd.s32 @p0 $0xFFFFCE00;
	s5 =	sshra.s32 @!p0 s25, $0x2  }
0x8c: {  	s9 =	simm.s32 @!p0 $0x4E20;
	s8 =	simm.s32 @!p0 $0xC8;
	s6 =	sadd.s32 @!p0 $0x7D0, s5  }
0x8d: {  	[tilespmem:s9], [sflag:$0x1] =	stream.indirect.gather @!p0 [hbm4b:s2+s8], $0x40, s6, s8, $0xb8;
	[tilespmem:$0x1E820] =	vst v63  }
0x8e: {  	s6 =	simm.s32 @!p0 $0x4  }
0x8f: {  	_ =	swait.ge @!p0 [sflag:s6], $0x3200  }
0x90: {  	[sflag:s6] =	ssyncset.done @!p0 $0x0  }
0x91: {  	s9 =	simm.s32 @!p0 $0xE420;
	[sflag:s6] =	ssyncadd.s32 @!p0 $0xFFFFCE00;
	s6 =	sadd.s32 @!p0 $0x2D50, s5  }
0x92: {  	[spmem:s3] =	stream.indirect.scatter.add.f32 @!p0 [tilespmem:s9], [sflag:$0x9], $0x40, s6, s8, $0xb8;
	[tilespmem:$0x1E820] =	vst v63  }
0x93: {  	s6 =	simm.s32 @!p0 $0x7  }
0x94: {  	_ =	swait.ge @!p0 [sflag:s6], $0x3200  }
0x95: {  	[sflag:s6] =	ssyncset.done @!p0 $0x0  }
0x96: {  	s5 =	sadd.s32 @!p0 $0x898, s5;
	[sflag:s6] =	ssyncadd.s32 @!p0 $0xFFFFCE00;
	s6 =	simm.s32 @!p0 $0x8020  }
0x97: {  	[tilespmem:s6], [sflag:$0x2] =	stream.indirect.gather @!p0 [hbm4b:s2+s8], $0x40, s5, s8, $0xb8;
	[tilespmem:$0x1E820] =	vst v63  }
0x98: {  	_ =	swait.ge [sflag:s24], $0x3200  }
0x99: {  	[sflag:s24] =	ssyncset.done $0x0  }
.Ltmp3:
0x9a: {  	s9 =	sadd.s32 $0x2E18, s31;
	[sflag:s24] =	ssyncadd.s32 $0xFFFFCE00;
	(pc) =	sbr.rel @p0 .LBB2_6-.Ltmp3, $4  }
0x9b: {  	[spmem:s3] =	stream.indirect.scatter.add.f32 [tilespmem:s26], [sflag:$0xA], $0x40, s9, s16, $0xb8;
	[tilespmem:$0x1E820] =	vst v63  }
0x9c: {  	_ =	swait.ge [sflag:s29], $0x3200  }
0x9d: {  	[sflag:s29] =	ssyncset.done $0x0  }
0x9e: {  	[sflag:s29] =	ssyncadd.s32 $0xFFFFCE00  }
.Ltmp4:
0x9f: {  	(pc) =	sbr.rel .LBB2_4-.Ltmp4, $3  }
0xa0: {  	_ =	sdelay $0x1  }
0xa1: {  	s5 =	sadd.s32 $0x960, s31;
	s25 =	sadd.s32 $0xFA0, s25  }
0xa2: {  	[tilespmem:s19], [sflag:$0x3] =	stream.indirect.gather [hbm4b:s2+s16], $0x40, s5, s16, $0xb8;
	[tilespmem:$0x1E820] =	vst v63  }
.LBB2_7:
0xa3: {  	_ =	sfence.sel $0x180000  }
0xa4: {  	[bflag:$0x0] =	sbarrier.arrive $0xFFFF  }
0xa5: {  	_ =	strace $0x9000004D  }
0xa6: {  	s0 =	stileid.u32;
	[bflag:$0x2] =	sbarrier.arrive $0xFFFF  }
0xa7: {  	p0 =	sne.s32 s0, $0x0;
	s0 =	rddreg [dreg:$0x3]  }
0xa8: {  	s0 =	sadd.s32 @!p0 $0x100000, s0  }
0xa9: {  	[sflag:s0] =	ssyncadd.tile.s32 @!p0 $0x1;
	_ =	shalt  }
.Lfunc_end2:
_tile_overlayer_lowered:
.L_overlay_start_2:
0xaa: {  	(tag) =	ssettag $0x2  }
0xab: {  	s0 =	rddreg [dreg:$0x0];
	s2 =	stileid.u32  }
0xac: {  	s1 =	rddreg [dreg:$0x1];
	p0 =	sne.s32 s2, $0x0  }
0xad: {  	s3 =	rddreg [dreg:$0x2];
	[bflag:$0x3] =	sbarrier.arrive $0xFFFF;
	s2 =	simm.s32 @!p0 $0x1C0B  }
0xae: {  	[timem:s3], [sflag:s2] =	dma.local @!p0 [hbm:s0], s1  }
0xaf: {  	s0 =	simm.s32 @!p0 $0xB  }
0xb0: {  	_ =	swait.ge @!p0 [sflag:s0], s1  }
0xb1: {  	s1 =	ssub.s32 @!p0 $0x0, s1;
	[sflag:s0] =	ssyncset.done @!p0 $0x0  }
0xb2: {  	[sflag:s0] =	ssyncadd.s32 @!p0 s1  }
0xb3: {  	[bflag:$0x3] =	sbarrier.arrive $0xFFFF  }
0xb4: {  	_ =	shalt  }

// kernel: kernel.21.cloned.1.call-start
scs
__scs_entry_jumppad:
0x0: {  	(pc) =	sbr.rel $0x88, $3  }
0x1: {  	(tag) =	ssettag $0x0;
	lr =	simm.s32 $0x1  }
0x2: {  	[smem:$0x3F95] =	sst lr;
	_ =	strace $0xD0000000  }
0x3: {  	_ = 	snop  }
0x4: {  	_ = 	snop  }
0x5: {  	_ = 	snop  }
0x6: {  	_ = 	snop  }
0x7: {  	_ = 	snop  }
__scs_overlays_trampoline_lowered:
0x8: {  	[smem:$0x3FA4] =	sst s0  }
0x9: {  	[smem:$0x3FA5] =	sst s1  }
0xa: {  	[smem:$0x3FA6] =	sst s2  }
0xb: {  	[smem:$0x3FA7] =	sst s3  }
0xc: {  	[smem:$0x3FA8] =	sst s4  }
0xd: {  	[smem:$0x3FA9] =	sst s5  }
0xe: {  	[smem:$0x3FAA] =	sst s6  }
0xf: {  	[smem:$0x3FAB] =	sst s7  }
0x10: {  	[smem:$0x3FAC] =	sst s8  }
0x11: {  	[smem:$0x3FAD] =	sst s9;
	s0 =	simm.s32 @!p0 $0x0  }
0x12: {  	s1 =	sld [smem:$0x3F93];
	s0 =	simm.s32 @p0 $0x1  }
0x13: {  	[smem:$0x3FAE] =	sst s0;
	s0 =	simm.s32 @!p1 $0x0  }
0x14: {  	s2 =	sld [smem:$0x3F92];
	s0 =	simm.s32 @p1 $0x1  }
0x15: {  	[smem:$0x3FAF] =	sst s0;
	s0 =	simm.s32 @!p2 $0x0  }
0x16: {  	s3 =	sld [smem:$0x3FDB];
	s0 =	simm.s32 @p2 $0x1  }
0x17: {  	s4 =	simm.s32 $0x1BF5;
	[smem:$0x3FB1] =	sst s0  }
0x18: {  	s0 =	sld [smem:$0x3F94];
	_ =	swait.ge [sflag:s4], $0x0  }
0x19: {  	s7 =	sld [smem:$0x3F95]  }
0x1a: {  	s8 =	sadd.s32 $0xFFFFE003, lr  }
0x1b: {  	s9 =	sadd.s32 $0xFFFFFEF7, lr;
	s5 =	simm.s32 $0xFFFFFFFF;
	p2 =	slt.u32 s8, $0xFFFFF086  }
0x1c: {  	p1 =	slt.u32 s9, $0xF7A;
	s5 =	simm.s32 @!p2 $0x0  }
0x1d: {  	s5 =	simm.s32 @p1 $0x1;
	p0 =	seq.s32 s7, s2  }
0x1e: {  	s7 =	smul.u32 @!p0 $0xF7A, s2;
	p2 =	seq.s32 @!p0 s5, $0x0  }
0x1f: {  	s9 =	smul.u32 $0xF7A, s1;
	s8 =	simm.s32 @!p0 $0x1BF5;
	p2 =	por !p2, p0  }
0x20: {  	[sflag:s8] =	ssyncset.s32 @!p0 $0xFFFFF086;
	s6 =	sadd.s32 @!p0 s3, s7;
	s7 =	simm.s32 @!p0 $0x108  }
0x21: {  	s3 =	sadd.s32 s3, s9;
	s6 =	sadd.s32 @!p0 $0x88, s6;
	s7 =	simm.s32 @p2 $0x1082  }
0x22: {  	[simem:s7], [sflag:s8] =	dma.local @!p0 [hbm:s6], $0xF7A  }
0x23: {  	s9 =	sor.u32 $0xD0000000, s2;
	s6 =	simm.s32 $0x108;
	_ =	swait.ge @!p0 [sflag:s8], $0x0  }
0x24: {  	s3 =	sadd.s32 $0x88, s3;
	s6 =	simm.s32 @!p1 $0x1082;
	[sflag:s4] =	ssyncset.s32 $0xFFFFF086  }
0x25: {  	[simem:s6], [sflag:s4] =	dma.local [hbm:s3], $0xF7A  }
0x26: {  	[smem:$0x3F95] =	sst s1;
	(tag) =	ssettag s2;
	_ =	strace s9  }
0x27: {  	s1 =	sld [smem:$0x3FA5]  }
0x28: {  	s2 =	sld [smem:$0x3FA6]  }
0x29: {  	s4 =	sld [smem:$0x3FA8]  }
0x2a: {  	p0 =	seq.s32 s5, $0x0;
	s5 =	sld [smem:$0x3FA9]  }
0x2b: {  	s6 =	sld [smem:$0x3FAA]  }
0x2c: {  	s7 =	sld [smem:$0x3FAB]  }
0x2d: {  	s3 =	simm.s32 $0x108;
	s8 =	sld [smem:$0x3FAC]  }
0x2e: {  	s3 =	simm.s32 @!p0 $0x1082;
	s9 =	sld [smem:$0x3FAD]  }
0x2f: {  	lr =	sadd.s32 s0, s3;
	s0 =	sld [smem:$0x3FA4]  }
0x30: {  	s3 =	sld [smem:$0x3FA7]  }
0x31: {  	[smem:$0x3FB0] =	sst s10  }
0x32: {  	s10 =	sld [smem:$0x3FAE];
	_ =	sdelay $0x3  }
0x33: {  	p0 =	seq.s32 s10, $0x1;
	s10 =	sld [smem:$0x3FB0];
	_ =	sdelay $0x3  }
0x34: {  	[smem:$0x3FB0] =	sst s10  }
0x35: {  	s10 =	sld [smem:$0x3FAF];
	_ =	sdelay $0x3  }
0x36: {  	p1 =	seq.s32 s10, $0x1;
	s10 =	sld [smem:$0x3FB0];
	_ =	sdelay $0x3  }
0x37: {  	[smem:$0x3FB0] =	sst s10  }
0x38: {  	s10 =	sld [smem:$0x3FB1]  }
0x39: {  	_ = 	snop;
	(pc) =	sbr.ind lr, $3  }
0x3a: {  	_ = 	snop  }
0x3b: {  	_ = 	snop  }
0x3c: {  	p2 =	seq.s32 s10, $0x1;
	s10 =	sld [smem:$0x3FB0]  }
0x3d: {  	_ =	shalt  }
0x3e: {  	_ =	shalt  }
0x3f: {  	_ =	shalt  }
0x40: {  	_ =	shalt  }
0x41: {  	_ =	shalt  }
0x42: {  	_ =	shalt  }
0x43: {  	_ =	shalt  }
0x44: {  	_ =	shalt  }
0x45: {  	_ =	shalt  }
0x46: {  	_ =	shalt  }
0x47: {  	_ =	shalt  }
0x48: {  	_ =	shalt  }
0x49: {  	_ =	shalt  }
0x4a: {  	_ =	shalt  }
0x4b: {  	_ =	shalt  }
0x4c: {  	_ =	shalt  }
0x4d: {  	_ =	shalt  }
0x4e: {  	_ =	shalt  }
0x4f: {  	_ =	shalt  }
0x50: {  	_ =	shalt  }
0x51: {  	_ =	shalt  }
0x52: {  	_ =	shalt  }
0x53: {  	_ =	shalt  }
0x54: {  	_ =	shalt  }
0x55: {  	_ =	shalt  }
0x56: {  	_ =	shalt  }
0x57: {  	_ =	shalt  }
0x58: {  	_ =	shalt  }
0x59: {  	_ =	shalt  }
0x5a: {  	_ =	shalt  }
0x5b: {  	_ =	shalt  }
0x5c: {  	_ =	shalt  }
0x5d: {  	_ =	shalt  }
0x5e: {  	_ =	shalt  }
0x5f: {  	_ =	shalt  }
0x60: {  	_ =	shalt  }
0x61: {  	_ =	shalt  }
0x62: {  	_ =	shalt  }
0x63: {  	_ =	shalt  }
0x64: {  	_ =	shalt  }
0x65: {  	_ =	shalt  }
0x66: {  	_ =	shalt  }
0x67: {  	_ =	shalt  }
0x68: {  	_ =	shalt  }
0x69: {  	_ =	shalt  }
0x6a: {  	_ =	shalt  }
0x6b: {  	_ =	shalt  }
0x6c: {  	_ =	shalt  }
0x6d: {  	_ =	shalt  }
0x6e: {  	_ =	shalt  }
0x6f: {  	_ =	shalt  }
0x70: {  	_ =	shalt  }
0x71: {  	_ =	shalt  }
0x72: {  	_ =	shalt  }
0x73: {  	_ =	shalt  }
0x74: {  	_ =	shalt  }
0x75: {  	_ =	shalt  }
0x76: {  	_ =	shalt  }
0x77: {  	_ =	shalt  }
0x78: {  	_ =	shalt  }
0x79: {  	_ =	shalt  }
0x7a: {  	_ =	shalt  }
0x7b: {  	_ =	shalt  }
0x7c: {  	_ =	shalt  }
0x7d: {  	_ =	shalt  }
0x7e: {  	_ =	shalt  }
0x7f: {  	_ =	shalt  }
0x80: {  	_ =	shalt  }
0x81: {  	_ =	shalt  }
0x82: {  	_ =	shalt  }
0x83: {  	_ =	shalt  }
0x84: {  	_ =	shalt  }
0x85: {  	_ =	shalt  }
0x86: {  	_ =	shalt  }
0x87: {  	_ =	shalt  }
.Lfunc_end0:
.L_simem_size_0:
called_computation.3_lowered:
.L_overlay_start_0:
0x88: {  	s2 =	sld [smem:$0x3FD9]  }
0x89: {  	s3 =	sld [smem:$0x3FFE];
	_ =	sdelay $0x1  }
0x8a: {  	s1 =	srdreg.scid  }
0x8b: {  	s0 =	sand.u32 $0x1, s1  }
0x8c: {  	s17 =	sshll.u32 s0, $0xA;
	s2 =	sadd.s32 s3, s2  }
0x8d: {  	s2 =	sadd.s32 s2, s17  }
0x8e: {  	[smem:$0x3FBC] =	sst s2  }
0x8f: {  	_ = 	snop  }
0x90: {  	s2 =	sld [smem:$0x3FD0];
	(tm) =	ssettm $0x1  }
0x91: {  	s18 =	sld [smem:$0x3FFB];
	_ =	sdelay $0x3  }
0x92: {  	_ =	strace s18  }
0x93: {  	s3 =	sld [smem:$0x3FFC];
	_ =	sdelay $0x3  }
0x94: {  	_ =	strace s3  }
0x95: {  	s3 =	sld [smem:$0x3FFD];
	_ =	sdelay $0x3  }
0x96: {  	_ =	strace s3  }
0x97: {  	_ =	strace $0x8FFFFFFF  }
0x98: {  	s19 =	sld [smem:$0x3FDB];
	_ =	sdelay $0x1  }
0x99: {  	s4 =	simm.s32 $_scs_section_size  }
0x9a: {  	s5 =	simm.s32 $_size__tile_overlayer_lowered;
	s6 =	simm.s32 $_tile_overlayer_lowered  }
0x9b: {  	s22 =	simm.s32 $0x1BFF;
	s21 =	sshll.u32 s6, $0x1;
	s3 =	sadd.s32 s4, s19  }
0x9c: {  	s7 =	simm.s32 $0x0;
	s20 =	sshll.u32 s5, $0x1;
	s5 =	sadd.s32 s21, s3  }
0x9d: {  	[timem:s7], [sflag:s22] =	dma.local [hbm:s5], s20  }
0x9e: {  	_ =	swait.ge [sflag:s22], s20  }
0x9f: {  	s4 =	ssub.s32 $0x0, s20;
	[sflag:s22] =	ssyncset.done $0x0  }
0xa0: {  	[sflag:s22] =	ssyncadd.s32 s4;
	_ =	sdelay $0x1  }
0xa1: {  	s23 =	simm.s32 $0x1B8B  }
0xa2: {  	_ =	swait.ge [sflag:s23], $0x1  }
0xa3: {  	[sflag:s23] =	ssyncset.done $0x0  }
0xa4: {  	s25 =	simm.s32 $0x1B8E;
	s24 =	sld [smem:$0x3FFE];
	[sflag:s23] =	ssyncadd.s32 $0xFFFFFFFF  }
0xa5: {  	s26 =	simm.s32 $execute0_lowered;
	[smem:$0x3FD2] =	sst s25  }
0xa6: {  	s5 =	sshll.u32 s26, $0x1;
	_ =	strace $0x8000004F;
	[dreg:$0x1] =	wrdreg $0xFFFFFFFF  }
0xa7: {  	s28 =	simm.s32 $_size_execute0_lowered;
	s3 =	sadd.s32 s3, s5;
	[dreg:$0x0] =	wrdreg $0x0  }
0xa8: {  	s5 =	sshll.u32 s28, $0x1;
	[dreg:$0x2] =	wrdreg s3  }
0xa9: {  	[dreg:$0x3] =	wrdreg s5  }
0xaa: {  	[dreg:$0x4] =	wrdreg $0xC0  }
0xab: {  	_ =	task [dreg:s7], $0x5FFFF  }
0xac: {  	[dreg:$0x1] =	wrdreg $0xFFFFFFFF  }
0xad: {  	[dreg:$0x0] =	wrdreg $0x60  }
0xae: {  	[dreg:$0x2] =	wrdreg s2  }
0xaf: {  	[dreg:$0x3] =	wrdreg s24  }
0xb0: {  	[dreg:$0x4] =	wrdreg $0x148200  }
0xb1: {  	[dreg:$0x5] =	wrdreg $0x9  }
0xb2: {  	_ =	task.clear_ibuf [dreg:s7], $0x6FFFF;
	_ =	strace $0x9000004F  }
0xb3: {  	s29 =	simm.s32 $0x9;
	_ =	strace $0x80000051  }
0xb4: {  	_ =	swait.ge [sflag:s29], $0x1  }
0xb5: {  	[sflag:s29] =	ssyncadd.s32 $0xFFFFFFFF  }
0xb6: {  	_ =	strace $0x90000051  }
0xb7: {  	_ =	sfence  }
0xb8: {  	s30 =	sld [smem:$0x0];
	_ =	sdelay $0x2  }
0xb9: {  	s31 =	sshll.u32 s1, $0xD;
	s1 =	sshrl.u32 s1, $0x2  }
0xba: {  	s3 =	sand.u32 $0x4000, s31;
	s1 =	sadd.s32 s1, s30  }
0xbb: {  	s0 =	sor.u32 s3, s0;
	s1 =	sshll.u32 s1, $0x11  }
0xbc: {  	s0 =	sor.u32 s1, s0  }
0xbd: {  	s0 =	sadd.s32 $0x8F2B, s0  }
0xbe: {  	[sflag:s0] =	ssyncadd.remote.s32 $0x1  }
0xbf: {  	_ =	sfence.sel $0xFFFF  }
0xc0: {  	[dreg:$0x0] =	wrdreg $0xFFFFFFFF;
	(pc) =	sbr.abs _section_cstart, $3  }
0xc1: {  	[dreg:$0x1] =	wrdreg $0xFFFFFFFF  }
0xc2: {  	_ =	task.clear_ibuf [dreg:s7], $0x2FFFF;
	_ =	strace $0x9FFFFFFF  }
0xc3: {  	(tm) =	ssettm $0x7FFFFFFF  }
tec
execute0_lowered:
.L_overlay_start_1:
0x0: {  	(tag) =	ssettag $0x1  }
0x1: {  	s2 =	rddreg [dreg:$0x0]  }
0x2: {  	s0 =	rddreg [dreg:$0x1]  }
0x3: {  	s3 =	rddreg [dreg:$0x2];
	s1 =	srdreg.scid  }
0x4: {  	s8 =	stileid.u32;
	s4 =	simm.s32 $0x0;
	s13 =	simm.s32 $0xB  }
0x5: {  	s14 =	simm.s32 $0x2710;
	s15 =	simm.s32 $0x4E20;
	s16 =	simm.s32 $0xC8  }
0x6: {  	s17 =	simm.s32 $0x8020;
	s19 =	simm.s32 $0xB220;
	s20 =	simm.s32 $0x1  }
0x7: {  	s22 =	simm.s32 $0xE420;
	s28 =	simm.s32 $0x3;
	s30 =	simm.s32 $0x6  }
0x8: {  	s18 =	simm.s32 $0x7;
	s29 =	simm.s32 $0x8;
	s21 =	simm.s32 $0xA  }
0x9: {  	s1 =	sand.u32 $0x1, s1;
	s7 =	smul.u32 $0xA000, s8;
	[smem:$0x7FF] =	sst s4  }
0xa: {  	s5 =	sshll.u32 s1, $0x4;
	s6 =	smul.u32 $0xA0000, s1;
	_ =	strace $0x80000050  }
0xb: {  	s1 =	ssub.s32 $0x2, s1;
	s5 =	sor.u32 s8, s5;
	s8 =	smul.u32 $0x28000, s8  }
0xc: {  	s23 =	sshrl.u32 s1, $0x1;
	s5 =	smul.u32 $0x4E2, s5;
	s6 =	sadd.s32 s7, s6  }
0xd: {  	s1 =	ssub.s32 s1, s23;
	s7 =	sadd.s32 s7, s3;
	s23 =	simm.s32 $0x2  }
0xe: {  	s6 =	sshrl.u32 s6, $0x3;
	s8 =	sshrl.u32 s8, $0x2;
	s12 =	smax.u32 s1, $0x1  }
0xf: {  	s1 =	simm.s32 $0x9;
	s9 =	sadd.s32 s5, s0;
	s0 =	sadd.s32 s6, s0  }
.Ltmp0:
0x10: {  	s10 =	sadd.s32 s8, s3;
	s24 =	sadd.s32 $0x2C00, s9;
	(pc) =	sbr.rel .LBB2_1-.Ltmp0, $4  }
0x11: {  	s25 =	sadd.s32 $0xCA00, s9;
	s26 =	sadd.s32 $0x3200, s10;
	[dreg:$0x4] =	wrdreg s24  }
0x12: {  	s31 =	sadd.s32 $0x6400, s10;
	s10 =	sadd.s32 $0x9600, s10;
	[dreg:$0x5] =	wrdreg s25  }
0x13: {  	s11 =	sadd.s32 $0x16800, s0;
	s0 =	simm.s32 $0x4;
	[dreg:$0x6] =	wrdreg s26  }
0x14: {  	v0 =	vimm.f32 $0.0e+00;
	[dreg:$0x7] =	wrdreg s31;
	s26 =	simm.s32 $0x11620;
	s24 =	simm.s32 $0x5  }
.LBB2_6:
0x15: {  	_ =	swait.ge [sflag:s1], $0x3200  }
0x16: {  	[sflag:s1] =	ssyncset.done $0x0  }
0x17: {  	[sflag:s1] =	ssyncadd.s32 $0xFFFFCE00  }
0x18: {  	s5 =	stileid.u32;
	_ =	swait.ge [sflag:s21], $0x3200  }
0x19: {  	s6 =	sshrl.u32 s7, $0x3;
	s4 =	sadd.s32 $0x1, s4;
	[sflag:s21] =	ssyncset.done $0x0  }
0x1a: {  	s5 =	sshll.u32 s5, $0x6;
	p0 =	sne.s32 s4, s12;
	[sflag:s21] =	ssyncadd.s32 $0xFFFFCE00  }
.Ltmp1:
0x1b: {  	s5 =	sor.u32 $0x1C0B, s5;
	[bflag:$0x0] =	sbarrier.arrive $0xFFFF;
	(pc) =	sbr.rel @!p0 .LBB2_7-.Ltmp1, $4  }
0x1c: {  	[hbm:s11], [sflag:s5] =	dma.local [spmem:s6], $0x1400  }
0x1d: {  	_ =	swait.ge [sflag:s13], $0x1400  }
0x1e: {  	[sflag:s13] =	ssyncset.done $0x0  }
0x1f: {  	[sflag:s13] =	ssyncadd.s32 $0xFFFFEC00  }
.LBB2_1:
0x20: {  	s31 =	simm.s32 $0x100;
	s25 =	simm.s32 $0x0  }
.LBB2_2:
0x21: {  	p0 =	sne.s32 s31, $0xC700;
	[tilespmem:s25+$0x4E50] =	vst v0;
	s5 =	smov.u32 s31;
	s31 =	sadd.s32 $0x100, s31  }
.Ltmp2:
0x22: {  	[tilespmem:s25+$0x4E40] =	vst v0;
	(pc) =	sbr.rel @p0 .LBB2_2-.Ltmp2, $3  }
0x23: {  	[tilespmem:s25+$0x4E20] =	vst v0  }
0x24: {  	[tilespmem:s25+$0x4E30] =	vst v0;
	_ =	sdelay $0x1  }
0x25: {  	s25 =	sshra.s32 s5, $0x2  }
0x26: {  	[tilespmem:s25+$0x4E50] =	vst v0  }
0x27: {  	[tilespmem:s25+$0x4E40] =	vst v0  }
0x28: {  	[tilespmem:s25+$0x4E20] =	vst v0  }
0x29: {  	[tilespmem:s25+$0x4E30] =	vst v0;
	s25 =	simm.s32 $0x0;
	s5 =	rddreg [dreg:$0x4]  }
0x2a: {  	[tilespmem:s25], [sflag:$0xB] =	stream.linear.gather [hbm4b:s5+s25], $0x2710, $0x38;
	[tilespmem:$0x1E820] =	vst v63  }
0x2b: {  	_ =	swait.ge [sflag:s13], $0x2710  }
0x2c: {  	[sflag:s13] =	ssyncset.done $0x0  }
0x2d: {  	s31 =	rddreg [dreg:$0x5];
	[sflag:s13] =	ssyncadd.s32 $0xFFFFD8F0  }
0x2e: {  	[tilespmem:s14], [sflag:$0xB] =	stream.linear.gather [hbm4b:s31+s25], $0x2710, $0x38;
	[tilespmem:$0x1E820] =	vst v63  }
0x2f: {  	_ =	swait.ge [sflag:s13], $0x2710  }
0x30: {  	[sflag:s13] =	ssyncset.done $0x0  }
0x31: {  	[sflag:s13] =	ssyncadd.s32 $0xFFFFD8F0  }
0x32: {  	[spmem:s7] =	stream.linear.scatter [tilespmem:s15], [sflag:$0xB], $0x3200, $0x38;
	[tilespmem:$0x1E820] =	vst v63  }
0x33: {  	_ =	swait.ge [sflag:s13], $0x3200  }
0x34: {  	[sflag:s13] =	ssyncset.done $0x0  }
0x35: {  	s6 =	rddreg [dreg:$0x6];
	[sflag:s13] =	ssyncadd.s32 $0xFFFFCE00  }
0x36: {  	[spmem:s6] =	stream.linear.scatter [tilespmem:s15], [sflag:$0xB], $0x3200, $0x38;
	[tilespmem:$0x1E820] =	vst v63  }
0x37: {  	_ =	swait.ge [sflag:s13], $0x3200  }
0x38: {  	[sflag:s13] =	ssyncset.done $0x0  }
0x39: {  	s8 =	rddreg [dreg:$0x7];
	[sflag:s13] =	ssyncadd.s32 $0xFFFFCE00  }
0x3a: {  	[spmem:s8] =	stream.linear.scatter [tilespmem:s15], [sflag:$0xB], $0x3200, $0x38;
	[tilespmem:$0x1E820] =	vst v63  }
0x3b: {  	_ =	swait.ge [sflag:s13], $0x3200  }
0x3c: {  	[sflag:s13] =	ssyncset.done $0x0  }
0x3d: {  	[sflag:s13] =	ssyncadd.s32 $0xFFFFCE00  }
0x3e: {  	[spmem:s10] =	stream.linear.scatter [tilespmem:s15], [sflag:$0xB], $0xA00, $0x38;
	[tilespmem:$0x1E820] =	vst v63  }
0x3f: {  	_ =	swait.ge [sflag:s13], $0xA00  }
0x40: {  	[sflag:s13] =	ssyncset.done $0x0  }
0x41: {  	[sflag:s13] =	ssyncadd.s32 $0xFFFFF600  }
0x42: {  	[bflag:$0x0] =	sbarrier.arrive $0xFFFF  }
0x43: {  	[tilespmem:s15], [sflag:$0x1] =	stream.indirect.gather [hbm4b:s2+s16], $0x40, s25, s16, $0xb8;
	[tilespmem:$0x1E820] =	vst v63  }
0x44: {  	_ = 	snop  }
0x45: {  	[tilespmem:s17], [sflag:$0x2] =	stream.indirect.gather [hbm4b:s2+s16], $0x40, s16, s16, $0xb8;
	[tilespmem:$0x1E820] =	vst v63  }
0x46: {  	s9 =	simm.s32 $0x190  }
0x47: {  	[tilespmem:s19], [sflag:$0x3] =	stream.indirect.gather [hbm4b:s2+s16], $0x40, s9, s16, $0xb8;
	[tilespmem:$0x1E820] =	vst v63  }
0x48: {  	_ =	swait.ge [sflag:s20], $0x3200  }
0x49: {  	[sflag:s20] =	ssyncset.done $0x0  }
0x4a: {  	[sflag:s20] =	ssyncadd.s32 $0xFFFFCE00  }
0x4b: {  	[spmem:s3] =	stream.indirect.scatter.add.f32 [tilespmem:s15], [sflag:$0x6], $0x40, s14, s16, $0xb8;
	[tilespmem:$0x1E820] =	vst v63  }
0x4c: {  	s31 =	simm.s32 $0x258  }
0x4d: {  	[tilespmem:s22], [sflag:$0x4] =	stream.indirect.gather [hbm4b:s2+s16], $0x40, s31, s16, $0xb8;
	[tilespmem:$0x1E820] =	vst v63  }
0x4e: {  	_ =	swait.ge [sflag:s23], $0x3200  }
0x4f: {  	[sflag:s23] =	ssyncset.done $0x0  }
0x50: {  	s6 =	simm.s32 $0x27D8;
	[sflag:s23] =	ssyncadd.s32 $0xFFFFCE00  }
0x51: {  	[spmem:s3] =	stream.indirect.scatter.add.f32 [tilespmem:s17], [sflag:$0x7], $0x40, s6, s16, $0xb8;
	[tilespmem:$0x1E820] =	vst v63  }
0x52: {  	s8 =	simm.s32 $0x320  }
0x53: {  	[tilespmem:s26], [sflag:$0x5] =	stream.indirect.gather [hbm4b:s2+s16], $0x40, s8, s16, $0xb8;
	[tilespmem:$0x1E820] =	vst v63  }
0x54: {  	_ =	swait.ge [sflag:s28], $0x3200  }
0x55: {  	[sflag:s28] =	ssyncset.done $0x0  }
0x56: {  	s9 =	simm.s32 $0x28A0;
	[sflag:s28] =	ssyncadd.s32 $0xFFFFCE00  }
0x57: {  	[spmem:s3] =	stream.indirect.scatter.add.f32 [tilespmem:s19], [sflag:$0x8], $0x40, s9, s16, $0xb8;
	[tilespmem:$0x1E820] =	vst v63  }
0x58: {  	_ =	swait.ge [sflag:s30], $0x3200  }
0x59: {  	[sflag:s30] =	ssyncset.done $0x0  }
0x5a: {  	s31 =	simm.s32 $0x3E8;
	[sflag:s30] =	ssyncadd.s32 $0xFFFFCE00  }
0x5b: {  	[tilespmem:s15], [sflag:$0x1] =	stream.indirect.gather [hbm4b:s2+s16], $0x40, s31, s16, $0xb8;
	[tilespmem:$0x1E820] =	vst v63  }
0x5c: {  	_ =	swait.ge [sflag:s0], $0x3200  }
0x5d: {  	[sflag:s0] =	ssyncset.done $0x0  }
0x5e: {  	s6 =	simm.s32 $0x2968;
	[sflag:s0] =	ssyncadd.s32 $0xFFFFCE00  }
0x5f: {  	[spmem:s3] =	stream.indirect.scatter.add.f32 [tilespmem:s22], [sflag:$0x9], $0x40, s6, s16, $0xb8;
	[tilespmem:$0x1E820] =	vst v63  }
0x60: {  	_ =	swait.ge [sflag:s18], $0x3200  }
0x61: {  	[sflag:s18] =	ssyncset.done $0x0  }
0x62: {  	s8 =	simm.s32 $0x4B0;
	[sflag:s18] =	ssyncadd.s32 $0xFFFFCE00  }
0x63: {  	[tilespmem:s17], [sflag:$0x2] =	stream.indirect.gather [hbm4b:s2+s16], $0x40, s8, s16, $0xb8;
	[tilespmem:$0x1E820] =	vst v63  }
0x64: {  	_ =	swait.ge [sflag:s24], $0x3200  }
0x65: {  	[sflag:s24] =	ssyncset.done $0x0  }
0x66: {  	s9 =	simm.s32 $0x2A30;
	[sflag:s24] =	ssyncadd.s32 $0xFFFFCE00  }
0x67: {  	[spmem:s3] =	stream.indirect.scatter.add.f32 [tilespmem:s26], [sflag:$0xA], $0x40, s9, s16, $0xb8;
	[tilespmem:$0x1E820] =	vst v63  }
0x68: {  	_ =	swait.ge [sflag:s29], $0x3200  }
0x69: {  	[sflag:s29] =	ssyncset.done $0x0  }
0x6a: {  	s31 =	simm.s32 $0x578;
	[sflag:s29] =	ssyncadd.s32 $0xFFFFCE00  }
0x6b: {  	[tilespmem:s19], [sflag:$0x3] =	stream.indirect.gather [hbm4b:s2+s16], $0x40, s31, s16, $0xb8;
	[tilespmem:$0x1E820] =	vst v63  }
.LBB2_4:
0x6c: {  	_ =	swait.ge [sflag:s20], $0x3200  }
0x6d: {  	s31 =	sshra.s32 s25, $0x2;
	[sflag:s20] =	ssyncset.done $0x0  }
0x6e: {  	s5 =	sadd.s32 $0x2AF8, s31;
	[sflag:s20] =	ssyncadd.s32 $0xFFFFCE00  }
0x6f: {  	[spmem:s3] =	stream.indirect.scatter.add.f32 [tilespmem:s15], [sflag:$0x6], $0x40, s5, s16, $0xb8;
	[tilespmem:$0x1E820] =	vst v63  }
0x70: {  	_ =	swait.ge [sflag:s1], $0x3200  }
0x71: {  	[sflag:s1] =	ssyncset.done $0x0  }
0x72: {  	s8 =	sadd.s32 $0x640, s31;
	[sflag:s1] =	ssyncadd.s32 $0xFFFFCE00  }
0x73: {  	[tilespmem:s22], [sflag:$0x4] =	stream.indirect.gather [hbm4b:s2+s16], $0x40, s8, s16, $0xb8;
	[tilespmem:$0x1E820] =	vst v63  }
0x74: {  	_ =	swait.ge [sflag:s23], $0x3200  }
0x75: {  	[sflag:s23] =	ssyncset.done $0x0  }
0x76: {  	s9 =	sadd.s32 $0x2BC0, s31;
	[sflag:s23] =	ssyncadd.s32 $0xFFFFCE00  }
0x77: {  	[spmem:s3] =	stream.indirect.scatter.add.f32 [tilespmem:s17], [sflag:$0x7], $0x40, s9, s16, $0xb8;
	[tilespmem:$0x1E820] =	vst v63  }
0x78: {  	_ =	swait.ge [sflag:s21], $0x3200  }
0x79: {  	[sflag:s21] =	ssyncset.done $0x0  }
0x7a: {  	s6 =	sadd.s32 $0x708, s31;
	[sflag:s21] =	ssyncadd.s32 $0xFFFFCE00  }
0x7b: {  	[tilespmem:s26], [sflag:$0x5] =	stream.indirect.gather [hbm4b:s2+s16], $0x40, s6, s16, $0xb8;
	[tilespmem:$0x1E820] =	vst v63  }
0x7c: {  	_ =	swait.ge [sflag:s28], $0x3200  }
0x7d: {  	[sflag:s28] =	ssyncset.done $0x0  }
0x7e: {  	s8 =	sadd.s32 $0x2C88, s31;
	[sflag:s28] =	ssyncadd.s32 $0xFFFFCE00  }
0x7f: {  	[spmem:s3] =	stream.indirect.scatter.add.f32 [tilespmem:s19], [sflag:$0x8], $0x40, s8, s16, $0xb8;
	[tilespmem:$0x1E820] =	vst v63  }
0x80: {  	_ =	swait.ge [sflag:s30], $0x3200  }
0x81: {  	p0 =	seq.s32 s25, $0x7D00;
	[sflag:s30] =	ssyncset.done $0x0  }
0x82: {  	s5 =	simm.s32 @p0 $0x4;
	[sflag:s30] =	ssyncadd.s32 $0xFFFFCE00  }
0x83: {  	_ =	swait.ge @p0 [sflag:s5], $0x3200  }
0x84: {  	[sflag:s5] =	ssyncset.done @p0 $0x0  }
0x85: {  	[sflag:s5] =	ssyncadd.s32 @p0 $0xFFFFCE00;
	s5 =	sshra.s32 @p0 s25, $0x2  }
0x86: {  	s6 =	simm.s32 @p0 $0xC8;
	s8 =	simm.s32 @p0 $0xE420;
	s5 =	sadd.s32 @p0 $0x2D50, s5  }
0x87: {  	[spmem:s3] =	stream.indirect.scatter.add.f32 @p0 [tilespmem:s8], [sflag:$0x9], $0x40, s5, s6, $0xb8;
	[tilespmem:$0x1E820] =	vst v63  }
0x88: {  	s5 =	simm.s32 @p0 $0x7  }
0x89: {  	_ =	swait.ge @p0 [sflag:s5], $0x3200  }
0x8a: {  	[sflag:s5] =	ssyncset.done @p0 $0x0  }
0x8b: {  	[sflag:s5] =	ssyncadd.s32 @p0 $0xFFFFCE00;
	s5 =	sshra.s32 @!p0 s25, $0x2  }
0x8c: {  	s9 =	simm.s32 @!p0 $0x4E20;
	s8 =	simm.s32 @!p0 $0xC8;
	s6 =	sadd.s32 @!p0 $0x7D0, s5  }
0x8d: {  	[tilespmem:s9], [sflag:$0x1] =	stream.indirect.gather @!p0 [hbm4b:s2+s8], $0x40, s6, s8, $0xb8;
	[tilespmem:$0x1E820] =	vst v63  }
0x8e: {  	s6 =	simm.s32 @!p0 $0x4  }
0x8f: {  	_ =	swait.ge @!p0 [sflag:s6], $0x3200  }
0x90: {  	[sflag:s6] =	ssyncset.done @!p0 $0x0  }
0x91: {  	s9 =	simm.s32 @!p0 $0xE420;
	[sflag:s6] =	ssyncadd.s32 @!p0 $0xFFFFCE00;
	s6 =	sadd.s32 @!p0 $0x2D50, s5  }
0x92: {  	[spmem:s3] =	stream.indirect.scatter.add.f32 @!p0 [tilespmem:s9], [sflag:$0x9], $0x40, s6, s8, $0xb8;
	[tilespmem:$0x1E820] =	vst v63  }
0x93: {  	s6 =	simm.s32 @!p0 $0x7  }
0x94: {  	_ =	swait.ge @!p0 [sflag:s6], $0x3200  }
0x95: {  	[sflag:s6] =	ssyncset.done @!p0 $0x0  }
0x96: {  	s5 =	sadd.s32 @!p0 $0x898, s5;
	[sflag:s6] =	ssyncadd.s32 @!p0 $0xFFFFCE00;
	s6 =	simm.s32 @!p0 $0x8020  }
0x97: {  	[tilespmem:s6], [sflag:$0x2] =	stream.indirect.gather @!p0 [hbm4b:s2+s8], $0x40, s5, s8, $0xb8;
	[tilespmem:$0x1E820] =	vst v63  }
0x98: {  	_ =	swait.ge [sflag:s24], $0x3200  }
0x99: {  	[sflag:s24] =	ssyncset.done $0x0  }
.Ltmp3:
0x9a: {  	s9 =	sadd.s32 $0x2E18, s31;
	[sflag:s24] =	ssyncadd.s32 $0xFFFFCE00;
	(pc) =	sbr.rel @p0 .LBB2_6-.Ltmp3, $4  }
0x9b: {  	[spmem:s3] =	stream.indirect.scatter.add.f32 [tilespmem:s26], [sflag:$0xA], $0x40, s9, s16, $0xb8;
	[tilespmem:$0x1E820] =	vst v63  }
0x9c: {  	_ =	swait.ge [sflag:s29], $0x3200  }
0x9d: {  	[sflag:s29] =	ssyncset.done $0x0  }
0x9e: {  	[sflag:s29] =	ssyncadd.s32 $0xFFFFCE00  }
.Ltmp4:
0x9f: {  	(pc) =	sbr.rel .LBB2_4-.Ltmp4, $3  }
0xa0: {  	_ =	sdelay $0x1  }
0xa1: {  	s5 =	sadd.s32 $0x960, s31;
	s25 =	sadd.s32 $0xFA0, s25  }
0xa2: {  	[tilespmem:s19], [sflag:$0x3] =	stream.indirect.gather [hbm4b:s2+s16], $0x40, s5, s16, $0xb8;
	[tilespmem:$0x1E820] =	vst v63  }
.LBB2_7:
0xa3: {  	_ =	sfence.sel $0x180000  }
0xa4: {  	[bflag:$0x0] =	sbarrier.arrive $0xFFFF  }
0xa5: {  	_ =	strace $0x90000050  }
0xa6: {  	s0 =	stileid.u32;
	[bflag:$0x2] =	sbarrier.arrive $0xFFFF  }
0xa7: {  	p0 =	sne.s32 s0, $0x0;
	s0 =	rddreg [dreg:$0x3]  }
0xa8: {  	s0 =	sadd.s32 @!p0 $0x100000, s0  }
0xa9: {  	[sflag:s0] =	ssyncadd.tile.s32 @!p0 $0x1;
	_ =	shalt  }
.Lfunc_end2:
_tile_overlayer_lowered:
.L_overlay_start_2:
0xaa: {  	(tag) =	ssettag $0x2  }
0xab: {  	s0 =	rddreg [dreg:$0x0];
	s2 =	stileid.u32  }
0xac: {  	s1 =	rddreg [dreg:$0x1];
	p0 =	sne.s32 s2, $0x0  }
0xad: {  	s3 =	rddreg [dreg:$0x2];
	[bflag:$0x3] =	sbarrier.arrive $0xFFFF;
	s2 =	simm.s32 @!p0 $0x1C0B  }
0xae: {  	[timem:s3], [sflag:s2] =	dma.local @!p0 [hbm:s0], s1  }
0xaf: {  	s0 =	simm.s32 @!p0 $0xB  }
0xb0: {  	_ =	swait.ge @!p0 [sflag:s0], s1  }
0xb1: {  	s1 =	ssub.s32 @!p0 $0x0, s1;
	[sflag:s0] =	ssyncset.done @!p0 $0x0  }
0xb2: {  	[sflag:s0] =	ssyncadd.s32 @!p0 s1  }
0xb3: {  	[bflag:$0x3] =	sbarrier.arrive $0xFFFF  }
0xb4: {  	_ =	shalt  }

// kernel: kernel.24.cloned.1.call-start
scs
__scs_entry_jumppad:
0x0: {  	(pc) =	sbr.rel $0x88, $3  }
0x1: {  	(tag) =	ssettag $0x0;
	lr =	simm.s32 $0x1  }
0x2: {  	[smem:$0x3F95] =	sst lr;
	_ =	strace $0xD0000000  }
0x3: {  	_ = 	snop  }
0x4: {  	_ = 	snop  }
0x5: {  	_ = 	snop  }
0x6: {  	_ = 	snop  }
0x7: {  	_ = 	snop  }
__scs_overlays_trampoline_lowered:
0x8: {  	[smem:$0x3FA4] =	sst s0  }
0x9: {  	[smem:$0x3FA5] =	sst s1  }
0xa: {  	[smem:$0x3FA6] =	sst s2  }
0xb: {  	[smem:$0x3FA7] =	sst s3  }
0xc: {  	[smem:$0x3FA8] =	sst s4  }
0xd: {  	[smem:$0x3FA9] =	sst s5  }
0xe: {  	[smem:$0x3FAA] =	sst s6  }
0xf: {  	[smem:$0x3FAB] =	sst s7  }
0x10: {  	[smem:$0x3FAC] =	sst s8  }
0x11: {  	[smem:$0x3FAD] =	sst s9;
	s0 =	simm.s32 @!p0 $0x0  }
0x12: {  	s1 =	sld [smem:$0x3F93];
	s0 =	simm.s32 @p0 $0x1  }
0x13: {  	[smem:$0x3FAE] =	sst s0;
	s0 =	simm.s32 @!p1 $0x0  }
0x14: {  	s2 =	sld [smem:$0x3F92];
	s0 =	simm.s32 @p1 $0x1  }
0x15: {  	[smem:$0x3FAF] =	sst s0;
	s0 =	simm.s32 @!p2 $0x0  }
0x16: {  	s3 =	sld [smem:$0x3FDB];
	s0 =	simm.s32 @p2 $0x1  }
0x17: {  	s4 =	simm.s32 $0x1BF5;
	[smem:$0x3FB1] =	sst s0  }
0x18: {  	s0 =	sld [smem:$0x3F94];
	_ =	swait.ge [sflag:s4], $0x0  }
0x19: {  	s7 =	sld [smem:$0x3F95]  }
0x1a: {  	s8 =	sadd.s32 $0xFFFFE003, lr  }
0x1b: {  	s9 =	sadd.s32 $0xFFFFFEF7, lr;
	s5 =	simm.s32 $0xFFFFFFFF;
	p2 =	slt.u32 s8, $0xFFFFF086  }
0x1c: {  	p1 =	slt.u32 s9, $0xF7A;
	s5 =	simm.s32 @!p2 $0x0  }
0x1d: {  	s5 =	simm.s32 @p1 $0x1;
	p0 =	seq.s32 s7, s2  }
0x1e: {  	s7 =	smul.u32 @!p0 $0xF7A, s2;
	p2 =	seq.s32 @!p0 s5, $0x0  }
0x1f: {  	s9 =	smul.u32 $0xF7A, s1;
	s8 =	simm.s32 @!p0 $0x1BF5;
	p2 =	por !p2, p0  }
0x20: {  	[sflag:s8] =	ssyncset.s32 @!p0 $0xFFFFF086;
	s6 =	sadd.s32 @!p0 s3, s7;
	s7 =	simm.s32 @!p0 $0x108  }
0x21: {  	s3 =	sadd.s32 s3, s9;
	s6 =	sadd.s32 @!p0 $0x88, s6;
	s7 =	simm.s32 @p2 $0x1082  }
0x22: {  	[simem:s7], [sflag:s8] =	dma.local @!p0 [hbm:s6], $0xF7A  }
0x23: {  	s9 =	sor.u32 $0xD0000000, s2;
	s6 =	simm.s32 $0x108;
	_ =	swait.ge @!p0 [sflag:s8], $0x0  }
0x24: {  	s3 =	sadd.s32 $0x88, s3;
	s6 =	simm.s32 @!p1 $0x1082;
	[sflag:s4] =	ssyncset.s32 $0xFFFFF086  }
0x25: {  	[simem:s6], [sflag:s4] =	dma.local [hbm:s3], $0xF7A  }
0x26: {  	[smem:$0x3F95] =	sst s1;
	(tag) =	ssettag s2;
	_ =	strace s9  }
0x27: {  	s1 =	sld [smem:$0x3FA5]  }
0x28: {  	s2 =	sld [smem:$0x3FA6]  }
0x29: {  	s4 =	sld [smem:$0x3FA8]  }
0x2a: {  	p0 =	seq.s32 s5, $0x0;
	s5 =	sld [smem:$0x3FA9]  }
0x2b: {  	s6 =	sld [smem:$0x3FAA]  }
0x2c: {  	s7 =	sld [smem:$0x3FAB]  }
0x2d: {  	s3 =	simm.s32 $0x108;
	s8 =	sld [smem:$0x3FAC]  }
0x2e: {  	s3 =	simm.s32 @!p0 $0x1082;
	s9 =	sld [smem:$0x3FAD]  }
0x2f: {  	lr =	sadd.s32 s0, s3;
	s0 =	sld [smem:$0x3FA4]  }
0x30: {  	s3 =	sld [smem:$0x3FA7]  }
0x31: {  	[smem:$0x3FB0] =	sst s10  }
0x32: {  	s10 =	sld [smem:$0x3FAE];
	_ =	sdelay $0x3  }
0x33: {  	p0 =	seq.s32 s10, $0x1;
	s10 =	sld [smem:$0x3FB0];
	_ =	sdelay $0x3  }
0x34: {  	[smem:$0x3FB0] =	sst s10  }
0x35: {  	s10 =	sld [smem:$0x3FAF];
	_ =	sdelay $0x3  }
0x36: {  	p1 =	seq.s32 s10, $0x1;
	s10 =	sld [smem:$0x3FB0];
	_ =	sdelay $0x3  }
0x37: {  	[smem:$0x3FB0] =	sst s10  }
0x38: {  	s10 =	sld [smem:$0x3FB1]  }
0x39: {  	_ = 	snop;
	(pc) =	sbr.ind lr, $3  }
0x3a: {  	_ = 	snop  }
0x3b: {  	_ = 	snop  }
0x3c: {  	p2 =	seq.s32 s10, $0x1;
	s10 =	sld [smem:$0x3FB0]  }
0x3d: {  	_ =	shalt  }
0x3e: {  	_ =	shalt  }
0x3f: {  	_ =	shalt  }
0x40: {  	_ =	shalt  }
0x41: {  	_ =	shalt  }
0x42: {  	_ =	shalt  }
0x43: {  	_ =	shalt  }
0x44: {  	_ =	shalt  }
0x45: {  	_ =	shalt  }
0x46: {  	_ =	shalt  }
0x47: {  	_ =	shalt  }
0x48: {  	_ =	shalt  }
0x49: {  	_ =	shalt  }
0x4a: {  	_ =	shalt  }
0x4b: {  	_ =	shalt  }
0x4c: {  	_ =	shalt  }
0x4d: {  	_ =	shalt  }
0x4e: {  	_ =	shalt  }
0x4f: {  	_ =	shalt  }
0x50: {  	_ =	shalt  }
0x51: {  	_ =	shalt  }
0x52: {  	_ =	shalt  }
0x53: {  	_ =	shalt  }
0x54: {  	_ =	shalt  }
0x55: {  	_ =	shalt  }
0x56: {  	_ =	shalt  }
0x57: {  	_ =	shalt  }
0x58: {  	_ =	shalt  }
0x59: {  	_ =	shalt  }
0x5a: {  	_ =	shalt  }
0x5b: {  	_ =	shalt  }
0x5c: {  	_ =	shalt  }
0x5d: {  	_ =	shalt  }
0x5e: {  	_ =	shalt  }
0x5f: {  	_ =	shalt  }
0x60: {  	_ =	shalt  }
0x61: {  	_ =	shalt  }
0x62: {  	_ =	shalt  }
0x63: {  	_ =	shalt  }
0x64: {  	_ =	shalt  }
0x65: {  	_ =	shalt  }
0x66: {  	_ =	shalt  }
0x67: {  	_ =	shalt  }
0x68: {  	_ =	shalt  }
0x69: {  	_ =	shalt  }
0x6a: {  	_ =	shalt  }
0x6b: {  	_ =	shalt  }
0x6c: {  	_ =	shalt  }
0x6d: {  	_ =	shalt  }
0x6e: {  	_ =	shalt  }
0x6f: {  	_ =	shalt  }
0x70: {  	_ =	shalt  }
0x71: {  	_ =	shalt  }
0x72: {  	_ =	shalt  }
0x73: {  	_ =	shalt  }
0x74: {  	_ =	shalt  }
0x75: {  	_ =	shalt  }
0x76: {  	_ =	shalt  }
0x77: {  	_ =	shalt  }
0x78: {  	_ =	shalt  }
0x79: {  	_ =	shalt  }
0x7a: {  	_ =	shalt  }
0x7b: {  	_ =	shalt  }
0x7c: {  	_ =	shalt  }
0x7d: {  	_ =	shalt  }
0x7e: {  	_ =	shalt  }
0x7f: {  	_ =	shalt  }
0x80: {  	_ =	shalt  }
0x81: {  	_ =	shalt  }
0x82: {  	_ =	shalt  }
0x83: {  	_ =	shalt  }
0x84: {  	_ =	shalt  }
0x85: {  	_ =	shalt  }
0x86: {  	_ =	shalt  }
0x87: {  	_ =	shalt  }
.Lfunc_end0:
.L_simem_size_0:
called_computation.4_lowered:
.L_overlay_start_0:
0x88: {  	s2 =	sld [smem:$0x3FD9]  }
0x89: {  	s3 =	sld [smem:$0x3FFE];
	_ =	sdelay $0x1  }
0x8a: {  	s1 =	srdreg.scid  }
0x8b: {  	s0 =	sand.u32 $0x1, s1  }
0x8c: {  	s17 =	sshll.u32 s0, $0xA;
	s2 =	sadd.s32 s3, s2  }
0x8d: {  	s2 =	sadd.s32 s2, s17  }
0x8e: {  	[smem:$0x3FBC] =	sst s2  }
0x8f: {  	_ = 	snop  }
0x90: {  	s2 =	sld [smem:$0x3FD0];
	(tm) =	ssettm $0x1  }
0x91: {  	s18 =	sld [smem:$0x3FFB];
	_ =	sdelay $0x3  }
0x92: {  	_ =	strace s18  }
0x93: {  	s3 =	sld [smem:$0x3FFC];
	_ =	sdelay $0x3  }
0x94: {  	_ =	strace s3  }
0x95: {  	s3 =	sld [smem:$0x3FFD];
	_ =	sdelay $0x3  }
0x96: {  	_ =	strace s3  }
0x97: {  	_ =	strace $0x8FFFFFFF  }
0x98: {  	s19 =	sld [smem:$0x3FDB];
	_ =	sdelay $0x1  }
0x99: {  	s4 =	simm.s32 $_scs_section_size  }
0x9a: {  	s5 =	simm.s32 $_size__tile_overlayer_lowered;
	s6 =	simm.s32 $_tile_overlayer_lowered  }
0x9b: {  	s22 =	simm.s32 $0x1BFF;
	s21 =	sshll.u32 s6, $0x1;
	s3 =	sadd.s32 s4, s19  }
0x9c: {  	s7 =	simm.s32 $0x0;
	s20 =	sshll.u32 s5, $0x1;
	s5 =	sadd.s32 s21, s3  }
0x9d: {  	[timem:s7], [sflag:s22] =	dma.local [hbm:s5], s20  }
0x9e: {  	_ =	swait.ge [sflag:s22], s20  }
0x9f: {  	s4 =	ssub.s32 $0x0, s20;
	[sflag:s22] =	ssyncset.done $0x0  }
0xa0: {  	[sflag:s22] =	ssyncadd.s32 s4;
	_ =	sdelay $0x1  }
0xa1: {  	s23 =	simm.s32 $0x1B8B  }
0xa2: {  	_ =	swait.ge [sflag:s23], $0x1  }
0xa3: {  	[sflag:s23] =	ssyncset.done $0x0  }
0xa4: {  	s25 =	simm.s32 $0x1B8E;
	s24 =	sld [smem:$0x3FFE];
	[sflag:s23] =	ssyncadd.s32 $0xFFFFFFFF  }
0xa5: {  	s26 =	simm.s32 $execute0_lowered;
	[smem:$0x3FD2] =	sst s25  }
0xa6: {  	s5 =	sshll.u32 s26, $0x1;
	_ =	strace $0x80000052;
	[dreg:$0x1] =	wrdreg $0xFFFFFFFF  }
0xa7: {  	s28 =	simm.s32 $_size_execute0_lowered;
	s3 =	sadd.s32 s3, s5;
	[dreg:$0x0] =	wrdreg $0x0  }
0xa8: {  	s5 =	sshll.u32 s28, $0x1;
	[dreg:$0x2] =	wrdreg s3  }
0xa9: {  	[dreg:$0x3] =	wrdreg s5  }
0xaa: {  	[dreg:$0x4] =	wrdreg $0xC0  }
0xab: {  	_ =	task [dreg:s7], $0x5FFFF  }
0xac: {  	[dreg:$0x1] =	wrdreg $0xFFFFFFFF  }
0xad: {  	[dreg:$0x0] =	wrdreg $0x60  }
0xae: {  	[dreg:$0x2] =	wrdreg s2  }
0xaf: {  	[dreg:$0x3] =	wrdreg s24  }
0xb0: {  	[dreg:$0x4] =	wrdreg $0x9  }
0xb1: {  	_ =	task.clear_ibuf [dreg:s7], $0x5FFFF;
	_ =	strace $0x90000052  }
0xb2: {  	s29 =	simm.s32 $0x9;
	_ =	strace $0x80000054  }
0xb3: {  	_ =	swait.ge [sflag:s29], $0x1  }
0xb4: {  	[sflag:s29] =	ssyncadd.s32 $0xFFFFFFFF  }
0xb5: {  	_ =	strace $0x90000054  }
0xb6: {  	_ =	sfence  }
0xb7: {  	s30 =	sld [smem:$0x0];
	_ =	sdelay $0x2  }
0xb8: {  	s31 =	sshll.u32 s1, $0xD;
	s1 =	sshrl.u32 s1, $0x2  }
0xb9: {  	s3 =	sand.u32 $0x4000, s31;
	s1 =	sadd.s32 s1, s30  }
0xba: {  	s0 =	sor.u32 s3, s0;
	s1 =	sshll.u32 s1, $0x11  }
0xbb: {  	s0 =	sor.u32 s1, s0  }
0xbc: {  	s0 =	sadd.s32 $0x8F2B, s0  }
0xbd: {  	[sflag:s0] =	ssyncadd.remote.s32 $0x1  }
0xbe: {  	_ =	sfence.sel $0xFFFF  }
0xbf: {  	[dreg:$0x0] =	wrdreg $0xFFFFFFFF;
	(pc) =	sbr.abs _section_cstart, $3  }
0xc0: {  	[dreg:$0x1] =	wrdreg $0xFFFFFFFF  }
0xc1: {  	_ =	task.clear_ibuf [dreg:s7], $0x2FFFF;
	_ =	strace $0x9FFFFFFF  }
0xc2: {  	(tm) =	ssettm $0x7FFFFFFF  }
0xc3: {  	_ =	shalt  }
tec
execute0_lowered:
.L_overlay_start_1:
0x0: {  	(tag) =	ssettag $0x1  }
0x1: {  	s0 =	srdreg.scid;
	s2 =	rddreg [dreg:$0x0]  }
0x2: {  	s1 =	rddreg [dreg:$0x1];
	s3 =	stileid.u32  }
0x3: {  	s5 =	simm.s32 $0x0;
	s11 =	simm.s32 $0x50;
	s12 =	simm.s32 $0x4E20  }
0x4: {  	s13 =	simm.s32 $0xB220;
	s14 =	simm.s32 $0x6220;
	s16 =	simm.s32 $0xC620  }
0x5: {  	s18 =	simm.s32 $0x7620;
	s20 =	simm.s32 $0xDA20;
	s21 =	simm.s32 $0x1  }
0x6: {  	s22 =	simm.s32 $0x40;
	s28 =	simm.s32 $0x9E20;
	s29 =	simm.s32 $0x10220  }
0x7: {  	s30 =	simm.s32 $0x3;
	s31 =	simm.s32 $0x6;
	s0 =	sand.u32 $0x1, s0  }
0x8: {  	s15 =	simm.s32 $0x5;
	s17 =	simm.s32 $0x8;
	s4 =	sshll.u32 s0, $0x4  }
0x9: {  	s6 =	smul.u32 $0x271000, s0;
	s0 =	ssub.s32 $0x2, s0;
	s4 =	sor.u32 s3, s4  }
0xa: {  	[smem:$0x7FF] =	sst s5;
	s7 =	sshrl.u32 s0, $0x1;
	s23 =	smul.u32 $0x2710, s4  }
0xb: {  	s8 =	smul.u32 $0x27100, s3;
	_ =	strace $0x80000053;
	s0 =	ssub.s32 s0, s7  }
0xc: {  	s4 =	sadd.s32 $0x16800, s1;
	s0 =	smax.u32 s0, $0x1;
	s5 =	sshrl.u32 s23, $0x3  }
0xd: {  	[dreg:$0x5] =	wrdreg s0;
	s23 =	simm.s32 $0x80;
	s5 =	sadd.s32 s5, s1  }
.Ltmp0:
0xe: {  	s1 =	sadd.s32 s6, s1;
	s24 =	sadd.s32 $0x2C00, s5;
	(pc) =	sbr.rel .LBB2_1-.Ltmp0, $4  }
0xf: {  	s6 =	simm.s32 $0x0;
	s25 =	sadd.s32 $0xCA00, s5;
	[dreg:$0x3] =	wrdreg s24  }
0x10: {  	s26 =	sadd.s32 s8, s1;
	s1 =	simm.s32 $0x7;
	[dreg:$0x4] =	wrdreg s25  }
0x11: {  	s0 =	sadd.s32 $0x2B608, s26;
	s24 =	simm.s32 $0x8A20;
	s25 =	simm.s32 $0xEE20  }
0x12: {  	s26 =	simm.s32 $0x2;
	[dreg:$0x6] =	wrdreg s0;
	s0 =	simm.s32 $0x4  }
.LBB2_4:
0x13: {  	s3 =	simm.s32 $0x9  }
0x14: {  	_ =	swait.ge [sflag:s3], $0x1400  }
0x15: {  	[sflag:s3] =	ssyncset.done $0x0  }
0x16: {  	[sflag:s3] =	ssyncadd.s32 $0xFFFFEC00  }
0x17: {  	_ =	swait.ge [sflag:s3], $0x1400  }
0x18: {  	[sflag:s3] =	ssyncset.done $0x0  }
0x19: {  	s5 =	simm.s32 $0xA;
	[sflag:s3] =	ssyncadd.s32 $0xFFFFEC00  }
0x1a: {  	_ =	swait.ge [sflag:s5], $0x1400  }
0x1b: {  	[sflag:s5] =	ssyncset.done $0x0  }
0x1c: {  	[sflag:s5] =	ssyncadd.s32 $0xFFFFEC00  }
0x1d: {  	_ =	swait.ge [sflag:s5], $0x1400  }
0x1e: {  	s6 =	sadd.s32 $0x1, s6;
	s19 =	rddreg [dreg:$0x5]  }
0x1f: {  	p0 =	sne.s32 s6, s19  }
.Ltmp1:
0x20: {  	_ = 	snop;
	(pc) =	sbr.rel @!p0 .LBB2_5-.Ltmp1, $3  }
0x21: {  	_ =	sdelay $0x1  }
0x22: {  	[sflag:s5] =	ssyncset.done $0x0  }
0x23: {  	[sflag:s5] =	ssyncadd.s32 $0xFFFFEC00  }
.LBB2_1:
0x24: {  	s3 =	simm.s32 $0x0;
	s5 =	rddreg [dreg:$0x3];
	s7 =	simm.s32 $0xB  }
0x25: {  	[tilespmem:s3], [sflag:$0xB] =	stream.linear.gather [hbm4b:s5+s3], $0x2710, $0x38;
	[tilespmem:$0x11620] =	vst v63  }
0x26: {  	_ =	swait.ge [sflag:s7], $0x2710  }
0x27: {  	[sflag:s7] =	ssyncset.done $0x0  }
0x28: {  	s8 =	simm.s32 $0x2710;
	s19 =	rddreg [dreg:$0x4];
	[sflag:s7] =	ssyncadd.s32 $0xFFFFD8F0  }
0x29: {  	[tilespmem:s8], [sflag:$0xB] =	stream.linear.gather [hbm4b:s19+s3], $0x2710, $0x38;
	[tilespmem:$0x11620] =	vst v63  }
0x2a: {  	_ =	swait.ge [sflag:s7], $0x2710  }
0x2b: {  	[sflag:s7] =	ssyncset.done $0x0  }
0x2c: {  	[sflag:s7] =	ssyncadd.s32 $0xFFFFD8F0  }
0x2d: {  	[tilespmem:s12], [sflag:$0x1] =	stream.indirect.gather [hbm4b:s2+s11], $0x40, s3, s11, $0xb8;
	[tilespmem:$0x11620] =	vst v63  }
0x2e: {  	_ = 	snop  }
0x2f: {  	[tilespmem:s13], [sflag:$0x1] =	stream.indirect.gather [hbm4b:s4+s11], $0x40, s8, s11, $0xb8;
	[tilespmem:$0x11620] =	vst v63  }
0x30: {  	_ = 	snop  }
0x31: {  	[tilespmem:s14], [sflag:$0x2] =	stream.indirect.gather [hbm4b:s2+s11], $0x40, s11, s11, $0xb8;
	[tilespmem:$0x11620] =	vst v63  }
0x32: {  	s9 =	simm.s32 $0x2760  }
0x33: {  	[tilespmem:s16], [sflag:$0x2] =	stream.indirect.gather [hbm4b:s4+s11], $0x40, s9, s11, $0xb8;
	[tilespmem:$0x11620] =	vst v63  }
0x34: {  	s10 =	simm.s32 $0xA0  }
0x35: {  	[tilespmem:s18], [sflag:$0x3] =	stream.indirect.gather [hbm4b:s2+s11], $0x40, s10, s11, $0xb8;
	[tilespmem:$0x11620] =	vst v63  }
0x36: {  	s19 =	simm.s32 $0x27B0;
	s8 =	rddreg [dreg:$0x6];
	s10 =	simm.s32 $0x0  }
0x37: {  	[tilespmem:s20], [sflag:$0x3] =	stream.indirect.gather [hbm4b:s4+s11], $0x40, s19, s11, $0xb8;
	[tilespmem:$0x11620] =	vst v63  }
.LBB2_2:
0x38: {  	_ =	swait.ge [sflag:s21], $0x1400  }
0x39: {  	[sflag:s21] =	ssyncset.done $0x0  }
0x3a: {  	[sflag:s21] =	ssyncadd.s32 $0xFFFFEC00  }
0x3b: {  	_ =	swait.ge [sflag:s21], $0x1400  }
0x3c: {  	[sflag:s21] =	ssyncset.done $0x0  }
0x3d: {  	s7 =	sadd.s32 $0xFFFFEBF8, s8;
	p0 =	seq.s32 s10, $0x0;
	[sflag:s21] =	ssyncadd.s32 $0xFFFFEC00  }
0x3e: {  	[hbm4b:s7+s22] =	stream.strided.scatter [tilespmem:s12], [sflag:$0x6], $0x1400, s23, s22, $0x38;
	[tilespmem:$0x11620] =	vst v63  }
0x3f: {  	s9 =	sadd.s32 $0xFFFFEC00, s8;
	s3 =	simm.s32 @!p0 $0x9  }
0x40: {  	[hbm4b:s9+s22] =	stream.strided.scatter [tilespmem:s13], [sflag:$0x6], $0x1400, s23, s22, $0x38;
	[tilespmem:$0x11620] =	vst v63  }
0x41: {  	_ =	swait.ge @!p0 [sflag:s3], $0x1400  }
0x42: {  	[sflag:s3] =	ssyncset.done @!p0 $0x0  }
0x43: {  	[sflag:s3] =	ssyncadd.s32 @!p0 $0xFFFFEC00  }
0x44: {  	_ =	swait.ge @!p0 [sflag:s3], $0x1400  }
0x45: {  	s7 =	sshra.s32 s10, $0x2;
	[sflag:s3] =	ssyncset.done @!p0 $0x0  }
0x46: {  	s19 =	sadd.s32 $0xF0, s7;
	[sflag:s3] =	ssyncadd.s32 @!p0 $0xFFFFEC00  }
0x47: {  	[tilespmem:s24], [sflag:$0x4] =	stream.indirect.gather [hbm4b:s2+s11], $0x40, s19, s11, $0xb8;
	[tilespmem:$0x11620] =	vst v63  }
0x48: {  	s5 =	sadd.s32 $0x2800, s7  }
0x49: {  	[tilespmem:s25], [sflag:$0x4] =	stream.indirect.gather [hbm4b:s4+s11], $0x40, s5, s11, $0xb8;
	[tilespmem:$0x11620] =	vst v63  }
0x4a: {  	_ =	swait.ge [sflag:s26], $0x1400  }
0x4b: {  	[sflag:s26] =	ssyncset.done $0x0  }
0x4c: {  	[sflag:s26] =	ssyncadd.s32 $0xFFFFEC00  }
0x4d: {  	_ =	swait.ge [sflag:s26], $0x1400  }
0x4e: {  	[sflag:s26] =	ssyncset.done $0x0  }
0x4f: {  	s9 =	sadd.s32 $0xFFFFF0F8, s8;
	[sflag:s26] =	ssyncadd.s32 $0xFFFFEC00  }
0x50: {  	[hbm4b:s9+s22] =	stream.strided.scatter [tilespmem:s14], [sflag:$0x7], $0x1400, s23, s22, $0x38;
	[tilespmem:$0x11620] =	vst v63  }
0x51: {  	s3 =	simm.s32 @!p0 $0xA;
	s19 =	sadd.s32 $0xFFFFF100, s8  }
0x52: {  	[hbm4b:s19+s22] =	stream.strided.scatter [tilespmem:s16], [sflag:$0x7], $0x1400, s23, s22, $0x38;
	[tilespmem:$0x11620] =	vst v63  }
0x53: {  	_ =	swait.ge @!p0 [sflag:s3], $0x1400  }
0x54: {  	[sflag:s3] =	ssyncset.done @!p0 $0x0  }
0x55: {  	[sflag:s3] =	ssyncadd.s32 @!p0 $0xFFFFEC00  }
0x56: {  	_ =	swait.ge @!p0 [sflag:s3], $0x1400  }
0x57: {  	[sflag:s3] =	ssyncset.done @!p0 $0x0  }
0x58: {  	s5 =	sadd.s32 $0x140, s7;
	[sflag:s3] =	ssyncadd.s32 @!p0 $0xFFFFEC00  }
0x59: {  	[tilespmem:s28], [sflag:$0x5] =	stream.indirect.gather [hbm4b:s2+s11], $0x40, s5, s11, $0xb8;
	[tilespmem:$0x11620] =	vst v63  }
0x5a: {  	s9 =	sadd.s32 $0x2850, s7  }
0x5b: {  	[tilespmem:s29], [sflag:$0x5] =	stream.indirect.gather [hbm4b:s4+s11], $0x40, s9, s11, $0xb8;
	[tilespmem:$0x11620] =	vst v63  }
0x5c: {  	_ =	swait.ge [sflag:s30], $0x1400  }
0x5d: {  	[sflag:s30] =	ssyncset.done $0x0  }
0x5e: {  	[sflag:s30] =	ssyncadd.s32 $0xFFFFEC00  }
0x5f: {  	_ =	swait.ge [sflag:s30], $0x1400  }
0x60: {  	[sflag:s30] =	ssyncset.done $0x0  }
0x61: {  	s19 =	sadd.s32 $0xFFFFF5F8, s8;
	[sflag:s30] =	ssyncadd.s32 $0xFFFFEC00  }
0x62: {  	[hbm4b:s19+s22] =	stream.strided.scatter [tilespmem:s18], [sflag:$0x8], $0x1400, s23, s22, $0x38;
	[tilespmem:$0x11620] =	vst v63  }
0x63: {  	s5 =	sadd.s32 $0xFFFFF600, s8  }
0x64: {  	[hbm4b:s5+s22] =	stream.strided.scatter [tilespmem:s20], [sflag:$0x8], $0x1400, s23, s22, $0x38;
	[tilespmem:$0x11620] =	vst v63  }
0x65: {  	_ =	swait.ge [sflag:s31], $0x1400  }
0x66: {  	[sflag:s31] =	ssyncset.done $0x0  }
0x67: {  	p0 =	seq.s32 s10, $0x9600;
	[sflag:s31] =	ssyncadd.s32 $0xFFFFEC00  }
0x68: {  	s3 =	sshra.s32 @!p0 s10, $0x2;
	_ =	swait.ge [sflag:s31], $0x1400  }
0x69: {  	s9 =	sadd.s32 @!p0 $0x190, s3;
	[sflag:s31] =	ssyncset.done $0x0  }
0x6a: {  	s19 =	simm.s32 @!p0 $0x50;
	s5 =	simm.s32 @!p0 $0x4E20;
	[sflag:s31] =	ssyncadd.s32 $0xFFFFEC00  }
0x6b: {  	[tilespmem:s5], [sflag:$0x1] =	stream.indirect.gather @!p0 [hbm4b:s2+s19], $0x40, s9, s19, $0xb8;
	[tilespmem:$0x11620] =	vst v63  }
0x6c: {  	s5 =	sadd.s32 @!p0 $0x28A0, s3;
	s9 =	simm.s32 @!p0 $0xB220  }
0x6d: {  	[tilespmem:s9], [sflag:$0x1] =	stream.indirect.gather @!p0 [hbm4b:s4+s19], $0x40, s5, s19, $0xb8;
	[tilespmem:$0x11620] =	vst v63  }
0x6e: {  	_ =	swait.ge [sflag:s0], $0x1400  }
0x6f: {  	[sflag:s0] =	ssyncset.done $0x0  }
0x70: {  	[sflag:s0] =	ssyncadd.s32 $0xFFFFEC00  }
0x71: {  	_ =	swait.ge [sflag:s0], $0x1400  }
0x72: {  	[sflag:s0] =	ssyncset.done $0x0  }
0x73: {  	s9 =	sadd.s32 $0xFFFFFAF8, s8;
	[sflag:s0] =	ssyncadd.s32 $0xFFFFEC00  }
0x74: {  	[hbm4b:s9+s22] =	stream.strided.scatter [tilespmem:s24], [sflag:$0x9], $0x1400, s23, s22, $0x38;
	[tilespmem:$0x11620] =	vst v63  }
0x75: {  	s9 =	sadd.s32 $0xFFFFFB00, s8  }
0x76: {  	[hbm4b:s9+s22] =	stream.strided.scatter [tilespmem:s25], [sflag:$0x9], $0x1400, s23, s22, $0x38;
	[tilespmem:$0x11620] =	vst v63  }
0x77: {  	_ =	swait.ge [sflag:s1], $0x1400  }
0x78: {  	[sflag:s1] =	ssyncset.done $0x0  }
0x79: {  	[sflag:s1] =	ssyncadd.s32 $0xFFFFEC00  }
0x7a: {  	_ =	swait.ge [sflag:s1], $0x1400  }
0x7b: {  	[sflag:s1] =	ssyncset.done $0x0  }
0x7c: {  	s5 =	sadd.s32 @!p0 $0x1E0, s3;
	s9 =	simm.s32 @!p0 $0x6220;
	[sflag:s1] =	ssyncadd.s32 $0xFFFFEC00  }
0x7d: {  	[tilespmem:s9], [sflag:$0x2] =	stream.indirect.gather @!p0 [hbm4b:s2+s19], $0x40, s5, s19, $0xb8;
	[tilespmem:$0x11620] =	vst v63  }
0x7e: {  	s3 =	sadd.s32 @!p0 $0x28F0, s3;
	s5 =	simm.s32 @!p0 $0xC620  }
0x7f: {  	[tilespmem:s5], [sflag:$0x2] =	stream.indirect.gather @!p0 [hbm4b:s4+s19], $0x40, s3, s19, $0xb8;
	[tilespmem:$0x11620] =	vst v63  }
0x80: {  	_ =	swait.ge [sflag:s15], $0x1400  }
0x81: {  	[sflag:s15] =	ssyncset.done $0x0  }
0x82: {  	[sflag:s15] =	ssyncadd.s32 $0xFFFFEC00  }
0x83: {  	_ =	swait.ge [sflag:s15], $0x1400  }
0x84: {  	[sflag:s15] =	ssyncset.done $0x0  }
0x85: {  	s19 =	sadd.s32 $0xFFFFFFF8, s8;
	[sflag:s15] =	ssyncadd.s32 $0xFFFFEC00  }
0x86: {  	[hbm4b:s19+s22] =	stream.strided.scatter [tilespmem:s28], [sflag:$0xA], $0x1400, s23, s22, $0x38;
	[tilespmem:$0x11620] =	vst v63  }
0x87: {  	_ = 	snop  }
0x88: {  	[hbm4b:s8+s22] =	stream.strided.scatter [tilespmem:s29], [sflag:$0xA], $0x1400, s23, s22, $0x38;
	[tilespmem:$0x11620] =	vst v63  }
0x89: {  	_ =	swait.ge [sflag:s17], $0x1400  }
.Ltmp2:
0x8a: {  	[sflag:s17] =	ssyncset.done $0x0;
	(pc) =	sbr.rel @p0 .LBB2_4-.Ltmp2, $4  }
0x8b: {  	[sflag:s17] =	ssyncadd.s32 $0xFFFFEC00  }
0x8c: {  	_ =	swait.ge [sflag:s17], $0x1400  }
0x8d: {  	[sflag:s17] =	ssyncset.done $0x0  }
0x8e: {  	[sflag:s17] =	ssyncadd.s32 $0xFFFFEC00  }
.Ltmp3:
0x8f: {  	(pc) =	sbr.rel .LBB2_2-.Ltmp3, $4  }
0x90: {  	s3 =	sadd.s32 $0x230, s7  }
0x91: {  	[tilespmem:s18], [sflag:$0x3] =	stream.indirect.gather [hbm4b:s2+s11], $0x40, s3, s11, $0xb8;
	[tilespmem:$0x11620] =	vst v63  }
0x92: {  	s19 =	sadd.s32 $0x2940, s7;
	s10 =	sadd.s32 $0x640, s10;
	s8 =	sadd.s32 $0x1900, s8  }
0x93: {  	[tilespmem:s20], [sflag:$0x3] =	stream.indirect.gather [hbm4b:s4+s11], $0x40, s19, s11, $0xb8;
	[tilespmem:$0x11620] =	vst v63  }
.LBB2_5:
0x94: {  	_ =	sfence.sel $0x180000  }
0x95: {  	[bflag:$0x0] =	sbarrier.arrive $0xFFFF  }
0x96: {  	_ =	strace $0x90000053  }
0x97: {  	s0 =	stileid.u32;
	[bflag:$0x2] =	sbarrier.arrive $0xFFFF  }
0x98: {  	p0 =	sne.s32 s0, $0x0;
	s0 =	rddreg [dreg:$0x2]  }
0x99: {  	s0 =	sadd.s32 @!p0 $0x100000, s0  }
0x9a: {  	[sflag:s0] =	ssyncadd.tile.s32 @!p0 $0x1;
	_ =	shalt  }
.Lfunc_end2:
_tile_overlayer_lowered:
.L_overlay_start_2:
0x9b: {  	(tag) =	ssettag $0x2  }
0x9c: {  	s0 =	rddreg [dreg:$0x0];
	s2 =	stileid.u32  }
0x9d: {  	s1 =	rddreg [dreg:$0x1];
	p0 =	sne.s32 s2, $0x0  }
0x9e: {  	s3 =	rddreg [dreg:$0x2];
	[bflag:$0x3] =	sbarrier.arrive $0xFFFF;
	s2 =	simm.s32 @!p0 $0x1C0B  }
0x9f: {  	[timem:s3], [sflag:s2] =	dma.local @!p0 [hbm:s0], s1  }
0xa0: {  	s0 =	simm.s32 @!p0 $0xB  }
0xa1: {  	_ =	swait.ge @!p0 [sflag:s0], s1  }
0xa2: {  	s1 =	ssub.s32 @!p0 $0x0, s1;
	[sflag:s0] =	ssyncset.done @!p0 $0x0  }
0xa3: {  	[sflag:s0] =	ssyncadd.s32 @!p0 s1  }
0xa4: {  	[bflag:$0x3] =	sbarrier.arrive $0xFFFF  }
0xa5: {  	_ =	shalt  }

</sc_bundles>
